<compile_context>
chip_gen: v7x
topology: tpu7x:2x2x1
jax: 0.10.2.dev20260603
libtpu: 0.0.44.dev20260713+nightly
codegen_flags: <defaults>
</compile_context>

<pallas_src>
import functools

import jax
import jax.numpy as jnp
from jax import lax
from jax.experimental import pallas as pl
from jax.experimental.pallas import tpu as pltpu
from jax.experimental.pallas import tpu_sc as plsc

_ROWS = 32768
_COLS = 1024

_SC_ROWS = 8192
_NC = 2
_NS = 16
_NW = _NC * _NS
_ROWS_W = _SC_ROWS // _NW
_CROWS = 32
_NCHUNK = _ROWS_W // _CROWS
_LANES = 16
_CSTEPS = _COLS // _LANES
_NACC = 8

_TC_BLOCK = 2048
_TC_OFF = _SC_ROWS // _TC_BLOCK
_TC_GRID = (_ROWS - _SC_ROWS) // _TC_BLOCK


def _sc_body(x_hbm, y_hbm, out_hbm, buf0, buf1, accv, sem0, sem1):
    c = lax.axis_index("c")
    s = lax.axis_index("s")
    wid = s * _NC + c
    rbase = wid * _ROWS_W
    bufs = (buf0, buf1)
    sems = (sem0, sem1)
    ones = jnp.ones((_LANES,), jnp.int32)
    zeros = jnp.zeros((_LANES,), jnp.int32)
    zero_accs = (jnp.zeros((_LANES,), jnp.int32),) * _NACC

    for oidx, arr in enumerate((x_hbm, y_hbm)):
        pltpu.async_copy(arr.at[pl.ds(rbase, _CROWS), :], buf0, sem0)
        pltpu.async_copy(arr.at[pl.ds(rbase + _CROWS, _CROWS), :], buf1, sem1)

        def pair_body(g, accs, arr=arr):
            for b in range(2):
                buf, sem = bufs[b], sems[b]
                pltpu.make_async_copy(
                    arr.at[pl.ds(rbase, _CROWS), :], buf, sem
                ).wait()

                @plsc.parallel_loop(0, _CROWS, step=1, unroll=2, carry=accs)
                def row_loop(r, a, buf=buf):
                    a = list(a)
                    for j in range(_CSTEPS):
                        v = buf[r, pl.ds(j * _LANES, _LANES)]
                        a[j % _NACC] = a[j % _NACC] + jnp.where(
                            v > 0.0, ones, zeros
                        )
                    return tuple(a)

                accs = row_loop
                nk = g * 2 + b + 2

                @pl.when(nk < _NCHUNK)
                def _(arr=arr, buf=buf, sem=sem, nk=nk):
                    pltpu.async_copy(
                        arr.at[pl.ds(rbase + nk * _CROWS, _CROWS), :], buf, sem
                    )

            return accs

        accs = lax.fori_loop(0, _NCHUNK // 2, pair_body, zero_accs)
        total = accs[0]
        for a in accs[1:]:
            total = total + a
        accv[...] = total
        pltpu.sync_copy(accv, out_hbm.at[wid, oidx])


_sc_count = functools.partial(
    pl.kernel,
    out_type=jax.ShapeDtypeStruct((_NW, 2, _LANES), jnp.int32),
    mesh=plsc.VectorSubcoreMesh(core_axis_name="c", subcore_axis_name="s"),
    scratch_types=[
        pltpu.VMEM((_CROWS, _COLS), jnp.float32),
        pltpu.VMEM((_CROWS, _COLS), jnp.float32),
        pltpu.VMEM((_LANES,), jnp.int32),
        pltpu.SemaphoreType.DMA,
        pltpu.SemaphoreType.DMA,
    ],
)(_sc_body)


def _tc_body(x_ref, y_ref, out_ref, acc_ref):
    i = pl.program_id(0)

    @pl.when(i == 0)
    def _init():
        acc_ref[0] = 0
        acc_ref[1] = 0

    acc_ref[0] += jnp.sum((x_ref[...] > 0).astype(jnp.int32))
    acc_ref[1] += jnp.sum((y_ref[...] > 0).astype(jnp.int32))

    @pl.when(i == _TC_GRID - 1)
    def _finish():
        out_ref[0] = acc_ref[0]
        out_ref[1] = acc_ref[1]


def _tc_count(x, y):
    return pl.pallas_call(
        _tc_body,
        grid=(_TC_GRID,),
        in_specs=[
            pl.BlockSpec((_TC_BLOCK, _COLS), lambda i: (i + _TC_OFF, 0)),
            pl.BlockSpec((_TC_BLOCK, _COLS), lambda i: (i + _TC_OFF, 0)),
        ],
        out_specs=pl.BlockSpec(memory_space=pltpu.SMEM),
        out_shape=jax.ShapeDtypeStruct((2,), jnp.int32),
        scratch_shapes=[pltpu.SMEM((2,), jnp.int32)],
    )(x, y)


def kernel(x, y):
    sc_parts = _sc_count(x, y)
    tc_counts = _tc_count(x, y)
    sc_totals = sc_parts.sum(axis=(0, 2))
    totals = sc_totals + tc_counts
    return jnp.maximum(totals[0], totals[1])

# --- scband reference (transcript-rebuilt; emitter-appended) ---
"""Pipeline reference for scband-foo-11879879543468 (READ-ONLY COPY).

The authoritative reference and input builder live on the scoring server;
editing this copy changes nothing except your own understanding.
"""

import jax, jax.numpy as jnp
import numpy as np

def setup_inputs(seed: int = 0) -> dict:
    key = jax.random.key(seed)
    k1, k2 = jax.random.split(key)
    x = jax.random.normal(k1, (32768, 1024), dtype=jnp.float32)
    y = jax.random.normal(k2, (32768, 1024), dtype=jnp.float32)
    return {"x": x, "y": y}

def reference(x, y):
    # torch: x = x[x > 0]; y = y[y > 0]; return max(x.shape[0], y.shape[0])
    # Data-dependent output shapes are not allowed in jitted JAX; the boolean-mask
    # select flattens the tensor and keeps only positive entries, so the resulting
    # shape[0] is exactly the count of positive elements. Faithful equivalent:
    n_x = jnp.sum(x > 0)
    n_y = jnp.sum(y > 0)
    return jnp.maximum(n_x, n_y)

if __name__ == "__main__":
    import jax
    _d = setup_inputs()
    print(jax.jit(kernel)(*tuple(_d.values())))

</pallas_src>

<mosaic_0001>
#map = affine_map<(d0, d1) -> (0, 0)>
#map1 = affine_map<(d0, d1) -> (0, 0, 0)>
module attributes {stable_mosaic.version = 14 : i64} {
  func.func @_sc_body(%arg0: i32, %arg1: i32, %arg2: memref<32768x1024xf32, #tpu.memory_space<hbm>>, %arg3: memref<32768x1024xf32, #tpu.memory_space<hbm>>, %arg4: memref<32x2x16xi32, #tpu.memory_space<hbm>>, %arg5: memref<32x1024xf32, #tpu.memory_space<vmem>>, %arg6: memref<32x1024xf32, #tpu.memory_space<vmem>>, %arg7: memref<16xi32, #tpu.memory_space<vmem>>, %arg8: memref<!tpu.dma_semaphore, #tpu.memory_space<semaphore_mem>>, %arg9: memref<!tpu.dma_semaphore, #tpu.memory_space<semaphore_mem>>) attributes {dimension_semantics = [#tpu.dimension_semantics<core_parallel>, #tpu.dimension_semantics<subcore_parallel>], iteration_bounds = array<i64: 2, 16>, scalar_prefetch = 0 : i64, scratch_operands = 5 : i64, tpu.core_type = #tpu.core_type<sc_vector_subcore>, window_params = [{transform_indices = #map}, {transform_indices = #map}, {transform_indices = #map1}]} {
    %mul3A = arith.constant 2 : i32
    %mul3A_0 = arith.muli %arg1, %mul3A : i32
    %add3A = arith.addi %mul3A_0, %arg0 : i32
    %mul3A_1 = arith.constant 256 : i32
    %mul3A_2 = arith.muli %add3A, %mul3A_1 : i32
    %broadcast_in_dim3A = arith.constant 1 : i32
    %broadcast_in_dim3A_3 = vector.broadcast %broadcast_in_dim3A : i32 to vector<16xi32>
    %broadcast_in_dim3A_4 = arith.constant 0 : i32
    %broadcast_in_dim3A_5 = vector.broadcast %broadcast_in_dim3A_4 : i32 to vector<16xi32>
    %broadcast_in_dim3A_6 = arith.constant 0 : i32
    %broadcast_in_dim3A_7 = vector.broadcast %broadcast_in_dim3A_6 : i32 to vector<16xi32>
    %dma_start3A = arith.constant 0 : i32
    %dma_start3A_8 = tpu.memref_slice %arg2[%mul3A_2, %dma_start3A] : memref<32768x1024xf32, #tpu.memory_space<hbm>> -> memref<32x1024xf32, #tpu.memory_space<hbm>>
    %dma_start3A_9 = arith.constant 0 : i32
    %dma_start3A_10 = tpu.memref_slice %arg2[%mul3A_2, %dma_start3A_9] : memref<32768x1024xf32, #tpu.memory_space<hbm>> -> memref<32x1024xf32, #tpu.memory_space<hbm>>
    tpu.enqueue_dma source(%dma_start3A_10 : memref<32x1024xf32, #tpu.memory_space<hbm>>) target(%arg5 : memref<32x1024xf32, #tpu.memory_space<vmem>>) target_semaphore(%arg8 : memref<!tpu.dma_semaphore, #tpu.memory_space<semaphore_mem>>)
    %add3A_11 = arith.constant 32 : i32
    %add3A_12 = arith.addi %mul3A_2, %add3A_11 : i32
    %dma_start3A_13 = arith.constant 0 : i32
    %dma_start3A_14 = tpu.memref_slice %arg2[%add3A_12, %dma_start3A_13] : memref<32768x1024xf32, #tpu.memory_space<hbm>> -> memref<32x1024xf32, #tpu.memory_space<hbm>>
    %dma_start3A_15 = arith.constant 0 : i32
    %dma_start3A_16 = tpu.memref_slice %arg2[%add3A_12, %dma_start3A_15] : memref<32768x1024xf32, #tpu.memory_space<hbm>> -> memref<32x1024xf32, #tpu.memory_space<hbm>>
    tpu.enqueue_dma source(%dma_start3A_16 : memref<32x1024xf32, #tpu.memory_space<hbm>>) target(%arg6 : memref<32x1024xf32, #tpu.memory_space<vmem>>) target_semaphore(%arg9 : memref<!tpu.dma_semaphore, #tpu.memory_space<semaphore_mem>>)
    %scan3A = arith.constant 0 : i32
    %scan3A_17 = arith.constant 4 : i32
    %scan3A_18 = arith.addi %scan3A, %scan3A_17 : i32
    %scan3A_19 = arith.constant 1 : i32
    %scan3A_20:8 = scf.for %scan3A_60 = %scan3A to %scan3A_18 step %scan3A_19 iter_args(%scan3A_61 = %broadcast_in_dim3A_7, %scan3A_62 = %broadcast_in_dim3A_7, %scan3A_63 = %broadcast_in_dim3A_7, %scan3A_64 = %broadcast_in_dim3A_7, %scan3A_65 = %broadcast_in_dim3A_7, %scan3A_66 = %broadcast_in_dim3A_7, %scan3A_67 = %broadcast_in_dim3A_7, %scan3A_68 = %broadcast_in_dim3A_7) -> (vector<16xi32>, vector<16xi32>, vector<16xi32>, vector<16xi32>, vector<16xi32>, vector<16xi32>, vector<16xi32>, vector<16xi32>)  : i32 {
      %dma_wait3A = arith.constant 0 : i32
      %dma_wait3A_69 = tpu.memref_slice %arg2[%mul3A_2, %dma_wait3A] : memref<32768x1024xf32, #tpu.memory_space<hbm>> -> memref<32x1024xf32, #tpu.memory_space<hbm>>
      %dma_wait3A_70 = arith.constant 0 : i32
      %dma_wait3A_71 = tpu.memref_slice %arg2[%mul3A_2, %dma_wait3A_70] : memref<32768x1024xf32, #tpu.memory_space<hbm>> -> memref<32x1024xf32, #tpu.memory_space<hbm>>
      tpu.wait_dma2 semaphore(%arg8 : memref<!tpu.dma_semaphore, #tpu.memory_space<semaphore_mem>>) src(%dma_wait3A_71 : memref<32x1024xf32, #tpu.memory_space<hbm>>) dst(%arg5 : memref<32x1024xf32, #tpu.memory_space<vmem>>)
      %parallel_loop3A = arith.constant 0 : i32
      %parallel_loop3A_72 = arith.constant 32 : i32
      %parallel_loop3A_73 = arith.constant 1 : i32
      %parallel_loop3A_74:8 = scf.for %parallel_loop3A_102 = %parallel_loop3A to %parallel_loop3A_72 step %parallel_loop3A_73 iter_args(%parallel_loop3A_103 = %scan3A_61, %parallel_loop3A_104 = %scan3A_62, %parallel_loop3A_105 = %scan3A_63, %parallel_loop3A_106 = %scan3A_64, %parallel_loop3A_107 = %scan3A_65, %parallel_loop3A_108 = %scan3A_66, %parallel_loop3A_109 = %scan3A_67, %parallel_loop3A_110 = %scan3A_68) -> (vector<16xi32>, vector<16xi32>, vector<16xi32>, vector<16xi32>, vector<16xi32>, vector<16xi32>, vector<16xi32>, vector<16xi32>)  : i32 {
        %parallel_loop3A_111 = arith.index_cast %parallel_loop3A_102 : i32 to index
        %parallel_loop3A_112 = arith.constant 0 : index
        %parallel_loop3A_113 = tpu.vector_load %arg5[%parallel_loop3A_111, %parallel_loop3A_112] {strides = array<i32>} : memref<32x1024xf32, #tpu.memory_space<vmem>>, vector<1x16xf32>,
        %parallel_loop3A_114 = vector.shape_cast %parallel_loop3A_113 : vector<1x16xf32> to vector<16xf32>
        %parallel_loop3A_115 = arith.constant 0.000000e+00 : f32
        %parallel_loop3A_116 = vector.broadcast %parallel_loop3A_115 : f32 to vector<16xf32>
        %parallel_loop3A_117 = arith.cmpf ogt, %parallel_loop3A_114, %parallel_loop3A_116 : vector<16xf32>
        %parallel_loop3A_118 = arith.select %parallel_loop3A_117, %broadcast_in_dim3A_3, %broadcast_in_dim3A_5 : vector<16xi1>, vector<16xi32>
        %parallel_loop3A_119 = arith.addi %parallel_loop3A_103, %parallel_loop3A_118 : vector<16xi32>
        %parallel_loop3A_120 = arith.index_cast %parallel_loop3A_102 : i32 to index
        %parallel_loop3A_121 = arith.constant 16 : index
        %parallel_loop3A_122 = tpu.vector_load %arg5[%parallel_loop3A_120, %parallel_loop3A_121] {strides = array<i32>} : memref<32x1024xf32, #tpu.memory_space<vmem>>, vector<1x16xf32>,
        %parallel_loop3A_123 = vector.shape_cast %parallel_loop3A_122 : vector<1x16xf32> to vector<16xf32>
        %parallel_loop3A_124 = arith.constant 0.000000e+00 : f32
        %parallel_loop3A_125 = vector.broadcast %parallel_loop3A_124 : f32 to vector<16xf32>
        %parallel_loop3A_126 = arith.cmpf ogt, %parallel_loop3A_123, %parallel_loop3A_125 : vector<16xf32>
        %parallel_loop3A_127 = arith.select %parallel_loop3A_126, %broadcast_in_dim3A_3, %broadcast_in_dim3A_5 : vector<16xi1>, vector<16xi32>
        %parallel_loop3A_128 = arith.addi %parallel_loop3A_104, %parallel_loop3A_127 : vector<16xi32>
        %parallel_loop3A_129 = arith.index_cast %parallel_loop3A_102 : i32 to index
        %parallel_loop3A_130 = arith.constant 32 : index
        %parallel_loop3A_131 = tpu.vector_load %arg5[%parallel_loop3A_129, %parallel_loop3A_130] {strides = array<i32>} : memref<32x1024xf32, #tpu.memory_space<vmem>>, vector<1x16xf32>,
        %parallel_loop3A_132 = vector.shape_cast %parallel_loop3A_131 : vector<1x16xf32> to vector<16xf32>
        %parallel_loop3A_133 = arith.constant 0.000000e+00 : f32
        %parallel_loop3A_134 = vector.broadcast %parallel_loop3A_133 : f32 to vector<16xf32>
        %parallel_loop3A_135 = arith.cmpf ogt, %parallel_loop3A_132, %parallel_loop3A_134 : vector<16xf32>
        %parallel_loop3A_136 = arith.select %parallel_loop3A_135, %broadcast_in_dim3A_3, %broadcast_in_dim3A_5 : vector<16xi1>, vector<16xi32>
        %parallel_loop3A_137 = arith.addi %parallel_loop3A_105, %parallel_loop3A_136 : vector<16xi32>
        %parallel_loop3A_138 = arith.index_cast %parallel_loop3A_102 : i32 to index
        %parallel_loop3A_139 = arith.constant 48 : index
        %parallel_loop3A_140 = tpu.vector_load %arg5[%parallel_loop3A_138, %parallel_loop3A_139] {strides = array<i32>} : memref<32x1024xf32, #tpu.memory_space<vmem>>, vector<1x16xf32>,
        %parallel_loop3A_141 = vector.shape_cast %parallel_loop3A_140 : vector<1x16xf32> to vector<16xf32>
        %parallel_loop3A_142 = arith.constant 0.000000e+00 : f32
        %parallel_loop3A_143 = vector.broadcast %parallel_loop3A_142 : f32 to vector<16xf32>
        %parallel_loop3A_144 = arith.cmpf ogt, %parallel_loop3A_141, %parallel_loop3A_143 : vector<16xf32>
        %parallel_loop3A_145 = arith.select %parallel_loop3A_144, %broadcast_in_dim3A_3, %broadcast_in_dim3A_5 : vector<16xi1>, vector<16xi32>
        %parallel_loop3A_146 = arith.addi %parallel_loop3A_106, %parallel_loop3A_145 : vector<16xi32>
        %parallel_loop3A_147 = arith.index_cast %parallel_loop3A_102 : i32 to index
        %parallel_loop3A_148 = arith.constant 64 : index
        %parallel_loop3A_149 = tpu.vector_load %arg5[%parallel_loop3A_147, %parallel_loop3A_148] {strides = array<i32>} : memref<32x1024xf32, #tpu.memory_space<vmem>>, vector<1x16xf32>,
        %parallel_loop3A_150 = vector.shape_cast %parallel_loop3A_149 : vector<1x16xf32> to vector<16xf32>
        %parallel_loop3A_151 = arith.constant 0.000000e+00 : f32
        %parallel_loop3A_152 = vector.broadcast %parallel_loop3A_151 : f32 to vector<16xf32>
        %parallel_loop3A_153 = arith.cmpf ogt, %parallel_loop3A_150, %parallel_loop3A_152 : vector<16xf32>
        %parallel_loop3A_154 = arith.select %parallel_loop3A_153, %broadcast_in_dim3A_3, %broadcast_in_dim3A_5 : vector<16xi1>, vector<16xi32>
        %parallel_loop3A_155 = arith.addi %parallel_loop3A_107, %parallel_loop3A_154 : vector<16xi32>
        %parallel_loop3A_156 = arith.index_cast %parallel_loop3A_102 : i32 to index
        %parallel_loop3A_157 = arith.constant 80 : index
        %parallel_loop3A_158 = tpu.vector_load %arg5[%parallel_loop3A_156, %parallel_loop3A_157] {strides = array<i32>} : memref<32x1024xf32, #tpu.memory_space<vmem>>, vector<1x16xf32>,
        %parallel_loop3A_159 = vector.shape_cast %parallel_loop3A_158 : vector<1x16xf32> to vector<16xf32>
        %parallel_loop3A_160 = arith.constant 0.000000e+00 : f32
        %parallel_loop3A_161 = vector.broadcast %parallel_loop3A_160 : f32 to vector<16xf32>
        %parallel_loop3A_162 = arith.cmpf ogt, %parallel_loop3A_159, %parallel_loop3A_161 : vector<16xf32>
        %parallel_loop3A_163 = arith.select %parallel_loop3A_162, %broadcast_in_dim3A_3, %broadcast_in_dim3A_5 : vector<16xi1>, vector<16xi32>
        %parallel_loop3A_164 = arith.addi %parallel_loop3A_108, %parallel_loop3A_163 : vector<16xi32>
        %parallel_loop3A_165 = arith.index_cast %parallel_loop3A_102 : i32 to index
        %parallel_loop3A_166 = arith.constant 96 : index
        %parallel_loop3A_167 = tpu.vector_load %arg5[%parallel_loop3A_165, %parallel_loop3A_166] {strides = array<i32>} : memref<32x1024xf32, #tpu.memory_space<vmem>>, vector<1x16xf32>,
        %parallel_loop3A_168 = vector.shape_cast %parallel_loop3A_167 : vector<1x16xf32> to vector<16xf32>
        %parallel_loop3A_169 = arith.constant 0.000000e+00 : f32
        %parallel_loop3A_170 = vector.broadcast %parallel_loop3A_169 : f32 to vector<16xf32>
        %parallel_loop3A_171 = arith.cmpf ogt, %parallel_loop3A_168, %parallel_loop3A_170 : vector<16xf32>
        %parallel_loop3A_172 = arith.select %parallel_loop3A_171, %broadcast_in_dim3A_3, %broadcast_in_dim3A_5 : vector<16xi1>, vector<16xi32>
        %parallel_loop3A_173 = arith.addi %parallel_loop3A_109, %parallel_loop3A_172 : vector<16xi32>
        %parallel_loop3A_174 = arith.index_cast %parallel_loop3A_102 : i32 to index
        %parallel_loop3A_175 = arith.constant 112 : index
        %parallel_loop3A_176 = tpu.vector_load %arg5[%parallel_loop3A_174, %parallel_loop3A_175] {strides = array<i32>} : memref<32x1024xf32, #tpu.memory_space<vmem>>, vector<1x16xf32>,
        %parallel_loop3A_177 = vector.shape_cast %parallel_loop3A_176 : vector<1x16xf32> to vector<16xf32>
        %parallel_loop3A_178 = arith.constant 0.000000e+00 : f32
        %parallel_loop3A_179 = vector.broadcast %parallel_loop3A_178 : f32 to vector<16xf32>
        %parallel_loop3A_180 = arith.cmpf ogt, %parallel_loop3A_177, %parallel_loop3A_179 : vector<16xf32>
        %parallel_loop3A_181 = arith.select %parallel_loop3A_180, %broadcast_in_dim3A_3, %broadcast_in_dim3A_5 : vector<16xi1>, vector<16xi32>
        %parallel_loop3A_182 = arith.addi %parallel_loop3A_110, %parallel_loop3A_181 : vector<16xi32>
        %parallel_loop3A_183 = arith.index_cast %parallel_loop3A_102 : i32 to index
        %parallel_loop3A_184 = arith.constant 128 : index
        %parallel_loop3A_185 = tpu.vector_load %arg5[%parallel_loop3A_183, %parallel_loop3A_184] {strides = array<i32>} : memref<32x1024xf32, #tpu.memory_space<vmem>>, vector<1x16xf32>,
        %parallel_loop3A_186 = vector.shape_cast %parallel_loop3A_185 : vector<1x16xf32> to vector<16xf32>
        %parallel_loop3A_187 = arith.constant 0.000000e+00 : f32
        %parallel_loop3A_188 = vector.broadcast %parallel_loop3A_187 : f32 to vector<16xf32>
        %parallel_loop3A_189 = arith.cmpf ogt, %parallel_loop3A_186, %parallel_loop3A_188 : vector<16xf32>
        %parallel_loop3A_190 = arith.select %parallel_loop3A_189, %broadcast_in_dim3A_3, %broadcast_in_dim3A_5 : vector<16xi1>, vector<16xi32>
        %parallel_loop3A_191 = arith.addi %parallel_loop3A_119, %parallel_loop3A_190 : vector<16xi32>
        %parallel_loop3A_192 = arith.index_cast %parallel_loop3A_102 : i32 to index
        %parallel_loop3A_193 = arith.constant 144 : index
        %parallel_loop3A_194 = tpu.vector_load %arg5[%parallel_loop3A_192, %parallel_loop3A_193] {strides = array<i32>} : memref<32x1024xf32, #tpu.memory_space<vmem>>, vector<1x16xf32>,
        %parallel_loop3A_195 = vector.shape_cast %parallel_loop3A_194 : vector<1x16xf32> to vector<16xf32>
        %parallel_loop3A_196 = arith.constant 0.000000e+00 : f32
        %parallel_loop3A_197 = vector.broadcast %parallel_loop3A_196 : f32 to vector<16xf32>
        %parallel_loop3A_198 = arith.cmpf ogt, %parallel_loop3A_195, %parallel_loop3A_197 : vector<16xf32>
        %parallel_loop3A_199 = arith.select %parallel_loop3A_198, %broadcast_in_dim3A_3, %broadcast_in_dim3A_5 : vector<16xi1>, vector<16xi32>
        %parallel_loop3A_200 = arith.addi %parallel_loop3A_128, %parallel_loop3A_199 : vector<16xi32>
        %parallel_loop3A_201 = arith.index_cast %parallel_loop3A_102 : i32 to index
        %parallel_loop3A_202 = arith.constant 160 : index
        %parallel_loop3A_203 = tpu.vector_load %arg5[%parallel_loop3A_201, %parallel_loop3A_202] {strides = array<i32>} : memref<32x1024xf32, #tpu.memory_space<vmem>>, vector<1x16xf32>,
        %parallel_loop3A_204 = vector.shape_cast %parallel_loop3A_203 : vector<1x16xf32> to vector<16xf32>
        %parallel_loop3A_205 = arith.constant 0.000000e+00 : f32
        %parallel_loop3A_206 = vector.broadcast %parallel_loop3A_205 : f32 to vector<16xf32>
        %parallel_loop3A_207 = arith.cmpf ogt, %parallel_loop3A_204, %parallel_loop3A_206 : vector<16xf32>
        %parallel_loop3A_208 = arith.select %parallel_loop3A_207, %broadcast_in_dim3A_3, %broadcast_in_dim3A_5 : vector<16xi1>, vector<16xi32>
        %parallel_loop3A_209 = arith.addi %parallel_loop3A_137, %parallel_loop3A_208 : vector<16xi32>
        %parallel_loop3A_210 = arith.index_cast %parallel_loop3A_102 : i32 to index
        %parallel_loop3A_211 = arith.constant 176 : index
        %parallel_loop3A_212 = tpu.vector_load %arg5[%parallel_loop3A_210, %parallel_loop3A_211] {strides = array<i32>} : memref<32x1024xf32, #tpu.memory_space<vmem>>, vector<1x16xf32>,
        %parallel_loop3A_213 = vector.shape_cast %parallel_loop3A_212 : vector<1x16xf32> to vector<16xf32>
        %parallel_loop3A_214 = arith.constant 0.000000e+00 : f32
        %parallel_loop3A_215 = vector.broadcast %parallel_loop3A_214 : f32 to vector<16xf32>
        %parallel_loop3A_216 = arith.cmpf ogt, %parallel_loop3A_213, %parallel_loop3A_215 : vector<16xf32>
        %parallel_loop3A_217 = arith.select %parallel_loop3A_216, %broadcast_in_dim3A_3, %broadcast_in_dim3A_5 : vector<16xi1>, vector<16xi32>
        %parallel_loop3A_218 = arith.addi %parallel_loop3A_146, %parallel_loop3A_217 : vector<16xi32>
        %parallel_loop3A_219 = arith.index_cast %parallel_loop3A_102 : i32 to index
        %parallel_loop3A_220 = arith.constant 192 : index
        %parallel_loop3A_221 = tpu.vector_load %arg5[%parallel_loop3A_219, %parallel_loop3A_220] {strides = array<i32>} : memref<32x1024xf32, #tpu.memory_space<vmem>>, vector<1x16xf32>,
        %parallel_loop3A_222 = vector.shape_cast %parallel_loop3A_221 : vector<1x16xf32> to vector<16xf32>
        %parallel_loop3A_223 = arith.constant 0.000000e+00 : f32
        %parallel_loop3A_224 = vector.broadcast %parallel_loop3A_223 : f32 to vector<16xf32>
        %parallel_loop3A_225 = arith.cmpf ogt, %parallel_loop3A_222, %parallel_loop3A_224 : vector<16xf32>
        %parallel_loop3A_226 = arith.select %parallel_loop3A_225, %broadcast_in_dim3A_3, %broadcast_in_dim3A_5 : vector<16xi1>, vector<16xi32>
        %parallel_loop3A_227 = arith.addi %parallel_loop3A_155, %parallel_loop3A_226 : vector<16xi32>
        %parallel_loop3A_228 = arith.index_cast %parallel_loop3A_102 : i32 to index
        %parallel_loop3A_229 = arith.constant 208 : index
        %parallel_loop3A_230 = tpu.vector_load %arg5[%parallel_loop3A_228, %parallel_loop3A_229] {strides = array<i32>} : memref<32x1024xf32, #tpu.memory_space<vmem>>, vector<1x16xf32>,
        %parallel_loop3A_231 = vector.shape_cast %parallel_loop3A_230 : vector<1x16xf32> to vector<16xf32>
        %parallel_loop3A_232 = arith.constant 0.000000e+00 : f32
        %parallel_loop3A_233 = vector.broadcast %parallel_loop3A_232 : f32 to vector<16xf32>
        %parallel_loop3A_234 = arith.cmpf ogt, %parallel_loop3A_231, %parallel_loop3A_233 : vector<16xf32>
        %parallel_loop3A_235 = arith.select %parallel_loop3A_234, %broadcast_in_dim3A_3, %broadcast_in_dim3A_5 : vector<16xi1>, vector<16xi32>
        %parallel_loop3A_236 = arith.addi %parallel_loop3A_164, %parallel_loop3A_235 : vector<16xi32>
        %parallel_loop3A_237 = arith.index_cast %parallel_loop3A_102 : i32 to index
        %parallel_loop3A_238 = arith.constant 224 : index
        %parallel_loop3A_239 = tpu.vector_load %arg5[%parallel_loop3A_237, %parallel_loop3A_238] {strides = array<i32>} : memref<32x1024xf32, #tpu.memory_space<vmem>>, vector<1x16xf32>,
        %parallel_loop3A_240 = vector.shape_cast %parallel_loop3A_239 : vector<1x16xf32> to vector<16xf32>
        %parallel_loop3A_241 = arith.constant 0.000000e+00 : f32
        %parallel_loop3A_242 = vector.broadcast %parallel_loop3A_241 : f32 to vector<16xf32>
        %parallel_loop3A_243 = arith.cmpf ogt, %parallel_loop3A_240, %parallel_loop3A_242 : vector<16xf32>
        %parallel_loop3A_244 = arith.select %parallel_loop3A_243, %broadcast_in_dim3A_3, %broadcast_in_dim3A_5 : vector<16xi1>, vector<16xi32>
        %parallel_loop3A_245 = arith.addi %parallel_loop3A_173, %parallel_loop3A_244 : vector<16xi32>
        %parallel_loop3A_246 = arith.index_cast %parallel_loop3A_102 : i32 to index
        %parallel_loop3A_247 = arith.constant 240 : index
        %parallel_loop3A_248 = tpu.vector_load %arg5[%parallel_loop3A_246, %parallel_loop3A_247] {strides = array<i32>} : memref<32x1024xf32, #tpu.memory_space<vmem>>, vector<1x16xf32>,
        %parallel_loop3A_249 = vector.shape_cast %parallel_loop3A_248 : vector<1x16xf32> to vector<16xf32>
        %parallel_loop3A_250 = arith.constant 0.000000e+00 : f32
        %parallel_loop3A_251 = vector.broadcast %parallel_loop3A_250 : f32 to vector<16xf32>
        %parallel_loop3A_252 = arith.cmpf ogt, %parallel_loop3A_249, %parallel_loop3A_251 : vector<16xf32>
        %parallel_loop3A_253 = arith.select %parallel_loop3A_252, %broadcast_in_dim3A_3, %broadcast_in_dim3A_5 : vector<16xi1>, vector<16xi32>
        %parallel_loop3A_254 = arith.addi %parallel_loop3A_182, %parallel_loop3A_253 : vector<16xi32>
        %parallel_loop3A_255 = arith.index_cast %parallel_loop3A_102 : i32 to index
        %parallel_loop3A_256 = arith.constant 256 : index
        %parallel_loop3A_257 = tpu.vector_load %arg5[%parallel_loop3A_255, %parallel_loop3A_256] {strides = array<i32>} : memref<32x1024xf32, #tpu.memory_space<vmem>>, vector<1x16xf32>,
        %parallel_loop3A_258 = vector.shape_cast %parallel_loop3A_257 : vector<1x16xf32> to vector<16xf32>
        %parallel_loop3A_259 = arith.constant 0.000000e+00 : f32
        %parallel_loop3A_260 = vector.broadcast %parallel_loop3A_259 : f32 to vector<16xf32>
        %parallel_loop3A_261 = arith.cmpf ogt, %parallel_loop3A_258, %parallel_loop3A_260 : vector<16xf32>
        %parallel_loop3A_262 = arith.select %parallel_loop3A_261, %broadcast_in_dim3A_3, %broadcast_in_dim3A_5 : vector<16xi1>, vector<16xi32>
        %parallel_loop3A_263 = arith.addi %parallel_loop3A_191, %parallel_loop3A_262 : vector<16xi32>
        %parallel_loop3A_264 = arith.index_cast %parallel_loop3A_102 : i32 to index
        %parallel_loop3A_265 = arith.constant 272 : index
        %parallel_loop3A_266 = tpu.vector_load %arg5[%parallel_loop3A_264, %parallel_loop3A_265] {strides = array<i32>} : memref<32x1024xf32, #tpu.memory_space<vmem>>, vector<1x16xf32>,
        %parallel_loop3A_267 = vector.shape_cast %parallel_loop3A_266 : vector<1x16xf32> to vector<16xf32>
        %parallel_loop3A_268 = arith.constant 0.000000e+00 : f32
        %parallel_loop3A_269 = vector.broadcast %parallel_loop3A_268 : f32 to vector<16xf32>
        %parallel_loop3A_270 = arith.cmpf ogt, %parallel_loop3A_267, %parallel_loop3A_269 : vector<16xf32>
        %parallel_loop3A_271 = arith.select %parallel_loop3A_270, %broadcast_in_dim3A_3, %broadcast_in_dim3A_5 : vector<16xi1>, vector<16xi32>
        %parallel_loop3A_272 = arith.addi %parallel_loop3A_200, %parallel_loop3A_271 : vector<16xi32>
        %parallel_loop3A_273 = arith.index_cast %parallel_loop3A_102 : i32 to index
        %parallel_loop3A_274 = arith.constant 288 : index
        %parallel_loop3A_275 = tpu.vector_load %arg5[%parallel_loop3A_273, %parallel_loop3A_274] {strides = array<i32>} : memref<32x1024xf32, #tpu.memory_space<vmem>>, vector<1x16xf32>,
        %parallel_loop3A_276 = vector.shape_cast %parallel_loop3A_275 : vector<1x16xf32> to vector<16xf32>
        %parallel_loop3A_277 = arith.constant 0.000000e+00 : f32
        %parallel_loop3A_278 = vector.broadcast %parallel_loop3A_277 : f32 to vector<16xf32>
        %parallel_loop3A_279 = arith.cmpf ogt, %parallel_loop3A_276, %parallel_loop3A_278 : vector<16xf32>
        %parallel_loop3A_280 = arith.select %parallel_loop3A_279, %broadcast_in_dim3A_3, %broadcast_in_dim3A_5 : vector<16xi1>, vector<16xi32>
        %parallel_loop3A_281 = arith.addi %parallel_loop3A_209, %parallel_loop3A_280 : vector<16xi32>
        %parallel_loop3A_282 = arith.index_cast %parallel_loop3A_102 : i32 to index
        %parallel_loop3A_283 = arith.constant 304 : index
        %parallel_loop3A_284 = tpu.vector_load %arg5[%parallel_loop3A_282, %parallel_loop3A_283] {strides = array<i32>} : memref<32x1024xf32, #tpu.memory_space<vmem>>, vector<1x16xf32>,
        %parallel_loop3A_285 = vector.shape_cast %parallel_loop3A_284 : vector<1x16xf32> to vector<16xf32>
        %parallel_loop3A_286 = arith.constant 0.000000e+00 : f32
        %parallel_loop3A_287 = vector.broadcast %parallel_loop3A_286 : f32 to vector<16xf32>
        %parallel_loop3A_288 = arith.cmpf ogt, %parallel_loop3A_285, %parallel_loop3A_287 : vector<16xf32>
        %parallel_loop3A_289 = arith.select %parallel_loop3A_288, %broadcast_in_dim3A_3, %broadcast_in_dim3A_5 : vector<16xi1>, vector<16xi32>
        %parallel_loop3A_290 = arith.addi %parallel_loop3A_218, %parallel_loop3A_289 : vector<16xi32>
        %parallel_loop3A_291 = arith.index_cast %parallel_loop3A_102 : i32 to index
        %parallel_loop3A_292 = arith.constant 320 : index
        %parallel_loop3A_293 = tpu.vector_load %arg5[%parallel_loop3A_291, %parallel_loop3A_292] {strides = array<i32>} : memref<32x1024xf32, #tpu.memory_space<vmem>>, vector<1x16xf32>,
        %parallel_loop3A_294 = vector.shape_cast %parallel_loop3A_293 : vector<1x16xf32> to vector<16xf32>
        %parallel_loop3A_295 = arith.constant 0.000000e+00 : f32
        %parallel_loop3A_296 = vector.broadcast %parallel_loop3A_295 : f32 to vector<16xf32>
        %parallel_loop3A_297 = arith.cmpf ogt, %parallel_loop3A_294, %parallel_loop3A_296 : vector<16xf32>
        %parallel_loop3A_298 = arith.select %parallel_loop3A_297, %broadcast_in_dim3A_3, %broadcast_in_dim3A_5 : vector<16xi1>, vector<16xi32>
        %parallel_loop3A_299 = arith.addi %parallel_loop3A_227, %parallel_loop3A_298 : vector<16xi32>
        %parallel_loop3A_300 = arith.index_cast %parallel_loop3A_102 : i32 to index
        %parallel_loop3A_301 = arith.constant 336 : index
        %parallel_loop3A_302 = tpu.vector_load %arg5[%parallel_loop3A_300, %parallel_loop3A_301] {strides = array<i32>} : memref<32x1024xf32, #tpu.memory_space<vmem>>, vector<1x16xf32>,
        %parallel_loop3A_303 = vector.shape_cast %parallel_loop3A_302 : vector<1x16xf32> to vector<16xf32>
        %parallel_loop3A_304 = arith.constant 0.000000e+00 : f32
        %parallel_loop3A_305 = vector.broadcast %parallel_loop3A_304 : f32 to vector<16xf32>
        %parallel_loop3A_306 = arith.cmpf ogt, %parallel_loop3A_303, %parallel_loop3A_305 : vector<16xf32>
        %parallel_loop3A_307 = arith.select %parallel_loop3A_306, %broadcast_in_dim3A_3, %broadcast_in_dim3A_5 : vector<16xi1>, vector<16xi32>
        %parallel_loop3A_308 = arith.addi %parallel_loop3A_236, %parallel_loop3A_307 : vector<16xi32>
        %parallel_loop3A_309 = arith.index_cast %parallel_loop3A_102 : i32 to index
        %parallel_loop3A_310 = arith.constant 352 : index
        %parallel_loop3A_311 = tpu.vector_load %arg5[%parallel_loop3A_309, %parallel_loop3A_310] {strides = array<i32>} : memref<32x1024xf32, #tpu.memory_space<vmem>>, vector<1x16xf32>,
        %parallel_loop3A_312 = vector.shape_cast %parallel_loop3A_311 : vector<1x16xf32> to vector<16xf32>
        %parallel_loop3A_313 = arith.constant 0.000000e+00 : f32
        %parallel_loop3A_314 = vector.broadcast %parallel_loop3A_313 : f32 to vector<16xf32>
        %parallel_loop3A_315 = arith.cmpf ogt, %parallel_loop3A_312, %parallel_loop3A_314 : vector<16xf32>
        %parallel_loop3A_316 = arith.select %parallel_loop3A_315, %broadcast_in_dim3A_3, %broadcast_in_dim3A_5 : vector<16xi1>, vector<16xi32>
        %parallel_loop3A_317 = arith.addi %parallel_loop3A_245, %parallel_loop3A_316 : vector<16xi32>
        %parallel_loop3A_318 = arith.index_cast %parallel_loop3A_102 : i32 to index
        %parallel_loop3A_319 = arith.constant 368 : index
        %parallel_loop3A_320 = tpu.vector_load %arg5[%parallel_loop3A_318, %parallel_loop3A_319] {strides = array<i32>} : memref<32x1024xf32, #tpu.memory_space<vmem>>, vector<1x16xf32>,
        %parallel_loop3A_321 = vector.shape_cast %parallel_loop3A_320 : vector<1x16xf32> to vector<16xf32>
        %parallel_loop3A_322 = arith.constant 0.000000e+00 : f32
        %parallel_loop3A_323 = vector.broadcast %parallel_loop3A_322 : f32 to vector<16xf32>
        %parallel_loop3A_324 = arith.cmpf ogt, %parallel_loop3A_321, %parallel_loop3A_323 : vector<16xf32>
        %parallel_loop3A_325 = arith.select %parallel_loop3A_324, %broadcast_in_dim3A_3, %broadcast_in_dim3A_5 : vector<16xi1>, vector<16xi32>
        %parallel_loop3A_326 = arith.addi %parallel_loop3A_254, %parallel_loop3A_325 : vector<16xi32>
        %parallel_loop3A_327 = arith.index_cast %parallel_loop3A_102 : i32 to index
        %parallel_loop3A_328 = arith.constant 384 : index
        %parallel_loop3A_329 = tpu.vector_load %arg5[%parallel_loop3A_327, %parallel_loop3A_328] {strides = array<i32>} : memref<32x1024xf32, #tpu.memory_space<vmem>>, vector<1x16xf32>,
        %parallel_loop3A_330 = vector.shape_cast %parallel_loop3A_329 : vector<1x16xf32> to vector<16xf32>
        %parallel_loop3A_331 = arith.constant 0.000000e+00 : f32
        %parallel_loop3A_332 = vector.broadcast %parallel_loop3A_331 : f32 to vector<16xf32>
        %parallel_loop3A_333 = arith.cmpf ogt, %parallel_loop3A_330, %parallel_loop3A_332 : vector<16xf32>
        %parallel_loop3A_334 = arith.select %parallel_loop3A_333, %broadcast_in_dim3A_3, %broadcast_in_dim3A_5 : vector<16xi1>, vector<16xi32>
        %parallel_loop3A_335 = arith.addi %parallel_loop3A_263, %parallel_loop3A_334 : vector<16xi32>
        %parallel_loop3A_336 = arith.index_cast %parallel_loop3A_102 : i32 to index
        %parallel_loop3A_337 = arith.constant 400 : index
        %parallel_loop3A_338 = tpu.vector_load %arg5[%parallel_loop3A_336, %parallel_loop3A_337] {strides = array<i32>} : memref<32x1024xf32, #tpu.memory_space<vmem>>, vector<1x16xf32>,
        %parallel_loop3A_339 = vector.shape_cast %parallel_loop3A_338 : vector<1x16xf32> to vector<16xf32>
        %parallel_loop3A_340 = arith.constant 0.000000e+00 : f32
        %parallel_loop3A_341 = vector.broadcast %parallel_loop3A_340 : f32 to vector<16xf32>
        %parallel_loop3A_342 = arith.cmpf ogt, %parallel_loop3A_339, %parallel_loop3A_341 : vector<16xf32>
        %parallel_loop3A_343 = arith.select %parallel_loop3A_342, %broadcast_in_dim3A_3, %broadcast_in_dim3A_5 : vector<16xi1>, vector<16xi32>
        %parallel_loop3A_344 = arith.addi %parallel_loop3A_272, %parallel_loop3A_343 : vector<16xi32>
        %parallel_loop3A_345 = arith.index_cast %parallel_loop3A_102 : i32 to index
        %parallel_loop3A_346 = arith.constant 416 : index
        %parallel_loop3A_347 = tpu.vector_load %arg5[%parallel_loop3A_345, %parallel_loop3A_346] {strides = array<i32>} : memref<32x1024xf32, #tpu.memory_space<vmem>>, vector<1x16xf32>,
        %parallel_loop3A_348 = vector.shape_cast %parallel_loop3A_347 : vector<1x16xf32> to vector<16xf32>
        %parallel_loop3A_349 = arith.constant 0.000000e+00 : f32
        %parallel_loop3A_350 = vector.broadcast %parallel_loop3A_349 : f32 to vector<16xf32>
        %parallel_loop3A_351 = arith.cmpf ogt, %parallel_loop3A_348, %parallel_loop3A_350 : vector<16xf32>
        %parallel_loop3A_352 = arith.select %parallel_loop3A_351, %broadcast_in_dim3A_3, %broadcast_in_dim3A_5 : vector<16xi1>, vector<16xi32>
        %parallel_loop3A_353 = arith.addi %parallel_loop3A_281, %parallel_loop3A_352 : vector<16xi32>
        %parallel_loop3A_354 = arith.index_cast %parallel_loop3A_102 : i32 to index
        %parallel_loop3A_355 = arith.constant 432 : index
        %parallel_loop3A_356 = tpu.vector_load %arg5[%parallel_loop3A_354, %parallel_loop3A_355] {strides = array<i32>} : memref<32x1024xf32, #tpu.memory_space<vmem>>, vector<1x16xf32>,
        %parallel_loop3A_357 = vector.shape_cast %parallel_loop3A_356 : vector<1x16xf32> to vector<16xf32>
        %parallel_loop3A_358 = arith.constant 0.000000e+00 : f32
        %parallel_loop3A_359 = vector.broadcast %parallel_loop3A_358 : f32 to vector<16xf32>
        %parallel_loop3A_360 = arith.cmpf ogt, %parallel_loop3A_357, %parallel_loop3A_359 : vector<16xf32>
        %parallel_loop3A_361 = arith.select %parallel_loop3A_360, %broadcast_in_dim3A_3, %broadcast_in_dim3A_5 : vector<16xi1>, vector<16xi32>
        %parallel_loop3A_362 = arith.addi %parallel_loop3A_290, %parallel_loop3A_361 : vector<16xi32>
        %parallel_loop3A_363 = arith.index_cast %parallel_loop3A_102 : i32 to index
        %parallel_loop3A_364 = arith.constant 448 : index
        %parallel_loop3A_365 = tpu.vector_load %arg5[%parallel_loop3A_363, %parallel_loop3A_364] {strides = array<i32>} : memref<32x1024xf32, #tpu.memory_space<vmem>>, vector<1x16xf32>,
        %parallel_loop3A_366 = vector.shape_cast %parallel_loop3A_365 : vector<1x16xf32> to vector<16xf32>
        %parallel_loop3A_367 = arith.constant 0.000000e+00 : f32
        %parallel_loop3A_368 = vector.broadcast %parallel_loop3A_367 : f32 to vector<16xf32>
        %parallel_loop3A_369 = arith.cmpf ogt, %parallel_loop3A_366, %parallel_loop3A_368 : vector<16xf32>
        %parallel_loop3A_370 = arith.select %parallel_loop3A_369, %broadcast_in_dim3A_3, %broadcast_in_dim3A_5 : vector<16xi1>, vector<16xi32>
        %parallel_loop3A_371 = arith.addi %parallel_loop3A_299, %parallel_loop3A_370 : vector<16xi32>
        %parallel_loop3A_372 = arith.index_cast %parallel_loop3A_102 : i32 to index
        %parallel_loop3A_373 = arith.constant 464 : index
        %parallel_loop3A_374 = tpu.vector_load %arg5[%parallel_loop3A_372, %parallel_loop3A_373] {strides = array<i32>} : memref<32x1024xf32, #tpu.memory_space<vmem>>, vector<1x16xf32>,
        %parallel_loop3A_375 = vector.shape_cast %parallel_loop3A_374 : vector<1x16xf32> to vector<16xf32>
        %parallel_loop3A_376 = arith.constant 0.000000e+00 : f32
        %parallel_loop3A_377 = vector.broadcast %parallel_loop3A_376 : f32 to vector<16xf32>
        %parallel_loop3A_378 = arith.cmpf ogt, %parallel_loop3A_375, %parallel_loop3A_377 : vector<16xf32>
        %parallel_loop3A_379 = arith.select %parallel_loop3A_378, %broadcast_in_dim3A_3, %broadcast_in_dim3A_5 : vector<16xi1>, vector<16xi32>
        %parallel_loop3A_380 = arith.addi %parallel_loop3A_308, %parallel_loop3A_379 : vector<16xi32>
        %parallel_loop3A_381 = arith.index_cast %parallel_loop3A_102 : i32 to index
        %parallel_loop3A_382 = arith.constant 480 : index
        %parallel_loop3A_383 = tpu.vector_load %arg5[%parallel_loop3A_381, %parallel_loop3A_382] {strides = array<i32>} : memref<32x1024xf32, #tpu.memory_space<vmem>>, vector<1x16xf32>,
        %parallel_loop3A_384 = vector.shape_cast %parallel_loop3A_383 : vector<1x16xf32> to vector<16xf32>
        %parallel_loop3A_385 = arith.constant 0.000000e+00 : f32
        %parallel_loop3A_386 = vector.broadcast %parallel_loop3A_385 : f32 to vector<16xf32>
        %parallel_loop3A_387 = arith.cmpf ogt, %parallel_loop3A_384, %parallel_loop3A_386 : vector<16xf32>
        %parallel_loop3A_388 = arith.select %parallel_loop3A_387, %broadcast_in_dim3A_3, %broadcast_in_dim3A_5 : vector<16xi1>, vector<16xi32>
        %parallel_loop3A_389 = arith.addi %parallel_loop3A_317, %parallel_loop3A_388 : vector<16xi32>
        %parallel_loop3A_390 = arith.index_cast %parallel_loop3A_102 : i32 to index
        %parallel_loop3A_391 = arith.constant 496 : index
        %parallel_loop3A_392 = tpu.vector_load %arg5[%parallel_loop3A_390, %parallel_loop3A_391] {strides = array<i32>} : memref<32x1024xf32, #tpu.memory_space<vmem>>, vector<1x16xf32>,
        %parallel_loop3A_393 = vector.shape_cast %parallel_loop3A_392 : vector<1x16xf32> to vector<16xf32>
        %parallel_loop3A_394 = arith.constant 0.000000e+00 : f32
        %parallel_loop3A_395 = vector.broadcast %parallel_loop3A_394 : f32 to vector<16xf32>
        %parallel_loop3A_396 = arith.cmpf ogt, %parallel_loop3A_393, %parallel_loop3A_395 : vector<16xf32>
        %parallel_loop3A_397 = arith.select %parallel_loop3A_396, %broadcast_in_dim3A_3, %broadcast_in_dim3A_5 : vector<16xi1>, vector<16xi32>
        %parallel_loop3A_398 = arith.addi %parallel_loop3A_326, %parallel_loop3A_397 : vector<16xi32>
        %parallel_loop3A_399 = arith.index_cast %parallel_loop3A_102 : i32 to index
        %parallel_loop3A_400 = arith.constant 512 : index
        %parallel_loop3A_401 = tpu.vector_load %arg5[%parallel_loop3A_399, %parallel_loop3A_400] {strides = array<i32>} : memref<32x1024xf32, #tpu.memory_space<vmem>>, vector<1x16xf32>,
        %parallel_loop3A_402 = vector.shape_cast %parallel_loop3A_401 : vector<1x16xf32> to vector<16xf32>
        %parallel_loop3A_403 = arith.constant 0.000000e+00 : f32
        %parallel_loop3A_404 = vector.broadcast %parallel_loop3A_403 : f32 to vector<16xf32>
        %parallel_loop3A_405 = arith.cmpf ogt, %parallel_loop3A_402, %parallel_loop3A_404 : vector<16xf32>
        %parallel_loop3A_406 = arith.select %parallel_loop3A_405, %broadcast_in_dim3A_3, %broadcast_in_dim3A_5 : vector<16xi1>, vector<16xi32>
        %parallel_loop3A_407 = arith.addi %parallel_loop3A_335, %parallel_loop3A_406 : vector<16xi32>
        %parallel_loop3A_408 = arith.index_cast %parallel_loop3A_102 : i32 to index
        %parallel_loop3A_409 = arith.constant 528 : index
        %parallel_loop3A_410 = tpu.vector_load %arg5[%parallel_loop3A_408, %parallel_loop3A_409] {strides = array<i32>} : memref<32x1024xf32, #tpu.memory_space<vmem>>, vector<1x16xf32>,
        %parallel_loop3A_411 = vector.shape_cast %parallel_loop3A_410 : vector<1x16xf32> to vector<16xf32>
        %parallel_loop3A_412 = arith.constant 0.000000e+00 : f32
        %parallel_loop3A_413 = vector.broadcast %parallel_loop3A_412 : f32 to vector<16xf32>
        %parallel_loop3A_414 = arith.cmpf ogt, %parallel_loop3A_411, %parallel_loop3A_413 : vector<16xf32>
        %parallel_loop3A_415 = arith.select %parallel_loop3A_414, %broadcast_in_dim3A_3, %broadcast_in_dim3A_5 : vector<16xi1>, vector<16xi32>
        %parallel_loop3A_416 = arith.addi %parallel_loop3A_344, %parallel_loop3A_415 : vector<16xi32>
        %parallel_loop3A_417 = arith.index_cast %parallel_loop3A_102 : i32 to index
        %parallel_loop3A_418 = arith.constant 544 : index
        %parallel_loop3A_419 = tpu.vector_load %arg5[%parallel_loop3A_417, %parallel_loop3A_418] {strides = array<i32>} : memref<32x1024xf32, #tpu.memory_space<vmem>>, vector<1x16xf32>,
        %parallel_loop3A_420 = vector.shape_cast %parallel_loop3A_419 : vector<1x16xf32> to vector<16xf32>
        %parallel_loop3A_421 = arith.constant 0.000000e+00 : f32
        %parallel_loop3A_422 = vector.broadcast %parallel_loop3A_421 : f32 to vector<16xf32>
        %parallel_loop3A_423 = arith.cmpf ogt, %parallel_loop3A_420, %parallel_loop3A_422 : vector<16xf32>
        %parallel_loop3A_424 = arith.select %parallel_loop3A_423, %broadcast_in_dim3A_3, %broadcast_in_dim3A_5 : vector<16xi1>, vector<16xi32>
        %parallel_loop3A_425 = arith.addi %parallel_loop3A_353, %parallel_loop3A_424 : vector<16xi32>
        %parallel_loop3A_426 = arith.index_cast %parallel_loop3A_102 : i32 to index
        %parallel_loop3A_427 = arith.constant 560 : index
        %parallel_loop3A_428 = tpu.vector_load %arg5[%parallel_loop3A_426, %parallel_loop3A_427] {strides = array<i32>} : memref<32x1024xf32, #tpu.memory_space<vmem>>, vector<1x16xf32>,
        %parallel_loop3A_429 = vector.shape_cast %parallel_loop3A_428 : vector<1x16xf32> to vector<16xf32>
        %parallel_loop3A_430 = arith.constant 0.000000e+00 : f32
        %parallel_loop3A_431 = vector.broadcast %parallel_loop3A_430 : f32 to vector<16xf32>
        %parallel_loop3A_432 = arith.cmpf ogt, %parallel_loop3A_429, %parallel_loop3A_431 : vector<16xf32>
        %parallel_loop3A_433 = arith.select %parallel_loop3A_432, %broadcast_in_dim3A_3, %broadcast_in_dim3A_5 : vector<16xi1>, vector<16xi32>
        %parallel_loop3A_434 = arith.addi %parallel_loop3A_362, %parallel_loop3A_433 : vector<16xi32>
        %parallel_loop3A_435 = arith.index_cast %parallel_loop3A_102 : i32 to index
        %parallel_loop3A_436 = arith.constant 576 : index
        %parallel_loop3A_437 = tpu.vector_load %arg5[%parallel_loop3A_435, %parallel_loop3A_436] {strides = array<i32>} : memref<32x1024xf32, #tpu.memory_space<vmem>>, vector<1x16xf32>,
        %parallel_loop3A_438 = vector.shape_cast %parallel_loop3A_437 : vector<1x16xf32> to vector<16xf32>
        %parallel_loop3A_439 = arith.constant 0.000000e+00 : f32
        %parallel_loop3A_440 = vector.broadcast %parallel_loop3A_439 : f32 to vector<16xf32>
        %parallel_loop3A_441 = arith.cmpf ogt, %parallel_loop3A_438, %parallel_loop3A_440 : vector<16xf32>
        %parallel_loop3A_442 = arith.select %parallel_loop3A_441, %broadcast_in_dim3A_3, %broadcast_in_dim3A_5 : vector<16xi1>, vector<16xi32>
        %parallel_loop3A_443 = arith.addi %parallel_loop3A_371, %parallel_loop3A_442 : vector<16xi32>
        %parallel_loop3A_444 = arith.index_cast %parallel_loop3A_102 : i32 to index
        %parallel_loop3A_445 = arith.constant 592 : index
        %parallel_loop3A_446 = tpu.vector_load %arg5[%parallel_loop3A_444, %parallel_loop3A_445] {strides = array<i32>} : memref<32x1024xf32, #tpu.memory_space<vmem>>, vector<1x16xf32>,
        %parallel_loop3A_447 = vector.shape_cast %parallel_loop3A_446 : vector<1x16xf32> to vector<16xf32>
        %parallel_loop3A_448 = arith.constant 0.000000e+00 : f32
        %parallel_loop3A_449 = vector.broadcast %parallel_loop3A_448 : f32 to vector<16xf32>
        %parallel_loop3A_450 = arith.cmpf ogt, %parallel_loop3A_447, %parallel_loop3A_449 : vector<16xf32>
        %parallel_loop3A_451 = arith.select %parallel_loop3A_450, %broadcast_in_dim3A_3, %broadcast_in_dim3A_5 : vector<16xi1>, vector<16xi32>
        %parallel_loop3A_452 = arith.addi %parallel_loop3A_380, %parallel_loop3A_451 : vector<16xi32>
        %parallel_loop3A_453 = arith.index_cast %parallel_loop3A_102 : i32 to index
        %parallel_loop3A_454 = arith.constant 608 : index
        %parallel_loop3A_455 = tpu.vector_load %arg5[%parallel_loop3A_453, %parallel_loop3A_454] {strides = array<i32>} : memref<32x1024xf32, #tpu.memory_space<vmem>>, vector<1x16xf32>,
        %parallel_loop3A_456 = vector.shape_cast %parallel_loop3A_455 : vector<1x16xf32> to vector<16xf32>
        %parallel_loop3A_457 = arith.constant 0.000000e+00 : f32
        %parallel_loop3A_458 = vector.broadcast %parallel_loop3A_457 : f32 to vector<16xf32>
        %parallel_loop3A_459 = arith.cmpf ogt, %parallel_loop3A_456, %parallel_loop3A_458 : vector<16xf32>
        %parallel_loop3A_460 = arith.select %parallel_loop3A_459, %broadcast_in_dim3A_3, %broadcast_in_dim3A_5 : vector<16xi1>, vector<16xi32>
        %parallel_loop3A_461 = arith.addi %parallel_loop3A_389, %parallel_loop3A_460 : vector<16xi32>
        %parallel_loop3A_462 = arith.index_cast %parallel_loop3A_102 : i32 to index
        %parallel_loop3A_463 = arith.constant 624 : index
        %parallel_loop3A_464 = tpu.vector_load %arg5[%parallel_loop3A_462, %parallel_loop3A_463] {strides = array<i32>} : memref<32x1024xf32, #tpu.memory_space<vmem>>, vector<1x16xf32>,
        %parallel_loop3A_465 = vector.shape_cast %parallel_loop3A_464 : vector<1x16xf32> to vector<16xf32>
        %parallel_loop3A_466 = arith.constant 0.000000e+00 : f32
        %parallel_loop3A_467 = vector.broadcast %parallel_loop3A_466 : f32 to vector<16xf32>
        %parallel_loop3A_468 = arith.cmpf ogt, %parallel_loop3A_465, %parallel_loop3A_467 : vector<16xf32>
        %parallel_loop3A_469 = arith.select %parallel_loop3A_468, %broadcast_in_dim3A_3, %broadcast_in_dim3A_5 : vector<16xi1>, vector<16xi32>
        %parallel_loop3A_470 = arith.addi %parallel_loop3A_398, %parallel_loop3A_469 : vector<16xi32>
        %parallel_loop3A_471 = arith.index_cast %parallel_loop3A_102 : i32 to index
        %parallel_loop3A_472 = arith.constant 640 : index
        %parallel_loop3A_473 = tpu.vector_load %arg5[%parallel_loop3A_471, %parallel_loop3A_472] {strides = array<i32>} : memref<32x1024xf32, #tpu.memory_space<vmem>>, vector<1x16xf32>,
        %parallel_loop3A_474 = vector.shape_cast %parallel_loop3A_473 : vector<1x16xf32> to vector<16xf32>
        %parallel_loop3A_475 = arith.constant 0.000000e+00 : f32
        %parallel_loop3A_476 = vector.broadcast %parallel_loop3A_475 : f32 to vector<16xf32>
        %parallel_loop3A_477 = arith.cmpf ogt, %parallel_loop3A_474, %parallel_loop3A_476 : vector<16xf32>
        %parallel_loop3A_478 = arith.select %parallel_loop3A_477, %broadcast_in_dim3A_3, %broadcast_in_dim3A_5 : vector<16xi1>, vector<16xi32>
        %parallel_loop3A_479 = arith.addi %parallel_loop3A_407, %parallel_loop3A_478 : vector<16xi32>
        %parallel_loop3A_480 = arith.index_cast %parallel_loop3A_102 : i32 to index
        %parallel_loop3A_481 = arith.constant 656 : index
        %parallel_loop3A_482 = tpu.vector_load %arg5[%parallel_loop3A_480, %parallel_loop3A_481] {strides = array<i32>} : memref<32x1024xf32, #tpu.memory_space<vmem>>, vector<1x16xf32>,
        %parallel_loop3A_483 = vector.shape_cast %parallel_loop3A_482 : vector<1x16xf32> to vector<16xf32>
        %parallel_loop3A_484 = arith.constant 0.000000e+00 : f32
        %parallel_loop3A_485 = vector.broadcast %parallel_loop3A_484 : f32 to vector<16xf32>
        %parallel_loop3A_486 = arith.cmpf ogt, %parallel_loop3A_483, %parallel_loop3A_485 : vector<16xf32>
        %parallel_loop3A_487 = arith.select %parallel_loop3A_486, %broadcast_in_dim3A_3, %broadcast_in_dim3A_5 : vector<16xi1>, vector<16xi32>
        %parallel_loop3A_488 = arith.addi %parallel_loop3A_416, %parallel_loop3A_487 : vector<16xi32>
        %parallel_loop3A_489 = arith.index_cast %parallel_loop3A_102 : i32 to index
        %parallel_loop3A_490 = arith.constant 672 : index
        %parallel_loop3A_491 = tpu.vector_load %arg5[%parallel_loop3A_489, %parallel_loop3A_490] {strides = array<i32>} : memref<32x1024xf32, #tpu.memory_space<vmem>>, vector<1x16xf32>,
        %parallel_loop3A_492 = vector.shape_cast %parallel_loop3A_491 : vector<1x16xf32> to vector<16xf32>
        %parallel_loop3A_493 = arith.constant 0.000000e+00 : f32
        %parallel_loop3A_494 = vector.broadcast %parallel_loop3A_493 : f32 to vector<16xf32>
        %parallel_loop3A_495 = arith.cmpf ogt, %parallel_loop3A_492, %parallel_loop3A_494 : vector<16xf32>
        %parallel_loop3A_496 = arith.select %parallel_loop3A_495, %broadcast_in_dim3A_3, %broadcast_in_dim3A_5 : vector<16xi1>, vector<16xi32>
        %parallel_loop3A_497 = arith.addi %parallel_loop3A_425, %parallel_loop3A_496 : vector<16xi32>
        %parallel_loop3A_498 = arith.index_cast %parallel_loop3A_102 : i32 to index
        %parallel_loop3A_499 = arith.constant 688 : index
        %parallel_loop3A_500 = tpu.vector_load %arg5[%parallel_loop3A_498, %parallel_loop3A_499] {strides = array<i32>} : memref<32x1024xf32, #tpu.memory_space<vmem>>, vector<1x16xf32>,
        %parallel_loop3A_501 = vector.shape_cast %parallel_loop3A_500 : vector<1x16xf32> to vector<16xf32>
        %parallel_loop3A_502 = arith.constant 0.000000e+00 : f32
        %parallel_loop3A_503 = vector.broadcast %parallel_loop3A_502 : f32 to vector<16xf32>
        %parallel_loop3A_504 = arith.cmpf ogt, %parallel_loop3A_501, %parallel_loop3A_503 : vector<16xf32>
        %parallel_loop3A_505 = arith.select %parallel_loop3A_504, %broadcast_in_dim3A_3, %broadcast_in_dim3A_5 : vector<16xi1>, vector<16xi32>
        %parallel_loop3A_506 = arith.addi %parallel_loop3A_434, %parallel_loop3A_505 : vector<16xi32>
        %parallel_loop3A_507 = arith.index_cast %parallel_loop3A_102 : i32 to index
        %parallel_loop3A_508 = arith.constant 704 : index
        %parallel_loop3A_509 = tpu.vector_load %arg5[%parallel_loop3A_507, %parallel_loop3A_508] {strides = array<i32>} : memref<32x1024xf32, #tpu.memory_space<vmem>>, vector<1x16xf32>,
        %parallel_loop3A_510 = vector.shape_cast %parallel_loop3A_509 : vector<1x16xf32> to vector<16xf32>
        %parallel_loop3A_511 = arith.constant 0.000000e+00 : f32
        %parallel_loop3A_512 = vector.broadcast %parallel_loop3A_511 : f32 to vector<16xf32>
        %parallel_loop3A_513 = arith.cmpf ogt, %parallel_loop3A_510, %parallel_loop3A_512 : vector<16xf32>
        %parallel_loop3A_514 = arith.select %parallel_loop3A_513, %broadcast_in_dim3A_3, %broadcast_in_dim3A_5 : vector<16xi1>, vector<16xi32>
        %parallel_loop3A_515 = arith.addi %parallel_loop3A_443, %parallel_loop3A_514 : vector<16xi32>
        %parallel_loop3A_516 = arith.index_cast %parallel_loop3A_102 : i32 to index
        %parallel_loop3A_517 = arith.constant 720 : index
        %parallel_loop3A_518 = tpu.vector_load %arg5[%parallel_loop3A_516, %parallel_loop3A_517] {strides = array<i32>} : memref<32x1024xf32, #tpu.memory_space<vmem>>, vector<1x16xf32>,
        %parallel_loop3A_519 = vector.shape_cast %parallel_loop3A_518 : vector<1x16xf32> to vector<16xf32>
        %parallel_loop3A_520 = arith.constant 0.000000e+00 : f32
        %parallel_loop3A_521 = vector.broadcast %parallel_loop3A_520 : f32 to vector<16xf32>
        %parallel_loop3A_522 = arith.cmpf ogt, %parallel_loop3A_519, %parallel_loop3A_521 : vector<16xf32>
        %parallel_loop3A_523 = arith.select %parallel_loop3A_522, %broadcast_in_dim3A_3, %broadcast_in_dim3A_5 : vector<16xi1>, vector<16xi32>
        %parallel_loop3A_524 = arith.addi %parallel_loop3A_452, %parallel_loop3A_523 : vector<16xi32>
        %parallel_loop3A_525 = arith.index_cast %parallel_loop3A_102 : i32 to index
        %parallel_loop3A_526 = arith.constant 736 : index
        %parallel_loop3A_527 = tpu.vector_load %arg5[%parallel_loop3A_525, %parallel_loop3A_526] {strides = array<i32>} : memref<32x1024xf32, #tpu.memory_space<vmem>>, vector<1x16xf32>,
        %parallel_loop3A_528 = vector.shape_cast %parallel_loop3A_527 : vector<1x16xf32> to vector<16xf32>
        %parallel_loop3A_529 = arith.constant 0.000000e+00 : f32
        %parallel_loop3A_530 = vector.broadcast %parallel_loop3A_529 : f32 to vector<16xf32>
        %parallel_loop3A_531 = arith.cmpf ogt, %parallel_loop3A_528, %parallel_loop3A_530 : vector<16xf32>
        %parallel_loop3A_532 = arith.select %parallel_loop3A_531, %broadcast_in_dim3A_3, %broadcast_in_dim3A_5 : vector<16xi1>, vector<16xi32>
        %parallel_loop3A_533 = arith.addi %parallel_loop3A_461, %parallel_loop3A_532 : vector<16xi32>
        %parallel_loop3A_534 = arith.index_cast %parallel_loop3A_102 : i32 to index
        %parallel_loop3A_535 = arith.constant 752 : index
        %parallel_loop3A_536 = tpu.vector_load %arg5[%parallel_loop3A_534, %parallel_loop3A_535] {strides = array<i32>} : memref<32x1024xf32, #tpu.memory_space<vmem>>, vector<1x16xf32>,
        %parallel_loop3A_537 = vector.shape_cast %parallel_loop3A_536 : vector<1x16xf32> to vector<16xf32>
        %parallel_loop3A_538 = arith.constant 0.000000e+00 : f32
        %parallel_loop3A_539 = vector.broadcast %parallel_loop3A_538 : f32 to vector<16xf32>
        %parallel_loop3A_540 = arith.cmpf ogt, %parallel_loop3A_537, %parallel_loop3A_539 : vector<16xf32>
        %parallel_loop3A_541 = arith.select %parallel_loop3A_540, %broadcast_in_dim3A_3, %broadcast_in_dim3A_5 : vector<16xi1>, vector<16xi32>
        %parallel_loop3A_542 = arith.addi %parallel_loop3A_470, %parallel_loop3A_541 : vector<16xi32>
        %parallel_loop3A_543 = arith.index_cast %parallel_loop3A_102 : i32 to index
        %parallel_loop3A_544 = arith.constant 768 : index
        %parallel_loop3A_545 = tpu.vector_load %arg5[%parallel_loop3A_543, %parallel_loop3A_544] {strides = array<i32>} : memref<32x1024xf32, #tpu.memory_space<vmem>>, vector<1x16xf32>,
        %parallel_loop3A_546 = vector.shape_cast %parallel_loop3A_545 : vector<1x16xf32> to vector<16xf32>
        %parallel_loop3A_547 = arith.constant 0.000000e+00 : f32
        %parallel_loop3A_548 = vector.broadcast %parallel_loop3A_547 : f32 to vector<16xf32>
        %parallel_loop3A_549 = arith.cmpf ogt, %parallel_loop3A_546, %parallel_loop3A_548 : vector<16xf32>
        %parallel_loop3A_550 = arith.select %parallel_loop3A_549, %broadcast_in_dim3A_3, %broadcast_in_dim3A_5 : vector<16xi1>, vector<16xi32>
        %parallel_loop3A_551 = arith.addi %parallel_loop3A_479, %parallel_loop3A_550 : vector<16xi32>
        %parallel_loop3A_552 = arith.index_cast %parallel_loop3A_102 : i32 to index
        %parallel_loop3A_553 = arith.constant 784 : index
        %parallel_loop3A_554 = tpu.vector_load %arg5[%parallel_loop3A_552, %parallel_loop3A_553] {strides = array<i32>} : memref<32x1024xf32, #tpu.memory_space<vmem>>, vector<1x16xf32>,
        %parallel_loop3A_555 = vector.shape_cast %parallel_loop3A_554 : vector<1x16xf32> to vector<16xf32>
        %parallel_loop3A_556 = arith.constant 0.000000e+00 : f32
        %parallel_loop3A_557 = vector.broadcast %parallel_loop3A_556 : f32 to vector<16xf32>
        %parallel_loop3A_558 = arith.cmpf ogt, %parallel_loop3A_555, %parallel_loop3A_557 : vector<16xf32>
        %parallel_loop3A_559 = arith.select %parallel_loop3A_558, %broadcast_in_dim3A_3, %broadcast_in_dim3A_5 : vector<16xi1>, vector<16xi32>
        %parallel_loop3A_560 = arith.addi %parallel_loop3A_488, %parallel_loop3A_559 : vector<16xi32>
        %parallel_loop3A_561 = arith.index_cast %parallel_loop3A_102 : i32 to index
        %parallel_loop3A_562 = arith.constant 800 : index
        %parallel_loop3A_563 = tpu.vector_load %arg5[%parallel_loop3A_561, %parallel_loop3A_562] {strides = array<i32>} : memref<32x1024xf32, #tpu.memory_space<vmem>>, vector<1x16xf32>,
        %parallel_loop3A_564 = vector.shape_cast %parallel_loop3A_563 : vector<1x16xf32> to vector<16xf32>
        %parallel_loop3A_565 = arith.constant 0.000000e+00 : f32
        %parallel_loop3A_566 = vector.broadcast %parallel_loop3A_565 : f32 to vector<16xf32>
        %parallel_loop3A_567 = arith.cmpf ogt, %parallel_loop3A_564, %parallel_loop3A_566 : vector<16xf32>
        %parallel_loop3A_568 = arith.select %parallel_loop3A_567, %broadcast_in_dim3A_3, %broadcast_in_dim3A_5 : vector<16xi1>, vector<16xi32>
        %parallel_loop3A_569 = arith.addi %parallel_loop3A_497, %parallel_loop3A_568 : vector<16xi32>
        %parallel_loop3A_570 = arith.index_cast %parallel_loop3A_102 : i32 to index
        %parallel_loop3A_571 = arith.constant 816 : index
        %parallel_loop3A_572 = tpu.vector_load %arg5[%parallel_loop3A_570, %parallel_loop3A_571] {strides = array<i32>} : memref<32x1024xf32, #tpu.memory_space<vmem>>, vector<1x16xf32>,
        %parallel_loop3A_573 = vector.shape_cast %parallel_loop3A_572 : vector<1x16xf32> to vector<16xf32>
        %parallel_loop3A_574 = arith.constant 0.000000e+00 : f32
        %parallel_loop3A_575 = vector.broadcast %parallel_loop3A_574 : f32 to vector<16xf32>
        %parallel_loop3A_576 = arith.cmpf ogt, %parallel_loop3A_573, %parallel_loop3A_575 : vector<16xf32>
        %parallel_loop3A_577 = arith.select %parallel_loop3A_576, %broadcast_in_dim3A_3, %broadcast_in_dim3A_5 : vector<16xi1>, vector<16xi32>
        %parallel_loop3A_578 = arith.addi %parallel_loop3A_506, %parallel_loop3A_577 : vector<16xi32>
        %parallel_loop3A_579 = arith.index_cast %parallel_loop3A_102 : i32 to index
        %parallel_loop3A_580 = arith.constant 832 : index
        %parallel_loop3A_581 = tpu.vector_load %arg5[%parallel_loop3A_579, %parallel_loop3A_580] {strides = array<i32>} : memref<32x1024xf32, #tpu.memory_space<vmem>>, vector<1x16xf32>,
        %parallel_loop3A_582 = vector.shape_cast %parallel_loop3A_581 : vector<1x16xf32> to vector<16xf32>
        %parallel_loop3A_583 = arith.constant 0.000000e+00 : f32
        %parallel_loop3A_584 = vector.broadcast %parallel_loop3A_583 : f32 to vector<16xf32>
        %parallel_loop3A_585 = arith.cmpf ogt, %parallel_loop3A_582, %parallel_loop3A_584 : vector<16xf32>
        %parallel_loop3A_586 = arith.select %parallel_loop3A_585, %broadcast_in_dim3A_3, %broadcast_in_dim3A_5 : vector<16xi1>, vector<16xi32>
        %parallel_loop3A_587 = arith.addi %parallel_loop3A_515, %parallel_loop3A_586 : vector<16xi32>
        %parallel_loop3A_588 = arith.index_cast %parallel_loop3A_102 : i32 to index
        %parallel_loop3A_589 = arith.constant 848 : index
        %parallel_loop3A_590 = tpu.vector_load %arg5[%parallel_loop3A_588, %parallel_loop3A_589] {strides = array<i32>} : memref<32x1024xf32, #tpu.memory_space<vmem>>, vector<1x16xf32>,
        %parallel_loop3A_591 = vector.shape_cast %parallel_loop3A_590 : vector<1x16xf32> to vector<16xf32>
        %parallel_loop3A_592 = arith.constant 0.000000e+00 : f32
        %parallel_loop3A_593 = vector.broadcast %parallel_loop3A_592 : f32 to vector<16xf32>
        %parallel_loop3A_594 = arith.cmpf ogt, %parallel_loop3A_591, %parallel_loop3A_593 : vector<16xf32>
        %parallel_loop3A_595 = arith.select %parallel_loop3A_594, %broadcast_in_dim3A_3, %broadcast_in_dim3A_5 : vector<16xi1>, vector<16xi32>
        %parallel_loop3A_596 = arith.addi %parallel_loop3A_524, %parallel_loop3A_595 : vector<16xi32>
        %parallel_loop3A_597 = arith.index_cast %parallel_loop3A_102 : i32 to index
        %parallel_loop3A_598 = arith.constant 864 : index
        %parallel_loop3A_599 = tpu.vector_load %arg5[%parallel_loop3A_597, %parallel_loop3A_598] {strides = array<i32>} : memref<32x1024xf32, #tpu.memory_space<vmem>>, vector<1x16xf32>,
        %parallel_loop3A_600 = vector.shape_cast %parallel_loop3A_599 : vector<1x16xf32> to vector<16xf32>
        %parallel_loop3A_601 = arith.constant 0.000000e+00 : f32
        %parallel_loop3A_602 = vector.broadcast %parallel_loop3A_601 : f32 to vector<16xf32>
        %parallel_loop3A_603 = arith.cmpf ogt, %parallel_loop3A_600, %parallel_loop3A_602 : vector<16xf32>
        %parallel_loop3A_604 = arith.select %parallel_loop3A_603, %broadcast_in_dim3A_3, %broadcast_in_dim3A_5 : vector<16xi1>, vector<16xi32>
        %parallel_loop3A_605 = arith.addi %parallel_loop3A_533, %parallel_loop3A_604 : vector<16xi32>
        %parallel_loop3A_606 = arith.index_cast %parallel_loop3A_102 : i32 to index
        %parallel_loop3A_607 = arith.constant 880 : index
        %parallel_loop3A_608 = tpu.vector_load %arg5[%parallel_loop3A_606, %parallel_loop3A_607] {strides = array<i32>} : memref<32x1024xf32, #tpu.memory_space<vmem>>, vector<1x16xf32>,
        %parallel_loop3A_609 = vector.shape_cast %parallel_loop3A_608 : vector<1x16xf32> to vector<16xf32>
        %parallel_loop3A_610 = arith.constant 0.000000e+00 : f32
        %parallel_loop3A_611 = vector.broadcast %parallel_loop3A_610 : f32 to vector<16xf32>
        %parallel_loop3A_612 = arith.cmpf ogt, %parallel_loop3A_609, %parallel_loop3A_611 : vector<16xf32>
        %parallel_loop3A_613 = arith.select %parallel_loop3A_612, %broadcast_in_dim3A_3, %broadcast_in_dim3A_5 : vector<16xi1>, vector<16xi32>
        %parallel_loop3A_614 = arith.addi %parallel_loop3A_542, %parallel_loop3A_613 : vector<16xi32>
        %parallel_loop3A_615 = arith.index_cast %parallel_loop3A_102 : i32 to index
        %parallel_loop3A_616 = arith.constant 896 : index
        %parallel_loop3A_617 = tpu.vector_load %arg5[%parallel_loop3A_615, %parallel_loop3A_616] {strides = array<i32>} : memref<32x1024xf32, #tpu.memory_space<vmem>>, vector<1x16xf32>,
        %parallel_loop3A_618 = vector.shape_cast %parallel_loop3A_617 : vector<1x16xf32> to vector<16xf32>
        %parallel_loop3A_619 = arith.constant 0.000000e+00 : f32
        %parallel_loop3A_620 = vector.broadcast %parallel_loop3A_619 : f32 to vector<16xf32>
        %parallel_loop3A_621 = arith.cmpf ogt, %parallel_loop3A_618, %parallel_loop3A_620 : vector<16xf32>
        %parallel_loop3A_622 = arith.select %parallel_loop3A_621, %broadcast_in_dim3A_3, %broadcast_in_dim3A_5 : vector<16xi1>, vector<16xi32>
        %parallel_loop3A_623 = arith.addi %parallel_loop3A_551, %parallel_loop3A_622 : vector<16xi32>
        %parallel_loop3A_624 = arith.index_cast %parallel_loop3A_102 : i32 to index
        %parallel_loop3A_625 = arith.constant 912 : index
        %parallel_loop3A_626 = tpu.vector_load %arg5[%parallel_loop3A_624, %parallel_loop3A_625] {strides = array<i32>} : memref<32x1024xf32, #tpu.memory_space<vmem>>, vector<1x16xf32>,
        %parallel_loop3A_627 = vector.shape_cast %parallel_loop3A_626 : vector<1x16xf32> to vector<16xf32>
        %parallel_loop3A_628 = arith.constant 0.000000e+00 : f32
        %parallel_loop3A_629 = vector.broadcast %parallel_loop3A_628 : f32 to vector<16xf32>
        %parallel_loop3A_630 = arith.cmpf ogt, %parallel_loop3A_627, %parallel_loop3A_629 : vector<16xf32>
        %parallel_loop3A_631 = arith.select %parallel_loop3A_630, %broadcast_in_dim3A_3, %broadcast_in_dim3A_5 : vector<16xi1>, vector<16xi32>
        %parallel_loop3A_632 = arith.addi %parallel_loop3A_560, %parallel_loop3A_631 : vector<16xi32>
        %parallel_loop3A_633 = arith.index_cast %parallel_loop3A_102 : i32 to index
        %parallel_loop3A_634 = arith.constant 928 : index
        %parallel_loop3A_635 = tpu.vector_load %arg5[%parallel_loop3A_633, %parallel_loop3A_634] {strides = array<i32>} : memref<32x1024xf32, #tpu.memory_space<vmem>>, vector<1x16xf32>,
        %parallel_loop3A_636 = vector.shape_cast %parallel_loop3A_635 : vector<1x16xf32> to vector<16xf32>
        %parallel_loop3A_637 = arith.constant 0.000000e+00 : f32
        %parallel_loop3A_638 = vector.broadcast %parallel_loop3A_637 : f32 to vector<16xf32>
        %parallel_loop3A_639 = arith.cmpf ogt, %parallel_loop3A_636, %parallel_loop3A_638 : vector<16xf32>
        %parallel_loop3A_640 = arith.select %parallel_loop3A_639, %broadcast_in_dim3A_3, %broadcast_in_dim3A_5 : vector<16xi1>, vector<16xi32>
        %parallel_loop3A_641 = arith.addi %parallel_loop3A_569, %parallel_loop3A_640 : vector<16xi32>
        %parallel_loop3A_642 = arith.index_cast %parallel_loop3A_102 : i32 to index
        %parallel_loop3A_643 = arith.constant 944 : index
        %parallel_loop3A_644 = tpu.vector_load %arg5[%parallel_loop3A_642, %parallel_loop3A_643] {strides = array<i32>} : memref<32x1024xf32, #tpu.memory_space<vmem>>, vector<1x16xf32>,
        %parallel_loop3A_645 = vector.shape_cast %parallel_loop3A_644 : vector<1x16xf32> to vector<16xf32>
        %parallel_loop3A_646 = arith.constant 0.000000e+00 : f32
        %parallel_loop3A_647 = vector.broadcast %parallel_loop3A_646 : f32 to vector<16xf32>
        %parallel_loop3A_648 = arith.cmpf ogt, %parallel_loop3A_645, %parallel_loop3A_647 : vector<16xf32>
        %parallel_loop3A_649 = arith.select %parallel_loop3A_648, %broadcast_in_dim3A_3, %broadcast_in_dim3A_5 : vector<16xi1>, vector<16xi32>
        %parallel_loop3A_650 = arith.addi %parallel_loop3A_578, %parallel_loop3A_649 : vector<16xi32>
        %parallel_loop3A_651 = arith.index_cast %parallel_loop3A_102 : i32 to index
        %parallel_loop3A_652 = arith.constant 960 : index
        %parallel_loop3A_653 = tpu.vector_load %arg5[%parallel_loop3A_651, %parallel_loop3A_652] {strides = array<i32>} : memref<32x1024xf32, #tpu.memory_space<vmem>>, vector<1x16xf32>,
        %parallel_loop3A_654 = vector.shape_cast %parallel_loop3A_653 : vector<1x16xf32> to vector<16xf32>
        %parallel_loop3A_655 = arith.constant 0.000000e+00 : f32
        %parallel_loop3A_656 = vector.broadcast %parallel_loop3A_655 : f32 to vector<16xf32>
        %parallel_loop3A_657 = arith.cmpf ogt, %parallel_loop3A_654, %parallel_loop3A_656 : vector<16xf32>
        %parallel_loop3A_658 = arith.select %parallel_loop3A_657, %broadcast_in_dim3A_3, %broadcast_in_dim3A_5 : vector<16xi1>, vector<16xi32>
        %parallel_loop3A_659 = arith.addi %parallel_loop3A_587, %parallel_loop3A_658 : vector<16xi32>
        %parallel_loop3A_660 = arith.index_cast %parallel_loop3A_102 : i32 to index
        %parallel_loop3A_661 = arith.constant 976 : index
        %parallel_loop3A_662 = tpu.vector_load %arg5[%parallel_loop3A_660, %parallel_loop3A_661] {strides = array<i32>} : memref<32x1024xf32, #tpu.memory_space<vmem>>, vector<1x16xf32>,
        %parallel_loop3A_663 = vector.shape_cast %parallel_loop3A_662 : vector<1x16xf32> to vector<16xf32>
        %parallel_loop3A_664 = arith.constant 0.000000e+00 : f32
        %parallel_loop3A_665 = vector.broadcast %parallel_loop3A_664 : f32 to vector<16xf32>
        %parallel_loop3A_666 = arith.cmpf ogt, %parallel_loop3A_663, %parallel_loop3A_665 : vector<16xf32>
        %parallel_loop3A_667 = arith.select %parallel_loop3A_666, %broadcast_in_dim3A_3, %broadcast_in_dim3A_5 : vector<16xi1>, vector<16xi32>
        %parallel_loop3A_668 = arith.addi %parallel_loop3A_596, %parallel_loop3A_667 : vector<16xi32>
        %parallel_loop3A_669 = arith.index_cast %parallel_loop3A_102 : i32 to index
        %parallel_loop3A_670 = arith.constant 992 : index
        %parallel_loop3A_671 = tpu.vector_load %arg5[%parallel_loop3A_669, %parallel_loop3A_670] {strides = array<i32>} : memref<32x1024xf32, #tpu.memory_space<vmem>>, vector<1x16xf32>,
        %parallel_loop3A_672 = vector.shape_cast %parallel_loop3A_671 : vector<1x16xf32> to vector<16xf32>
        %parallel_loop3A_673 = arith.constant 0.000000e+00 : f32
        %parallel_loop3A_674 = vector.broadcast %parallel_loop3A_673 : f32 to vector<16xf32>
        %parallel_loop3A_675 = arith.cmpf ogt, %parallel_loop3A_672, %parallel_loop3A_674 : vector<16xf32>
        %parallel_loop3A_676 = arith.select %parallel_loop3A_675, %broadcast_in_dim3A_3, %broadcast_in_dim3A_5 : vector<16xi1>, vector<16xi32>
        %parallel_loop3A_677 = arith.addi %parallel_loop3A_605, %parallel_loop3A_676 : vector<16xi32>
        %parallel_loop3A_678 = arith.index_cast %parallel_loop3A_102 : i32 to index
        %parallel_loop3A_679 = arith.constant 1008 : index
        %parallel_loop3A_680 = tpu.vector_load %arg5[%parallel_loop3A_678, %parallel_loop3A_679] {strides = array<i32>} : memref<32x1024xf32, #tpu.memory_space<vmem>>, vector<1x16xf32>,
        %parallel_loop3A_681 = vector.shape_cast %parallel_loop3A_680 : vector<1x16xf32> to vector<16xf32>
        %parallel_loop3A_682 = arith.constant 0.000000e+00 : f32
        %parallel_loop3A_683 = vector.broadcast %parallel_loop3A_682 : f32 to vector<16xf32>
        %parallel_loop3A_684 = arith.cmpf ogt, %parallel_loop3A_681, %parallel_loop3A_683 : vector<16xf32>
        %parallel_loop3A_685 = arith.select %parallel_loop3A_684, %broadcast_in_dim3A_3, %broadcast_in_dim3A_5 : vector<16xi1>, vector<16xi32>
        %parallel_loop3A_686 = arith.addi %parallel_loop3A_614, %parallel_loop3A_685 : vector<16xi32>
        scf.yield %parallel_loop3A_623, %parallel_loop3A_632, %parallel_loop3A_641, %parallel_loop3A_650, %parallel_loop3A_659, %parallel_loop3A_668, %parallel_loop3A_677, %parallel_loop3A_686 : vector<16xi32>, vector<16xi32>, vector<16xi32>, vector<16xi32>, vector<16xi32>, vector<16xi32>, vector<16xi32>, vector<16xi32>
      } {sc.loop_unroll_factor = 2 : i64, sc.parallel_access}
      %mul3A_75 = arith.constant 2 : i32
      %mul3A_76 = arith.muli %scan3A_60, %mul3A_75 : i32
      %add3A_77 = arith.constant 0 : i32
      %add3A_78 = arith.addi %mul3A_76, %add3A_77 : i32
      %add3A_79 = arith.constant 2 : i32
      %add3A_80 = arith.addi %add3A_78, %add3A_79 : i32
      %lt3A = arith.constant 8 : i32
      %lt3A_81 = arith.cmpi slt, %add3A_80, %lt3A : i32
      %convert_element_type3A = arith.extui %lt3A_81 : i1 to i32
      %cond3A = arith.constant 0 : i32
      %cond3A_82 = arith.cmpi ne, %convert_element_type3A, %cond3A : i32
      scf.if %cond3A_82 {
        %mul3A_102 = arith.constant 32 : i32
        %mul3A_103 = arith.muli %add3A_80, %mul3A_102 : i32
        %add3A_104 = arith.addi %mul3A_2, %mul3A_103 : i32
        %dma_start3A_105 = arith.constant 0 : i32
        %dma_start3A_106 = tpu.memref_slice %arg2[%add3A_104, %dma_start3A_105] : memref<32768x1024xf32, #tpu.memory_space<hbm>> -> memref<32x1024xf32, #tpu.memory_space<hbm>>
        %dma_start3A_107 = arith.constant 0 : i32
        %dma_start3A_108 = tpu.memref_slice %arg2[%add3A_104, %dma_start3A_107] : memref<32768x1024xf32, #tpu.memory_space<hbm>> -> memref<32x1024xf32, #tpu.memory_space<hbm>>
        tpu.enqueue_dma source(%dma_start3A_108 : memref<32x1024xf32, #tpu.memory_space<hbm>>) target(%arg5 : memref<32x1024xf32, #tpu.memory_space<vmem>>) target_semaphore(%arg8 : memref<!tpu.dma_semaphore, #tpu.memory_space<semaphore_mem>>)
      } else {
      }
      %dma_wait3A_83 = arith.constant 0 : i32
      %dma_wait3A_84 = tpu.memref_slice %arg2[%mul3A_2, %dma_wait3A_83] : memref<32768x1024xf32, #tpu.memory_space<hbm>> -> memref<32x1024xf32, #tpu.memory_space<hbm>>
      %dma_wait3A_85 = arith.constant 0 : i32
      %dma_wait3A_86 = tpu.memref_slice %arg2[%mul3A_2, %dma_wait3A_85] : memref<32768x1024xf32, #tpu.memory_space<hbm>> -> memref<32x1024xf32, #tpu.memory_space<hbm>>
      tpu.wait_dma2 semaphore(%arg9 : memref<!tpu.dma_semaphore, #tpu.memory_space<semaphore_mem>>) src(%dma_wait3A_86 : memref<32x1024xf32, #tpu.memory_space<hbm>>) dst(%arg6 : memref<32x1024xf32, #tpu.memory_space<vmem>>)
      %parallel_loop3A_87 = arith.constant 0 : i32
      %parallel_loop3A_88 = arith.constant 32 : i32
      %parallel_loop3A_89 = arith.constant 1 : i32
      %parallel_loop3A_90:8 = scf.for %parallel_loop3A_102 = %parallel_loop3A_87 to %parallel_loop3A_88 step %parallel_loop3A_89 iter_args(%parallel_loop3A_103 = %parallel_loop3A_74#0, %parallel_loop3A_104 = %parallel_loop3A_74#1, %parallel_loop3A_105 = %parallel_loop3A_74#2, %parallel_loop3A_106 = %parallel_loop3A_74#3, %parallel_loop3A_107 = %parallel_loop3A_74#4, %parallel_loop3A_108 = %parallel_loop3A_74#5, %parallel_loop3A_109 = %parallel_loop3A_74#6, %parallel_loop3A_110 = %parallel_loop3A_74#7) -> (vector<16xi32>, vector<16xi32>, vector<16xi32>, vector<16xi32>, vector<16xi32>, vector<16xi32>, vector<16xi32>, vector<16xi32>)  : i32 {
        %parallel_loop3A_111 = arith.index_cast %parallel_loop3A_102 : i32 to index
        %parallel_loop3A_112 = arith.constant 0 : index
        %parallel_loop3A_113 = tpu.vector_load %arg6[%parallel_loop3A_111, %parallel_loop3A_112] {strides = array<i32>} : memref<32x1024xf32, #tpu.memory_space<vmem>>, vector<1x16xf32>,
        %parallel_loop3A_114 = vector.shape_cast %parallel_loop3A_113 : vector<1x16xf32> to vector<16xf32>
        %parallel_loop3A_115 = arith.constant 0.000000e+00 : f32
        %parallel_loop3A_116 = vector.broadcast %parallel_loop3A_115 : f32 to vector<16xf32>
        %parallel_loop3A_117 = arith.cmpf ogt, %parallel_loop3A_114, %parallel_loop3A_116 : vector<16xf32>
        %parallel_loop3A_118 = arith.select %parallel_loop3A_117, %broadcast_in_dim3A_3, %broadcast_in_dim3A_5 : vector<16xi1>, vector<16xi32>
        %parallel_loop3A_119 = arith.addi %parallel_loop3A_103, %parallel_loop3A_118 : vector<16xi32>
        %parallel_loop3A_120 = arith.index_cast %parallel_loop3A_102 : i32 to index
        %parallel_loop3A_121 = arith.constant 16 : index
        %parallel_loop3A_122 = tpu.vector_load %arg6[%parallel_loop3A_120, %parallel_loop3A_121] {strides = array<i32>} : memref<32x1024xf32, #tpu.memory_space<vmem>>, vector<1x16xf32>,
        %parallel_loop3A_123 = vector.shape_cast %parallel_loop3A_122 : vector<1x16xf32> to vector<16xf32>
        %parallel_loop3A_124 = arith.constant 0.000000e+00 : f32
        %parallel_loop3A_125 = vector.broadcast %parallel_loop3A_124 : f32 to vector<16xf32>
        %parallel_loop3A_126 = arith.cmpf ogt, %parallel_loop3A_123, %parallel_loop3A_125 : vector<16xf32>
        %parallel_loop3A_127 = arith.select %parallel_loop3A_126, %broadcast_in_dim3A_3, %broadcast_in_dim3A_5 : vector<16xi1>, vector<16xi32>
        %parallel_loop3A_128 = arith.addi %parallel_loop3A_104, %parallel_loop3A_127 : vector<16xi32>
        %parallel_loop3A_129 = arith.index_cast %parallel_loop3A_102 : i32 to index
        %parallel_loop3A_130 = arith.constant 32 : index
        %parallel_loop3A_131 = tpu.vector_load %arg6[%parallel_loop3A_129, %parallel_loop3A_130] {strides = array<i32>} : memref<32x1024xf32, #tpu.memory_space<vmem>>, vector<1x16xf32>,
        %parallel_loop3A_132 = vector.shape_cast %parallel_loop3A_131 : vector<1x16xf32> to vector<16xf32>
        %parallel_loop3A_133 = arith.constant 0.000000e+00 : f32
        %parallel_loop3A_134 = vector.broadcast %parallel_loop3A_133 : f32 to vector<16xf32>
        %parallel_loop3A_135 = arith.cmpf ogt, %parallel_loop3A_132, %parallel_loop3A_134 : vector<16xf32>
        %parallel_loop3A_136 = arith.select %parallel_loop3A_135, %broadcast_in_dim3A_3, %broadcast_in_dim3A_5 : vector<16xi1>, vector<16xi32>
        %parallel_loop3A_137 = arith.addi %parallel_loop3A_105, %parallel_loop3A_136 : vector<16xi32>
        %parallel_loop3A_138 = arith.index_cast %parallel_loop3A_102 : i32 to index
        %parallel_loop3A_139 = arith.constant 48 : index
        %parallel_loop3A_140 = tpu.vector_load %arg6[%parallel_loop3A_138, %parallel_loop3A_139] {strides = array<i32>} : memref<32x1024xf32, #tpu.memory_space<vmem>>, vector<1x16xf32>,
        %parallel_loop3A_141 = vector.shape_cast %parallel_loop3A_140 : vector<1x16xf32> to vector<16xf32>
        %parallel_loop3A_142 = arith.constant 0.000000e+00 : f32
        %parallel_loop3A_143 = vector.broadcast %parallel_loop3A_142 : f32 to vector<16xf32>
        %parallel_loop3A_144 = arith.cmpf ogt, %parallel_loop3A_141, %parallel_loop3A_143 : vector<16xf32>
        %parallel_loop3A_145 = arith.select %parallel_loop3A_144, %broadcast_in_dim3A_3, %broadcast_in_dim3A_5 : vector<16xi1>, vector<16xi32>
        %parallel_loop3A_146 = arith.addi %parallel_loop3A_106, %parallel_loop3A_145 : vector<16xi32>
        %parallel_loop3A_147 = arith.index_cast %parallel_loop3A_102 : i32 to index
        %parallel_loop3A_148 = arith.constant 64 : index
        %parallel_loop3A_149 = tpu.vector_load %arg6[%parallel_loop3A_147, %parallel_loop3A_148] {strides = array<i32>} : memref<32x1024xf32, #tpu.memory_space<vmem>>, vector<1x16xf32>,
        %parallel_loop3A_150 = vector.shape_cast %parallel_loop3A_149 : vector<1x16xf32> to vector<16xf32>
        %parallel_loop3A_151 = arith.constant 0.000000e+00 : f32
        %parallel_loop3A_152 = vector.broadcast %parallel_loop3A_151 : f32 to vector<16xf32>
        %parallel_loop3A_153 = arith.cmpf ogt, %parallel_loop3A_150, %parallel_loop3A_152 : vector<16xf32>
        %parallel_loop3A_154 = arith.select %parallel_loop3A_153, %broadcast_in_dim3A_3, %broadcast_in_dim3A_5 : vector<16xi1>, vector<16xi32>
        %parallel_loop3A_155 = arith.addi %parallel_loop3A_107, %parallel_loop3A_154 : vector<16xi32>
        %parallel_loop3A_156 = arith.index_cast %parallel_loop3A_102 : i32 to index
        %parallel_loop3A_157 = arith.constant 80 : index
        %parallel_loop3A_158 = tpu.vector_load %arg6[%parallel_loop3A_156, %parallel_loop3A_157] {strides = array<i32>} : memref<32x1024xf32, #tpu.memory_space<vmem>>, vector<1x16xf32>,
        %parallel_loop3A_159 = vector.shape_cast %parallel_loop3A_158 : vector<1x16xf32> to vector<16xf32>
        %parallel_loop3A_160 = arith.constant 0.000000e+00 : f32
        %parallel_loop3A_161 = vector.broadcast %parallel_loop3A_160 : f32 to vector<16xf32>
        %parallel_loop3A_162 = arith.cmpf ogt, %parallel_loop3A_159, %parallel_loop3A_161 : vector<16xf32>
        %parallel_loop3A_163 = arith.select %parallel_loop3A_162, %broadcast_in_dim3A_3, %broadcast_in_dim3A_5 : vector<16xi1>, vector<16xi32>
        %parallel_loop3A_164 = arith.addi %parallel_loop3A_108, %parallel_loop3A_163 : vector<16xi32>
        %parallel_loop3A_165 = arith.index_cast %parallel_loop3A_102 : i32 to index
        %parallel_loop3A_166 = arith.constant 96 : index
        %parallel_loop3A_167 = tpu.vector_load %arg6[%parallel_loop3A_165, %parallel_loop3A_166] {strides = array<i32>} : memref<32x1024xf32, #tpu.memory_space<vmem>>, vector<1x16xf32>,
        %parallel_loop3A_168 = vector.shape_cast %parallel_loop3A_167 : vector<1x16xf32> to vector<16xf32>
        %parallel_loop3A_169 = arith.constant 0.000000e+00 : f32
        %parallel_loop3A_170 = vector.broadcast %parallel_loop3A_169 : f32 to vector<16xf32>
        %parallel_loop3A_171 = arith.cmpf ogt, %parallel_loop3A_168, %parallel_loop3A_170 : vector<16xf32>
        %parallel_loop3A_172 = arith.select %parallel_loop3A_171, %broadcast_in_dim3A_3, %broadcast_in_dim3A_5 : vector<16xi1>, vector<16xi32>
        %parallel_loop3A_173 = arith.addi %parallel_loop3A_109, %parallel_loop3A_172 : vector<16xi32>
        %parallel_loop3A_174 = arith.index_cast %parallel_loop3A_102 : i32 to index
        %parallel_loop3A_175 = arith.constant 112 : index
        %parallel_loop3A_176 = tpu.vector_load %arg6[%parallel_loop3A_174, %parallel_loop3A_175] {strides = array<i32>} : memref<32x1024xf32, #tpu.memory_space<vmem>>, vector<1x16xf32>,
        %parallel_loop3A_177 = vector.shape_cast %parallel_loop3A_176 : vector<1x16xf32> to vector<16xf32>
        %parallel_loop3A_178 = arith.constant 0.000000e+00 : f32
        %parallel_loop3A_179 = vector.broadcast %parallel_loop3A_178 : f32 to vector<16xf32>
        %parallel_loop3A_180 = arith.cmpf ogt, %parallel_loop3A_177, %parallel_loop3A_179 : vector<16xf32>
        %parallel_loop3A_181 = arith.select %parallel_loop3A_180, %broadcast_in_dim3A_3, %broadcast_in_dim3A_5 : vector<16xi1>, vector<16xi32>
        %parallel_loop3A_182 = arith.addi %parallel_loop3A_110, %parallel_loop3A_181 : vector<16xi32>
        %parallel_loop3A_183 = arith.index_cast %parallel_loop3A_102 : i32 to index
        %parallel_loop3A_184 = arith.constant 128 : index
        %parallel_loop3A_185 = tpu.vector_load %arg6[%parallel_loop3A_183, %parallel_loop3A_184] {strides = array<i32>} : memref<32x1024xf32, #tpu.memory_space<vmem>>, vector<1x16xf32>,
        %parallel_loop3A_186 = vector.shape_cast %parallel_loop3A_185 : vector<1x16xf32> to vector<16xf32>
        %parallel_loop3A_187 = arith.constant 0.000000e+00 : f32
        %parallel_loop3A_188 = vector.broadcast %parallel_loop3A_187 : f32 to vector<16xf32>
        %parallel_loop3A_189 = arith.cmpf ogt, %parallel_loop3A_186, %parallel_loop3A_188 : vector<16xf32>
        %parallel_loop3A_190 = arith.select %parallel_loop3A_189, %broadcast_in_dim3A_3, %broadcast_in_dim3A_5 : vector<16xi1>, vector<16xi32>
        %parallel_loop3A_191 = arith.addi %parallel_loop3A_119, %parallel_loop3A_190 : vector<16xi32>
        %parallel_loop3A_192 = arith.index_cast %parallel_loop3A_102 : i32 to index
        %parallel_loop3A_193 = arith.constant 144 : index
        %parallel_loop3A_194 = tpu.vector_load %arg6[%parallel_loop3A_192, %parallel_loop3A_193] {strides = array<i32>} : memref<32x1024xf32, #tpu.memory_space<vmem>>, vector<1x16xf32>,
        %parallel_loop3A_195 = vector.shape_cast %parallel_loop3A_194 : vector<1x16xf32> to vector<16xf32>
        %parallel_loop3A_196 = arith.constant 0.000000e+00 : f32
        %parallel_loop3A_197 = vector.broadcast %parallel_loop3A_196 : f32 to vector<16xf32>
        %parallel_loop3A_198 = arith.cmpf ogt, %parallel_loop3A_195, %parallel_loop3A_197 : vector<16xf32>
        %parallel_loop3A_199 = arith.select %parallel_loop3A_198, %broadcast_in_dim3A_3, %broadcast_in_dim3A_5 : vector<16xi1>, vector<16xi32>
        %parallel_loop3A_200 = arith.addi %parallel_loop3A_128, %parallel_loop3A_199 : vector<16xi32>
        %parallel_loop3A_201 = arith.index_cast %parallel_loop3A_102 : i32 to index
        %parallel_loop3A_202 = arith.constant 160 : index
        %parallel_loop3A_203 = tpu.vector_load %arg6[%parallel_loop3A_201, %parallel_loop3A_202] {strides = array<i32>} : memref<32x1024xf32, #tpu.memory_space<vmem>>, vector<1x16xf32>,
        %parallel_loop3A_204 = vector.shape_cast %parallel_loop3A_203 : vector<1x16xf32> to vector<16xf32>
        %parallel_loop3A_205 = arith.constant 0.000000e+00 : f32
        %parallel_loop3A_206 = vector.broadcast %parallel_loop3A_205 : f32 to vector<16xf32>
        %parallel_loop3A_207 = arith.cmpf ogt, %parallel_loop3A_204, %parallel_loop3A_206 : vector<16xf32>
        %parallel_loop3A_208 = arith.select %parallel_loop3A_207, %broadcast_in_dim3A_3, %broadcast_in_dim3A_5 : vector<16xi1>, vector<16xi32>
        %parallel_loop3A_209 = arith.addi %parallel_loop3A_137, %parallel_loop3A_208 : vector<16xi32>
        %parallel_loop3A_210 = arith.index_cast %parallel_loop3A_102 : i32 to index
        %parallel_loop3A_211 = arith.constant 176 : index
        %parallel_loop3A_212 = tpu.vector_load %arg6[%parallel_loop3A_210, %parallel_loop3A_211] {strides = array<i32>} : memref<32x1024xf32, #tpu.memory_space<vmem>>, vector<1x16xf32>,
        %parallel_loop3A_213 = vector.shape_cast %parallel_loop3A_212 : vector<1x16xf32> to vector<16xf32>
        %parallel_loop3A_214 = arith.constant 0.000000e+00 : f32
        %parallel_loop3A_215 = vector.broadcast %parallel_loop3A_214 : f32 to vector<16xf32>
        %parallel_loop3A_216 = arith.cmpf ogt, %parallel_loop3A_213, %parallel_loop3A_215 : vector<16xf32>
        %parallel_loop3A_217 = arith.select %parallel_loop3A_216, %broadcast_in_dim3A_3, %broadcast_in_dim3A_5 : vector<16xi1>, vector<16xi32>
        %parallel_loop3A_218 = arith.addi %parallel_loop3A_146, %parallel_loop3A_217 : vector<16xi32>
        %parallel_loop3A_219 = arith.index_cast %parallel_loop3A_102 : i32 to index
        %parallel_loop3A_220 = arith.constant 192 : index
        %parallel_loop3A_221 = tpu.vector_load %arg6[%parallel_loop3A_219, %parallel_loop3A_220] {strides = array<i32>} : memref<32x1024xf32, #tpu.memory_space<vmem>>, vector<1x16xf32>,
        %parallel_loop3A_222 = vector.shape_cast %parallel_loop3A_221 : vector<1x16xf32> to vector<16xf32>
        %parallel_loop3A_223 = arith.constant 0.000000e+00 : f32
        %parallel_loop3A_224 = vector.broadcast %parallel_loop3A_223 : f32 to vector<16xf32>
        %parallel_loop3A_225 = arith.cmpf ogt, %parallel_loop3A_222, %parallel_loop3A_224 : vector<16xf32>
        %parallel_loop3A_226 = arith.select %parallel_loop3A_225, %broadcast_in_dim3A_3, %broadcast_in_dim3A_5 : vector<16xi1>, vector<16xi32>
        %parallel_loop3A_227 = arith.addi %parallel_loop3A_155, %parallel_loop3A_226 : vector<16xi32>
        %parallel_loop3A_228 = arith.index_cast %parallel_loop3A_102 : i32 to index
        %parallel_loop3A_229 = arith.constant 208 : index
        %parallel_loop3A_230 = tpu.vector_load %arg6[%parallel_loop3A_228, %parallel_loop3A_229] {strides = array<i32>} : memref<32x1024xf32, #tpu.memory_space<vmem>>, vector<1x16xf32>,
        %parallel_loop3A_231 = vector.shape_cast %parallel_loop3A_230 : vector<1x16xf32> to vector<16xf32>
        %parallel_loop3A_232 = arith.constant 0.000000e+00 : f32
        %parallel_loop3A_233 = vector.broadcast %parallel_loop3A_232 : f32 to vector<16xf32>
        %parallel_loop3A_234 = arith.cmpf ogt, %parallel_loop3A_231, %parallel_loop3A_233 : vector<16xf32>
        %parallel_loop3A_235 = arith.select %parallel_loop3A_234, %broadcast_in_dim3A_3, %broadcast_in_dim3A_5 : vector<16xi1>, vector<16xi32>
        %parallel_loop3A_236 = arith.addi %parallel_loop3A_164, %parallel_loop3A_235 : vector<16xi32>
        %parallel_loop3A_237 = arith.index_cast %parallel_loop3A_102 : i32 to index
        %parallel_loop3A_238 = arith.constant 224 : index
        %parallel_loop3A_239 = tpu.vector_load %arg6[%parallel_loop3A_237, %parallel_loop3A_238] {strides = array<i32>} : memref<32x1024xf32, #tpu.memory_space<vmem>>, vector<1x16xf32>,
        %parallel_loop3A_240 = vector.shape_cast %parallel_loop3A_239 : vector<1x16xf32> to vector<16xf32>
        %parallel_loop3A_241 = arith.constant 0.000000e+00 : f32
        %parallel_loop3A_242 = vector.broadcast %parallel_loop3A_241 : f32 to vector<16xf32>
        %parallel_loop3A_243 = arith.cmpf ogt, %parallel_loop3A_240, %parallel_loop3A_242 : vector<16xf32>
        %parallel_loop3A_244 = arith.select %parallel_loop3A_243, %broadcast_in_dim3A_3, %broadcast_in_dim3A_5 : vector<16xi1>, vector<16xi32>
        %parallel_loop3A_245 = arith.addi %parallel_loop3A_173, %parallel_loop3A_244 : vector<16xi32>
        %parallel_loop3A_246 = arith.index_cast %parallel_loop3A_102 : i32 to index
        %parallel_loop3A_247 = arith.constant 240 : index
        %parallel_loop3A_248 = tpu.vector_load %arg6[%parallel_loop3A_246, %parallel_loop3A_247] {strides = array<i32>} : memref<32x1024xf32, #tpu.memory_space<vmem>>, vector<1x16xf32>,
        %parallel_loop3A_249 = vector.shape_cast %parallel_loop3A_248 : vector<1x16xf32> to vector<16xf32>
        %parallel_loop3A_250 = arith.constant 0.000000e+00 : f32
        %parallel_loop3A_251 = vector.broadcast %parallel_loop3A_250 : f32 to vector<16xf32>
        %parallel_loop3A_252 = arith.cmpf ogt, %parallel_loop3A_249, %parallel_loop3A_251 : vector<16xf32>
        %parallel_loop3A_253 = arith.select %parallel_loop3A_252, %broadcast_in_dim3A_3, %broadcast_in_dim3A_5 : vector<16xi1>, vector<16xi32>
        %parallel_loop3A_254 = arith.addi %parallel_loop3A_182, %parallel_loop3A_253 : vector<16xi32>
        %parallel_loop3A_255 = arith.index_cast %parallel_loop3A_102 : i32 to index
        %parallel_loop3A_256 = arith.constant 256 : index
        %parallel_loop3A_257 = tpu.vector_load %arg6[%parallel_loop3A_255, %parallel_loop3A_256] {strides = array<i32>} : memref<32x1024xf32, #tpu.memory_space<vmem>>, vector<1x16xf32>,
        %parallel_loop3A_258 = vector.shape_cast %parallel_loop3A_257 : vector<1x16xf32> to vector<16xf32>
        %parallel_loop3A_259 = arith.constant 0.000000e+00 : f32
        %parallel_loop3A_260 = vector.broadcast %parallel_loop3A_259 : f32 to vector<16xf32>
        %parallel_loop3A_261 = arith.cmpf ogt, %parallel_loop3A_258, %parallel_loop3A_260 : vector<16xf32>
        %parallel_loop3A_262 = arith.select %parallel_loop3A_261, %broadcast_in_dim3A_3, %broadcast_in_dim3A_5 : vector<16xi1>, vector<16xi32>
        %parallel_loop3A_263 = arith.addi %parallel_loop3A_191, %parallel_loop3A_262 : vector<16xi32>
        %parallel_loop3A_264 = arith.index_cast %parallel_loop3A_102 : i32 to index
        %parallel_loop3A_265 = arith.constant 272 : index
        %parallel_loop3A_266 = tpu.vector_load %arg6[%parallel_loop3A_264, %parallel_loop3A_265] {strides = array<i32>} : memref<32x1024xf32, #tpu.memory_space<vmem>>, vector<1x16xf32>,
        %parallel_loop3A_267 = vector.shape_cast %parallel_loop3A_266 : vector<1x16xf32> to vector<16xf32>
        %parallel_loop3A_268 = arith.constant 0.000000e+00 : f32
        %parallel_loop3A_269 = vector.broadcast %parallel_loop3A_268 : f32 to vector<16xf32>
        %parallel_loop3A_270 = arith.cmpf ogt, %parallel_loop3A_267, %parallel_loop3A_269 : vector<16xf32>
        %parallel_loop3A_271 = arith.select %parallel_loop3A_270, %broadcast_in_dim3A_3, %broadcast_in_dim3A_5 : vector<16xi1>, vector<16xi32>
        %parallel_loop3A_272 = arith.addi %parallel_loop3A_200, %parallel_loop3A_271 : vector<16xi32>
        %parallel_loop3A_273 = arith.index_cast %parallel_loop3A_102 : i32 to index
        %parallel_loop3A_274 = arith.constant 288 : index
        %parallel_loop3A_275 = tpu.vector_load %arg6[%parallel_loop3A_273, %parallel_loop3A_274] {strides = array<i32>} : memref<32x1024xf32, #tpu.memory_space<vmem>>, vector<1x16xf32>,
        %parallel_loop3A_276 = vector.shape_cast %parallel_loop3A_275 : vector<1x16xf32> to vector<16xf32>
        %parallel_loop3A_277 = arith.constant 0.000000e+00 : f32
        %parallel_loop3A_278 = vector.broadcast %parallel_loop3A_277 : f32 to vector<16xf32>
        %parallel_loop3A_279 = arith.cmpf ogt, %parallel_loop3A_276, %parallel_loop3A_278 : vector<16xf32>
        %parallel_loop3A_280 = arith.select %parallel_loop3A_279, %broadcast_in_dim3A_3, %broadcast_in_dim3A_5 : vector<16xi1>, vector<16xi32>
        %parallel_loop3A_281 = arith.addi %parallel_loop3A_209, %parallel_loop3A_280 : vector<16xi32>
        %parallel_loop3A_282 = arith.index_cast %parallel_loop3A_102 : i32 to index
        %parallel_loop3A_283 = arith.constant 304 : index
        %parallel_loop3A_284 = tpu.vector_load %arg6[%parallel_loop3A_282, %parallel_loop3A_283] {strides = array<i32>} : memref<32x1024xf32, #tpu.memory_space<vmem>>, vector<1x16xf32>,
        %parallel_loop3A_285 = vector.shape_cast %parallel_loop3A_284 : vector<1x16xf32> to vector<16xf32>
        %parallel_loop3A_286 = arith.constant 0.000000e+00 : f32
        %parallel_loop3A_287 = vector.broadcast %parallel_loop3A_286 : f32 to vector<16xf32>
        %parallel_loop3A_288 = arith.cmpf ogt, %parallel_loop3A_285, %parallel_loop3A_287 : vector<16xf32>
        %parallel_loop3A_289 = arith.select %parallel_loop3A_288, %broadcast_in_dim3A_3, %broadcast_in_dim3A_5 : vector<16xi1>, vector<16xi32>
        %parallel_loop3A_290 = arith.addi %parallel_loop3A_218, %parallel_loop3A_289 : vector<16xi32>
        %parallel_loop3A_291 = arith.index_cast %parallel_loop3A_102 : i32 to index
        %parallel_loop3A_292 = arith.constant 320 : index
        %parallel_loop3A_293 = tpu.vector_load %arg6[%parallel_loop3A_291, %parallel_loop3A_292] {strides = array<i32>} : memref<32x1024xf32, #tpu.memory_space<vmem>>, vector<1x16xf32>,
        %parallel_loop3A_294 = vector.shape_cast %parallel_loop3A_293 : vector<1x16xf32> to vector<16xf32>
        %parallel_loop3A_295 = arith.constant 0.000000e+00 : f32
        %parallel_loop3A_296 = vector.broadcast %parallel_loop3A_295 : f32 to vector<16xf32>
        %parallel_loop3A_297 = arith.cmpf ogt, %parallel_loop3A_294, %parallel_loop3A_296 : vector<16xf32>
        %parallel_loop3A_298 = arith.select %parallel_loop3A_297, %broadcast_in_dim3A_3, %broadcast_in_dim3A_5 : vector<16xi1>, vector<16xi32>
        %parallel_loop3A_299 = arith.addi %parallel_loop3A_227, %parallel_loop3A_298 : vector<16xi32>
        %parallel_loop3A_300 = arith.index_cast %parallel_loop3A_102 : i32 to index
        %parallel_loop3A_301 = arith.constant 336 : index
        %parallel_loop3A_302 = tpu.vector_load %arg6[%parallel_loop3A_300, %parallel_loop3A_301] {strides = array<i32>} : memref<32x1024xf32, #tpu.memory_space<vmem>>, vector<1x16xf32>,
        %parallel_loop3A_303 = vector.shape_cast %parallel_loop3A_302 : vector<1x16xf32> to vector<16xf32>
        %parallel_loop3A_304 = arith.constant 0.000000e+00 : f32
        %parallel_loop3A_305 = vector.broadcast %parallel_loop3A_304 : f32 to vector<16xf32>
        %parallel_loop3A_306 = arith.cmpf ogt, %parallel_loop3A_303, %parallel_loop3A_305 : vector<16xf32>
        %parallel_loop3A_307 = arith.select %parallel_loop3A_306, %broadcast_in_dim3A_3, %broadcast_in_dim3A_5 : vector<16xi1>, vector<16xi32>
        %parallel_loop3A_308 = arith.addi %parallel_loop3A_236, %parallel_loop3A_307 : vector<16xi32>
        %parallel_loop3A_309 = arith.index_cast %parallel_loop3A_102 : i32 to index
        %parallel_loop3A_310 = arith.constant 352 : index
        %parallel_loop3A_311 = tpu.vector_load %arg6[%parallel_loop3A_309, %parallel_loop3A_310] {strides = array<i32>} : memref<32x1024xf32, #tpu.memory_space<vmem>>, vector<1x16xf32>,
        %parallel_loop3A_312 = vector.shape_cast %parallel_loop3A_311 : vector<1x16xf32> to vector<16xf32>
        %parallel_loop3A_313 = arith.constant 0.000000e+00 : f32
        %parallel_loop3A_314 = vector.broadcast %parallel_loop3A_313 : f32 to vector<16xf32>
        %parallel_loop3A_315 = arith.cmpf ogt, %parallel_loop3A_312, %parallel_loop3A_314 : vector<16xf32>
        %parallel_loop3A_316 = arith.select %parallel_loop3A_315, %broadcast_in_dim3A_3, %broadcast_in_dim3A_5 : vector<16xi1>, vector<16xi32>
        %parallel_loop3A_317 = arith.addi %parallel_loop3A_245, %parallel_loop3A_316 : vector<16xi32>
        %parallel_loop3A_318 = arith.index_cast %parallel_loop3A_102 : i32 to index
        %parallel_loop3A_319 = arith.constant 368 : index
        %parallel_loop3A_320 = tpu.vector_load %arg6[%parallel_loop3A_318, %parallel_loop3A_319] {strides = array<i32>} : memref<32x1024xf32, #tpu.memory_space<vmem>>, vector<1x16xf32>,
        %parallel_loop3A_321 = vector.shape_cast %parallel_loop3A_320 : vector<1x16xf32> to vector<16xf32>
        %parallel_loop3A_322 = arith.constant 0.000000e+00 : f32
        %parallel_loop3A_323 = vector.broadcast %parallel_loop3A_322 : f32 to vector<16xf32>
        %parallel_loop3A_324 = arith.cmpf ogt, %parallel_loop3A_321, %parallel_loop3A_323 : vector<16xf32>
        %parallel_loop3A_325 = arith.select %parallel_loop3A_324, %broadcast_in_dim3A_3, %broadcast_in_dim3A_5 : vector<16xi1>, vector<16xi32>
        %parallel_loop3A_326 = arith.addi %parallel_loop3A_254, %parallel_loop3A_325 : vector<16xi32>
        %parallel_loop3A_327 = arith.index_cast %parallel_loop3A_102 : i32 to index
        %parallel_loop3A_328 = arith.constant 384 : index
        %parallel_loop3A_329 = tpu.vector_load %arg6[%parallel_loop3A_327, %parallel_loop3A_328] {strides = array<i32>} : memref<32x1024xf32, #tpu.memory_space<vmem>>, vector<1x16xf32>,
        %parallel_loop3A_330 = vector.shape_cast %parallel_loop3A_329 : vector<1x16xf32> to vector<16xf32>
        %parallel_loop3A_331 = arith.constant 0.000000e+00 : f32
        %parallel_loop3A_332 = vector.broadcast %parallel_loop3A_331 : f32 to vector<16xf32>
        %parallel_loop3A_333 = arith.cmpf ogt, %parallel_loop3A_330, %parallel_loop3A_332 : vector<16xf32>
        %parallel_loop3A_334 = arith.select %parallel_loop3A_333, %broadcast_in_dim3A_3, %broadcast_in_dim3A_5 : vector<16xi1>, vector<16xi32>
        %parallel_loop3A_335 = arith.addi %parallel_loop3A_263, %parallel_loop3A_334 : vector<16xi32>
        %parallel_loop3A_336 = arith.index_cast %parallel_loop3A_102 : i32 to index
        %parallel_loop3A_337 = arith.constant 400 : index
        %parallel_loop3A_338 = tpu.vector_load %arg6[%parallel_loop3A_336, %parallel_loop3A_337] {strides = array<i32>} : memref<32x1024xf32, #tpu.memory_space<vmem>>, vector<1x16xf32>,
        %parallel_loop3A_339 = vector.shape_cast %parallel_loop3A_338 : vector<1x16xf32> to vector<16xf32>
        %parallel_loop3A_340 = arith.constant 0.000000e+00 : f32
        %parallel_loop3A_341 = vector.broadcast %parallel_loop3A_340 : f32 to vector<16xf32>
        %parallel_loop3A_342 = arith.cmpf ogt, %parallel_loop3A_339, %parallel_loop3A_341 : vector<16xf32>
        %parallel_loop3A_343 = arith.select %parallel_loop3A_342, %broadcast_in_dim3A_3, %broadcast_in_dim3A_5 : vector<16xi1>, vector<16xi32>
        %parallel_loop3A_344 = arith.addi %parallel_loop3A_272, %parallel_loop3A_343 : vector<16xi32>
        %parallel_loop3A_345 = arith.index_cast %parallel_loop3A_102 : i32 to index
        %parallel_loop3A_346 = arith.constant 416 : index
        %parallel_loop3A_347 = tpu.vector_load %arg6[%parallel_loop3A_345, %parallel_loop3A_346] {strides = array<i32>} : memref<32x1024xf32, #tpu.memory_space<vmem>>, vector<1x16xf32>,
        %parallel_loop3A_348 = vector.shape_cast %parallel_loop3A_347 : vector<1x16xf32> to vector<16xf32>
        %parallel_loop3A_349 = arith.constant 0.000000e+00 : f32
        %parallel_loop3A_350 = vector.broadcast %parallel_loop3A_349 : f32 to vector<16xf32>
        %parallel_loop3A_351 = arith.cmpf ogt, %parallel_loop3A_348, %parallel_loop3A_350 : vector<16xf32>
        %parallel_loop3A_352 = arith.select %parallel_loop3A_351, %broadcast_in_dim3A_3, %broadcast_in_dim3A_5 : vector<16xi1>, vector<16xi32>
        %parallel_loop3A_353 = arith.addi %parallel_loop3A_281, %parallel_loop3A_352 : vector<16xi32>
        %parallel_loop3A_354 = arith.index_cast %parallel_loop3A_102 : i32 to index
        %parallel_loop3A_355 = arith.constant 432 : index
        %parallel_loop3A_356 = tpu.vector_load %arg6[%parallel_loop3A_354, %parallel_loop3A_355] {strides = array<i32>} : memref<32x1024xf32, #tpu.memory_space<vmem>>, vector<1x16xf32>,
        %parallel_loop3A_357 = vector.shape_cast %parallel_loop3A_356 : vector<1x16xf32> to vector<16xf32>
        %parallel_loop3A_358 = arith.constant 0.000000e+00 : f32
        %parallel_loop3A_359 = vector.broadcast %parallel_loop3A_358 : f32 to vector<16xf32>
        %parallel_loop3A_360 = arith.cmpf ogt, %parallel_loop3A_357, %parallel_loop3A_359 : vector<16xf32>
        %parallel_loop3A_361 = arith.select %parallel_loop3A_360, %broadcast_in_dim3A_3, %broadcast_in_dim3A_5 : vector<16xi1>, vector<16xi32>
        %parallel_loop3A_362 = arith.addi %parallel_loop3A_290, %parallel_loop3A_361 : vector<16xi32>
        %parallel_loop3A_363 = arith.index_cast %parallel_loop3A_102 : i32 to index
        %parallel_loop3A_364 = arith.constant 448 : index
        %parallel_loop3A_365 = tpu.vector_load %arg6[%parallel_loop3A_363, %parallel_loop3A_364] {strides = array<i32>} : memref<32x1024xf32, #tpu.memory_space<vmem>>, vector<1x16xf32>,
        %parallel_loop3A_366 = vector.shape_cast %parallel_loop3A_365 : vector<1x16xf32> to vector<16xf32>
        %parallel_loop3A_367 = arith.constant 0.000000e+00 : f32
        %parallel_loop3A_368 = vector.broadcast %parallel_loop3A_367 : f32 to vector<16xf32>
        %parallel_loop3A_369 = arith.cmpf ogt, %parallel_loop3A_366, %parallel_loop3A_368 : vector<16xf32>
        %parallel_loop3A_370 = arith.select %parallel_loop3A_369, %broadcast_in_dim3A_3, %broadcast_in_dim3A_5 : vector<16xi1>, vector<16xi32>
        %parallel_loop3A_371 = arith.addi %parallel_loop3A_299, %parallel_loop3A_370 : vector<16xi32>
        %parallel_loop3A_372 = arith.index_cast %parallel_loop3A_102 : i32 to index
        %parallel_loop3A_373 = arith.constant 464 : index
        %parallel_loop3A_374 = tpu.vector_load %arg6[%parallel_loop3A_372, %parallel_loop3A_373] {strides = array<i32>} : memref<32x1024xf32, #tpu.memory_space<vmem>>, vector<1x16xf32>,
        %parallel_loop3A_375 = vector.shape_cast %parallel_loop3A_374 : vector<1x16xf32> to vector<16xf32>
        %parallel_loop3A_376 = arith.constant 0.000000e+00 : f32
        %parallel_loop3A_377 = vector.broadcast %parallel_loop3A_376 : f32 to vector<16xf32>
        %parallel_loop3A_378 = arith.cmpf ogt, %parallel_loop3A_375, %parallel_loop3A_377 : vector<16xf32>
        %parallel_loop3A_379 = arith.select %parallel_loop3A_378, %broadcast_in_dim3A_3, %broadcast_in_dim3A_5 : vector<16xi1>, vector<16xi32>
        %parallel_loop3A_380 = arith.addi %parallel_loop3A_308, %parallel_loop3A_379 : vector<16xi32>
        %parallel_loop3A_381 = arith.index_cast %parallel_loop3A_102 : i32 to index
        %parallel_loop3A_382 = arith.constant 480 : index
        %parallel_loop3A_383 = tpu.vector_load %arg6[%parallel_loop3A_381, %parallel_loop3A_382] {strides = array<i32>} : memref<32x1024xf32, #tpu.memory_space<vmem>>, vector<1x16xf32>,
        %parallel_loop3A_384 = vector.shape_cast %parallel_loop3A_383 : vector<1x16xf32> to vector<16xf32>
        %parallel_loop3A_385 = arith.constant 0.000000e+00 : f32
        %parallel_loop3A_386 = vector.broadcast %parallel_loop3A_385 : f32 to vector<16xf32>
        %parallel_loop3A_387 = arith.cmpf ogt, %parallel_loop3A_384, %parallel_loop3A_386 : vector<16xf32>
        %parallel_loop3A_388 = arith.select %parallel_loop3A_387, %broadcast_in_dim3A_3, %broadcast_in_dim3A_5 : vector<16xi1>, vector<16xi32>
        %parallel_loop3A_389 = arith.addi %parallel_loop3A_317, %parallel_loop3A_388 : vector<16xi32>
        %parallel_loop3A_390 = arith.index_cast %parallel_loop3A_102 : i32 to index
        %parallel_loop3A_391 = arith.constant 496 : index
        %parallel_loop3A_392 = tpu.vector_load %arg6[%parallel_loop3A_390, %parallel_loop3A_391] {strides = array<i32>} : memref<32x1024xf32, #tpu.memory_space<vmem>>, vector<1x16xf32>,
        %parallel_loop3A_393 = vector.shape_cast %parallel_loop3A_392 : vector<1x16xf32> to vector<16xf32>
        %parallel_loop3A_394 = arith.constant 0.000000e+00 : f32
        %parallel_loop3A_395 = vector.broadcast %parallel_loop3A_394 : f32 to vector<16xf32>
        %parallel_loop3A_396 = arith.cmpf ogt, %parallel_loop3A_393, %parallel_loop3A_395 : vector<16xf32>
        %parallel_loop3A_397 = arith.select %parallel_loop3A_396, %broadcast_in_dim3A_3, %broadcast_in_dim3A_5 : vector<16xi1>, vector<16xi32>
        %parallel_loop3A_398 = arith.addi %parallel_loop3A_326, %parallel_loop3A_397 : vector<16xi32>
        %parallel_loop3A_399 = arith.index_cast %parallel_loop3A_102 : i32 to index
        %parallel_loop3A_400 = arith.constant 512 : index
        %parallel_loop3A_401 = tpu.vector_load %arg6[%parallel_loop3A_399, %parallel_loop3A_400] {strides = array<i32>} : memref<32x1024xf32, #tpu.memory_space<vmem>>, vector<1x16xf32>,
        %parallel_loop3A_402 = vector.shape_cast %parallel_loop3A_401 : vector<1x16xf32> to vector<16xf32>
        %parallel_loop3A_403 = arith.constant 0.000000e+00 : f32
        %parallel_loop3A_404 = vector.broadcast %parallel_loop3A_403 : f32 to vector<16xf32>
        %parallel_loop3A_405 = arith.cmpf ogt, %parallel_loop3A_402, %parallel_loop3A_404 : vector<16xf32>
        %parallel_loop3A_406 = arith.select %parallel_loop3A_405, %broadcast_in_dim3A_3, %broadcast_in_dim3A_5 : vector<16xi1>, vector<16xi32>
        %parallel_loop3A_407 = arith.addi %parallel_loop3A_335, %parallel_loop3A_406 : vector<16xi32>
        %parallel_loop3A_408 = arith.index_cast %parallel_loop3A_102 : i32 to index
        %parallel_loop3A_409 = arith.constant 528 : index
        %parallel_loop3A_410 = tpu.vector_load %arg6[%parallel_loop3A_408, %parallel_loop3A_409] {strides = array<i32>} : memref<32x1024xf32, #tpu.memory_space<vmem>>, vector<1x16xf32>,
        %parallel_loop3A_411 = vector.shape_cast %parallel_loop3A_410 : vector<1x16xf32> to vector<16xf32>
        %parallel_loop3A_412 = arith.constant 0.000000e+00 : f32
        %parallel_loop3A_413 = vector.broadcast %parallel_loop3A_412 : f32 to vector<16xf32>
        %parallel_loop3A_414 = arith.cmpf ogt, %parallel_loop3A_411, %parallel_loop3A_413 : vector<16xf32>
        %parallel_loop3A_415 = arith.select %parallel_loop3A_414, %broadcast_in_dim3A_3, %broadcast_in_dim3A_5 : vector<16xi1>, vector<16xi32>
        %parallel_loop3A_416 = arith.addi %parallel_loop3A_344, %parallel_loop3A_415 : vector<16xi32>
        %parallel_loop3A_417 = arith.index_cast %parallel_loop3A_102 : i32 to index
        %parallel_loop3A_418 = arith.constant 544 : index
        %parallel_loop3A_419 = tpu.vector_load %arg6[%parallel_loop3A_417, %parallel_loop3A_418] {strides = array<i32>} : memref<32x1024xf32, #tpu.memory_space<vmem>>, vector<1x16xf32>,
        %parallel_loop3A_420 = vector.shape_cast %parallel_loop3A_419 : vector<1x16xf32> to vector<16xf32>
        %parallel_loop3A_421 = arith.constant 0.000000e+00 : f32
        %parallel_loop3A_422 = vector.broadcast %parallel_loop3A_421 : f32 to vector<16xf32>
        %parallel_loop3A_423 = arith.cmpf ogt, %parallel_loop3A_420, %parallel_loop3A_422 : vector<16xf32>
        %parallel_loop3A_424 = arith.select %parallel_loop3A_423, %broadcast_in_dim3A_3, %broadcast_in_dim3A_5 : vector<16xi1>, vector<16xi32>
        %parallel_loop3A_425 = arith.addi %parallel_loop3A_353, %parallel_loop3A_424 : vector<16xi32>
        %parallel_loop3A_426 = arith.index_cast %parallel_loop3A_102 : i32 to index
        %parallel_loop3A_427 = arith.constant 560 : index
        %parallel_loop3A_428 = tpu.vector_load %arg6[%parallel_loop3A_426, %parallel_loop3A_427] {strides = array<i32>} : memref<32x1024xf32, #tpu.memory_space<vmem>>, vector<1x16xf32>,
        %parallel_loop3A_429 = vector.shape_cast %parallel_loop3A_428 : vector<1x16xf32> to vector<16xf32>
        %parallel_loop3A_430 = arith.constant 0.000000e+00 : f32
        %parallel_loop3A_431 = vector.broadcast %parallel_loop3A_430 : f32 to vector<16xf32>
        %parallel_loop3A_432 = arith.cmpf ogt, %parallel_loop3A_429, %parallel_loop3A_431 : vector<16xf32>
        %parallel_loop3A_433 = arith.select %parallel_loop3A_432, %broadcast_in_dim3A_3, %broadcast_in_dim3A_5 : vector<16xi1>, vector<16xi32>
        %parallel_loop3A_434 = arith.addi %parallel_loop3A_362, %parallel_loop3A_433 : vector<16xi32>
        %parallel_loop3A_435 = arith.index_cast %parallel_loop3A_102 : i32 to index
        %parallel_loop3A_436 = arith.constant 576 : index
        %parallel_loop3A_437 = tpu.vector_load %arg6[%parallel_loop3A_435, %parallel_loop3A_436] {strides = array<i32>} : memref<32x1024xf32, #tpu.memory_space<vmem>>, vector<1x16xf32>,
        %parallel_loop3A_438 = vector.shape_cast %parallel_loop3A_437 : vector<1x16xf32> to vector<16xf32>
        %parallel_loop3A_439 = arith.constant 0.000000e+00 : f32
        %parallel_loop3A_440 = vector.broadcast %parallel_loop3A_439 : f32 to vector<16xf32>
        %parallel_loop3A_441 = arith.cmpf ogt, %parallel_loop3A_438, %parallel_loop3A_440 : vector<16xf32>
        %parallel_loop3A_442 = arith.select %parallel_loop3A_441, %broadcast_in_dim3A_3, %broadcast_in_dim3A_5 : vector<16xi1>, vector<16xi32>
        %parallel_loop3A_443 = arith.addi %parallel_loop3A_371, %parallel_loop3A_442 : vector<16xi32>
        %parallel_loop3A_444 = arith.index_cast %parallel_loop3A_102 : i32 to index
        %parallel_loop3A_445 = arith.constant 592 : index
        %parallel_loop3A_446 = tpu.vector_load %arg6[%parallel_loop3A_444, %parallel_loop3A_445] {strides = array<i32>} : memref<32x1024xf32, #tpu.memory_space<vmem>>, vector<1x16xf32>,
        %parallel_loop3A_447 = vector.shape_cast %parallel_loop3A_446 : vector<1x16xf32> to vector<16xf32>
        %parallel_loop3A_448 = arith.constant 0.000000e+00 : f32
        %parallel_loop3A_449 = vector.broadcast %parallel_loop3A_448 : f32 to vector<16xf32>
        %parallel_loop3A_450 = arith.cmpf ogt, %parallel_loop3A_447, %parallel_loop3A_449 : vector<16xf32>
        %parallel_loop3A_451 = arith.select %parallel_loop3A_450, %broadcast_in_dim3A_3, %broadcast_in_dim3A_5 : vector<16xi1>, vector<16xi32>
        %parallel_loop3A_452 = arith.addi %parallel_loop3A_380, %parallel_loop3A_451 : vector<16xi32>
        %parallel_loop3A_453 = arith.index_cast %parallel_loop3A_102 : i32 to index
        %parallel_loop3A_454 = arith.constant 608 : index
        %parallel_loop3A_455 = tpu.vector_load %arg6[%parallel_loop3A_453, %parallel_loop3A_454] {strides = array<i32>} : memref<32x1024xf32, #tpu.memory_space<vmem>>, vector<1x16xf32>,
        %parallel_loop3A_456 = vector.shape_cast %parallel_loop3A_455 : vector<1x16xf32> to vector<16xf32>
        %parallel_loop3A_457 = arith.constant 0.000000e+00 : f32
        %parallel_loop3A_458 = vector.broadcast %parallel_loop3A_457 : f32 to vector<16xf32>
        %parallel_loop3A_459 = arith.cmpf ogt, %parallel_loop3A_456, %parallel_loop3A_458 : vector<16xf32>
        %parallel_loop3A_460 = arith.select %parallel_loop3A_459, %broadcast_in_dim3A_3, %broadcast_in_dim3A_5 : vector<16xi1>, vector<16xi32>
        %parallel_loop3A_461 = arith.addi %parallel_loop3A_389, %parallel_loop3A_460 : vector<16xi32>
        %parallel_loop3A_462 = arith.index_cast %parallel_loop3A_102 : i32 to index
        %parallel_loop3A_463 = arith.constant 624 : index
        %parallel_loop3A_464 = tpu.vector_load %arg6[%parallel_loop3A_462, %parallel_loop3A_463] {strides = array<i32>} : memref<32x1024xf32, #tpu.memory_space<vmem>>, vector<1x16xf32>,
        %parallel_loop3A_465 = vector.shape_cast %parallel_loop3A_464 : vector<1x16xf32> to vector<16xf32>
        %parallel_loop3A_466 = arith.constant 0.000000e+00 : f32
        %parallel_loop3A_467 = vector.broadcast %parallel_loop3A_466 : f32 to vector<16xf32>
        %parallel_loop3A_468 = arith.cmpf ogt, %parallel_loop3A_465, %parallel_loop3A_467 : vector<16xf32>
        %parallel_loop3A_469 = arith.select %parallel_loop3A_468, %broadcast_in_dim3A_3, %broadcast_in_dim3A_5 : vector<16xi1>, vector<16xi32>
        %parallel_loop3A_470 = arith.addi %parallel_loop3A_398, %parallel_loop3A_469 : vector<16xi32>
        %parallel_loop3A_471 = arith.index_cast %parallel_loop3A_102 : i32 to index
        %parallel_loop3A_472 = arith.constant 640 : index
        %parallel_loop3A_473 = tpu.vector_load %arg6[%parallel_loop3A_471, %parallel_loop3A_472] {strides = array<i32>} : memref<32x1024xf32, #tpu.memory_space<vmem>>, vector<1x16xf32>,
        %parallel_loop3A_474 = vector.shape_cast %parallel_loop3A_473 : vector<1x16xf32> to vector<16xf32>
        %parallel_loop3A_475 = arith.constant 0.000000e+00 : f32
        %parallel_loop3A_476 = vector.broadcast %parallel_loop3A_475 : f32 to vector<16xf32>
        %parallel_loop3A_477 = arith.cmpf ogt, %parallel_loop3A_474, %parallel_loop3A_476 : vector<16xf32>
        %parallel_loop3A_478 = arith.select %parallel_loop3A_477, %broadcast_in_dim3A_3, %broadcast_in_dim3A_5 : vector<16xi1>, vector<16xi32>
        %parallel_loop3A_479 = arith.addi %parallel_loop3A_407, %parallel_loop3A_478 : vector<16xi32>
        %parallel_loop3A_480 = arith.index_cast %parallel_loop3A_102 : i32 to index
        %parallel_loop3A_481 = arith.constant 656 : index
        %parallel_loop3A_482 = tpu.vector_load %arg6[%parallel_loop3A_480, %parallel_loop3A_481] {strides = array<i32>} : memref<32x1024xf32, #tpu.memory_space<vmem>>, vector<1x16xf32>,
        %parallel_loop3A_483 = vector.shape_cast %parallel_loop3A_482 : vector<1x16xf32> to vector<16xf32>
        %parallel_loop3A_484 = arith.constant 0.000000e+00 : f32
        %parallel_loop3A_485 = vector.broadcast %parallel_loop3A_484 : f32 to vector<16xf32>
        %parallel_loop3A_486 = arith.cmpf ogt, %parallel_loop3A_483, %parallel_loop3A_485 : vector<16xf32>
        %parallel_loop3A_487 = arith.select %parallel_loop3A_486, %broadcast_in_dim3A_3, %broadcast_in_dim3A_5 : vector<16xi1>, vector<16xi32>
        %parallel_loop3A_488 = arith.addi %parallel_loop3A_416, %parallel_loop3A_487 : vector<16xi32>
        %parallel_loop3A_489 = arith.index_cast %parallel_loop3A_102 : i32 to index
        %parallel_loop3A_490 = arith.constant 672 : index
        %parallel_loop3A_491 = tpu.vector_load %arg6[%parallel_loop3A_489, %parallel_loop3A_490] {strides = array<i32>} : memref<32x1024xf32, #tpu.memory_space<vmem>>, vector<1x16xf32>,
        %parallel_loop3A_492 = vector.shape_cast %parallel_loop3A_491 : vector<1x16xf32> to vector<16xf32>
        %parallel_loop3A_493 = arith.constant 0.000000e+00 : f32
        %parallel_loop3A_494 = vector.broadcast %parallel_loop3A_493 : f32 to vector<16xf32>
        %parallel_loop3A_495 = arith.cmpf ogt, %parallel_loop3A_492, %parallel_loop3A_494 : vector<16xf32>
        %parallel_loop3A_496 = arith.select %parallel_loop3A_495, %broadcast_in_dim3A_3, %broadcast_in_dim3A_5 : vector<16xi1>, vector<16xi32>
        %parallel_loop3A_497 = arith.addi %parallel_loop3A_425, %parallel_loop3A_496 : vector<16xi32>
        %parallel_loop3A_498 = arith.index_cast %parallel_loop3A_102 : i32 to index
        %parallel_loop3A_499 = arith.constant 688 : index
        %parallel_loop3A_500 = tpu.vector_load %arg6[%parallel_loop3A_498, %parallel_loop3A_499] {strides = array<i32>} : memref<32x1024xf32, #tpu.memory_space<vmem>>, vector<1x16xf32>,
        %parallel_loop3A_501 = vector.shape_cast %parallel_loop3A_500 : vector<1x16xf32> to vector<16xf32>
        %parallel_loop3A_502 = arith.constant 0.000000e+00 : f32
        %parallel_loop3A_503 = vector.broadcast %parallel_loop3A_502 : f32 to vector<16xf32>
        %parallel_loop3A_504 = arith.cmpf ogt, %parallel_loop3A_501, %parallel_loop3A_503 : vector<16xf32>
        %parallel_loop3A_505 = arith.select %parallel_loop3A_504, %broadcast_in_dim3A_3, %broadcast_in_dim3A_5 : vector<16xi1>, vector<16xi32>
        %parallel_loop3A_506 = arith.addi %parallel_loop3A_434, %parallel_loop3A_505 : vector<16xi32>
        %parallel_loop3A_507 = arith.index_cast %parallel_loop3A_102 : i32 to index
        %parallel_loop3A_508 = arith.constant 704 : index
        %parallel_loop3A_509 = tpu.vector_load %arg6[%parallel_loop3A_507, %parallel_loop3A_508] {strides = array<i32>} : memref<32x1024xf32, #tpu.memory_space<vmem>>, vector<1x16xf32>,
        %parallel_loop3A_510 = vector.shape_cast %parallel_loop3A_509 : vector<1x16xf32> to vector<16xf32>
        %parallel_loop3A_511 = arith.constant 0.000000e+00 : f32
        %parallel_loop3A_512 = vector.broadcast %parallel_loop3A_511 : f32 to vector<16xf32>
        %parallel_loop3A_513 = arith.cmpf ogt, %parallel_loop3A_510, %parallel_loop3A_512 : vector<16xf32>
        %parallel_loop3A_514 = arith.select %parallel_loop3A_513, %broadcast_in_dim3A_3, %broadcast_in_dim3A_5 : vector<16xi1>, vector<16xi32>
        %parallel_loop3A_515 = arith.addi %parallel_loop3A_443, %parallel_loop3A_514 : vector<16xi32>
        %parallel_loop3A_516 = arith.index_cast %parallel_loop3A_102 : i32 to index
        %parallel_loop3A_517 = arith.constant 720 : index
        %parallel_loop3A_518 = tpu.vector_load %arg6[%parallel_loop3A_516, %parallel_loop3A_517] {strides = array<i32>} : memref<32x1024xf32, #tpu.memory_space<vmem>>, vector<1x16xf32>,
        %parallel_loop3A_519 = vector.shape_cast %parallel_loop3A_518 : vector<1x16xf32> to vector<16xf32>
        %parallel_loop3A_520 = arith.constant 0.000000e+00 : f32
        %parallel_loop3A_521 = vector.broadcast %parallel_loop3A_520 : f32 to vector<16xf32>
        %parallel_loop3A_522 = arith.cmpf ogt, %parallel_loop3A_519, %parallel_loop3A_521 : vector<16xf32>
        %parallel_loop3A_523 = arith.select %parallel_loop3A_522, %broadcast_in_dim3A_3, %broadcast_in_dim3A_5 : vector<16xi1>, vector<16xi32>
        %parallel_loop3A_524 = arith.addi %parallel_loop3A_452, %parallel_loop3A_523 : vector<16xi32>
        %parallel_loop3A_525 = arith.index_cast %parallel_loop3A_102 : i32 to index
        %parallel_loop3A_526 = arith.constant 736 : index
        %parallel_loop3A_527 = tpu.vector_load %arg6[%parallel_loop3A_525, %parallel_loop3A_526] {strides = array<i32>} : memref<32x1024xf32, #tpu.memory_space<vmem>>, vector<1x16xf32>,
        %parallel_loop3A_528 = vector.shape_cast %parallel_loop3A_527 : vector<1x16xf32> to vector<16xf32>
        %parallel_loop3A_529 = arith.constant 0.000000e+00 : f32
        %parallel_loop3A_530 = vector.broadcast %parallel_loop3A_529 : f32 to vector<16xf32>
        %parallel_loop3A_531 = arith.cmpf ogt, %parallel_loop3A_528, %parallel_loop3A_530 : vector<16xf32>
        %parallel_loop3A_532 = arith.select %parallel_loop3A_531, %broadcast_in_dim3A_3, %broadcast_in_dim3A_5 : vector<16xi1>, vector<16xi32>
        %parallel_loop3A_533 = arith.addi %parallel_loop3A_461, %parallel_loop3A_532 : vector<16xi32>
        %parallel_loop3A_534 = arith.index_cast %parallel_loop3A_102 : i32 to index
        %parallel_loop3A_535 = arith.constant 752 : index
        %parallel_loop3A_536 = tpu.vector_load %arg6[%parallel_loop3A_534, %parallel_loop3A_535] {strides = array<i32>} : memref<32x1024xf32, #tpu.memory_space<vmem>>, vector<1x16xf32>,
        %parallel_loop3A_537 = vector.shape_cast %parallel_loop3A_536 : vector<1x16xf32> to vector<16xf32>
        %parallel_loop3A_538 = arith.constant 0.000000e+00 : f32
        %parallel_loop3A_539 = vector.broadcast %parallel_loop3A_538 : f32 to vector<16xf32>
        %parallel_loop3A_540 = arith.cmpf ogt, %parallel_loop3A_537, %parallel_loop3A_539 : vector<16xf32>
        %parallel_loop3A_541 = arith.select %parallel_loop3A_540, %broadcast_in_dim3A_3, %broadcast_in_dim3A_5 : vector<16xi1>, vector<16xi32>
        %parallel_loop3A_542 = arith.addi %parallel_loop3A_470, %parallel_loop3A_541 : vector<16xi32>
        %parallel_loop3A_543 = arith.index_cast %parallel_loop3A_102 : i32 to index
        %parallel_loop3A_544 = arith.constant 768 : index
        %parallel_loop3A_545 = tpu.vector_load %arg6[%parallel_loop3A_543, %parallel_loop3A_544] {strides = array<i32>} : memref<32x1024xf32, #tpu.memory_space<vmem>>, vector<1x16xf32>,
        %parallel_loop3A_546 = vector.shape_cast %parallel_loop3A_545 : vector<1x16xf32> to vector<16xf32>
        %parallel_loop3A_547 = arith.constant 0.000000e+00 : f32
        %parallel_loop3A_548 = vector.broadcast %parallel_loop3A_547 : f32 to vector<16xf32>
        %parallel_loop3A_549 = arith.cmpf ogt, %parallel_loop3A_546, %parallel_loop3A_548 : vector<16xf32>
        %parallel_loop3A_550 = arith.select %parallel_loop3A_549, %broadcast_in_dim3A_3, %broadcast_in_dim3A_5 : vector<16xi1>, vector<16xi32>
        %parallel_loop3A_551 = arith.addi %parallel_loop3A_479, %parallel_loop3A_550 : vector<16xi32>
        %parallel_loop3A_552 = arith.index_cast %parallel_loop3A_102 : i32 to index
        %parallel_loop3A_553 = arith.constant 784 : index
        %parallel_loop3A_554 = tpu.vector_load %arg6[%parallel_loop3A_552, %parallel_loop3A_553] {strides = array<i32>} : memref<32x1024xf32, #tpu.memory_space<vmem>>, vector<1x16xf32>,
        %parallel_loop3A_555 = vector.shape_cast %parallel_loop3A_554 : vector<1x16xf32> to vector<16xf32>
        %parallel_loop3A_556 = arith.constant 0.000000e+00 : f32
        %parallel_loop3A_557 = vector.broadcast %parallel_loop3A_556 : f32 to vector<16xf32>
        %parallel_loop3A_558 = arith.cmpf ogt, %parallel_loop3A_555, %parallel_loop3A_557 : vector<16xf32>
        %parallel_loop3A_559 = arith.select %parallel_loop3A_558, %broadcast_in_dim3A_3, %broadcast_in_dim3A_5 : vector<16xi1>, vector<16xi32>
        %parallel_loop3A_560 = arith.addi %parallel_loop3A_488, %parallel_loop3A_559 : vector<16xi32>
        %parallel_loop3A_561 = arith.index_cast %parallel_loop3A_102 : i32 to index
        %parallel_loop3A_562 = arith.constant 800 : index
        %parallel_loop3A_563 = tpu.vector_load %arg6[%parallel_loop3A_561, %parallel_loop3A_562] {strides = array<i32>} : memref<32x1024xf32, #tpu.memory_space<vmem>>, vector<1x16xf32>,
        %parallel_loop3A_564 = vector.shape_cast %parallel_loop3A_563 : vector<1x16xf32> to vector<16xf32>
        %parallel_loop3A_565 = arith.constant 0.000000e+00 : f32
        %parallel_loop3A_566 = vector.broadcast %parallel_loop3A_565 : f32 to vector<16xf32>
        %parallel_loop3A_567 = arith.cmpf ogt, %parallel_loop3A_564, %parallel_loop3A_566 : vector<16xf32>
        %parallel_loop3A_568 = arith.select %parallel_loop3A_567, %broadcast_in_dim3A_3, %broadcast_in_dim3A_5 : vector<16xi1>, vector<16xi32>
        %parallel_loop3A_569 = arith.addi %parallel_loop3A_497, %parallel_loop3A_568 : vector<16xi32>
        %parallel_loop3A_570 = arith.index_cast %parallel_loop3A_102 : i32 to index
        %parallel_loop3A_571 = arith.constant 816 : index
        %parallel_loop3A_572 = tpu.vector_load %arg6[%parallel_loop3A_570, %parallel_loop3A_571] {strides = array<i32>} : memref<32x1024xf32, #tpu.memory_space<vmem>>, vector<1x16xf32>,
        %parallel_loop3A_573 = vector.shape_cast %parallel_loop3A_572 : vector<1x16xf32> to vector<16xf32>
        %parallel_loop3A_574 = arith.constant 0.000000e+00 : f32
        %parallel_loop3A_575 = vector.broadcast %parallel_loop3A_574 : f32 to vector<16xf32>
        %parallel_loop3A_576 = arith.cmpf ogt, %parallel_loop3A_573, %parallel_loop3A_575 : vector<16xf32>
        %parallel_loop3A_577 = arith.select %parallel_loop3A_576, %broadcast_in_dim3A_3, %broadcast_in_dim3A_5 : vector<16xi1>, vector<16xi32>
        %parallel_loop3A_578 = arith.addi %parallel_loop3A_506, %parallel_loop3A_577 : vector<16xi32>
        %parallel_loop3A_579 = arith.index_cast %parallel_loop3A_102 : i32 to index
        %parallel_loop3A_580 = arith.constant 832 : index
        %parallel_loop3A_581 = tpu.vector_load %arg6[%parallel_loop3A_579, %parallel_loop3A_580] {strides = array<i32>} : memref<32x1024xf32, #tpu.memory_space<vmem>>, vector<1x16xf32>,
        %parallel_loop3A_582 = vector.shape_cast %parallel_loop3A_581 : vector<1x16xf32> to vector<16xf32>
        %parallel_loop3A_583 = arith.constant 0.000000e+00 : f32
        %parallel_loop3A_584 = vector.broadcast %parallel_loop3A_583 : f32 to vector<16xf32>
        %parallel_loop3A_585 = arith.cmpf ogt, %parallel_loop3A_582, %parallel_loop3A_584 : vector<16xf32>
        %parallel_loop3A_586 = arith.select %parallel_loop3A_585, %broadcast_in_dim3A_3, %broadcast_in_dim3A_5 : vector<16xi1>, vector<16xi32>
        %parallel_loop3A_587 = arith.addi %parallel_loop3A_515, %parallel_loop3A_586 : vector<16xi32>
        %parallel_loop3A_588 = arith.index_cast %parallel_loop3A_102 : i32 to index
        %parallel_loop3A_589 = arith.constant 848 : index
        %parallel_loop3A_590 = tpu.vector_load %arg6[%parallel_loop3A_588, %parallel_loop3A_589] {strides = array<i32>} : memref<32x1024xf32, #tpu.memory_space<vmem>>, vector<1x16xf32>,
        %parallel_loop3A_591 = vector.shape_cast %parallel_loop3A_590 : vector<1x16xf32> to vector<16xf32>
        %parallel_loop3A_592 = arith.constant 0.000000e+00 : f32
        %parallel_loop3A_593 = vector.broadcast %parallel_loop3A_592 : f32 to vector<16xf32>
        %parallel_loop3A_594 = arith.cmpf ogt, %parallel_loop3A_591, %parallel_loop3A_593 : vector<16xf32>
        %parallel_loop3A_595 = arith.select %parallel_loop3A_594, %broadcast_in_dim3A_3, %broadcast_in_dim3A_5 : vector<16xi1>, vector<16xi32>
        %parallel_loop3A_596 = arith.addi %parallel_loop3A_524, %parallel_loop3A_595 : vector<16xi32>
        %parallel_loop3A_597 = arith.index_cast %parallel_loop3A_102 : i32 to index
        %parallel_loop3A_598 = arith.constant 864 : index
        %parallel_loop3A_599 = tpu.vector_load %arg6[%parallel_loop3A_597, %parallel_loop3A_598] {strides = array<i32>} : memref<32x1024xf32, #tpu.memory_space<vmem>>, vector<1x16xf32>,
        %parallel_loop3A_600 = vector.shape_cast %parallel_loop3A_599 : vector<1x16xf32> to vector<16xf32>
        %parallel_loop3A_601 = arith.constant 0.000000e+00 : f32
        %parallel_loop3A_602 = vector.broadcast %parallel_loop3A_601 : f32 to vector<16xf32>
        %parallel_loop3A_603 = arith.cmpf ogt, %parallel_loop3A_600, %parallel_loop3A_602 : vector<16xf32>
        %parallel_loop3A_604 = arith.select %parallel_loop3A_603, %broadcast_in_dim3A_3, %broadcast_in_dim3A_5 : vector<16xi1>, vector<16xi32>
        %parallel_loop3A_605 = arith.addi %parallel_loop3A_533, %parallel_loop3A_604 : vector<16xi32>
        %parallel_loop3A_606 = arith.index_cast %parallel_loop3A_102 : i32 to index
        %parallel_loop3A_607 = arith.constant 880 : index
        %parallel_loop3A_608 = tpu.vector_load %arg6[%parallel_loop3A_606, %parallel_loop3A_607] {strides = array<i32>} : memref<32x1024xf32, #tpu.memory_space<vmem>>, vector<1x16xf32>,
        %parallel_loop3A_609 = vector.shape_cast %parallel_loop3A_608 : vector<1x16xf32> to vector<16xf32>
        %parallel_loop3A_610 = arith.constant 0.000000e+00 : f32
        %parallel_loop3A_611 = vector.broadcast %parallel_loop3A_610 : f32 to vector<16xf32>
        %parallel_loop3A_612 = arith.cmpf ogt, %parallel_loop3A_609, %parallel_loop3A_611 : vector<16xf32>
        %parallel_loop3A_613 = arith.select %parallel_loop3A_612, %broadcast_in_dim3A_3, %broadcast_in_dim3A_5 : vector<16xi1>, vector<16xi32>
        %parallel_loop3A_614 = arith.addi %parallel_loop3A_542, %parallel_loop3A_613 : vector<16xi32>
        %parallel_loop3A_615 = arith.index_cast %parallel_loop3A_102 : i32 to index
        %parallel_loop3A_616 = arith.constant 896 : index
        %parallel_loop3A_617 = tpu.vector_load %arg6[%parallel_loop3A_615, %parallel_loop3A_616] {strides = array<i32>} : memref<32x1024xf32, #tpu.memory_space<vmem>>, vector<1x16xf32>,
        %parallel_loop3A_618 = vector.shape_cast %parallel_loop3A_617 : vector<1x16xf32> to vector<16xf32>
        %parallel_loop3A_619 = arith.constant 0.000000e+00 : f32
        %parallel_loop3A_620 = vector.broadcast %parallel_loop3A_619 : f32 to vector<16xf32>
        %parallel_loop3A_621 = arith.cmpf ogt, %parallel_loop3A_618, %parallel_loop3A_620 : vector<16xf32>
        %parallel_loop3A_622 = arith.select %parallel_loop3A_621, %broadcast_in_dim3A_3, %broadcast_in_dim3A_5 : vector<16xi1>, vector<16xi32>
        %parallel_loop3A_623 = arith.addi %parallel_loop3A_551, %parallel_loop3A_622 : vector<16xi32>
        %parallel_loop3A_624 = arith.index_cast %parallel_loop3A_102 : i32 to index
        %parallel_loop3A_625 = arith.constant 912 : index
        %parallel_loop3A_626 = tpu.vector_load %arg6[%parallel_loop3A_624, %parallel_loop3A_625] {strides = array<i32>} : memref<32x1024xf32, #tpu.memory_space<vmem>>, vector<1x16xf32>,
        %parallel_loop3A_627 = vector.shape_cast %parallel_loop3A_626 : vector<1x16xf32> to vector<16xf32>
        %parallel_loop3A_628 = arith.constant 0.000000e+00 : f32
        %parallel_loop3A_629 = vector.broadcast %parallel_loop3A_628 : f32 to vector<16xf32>
        %parallel_loop3A_630 = arith.cmpf ogt, %parallel_loop3A_627, %parallel_loop3A_629 : vector<16xf32>
        %parallel_loop3A_631 = arith.select %parallel_loop3A_630, %broadcast_in_dim3A_3, %broadcast_in_dim3A_5 : vector<16xi1>, vector<16xi32>
        %parallel_loop3A_632 = arith.addi %parallel_loop3A_560, %parallel_loop3A_631 : vector<16xi32>
        %parallel_loop3A_633 = arith.index_cast %parallel_loop3A_102 : i32 to index
        %parallel_loop3A_634 = arith.constant 928 : index
        %parallel_loop3A_635 = tpu.vector_load %arg6[%parallel_loop3A_633, %parallel_loop3A_634] {strides = array<i32>} : memref<32x1024xf32, #tpu.memory_space<vmem>>, vector<1x16xf32>,
        %parallel_loop3A_636 = vector.shape_cast %parallel_loop3A_635 : vector<1x16xf32> to vector<16xf32>
        %parallel_loop3A_637 = arith.constant 0.000000e+00 : f32
        %parallel_loop3A_638 = vector.broadcast %parallel_loop3A_637 : f32 to vector<16xf32>
        %parallel_loop3A_639 = arith.cmpf ogt, %parallel_loop3A_636, %parallel_loop3A_638 : vector<16xf32>
        %parallel_loop3A_640 = arith.select %parallel_loop3A_639, %broadcast_in_dim3A_3, %broadcast_in_dim3A_5 : vector<16xi1>, vector<16xi32>
        %parallel_loop3A_641 = arith.addi %parallel_loop3A_569, %parallel_loop3A_640 : vector<16xi32>
        %parallel_loop3A_642 = arith.index_cast %parallel_loop3A_102 : i32 to index
        %parallel_loop3A_643 = arith.constant 944 : index
        %parallel_loop3A_644 = tpu.vector_load %arg6[%parallel_loop3A_642, %parallel_loop3A_643] {strides = array<i32>} : memref<32x1024xf32, #tpu.memory_space<vmem>>, vector<1x16xf32>,
        %parallel_loop3A_645 = vector.shape_cast %parallel_loop3A_644 : vector<1x16xf32> to vector<16xf32>
        %parallel_loop3A_646 = arith.constant 0.000000e+00 : f32
        %parallel_loop3A_647 = vector.broadcast %parallel_loop3A_646 : f32 to vector<16xf32>
        %parallel_loop3A_648 = arith.cmpf ogt, %parallel_loop3A_645, %parallel_loop3A_647 : vector<16xf32>
        %parallel_loop3A_649 = arith.select %parallel_loop3A_648, %broadcast_in_dim3A_3, %broadcast_in_dim3A_5 : vector<16xi1>, vector<16xi32>
        %parallel_loop3A_650 = arith.addi %parallel_loop3A_578, %parallel_loop3A_649 : vector<16xi32>
        %parallel_loop3A_651 = arith.index_cast %parallel_loop3A_102 : i32 to index
        %parallel_loop3A_652 = arith.constant 960 : index
        %parallel_loop3A_653 = tpu.vector_load %arg6[%parallel_loop3A_651, %parallel_loop3A_652] {strides = array<i32>} : memref<32x1024xf32, #tpu.memory_space<vmem>>, vector<1x16xf32>,
        %parallel_loop3A_654 = vector.shape_cast %parallel_loop3A_653 : vector<1x16xf32> to vector<16xf32>
        %parallel_loop3A_655 = arith.constant 0.000000e+00 : f32
        %parallel_loop3A_656 = vector.broadcast %parallel_loop3A_655 : f32 to vector<16xf32>
        %parallel_loop3A_657 = arith.cmpf ogt, %parallel_loop3A_654, %parallel_loop3A_656 : vector<16xf32>
        %parallel_loop3A_658 = arith.select %parallel_loop3A_657, %broadcast_in_dim3A_3, %broadcast_in_dim3A_5 : vector<16xi1>, vector<16xi32>
        %parallel_loop3A_659 = arith.addi %parallel_loop3A_587, %parallel_loop3A_658 : vector<16xi32>
        %parallel_loop3A_660 = arith.index_cast %parallel_loop3A_102 : i32 to index
        %parallel_loop3A_661 = arith.constant 976 : index
        %parallel_loop3A_662 = tpu.vector_load %arg6[%parallel_loop3A_660, %parallel_loop3A_661] {strides = array<i32>} : memref<32x1024xf32, #tpu.memory_space<vmem>>, vector<1x16xf32>,
        %parallel_loop3A_663 = vector.shape_cast %parallel_loop3A_662 : vector<1x16xf32> to vector<16xf32>
        %parallel_loop3A_664 = arith.constant 0.000000e+00 : f32
        %parallel_loop3A_665 = vector.broadcast %parallel_loop3A_664 : f32 to vector<16xf32>
        %parallel_loop3A_666 = arith.cmpf ogt, %parallel_loop3A_663, %parallel_loop3A_665 : vector<16xf32>
        %parallel_loop3A_667 = arith.select %parallel_loop3A_666, %broadcast_in_dim3A_3, %broadcast_in_dim3A_5 : vector<16xi1>, vector<16xi32>
        %parallel_loop3A_668 = arith.addi %parallel_loop3A_596, %parallel_loop3A_667 : vector<16xi32>
        %parallel_loop3A_669 = arith.index_cast %parallel_loop3A_102 : i32 to index
        %parallel_loop3A_670 = arith.constant 992 : index
        %parallel_loop3A_671 = tpu.vector_load %arg6[%parallel_loop3A_669, %parallel_loop3A_670] {strides = array<i32>} : memref<32x1024xf32, #tpu.memory_space<vmem>>, vector<1x16xf32>,
        %parallel_loop3A_672 = vector.shape_cast %parallel_loop3A_671 : vector<1x16xf32> to vector<16xf32>
        %parallel_loop3A_673 = arith.constant 0.000000e+00 : f32
        %parallel_loop3A_674 = vector.broadcast %parallel_loop3A_673 : f32 to vector<16xf32>
        %parallel_loop3A_675 = arith.cmpf ogt, %parallel_loop3A_672, %parallel_loop3A_674 : vector<16xf32>
        %parallel_loop3A_676 = arith.select %parallel_loop3A_675, %broadcast_in_dim3A_3, %broadcast_in_dim3A_5 : vector<16xi1>, vector<16xi32>
        %parallel_loop3A_677 = arith.addi %parallel_loop3A_605, %parallel_loop3A_676 : vector<16xi32>
        %parallel_loop3A_678 = arith.index_cast %parallel_loop3A_102 : i32 to index
        %parallel_loop3A_679 = arith.constant 1008 : index
        %parallel_loop3A_680 = tpu.vector_load %arg6[%parallel_loop3A_678, %parallel_loop3A_679] {strides = array<i32>} : memref<32x1024xf32, #tpu.memory_space<vmem>>, vector<1x16xf32>,
        %parallel_loop3A_681 = vector.shape_cast %parallel_loop3A_680 : vector<1x16xf32> to vector<16xf32>
        %parallel_loop3A_682 = arith.constant 0.000000e+00 : f32
        %parallel_loop3A_683 = vector.broadcast %parallel_loop3A_682 : f32 to vector<16xf32>
        %parallel_loop3A_684 = arith.cmpf ogt, %parallel_loop3A_681, %parallel_loop3A_683 : vector<16xf32>
        %parallel_loop3A_685 = arith.select %parallel_loop3A_684, %broadcast_in_dim3A_3, %broadcast_in_dim3A_5 : vector<16xi1>, vector<16xi32>
        %parallel_loop3A_686 = arith.addi %parallel_loop3A_614, %parallel_loop3A_685 : vector<16xi32>
        scf.yield %parallel_loop3A_623, %parallel_loop3A_632, %parallel_loop3A_641, %parallel_loop3A_650, %parallel_loop3A_659, %parallel_loop3A_668, %parallel_loop3A_677, %parallel_loop3A_686 : vector<16xi32>, vector<16xi32>, vector<16xi32>, vector<16xi32>, vector<16xi32>, vector<16xi32>, vector<16xi32>, vector<16xi32>
      } {sc.loop_unroll_factor = 2 : i64, sc.parallel_access}
      %mul3A_91 = arith.constant 2 : i32
      %mul3A_92 = arith.muli %scan3A_60, %mul3A_91 : i32
      %add3A_93 = arith.constant 1 : i32
      %add3A_94 = arith.addi %mul3A_92, %add3A_93 : i32
      %add3A_95 = arith.constant 2 : i32
      %add3A_96 = arith.addi %add3A_94, %add3A_95 : i32
      %lt3A_97 = arith.constant 8 : i32
      %lt3A_98 = arith.cmpi slt, %add3A_96, %lt3A_97 : i32
      %convert_element_type3A_99 = arith.extui %lt3A_98 : i1 to i32
      %cond3A_100 = arith.constant 0 : i32
      %cond3A_101 = arith.cmpi ne, %convert_element_type3A_99, %cond3A_100 : i32
      scf.if %cond3A_101 {
        %mul3A_102 = arith.constant 32 : i32
        %mul3A_103 = arith.muli %add3A_96, %mul3A_102 : i32
        %add3A_104 = arith.addi %mul3A_2, %mul3A_103 : i32
        %dma_start3A_105 = arith.constant 0 : i32
        %dma_start3A_106 = tpu.memref_slice %arg2[%add3A_104, %dma_start3A_105] : memref<32768x1024xf32, #tpu.memory_space<hbm>> -> memref<32x1024xf32, #tpu.memory_space<hbm>>
        %dma_start3A_107 = arith.constant 0 : i32
        %dma_start3A_108 = tpu.memref_slice %arg2[%add3A_104, %dma_start3A_107] : memref<32768x1024xf32, #tpu.memory_space<hbm>> -> memref<32x1024xf32, #tpu.memory_space<hbm>>
        tpu.enqueue_dma source(%dma_start3A_108 : memref<32x1024xf32, #tpu.memory_space<hbm>>) target(%arg6 : memref<32x1024xf32, #tpu.memory_space<vmem>>) target_semaphore(%arg9 : memref<!tpu.dma_semaphore, #tpu.memory_space<semaphore_mem>>)
      } else {
      }
      scf.yield %parallel_loop3A_90#0, %parallel_loop3A_90#1, %parallel_loop3A_90#2, %parallel_loop3A_90#3, %parallel_loop3A_90#4, %parallel_loop3A_90#5, %parallel_loop3A_90#6, %parallel_loop3A_90#7 : vector<16xi32>, vector<16xi32>, vector<16xi32>, vector<16xi32>, vector<16xi32>, vector<16xi32>, vector<16xi32>, vector<16xi32>
    }
    %scan3A_21 = arith.constant 4 : i32
    %add3A_22 = arith.addi %scan3A_20#0, %scan3A_20#1 : vector<16xi32>
    %add3A_23 = arith.addi %add3A_22, %scan3A_20#2 : vector<16xi32>
    %add3A_24 = arith.addi %add3A_23, %scan3A_20#3 : vector<16xi32>
    %add3A_25 = arith.addi %add3A_24, %scan3A_20#4 : vector<16xi32>
    %add3A_26 = arith.addi %add3A_25, %scan3A_20#5 : vector<16xi32>
    %add3A_27 = arith.addi %add3A_26, %scan3A_20#6 : vector<16xi32>
    %add3A_28 = arith.addi %add3A_27, %scan3A_20#7 : vector<16xi32>
    %swap3A = arith.constant 0 : index
    %swap3A_29 = tpu.vector_load %arg7[%swap3A] {strides = array<i32>} : memref<16xi32, #tpu.memory_space<vmem>>, vector<16xi32>,
    %swap3A_30 = vector.shape_cast %swap3A_29 : vector<16xi32> to vector<16xi32>
    %swap3A_31 = vector.shape_cast %add3A_28 : vector<16xi32> to vector<16xi32>
    tpu.vector_store %arg7[%swap3A], %swap3A_31 {strides = array<i32>} : memref<16xi32, #tpu.memory_space<vmem>>, vector<16xi32>,
    %run_scoped3A = arith.constant 0 : i32
    "tpu.region"() ({
      %run_scoped3A_60 = tpu.sem_alloc : memref<!tpu.dma_semaphore, #tpu.memory_space<semaphore_mem>>
      %dma_start3A_61 = arith.constant 0 : i32
      %dma_start3A_62 = tpu.memref_slice %arg4[%add3A, %run_scoped3A, %dma_start3A_61] : memref<32x2x16xi32, #tpu.memory_space<hbm>> -> memref<1x1x16xi32, #tpu.memory_space<hbm>>
      %dma_start3A_63 = tpu.memref_squeeze %dma_start3A_62 : memref<1x1x16xi32, #tpu.memory_space<hbm>> -> memref<16xi32, #tpu.memory_space<hbm>>
      %dma_start3A_64 = arith.constant 0 : i32
      %dma_start3A_65 = tpu.memref_slice %arg4[%add3A, %run_scoped3A, %dma_start3A_64] : memref<32x2x16xi32, #tpu.memory_space<hbm>> -> memref<1x1x16xi32, #tpu.memory_space<hbm>>
      %dma_start3A_66 = tpu.memref_squeeze %dma_start3A_65 : memref<1x1x16xi32, #tpu.memory_space<hbm>> -> memref<16xi32, #tpu.memory_space<hbm>>
      tpu.enqueue_dma source(%arg7 : memref<16xi32, #tpu.memory_space<vmem>>) target(%dma_start3A_66 : memref<16xi32, #tpu.memory_space<hbm>>) target_semaphore(%run_scoped3A_60 : memref<!tpu.dma_semaphore, #tpu.memory_space<semaphore_mem>>)
      %dma_wait3A = arith.constant 0 : i32
      %dma_wait3A_67 = tpu.memref_slice %arg4[%add3A, %run_scoped3A, %dma_wait3A] : memref<32x2x16xi32, #tpu.memory_space<hbm>> -> memref<1x1x16xi32, #tpu.memory_space<hbm>>
      %dma_wait3A_68 = tpu.memref_squeeze %dma_wait3A_67 : memref<1x1x16xi32, #tpu.memory_space<hbm>> -> memref<16xi32, #tpu.memory_space<hbm>>
      %dma_wait3A_69 = arith.constant 0 : i32
      %dma_wait3A_70 = tpu.memref_slice %arg4[%add3A, %run_scoped3A, %dma_wait3A_69] : memref<32x2x16xi32, #tpu.memory_space<hbm>> -> memref<1x1x16xi32, #tpu.memory_space<hbm>>
      %dma_wait3A_71 = tpu.memref_squeeze %dma_wait3A_70 : memref<1x1x16xi32, #tpu.memory_space<hbm>> -> memref<16xi32, #tpu.memory_space<hbm>>
      tpu.wait_dma2 semaphore(%run_scoped3A_60 : memref<!tpu.dma_semaphore, #tpu.memory_space<semaphore_mem>>) src(%arg7 : memref<16xi32, #tpu.memory_space<vmem>>) dst(%dma_wait3A_71 : memref<16xi32, #tpu.memory_space<hbm>>)
      tpu.yield
    }) : () -> ()
    %dma_start3A_32 = arith.constant 0 : i32
    %dma_start3A_33 = tpu.memref_slice %arg3[%mul3A_2, %dma_start3A_32] : memref<32768x1024xf32, #tpu.memory_space<hbm>> -> memref<32x1024xf32, #tpu.memory_space<hbm>>
    %dma_start3A_34 = arith.constant 0 : i32
    %dma_start3A_35 = tpu.memref_slice %arg3[%mul3A_2, %dma_start3A_34] : memref<32768x1024xf32, #tpu.memory_space<hbm>> -> memref<32x1024xf32, #tpu.memory_space<hbm>>
    tpu.enqueue_dma source(%dma_start3A_35 : memref<32x1024xf32, #tpu.memory_space<hbm>>) target(%arg5 : memref<32x1024xf32, #tpu.memory_space<vmem>>) target_semaphore(%arg8 : memref<!tpu.dma_semaphore, #tpu.memory_space<semaphore_mem>>)
    %add3A_36 = arith.constant 32 : i32
    %add3A_37 = arith.addi %mul3A_2, %add3A_36 : i32
    %dma_start3A_38 = arith.constant 0 : i32
    %dma_start3A_39 = tpu.memref_slice %arg3[%add3A_37, %dma_start3A_38] : memref<32768x1024xf32, #tpu.memory_space<hbm>> -> memref<32x1024xf32, #tpu.memory_space<hbm>>
    %dma_start3A_40 = arith.constant 0 : i32
    %dma_start3A_41 = tpu.memref_slice %arg3[%add3A_37, %dma_start3A_40] : memref<32768x1024xf32, #tpu.memory_space<hbm>> -> memref<32x1024xf32, #tpu.memory_space<hbm>>
    tpu.enqueue_dma source(%dma_start3A_41 : memref<32x1024xf32, #tpu.memory_space<hbm>>) target(%arg6 : memref<32x1024xf32, #tpu.memory_space<vmem>>) target_semaphore(%arg9 : memref<!tpu.dma_semaphore, #tpu.memory_space<semaphore_mem>>)
    %scan3A_42 = arith.constant 0 : i32
    %scan3A_43 = arith.constant 4 : i32
    %scan3A_44 = arith.addi %scan3A_42, %scan3A_43 : i32
    %scan3A_45 = arith.constant 1 : i32
    %scan3A_46:8 = scf.for %scan3A_60 = %scan3A_42 to %scan3A_44 step %scan3A_45 iter_args(%scan3A_61 = %broadcast_in_dim3A_7, %scan3A_62 = %broadcast_in_dim3A_7, %scan3A_63 = %broadcast_in_dim3A_7, %scan3A_64 = %broadcast_in_dim3A_7, %scan3A_65 = %broadcast_in_dim3A_7, %scan3A_66 = %broadcast_in_dim3A_7, %scan3A_67 = %broadcast_in_dim3A_7, %scan3A_68 = %broadcast_in_dim3A_7) -> (vector<16xi32>, vector<16xi32>, vector<16xi32>, vector<16xi32>, vector<16xi32>, vector<16xi32>, vector<16xi32>, vector<16xi32>)  : i32 {
      %dma_wait3A = arith.constant 0 : i32
      %dma_wait3A_69 = tpu.memref_slice %arg3[%mul3A_2, %dma_wait3A] : memref<32768x1024xf32, #tpu.memory_space<hbm>> -> memref<32x1024xf32, #tpu.memory_space<hbm>>
      %dma_wait3A_70 = arith.constant 0 : i32
      %dma_wait3A_71 = tpu.memref_slice %arg3[%mul3A_2, %dma_wait3A_70] : memref<32768x1024xf32, #tpu.memory_space<hbm>> -> memref<32x1024xf32, #tpu.memory_space<hbm>>
      tpu.wait_dma2 semaphore(%arg8 : memref<!tpu.dma_semaphore, #tpu.memory_space<semaphore_mem>>) src(%dma_wait3A_71 : memref<32x1024xf32, #tpu.memory_space<hbm>>) dst(%arg5 : memref<32x1024xf32, #tpu.memory_space<vmem>>)
      %parallel_loop3A = arith.constant 0 : i32
      %parallel_loop3A_72 = arith.constant 32 : i32
      %parallel_loop3A_73 = arith.constant 1 : i32
      %parallel_loop3A_74:8 = scf.for %parallel_loop3A_102 = %parallel_loop3A to %parallel_loop3A_72 step %parallel_loop3A_73 iter_args(%parallel_loop3A_103 = %scan3A_61, %parallel_loop3A_104 = %scan3A_62, %parallel_loop3A_105 = %scan3A_63, %parallel_loop3A_106 = %scan3A_64, %parallel_loop3A_107 = %scan3A_65, %parallel_loop3A_108 = %scan3A_66, %parallel_loop3A_109 = %scan3A_67, %parallel_loop3A_110 = %scan3A_68) -> (vector<16xi32>, vector<16xi32>, vector<16xi32>, vector<16xi32>, vector<16xi32>, vector<16xi32>, vector<16xi32>, vector<16xi32>)  : i32 {
        %parallel_loop3A_111 = arith.index_cast %parallel_loop3A_102 : i32 to index
        %parallel_loop3A_112 = arith.constant 0 : index
        %parallel_loop3A_113 = tpu.vector_load %arg5[%parallel_loop3A_111, %parallel_loop3A_112] {strides = array<i32>} : memref<32x1024xf32, #tpu.memory_space<vmem>>, vector<1x16xf32>,
        %parallel_loop3A_114 = vector.shape_cast %parallel_loop3A_113 : vector<1x16xf32> to vector<16xf32>
        %parallel_loop3A_115 = arith.constant 0.000000e+00 : f32
        %parallel_loop3A_116 = vector.broadcast %parallel_loop3A_115 : f32 to vector<16xf32>
        %parallel_loop3A_117 = arith.cmpf ogt, %parallel_loop3A_114, %parallel_loop3A_116 : vector<16xf32>
        %parallel_loop3A_118 = arith.select %parallel_loop3A_117, %broadcast_in_dim3A_3, %broadcast_in_dim3A_5 : vector<16xi1>, vector<16xi32>
        %parallel_loop3A_119 = arith.addi %parallel_loop3A_103, %parallel_loop3A_118 : vector<16xi32>
        %parallel_loop3A_120 = arith.index_cast %parallel_loop3A_102 : i32 to index
        %parallel_loop3A_121 = arith.constant 16 : index
        %parallel_loop3A_122 = tpu.vector_load %arg5[%parallel_loop3A_120, %parallel_loop3A_121] {strides = array<i32>} : memref<32x1024xf32, #tpu.memory_space<vmem>>, vector<1x16xf32>,
        %parallel_loop3A_123 = vector.shape_cast %parallel_loop3A_122 : vector<1x16xf32> to vector<16xf32>
        %parallel_loop3A_124 = arith.constant 0.000000e+00 : f32
        %parallel_loop3A_125 = vector.broadcast %parallel_loop3A_124 : f32 to vector<16xf32>
        %parallel_loop3A_126 = arith.cmpf ogt, %parallel_loop3A_123, %parallel_loop3A_125 : vector<16xf32>
        %parallel_loop3A_127 = arith.select %parallel_loop3A_126, %broadcast_in_dim3A_3, %broadcast_in_dim3A_5 : vector<16xi1>, vector<16xi32>
        %parallel_loop3A_128 = arith.addi %parallel_loop3A_104, %parallel_loop3A_127 : vector<16xi32>
        %parallel_loop3A_129 = arith.index_cast %parallel_loop3A_102 : i32 to index
        %parallel_loop3A_130 = arith.constant 32 : index
        %parallel_loop3A_131 = tpu.vector_load %arg5[%parallel_loop3A_129, %parallel_loop3A_130] {strides = array<i32>} : memref<32x1024xf32, #tpu.memory_space<vmem>>, vector<1x16xf32>,
        %parallel_loop3A_132 = vector.shape_cast %parallel_loop3A_131 : vector<1x16xf32> to vector<16xf32>
        %parallel_loop3A_133 = arith.constant 0.000000e+00 : f32
        %parallel_loop3A_134 = vector.broadcast %parallel_loop3A_133 : f32 to vector<16xf32>
        %parallel_loop3A_135 = arith.cmpf ogt, %parallel_loop3A_132, %parallel_loop3A_134 : vector<16xf32>
        %parallel_loop3A_136 = arith.select %parallel_loop3A_135, %broadcast_in_dim3A_3, %broadcast_in_dim3A_5 : vector<16xi1>, vector<16xi32>
        %parallel_loop3A_137 = arith.addi %parallel_loop3A_105, %parallel_loop3A_136 : vector<16xi32>
        %parallel_loop3A_138 = arith.index_cast %parallel_loop3A_102 : i32 to index
        %parallel_loop3A_139 = arith.constant 48 : index
        %parallel_loop3A_140 = tpu.vector_load %arg5[%parallel_loop3A_138, %parallel_loop3A_139] {strides = array<i32>} : memref<32x1024xf32, #tpu.memory_space<vmem>>, vector<1x16xf32>,
        %parallel_loop3A_141 = vector.shape_cast %parallel_loop3A_140 : vector<1x16xf32> to vector<16xf32>
        %parallel_loop3A_142 = arith.constant 0.000000e+00 : f32
        %parallel_loop3A_143 = vector.broadcast %parallel_loop3A_142 : f32 to vector<16xf32>
        %parallel_loop3A_144 = arith.cmpf ogt, %parallel_loop3A_141, %parallel_loop3A_143 : vector<16xf32>
        %parallel_loop3A_145 = arith.select %parallel_loop3A_144, %broadcast_in_dim3A_3, %broadcast_in_dim3A_5 : vector<16xi1>, vector<16xi32>
        %parallel_loop3A_146 = arith.addi %parallel_loop3A_106, %parallel_loop3A_145 : vector<16xi32>
        %parallel_loop3A_147 = arith.index_cast %parallel_loop3A_102 : i32 to index
        %parallel_loop3A_148 = arith.constant 64 : index
        %parallel_loop3A_149 = tpu.vector_load %arg5[%parallel_loop3A_147, %parallel_loop3A_148] {strides = array<i32>} : memref<32x1024xf32, #tpu.memory_space<vmem>>, vector<1x16xf32>,
        %parallel_loop3A_150 = vector.shape_cast %parallel_loop3A_149 : vector<1x16xf32> to vector<16xf32>
        %parallel_loop3A_151 = arith.constant 0.000000e+00 : f32
        %parallel_loop3A_152 = vector.broadcast %parallel_loop3A_151 : f32 to vector<16xf32>
        %parallel_loop3A_153 = arith.cmpf ogt, %parallel_loop3A_150, %parallel_loop3A_152 : vector<16xf32>
        %parallel_loop3A_154 = arith.select %parallel_loop3A_153, %broadcast_in_dim3A_3, %broadcast_in_dim3A_5 : vector<16xi1>, vector<16xi32>
        %parallel_loop3A_155 = arith.addi %parallel_loop3A_107, %parallel_loop3A_154 : vector<16xi32>
        %parallel_loop3A_156 = arith.index_cast %parallel_loop3A_102 : i32 to index
        %parallel_loop3A_157 = arith.constant 80 : index
        %parallel_loop3A_158 = tpu.vector_load %arg5[%parallel_loop3A_156, %parallel_loop3A_157] {strides = array<i32>} : memref<32x1024xf32, #tpu.memory_space<vmem>>, vector<1x16xf32>,
        %parallel_loop3A_159 = vector.shape_cast %parallel_loop3A_158 : vector<1x16xf32> to vector<16xf32>
        %parallel_loop3A_160 = arith.constant 0.000000e+00 : f32
        %parallel_loop3A_161 = vector.broadcast %parallel_loop3A_160 : f32 to vector<16xf32>
        %parallel_loop3A_162 = arith.cmpf ogt, %parallel_loop3A_159, %parallel_loop3A_161 : vector<16xf32>
        %parallel_loop3A_163 = arith.select %parallel_loop3A_162, %broadcast_in_dim3A_3, %broadcast_in_dim3A_5 : vector<16xi1>, vector<16xi32>
        %parallel_loop3A_164 = arith.addi %parallel_loop3A_108, %parallel_loop3A_163 : vector<16xi32>
        %parallel_loop3A_165 = arith.index_cast %parallel_loop3A_102 : i32 to index
        %parallel_loop3A_166 = arith.constant 96 : index
        %parallel_loop3A_167 = tpu.vector_load %arg5[%parallel_loop3A_165, %parallel_loop3A_166] {strides = array<i32>} : memref<32x1024xf32, #tpu.memory_space<vmem>>, vector<1x16xf32>,
        %parallel_loop3A_168 = vector.shape_cast %parallel_loop3A_167 : vector<1x16xf32> to vector<16xf32>
        %parallel_loop3A_169 = arith.constant 0.000000e+00 : f32
        %parallel_loop3A_170 = vector.broadcast %parallel_loop3A_169 : f32 to vector<16xf32>
        %parallel_loop3A_171 = arith.cmpf ogt, %parallel_loop3A_168, %parallel_loop3A_170 : vector<16xf32>
        %parallel_loop3A_172 = arith.select %parallel_loop3A_171, %broadcast_in_dim3A_3, %broadcast_in_dim3A_5 : vector<16xi1>, vector<16xi32>
        %parallel_loop3A_173 = arith.addi %parallel_loop3A_109, %parallel_loop3A_172 : vector<16xi32>
        %parallel_loop3A_174 = arith.index_cast %parallel_loop3A_102 : i32 to index
        %parallel_loop3A_175 = arith.constant 112 : index
        %parallel_loop3A_176 = tpu.vector_load %arg5[%parallel_loop3A_174, %parallel_loop3A_175] {strides = array<i32>} : memref<32x1024xf32, #tpu.memory_space<vmem>>, vector<1x16xf32>,
        %parallel_loop3A_177 = vector.shape_cast %parallel_loop3A_176 : vector<1x16xf32> to vector<16xf32>
        %parallel_loop3A_178 = arith.constant 0.000000e+00 : f32
        %parallel_loop3A_179 = vector.broadcast %parallel_loop3A_178 : f32 to vector<16xf32>
        %parallel_loop3A_180 = arith.cmpf ogt, %parallel_loop3A_177, %parallel_loop3A_179 : vector<16xf32>
        %parallel_loop3A_181 = arith.select %parallel_loop3A_180, %broadcast_in_dim3A_3, %broadcast_in_dim3A_5 : vector<16xi1>, vector<16xi32>
        %parallel_loop3A_182 = arith.addi %parallel_loop3A_110, %parallel_loop3A_181 : vector<16xi32>
        %parallel_loop3A_183 = arith.index_cast %parallel_loop3A_102 : i32 to index
        %parallel_loop3A_184 = arith.constant 128 : index
        %parallel_loop3A_185 = tpu.vector_load %arg5[%parallel_loop3A_183, %parallel_loop3A_184] {strides = array<i32>} : memref<32x1024xf32, #tpu.memory_space<vmem>>, vector<1x16xf32>,
        %parallel_loop3A_186 = vector.shape_cast %parallel_loop3A_185 : vector<1x16xf32> to vector<16xf32>
        %parallel_loop3A_187 = arith.constant 0.000000e+00 : f32
        %parallel_loop3A_188 = vector.broadcast %parallel_loop3A_187 : f32 to vector<16xf32>
        %parallel_loop3A_189 = arith.cmpf ogt, %parallel_loop3A_186, %parallel_loop3A_188 : vector<16xf32>
        %parallel_loop3A_190 = arith.select %parallel_loop3A_189, %broadcast_in_dim3A_3, %broadcast_in_dim3A_5 : vector<16xi1>, vector<16xi32>
        %parallel_loop3A_191 = arith.addi %parallel_loop3A_119, %parallel_loop3A_190 : vector<16xi32>
        %parallel_loop3A_192 = arith.index_cast %parallel_loop3A_102 : i32 to index
        %parallel_loop3A_193 = arith.constant 144 : index
        %parallel_loop3A_194 = tpu.vector_load %arg5[%parallel_loop3A_192, %parallel_loop3A_193] {strides = array<i32>} : memref<32x1024xf32, #tpu.memory_space<vmem>>, vector<1x16xf32>,
        %parallel_loop3A_195 = vector.shape_cast %parallel_loop3A_194 : vector<1x16xf32> to vector<16xf32>
        %parallel_loop3A_196 = arith.constant 0.000000e+00 : f32
        %parallel_loop3A_197 = vector.broadcast %parallel_loop3A_196 : f32 to vector<16xf32>
        %parallel_loop3A_198 = arith.cmpf ogt, %parallel_loop3A_195, %parallel_loop3A_197 : vector<16xf32>
        %parallel_loop3A_199 = arith.select %parallel_loop3A_198, %broadcast_in_dim3A_3, %broadcast_in_dim3A_5 : vector<16xi1>, vector<16xi32>
        %parallel_loop3A_200 = arith.addi %parallel_loop3A_128, %parallel_loop3A_199 : vector<16xi32>
        %parallel_loop3A_201 = arith.index_cast %parallel_loop3A_102 : i32 to index
        %parallel_loop3A_202 = arith.constant 160 : index
        %parallel_loop3A_203 = tpu.vector_load %arg5[%parallel_loop3A_201, %parallel_loop3A_202] {strides = array<i32>} : memref<32x1024xf32, #tpu.memory_space<vmem>>, vector<1x16xf32>,
        %parallel_loop3A_204 = vector.shape_cast %parallel_loop3A_203 : vector<1x16xf32> to vector<16xf32>
        %parallel_loop3A_205 = arith.constant 0.000000e+00 : f32
        %parallel_loop3A_206 = vector.broadcast %parallel_loop3A_205 : f32 to vector<16xf32>
        %parallel_loop3A_207 = arith.cmpf ogt, %parallel_loop3A_204, %parallel_loop3A_206 : vector<16xf32>
        %parallel_loop3A_208 = arith.select %parallel_loop3A_207, %broadcast_in_dim3A_3, %broadcast_in_dim3A_5 : vector<16xi1>, vector<16xi32>
        %parallel_loop3A_209 = arith.addi %parallel_loop3A_137, %parallel_loop3A_208 : vector<16xi32>
        %parallel_loop3A_210 = arith.index_cast %parallel_loop3A_102 : i32 to index
        %parallel_loop3A_211 = arith.constant 176 : index
        %parallel_loop3A_212 = tpu.vector_load %arg5[%parallel_loop3A_210, %parallel_loop3A_211] {strides = array<i32>} : memref<32x1024xf32, #tpu.memory_space<vmem>>, vector<1x16xf32>,
        %parallel_loop3A_213 = vector.shape_cast %parallel_loop3A_212 : vector<1x16xf32> to vector<16xf32>
        %parallel_loop3A_214 = arith.constant 0.000000e+00 : f32
        %parallel_loop3A_215 = vector.broadcast %parallel_loop3A_214 : f32 to vector<16xf32>
        %parallel_loop3A_216 = arith.cmpf ogt, %parallel_loop3A_213, %parallel_loop3A_215 : vector<16xf32>
        %parallel_loop3A_217 = arith.select %parallel_loop3A_216, %broadcast_in_dim3A_3, %broadcast_in_dim3A_5 : vector<16xi1>, vector<16xi32>
        %parallel_loop3A_218 = arith.addi %parallel_loop3A_146, %parallel_loop3A_217 : vector<16xi32>
        %parallel_loop3A_219 = arith.index_cast %parallel_loop3A_102 : i32 to index
        %parallel_loop3A_220 = arith.constant 192 : index
        %parallel_loop3A_221 = tpu.vector_load %arg5[%parallel_loop3A_219, %parallel_loop3A_220] {strides = array<i32>} : memref<32x1024xf32, #tpu.memory_space<vmem>>, vector<1x16xf32>,
        %parallel_loop3A_222 = vector.shape_cast %parallel_loop3A_221 : vector<1x16xf32> to vector<16xf32>
        %parallel_loop3A_223 = arith.constant 0.000000e+00 : f32
        %parallel_loop3A_224 = vector.broadcast %parallel_loop3A_223 : f32 to vector<16xf32>
        %parallel_loop3A_225 = arith.cmpf ogt, %parallel_loop3A_222, %parallel_loop3A_224 : vector<16xf32>
        %parallel_loop3A_226 = arith.select %parallel_loop3A_225, %broadcast_in_dim3A_3, %broadcast_in_dim3A_5 : vector<16xi1>, vector<16xi32>
        %parallel_loop3A_227 = arith.addi %parallel_loop3A_155, %parallel_loop3A_226 : vector<16xi32>
        %parallel_loop3A_228 = arith.index_cast %parallel_loop3A_102 : i32 to index
        %parallel_loop3A_229 = arith.constant 208 : index
        %parallel_loop3A_230 = tpu.vector_load %arg5[%parallel_loop3A_228, %parallel_loop3A_229] {strides = array<i32>} : memref<32x1024xf32, #tpu.memory_space<vmem>>, vector<1x16xf32>,
        %parallel_loop3A_231 = vector.shape_cast %parallel_loop3A_230 : vector<1x16xf32> to vector<16xf32>
        %parallel_loop3A_232 = arith.constant 0.000000e+00 : f32
        %parallel_loop3A_233 = vector.broadcast %parallel_loop3A_232 : f32 to vector<16xf32>
        %parallel_loop3A_234 = arith.cmpf ogt, %parallel_loop3A_231, %parallel_loop3A_233 : vector<16xf32>
        %parallel_loop3A_235 = arith.select %parallel_loop3A_234, %broadcast_in_dim3A_3, %broadcast_in_dim3A_5 : vector<16xi1>, vector<16xi32>
        %parallel_loop3A_236 = arith.addi %parallel_loop3A_164, %parallel_loop3A_235 : vector<16xi32>
        %parallel_loop3A_237 = arith.index_cast %parallel_loop3A_102 : i32 to index
        %parallel_loop3A_238 = arith.constant 224 : index
        %parallel_loop3A_239 = tpu.vector_load %arg5[%parallel_loop3A_237, %parallel_loop3A_238] {strides = array<i32>} : memref<32x1024xf32, #tpu.memory_space<vmem>>, vector<1x16xf32>,
        %parallel_loop3A_240 = vector.shape_cast %parallel_loop3A_239 : vector<1x16xf32> to vector<16xf32>
        %parallel_loop3A_241 = arith.constant 0.000000e+00 : f32
        %parallel_loop3A_242 = vector.broadcast %parallel_loop3A_241 : f32 to vector<16xf32>
        %parallel_loop3A_243 = arith.cmpf ogt, %parallel_loop3A_240, %parallel_loop3A_242 : vector<16xf32>
        %parallel_loop3A_244 = arith.select %parallel_loop3A_243, %broadcast_in_dim3A_3, %broadcast_in_dim3A_5 : vector<16xi1>, vector<16xi32>
        %parallel_loop3A_245 = arith.addi %parallel_loop3A_173, %parallel_loop3A_244 : vector<16xi32>
        %parallel_loop3A_246 = arith.index_cast %parallel_loop3A_102 : i32 to index
        %parallel_loop3A_247 = arith.constant 240 : index
        %parallel_loop3A_248 = tpu.vector_load %arg5[%parallel_loop3A_246, %parallel_loop3A_247] {strides = array<i32>} : memref<32x1024xf32, #tpu.memory_space<vmem>>, vector<1x16xf32>,
        %parallel_loop3A_249 = vector.shape_cast %parallel_loop3A_248 : vector<1x16xf32> to vector<16xf32>
        %parallel_loop3A_250 = arith.constant 0.000000e+00 : f32
        %parallel_loop3A_251 = vector.broadcast %parallel_loop3A_250 : f32 to vector<16xf32>
        %parallel_loop3A_252 = arith.cmpf ogt, %parallel_loop3A_249, %parallel_loop3A_251 : vector<16xf32>
        %parallel_loop3A_253 = arith.select %parallel_loop3A_252, %broadcast_in_dim3A_3, %broadcast_in_dim3A_5 : vector<16xi1>, vector<16xi32>
        %parallel_loop3A_254 = arith.addi %parallel_loop3A_182, %parallel_loop3A_253 : vector<16xi32>
        %parallel_loop3A_255 = arith.index_cast %parallel_loop3A_102 : i32 to index
        %parallel_loop3A_256 = arith.constant 256 : index
        %parallel_loop3A_257 = tpu.vector_load %arg5[%parallel_loop3A_255, %parallel_loop3A_256] {strides = array<i32>} : memref<32x1024xf32, #tpu.memory_space<vmem>>, vector<1x16xf32>,
        %parallel_loop3A_258 = vector.shape_cast %parallel_loop3A_257 : vector<1x16xf32> to vector<16xf32>
        %parallel_loop3A_259 = arith.constant 0.000000e+00 : f32
        %parallel_loop3A_260 = vector.broadcast %parallel_loop3A_259 : f32 to vector<16xf32>
        %parallel_loop3A_261 = arith.cmpf ogt, %parallel_loop3A_258, %parallel_loop3A_260 : vector<16xf32>
        %parallel_loop3A_262 = arith.select %parallel_loop3A_261, %broadcast_in_dim3A_3, %broadcast_in_dim3A_5 : vector<16xi1>, vector<16xi32>
        %parallel_loop3A_263 = arith.addi %parallel_loop3A_191, %parallel_loop3A_262 : vector<16xi32>
        %parallel_loop3A_264 = arith.index_cast %parallel_loop3A_102 : i32 to index
        %parallel_loop3A_265 = arith.constant 272 : index
        %parallel_loop3A_266 = tpu.vector_load %arg5[%parallel_loop3A_264, %parallel_loop3A_265] {strides = array<i32>} : memref<32x1024xf32, #tpu.memory_space<vmem>>, vector<1x16xf32>,
        %parallel_loop3A_267 = vector.shape_cast %parallel_loop3A_266 : vector<1x16xf32> to vector<16xf32>
        %parallel_loop3A_268 = arith.constant 0.000000e+00 : f32
        %parallel_loop3A_269 = vector.broadcast %parallel_loop3A_268 : f32 to vector<16xf32>
        %parallel_loop3A_270 = arith.cmpf ogt, %parallel_loop3A_267, %parallel_loop3A_269 : vector<16xf32>
        %parallel_loop3A_271 = arith.select %parallel_loop3A_270, %broadcast_in_dim3A_3, %broadcast_in_dim3A_5 : vector<16xi1>, vector<16xi32>
        %parallel_loop3A_272 = arith.addi %parallel_loop3A_200, %parallel_loop3A_271 : vector<16xi32>
        %parallel_loop3A_273 = arith.index_cast %parallel_loop3A_102 : i32 to index
        %parallel_loop3A_274 = arith.constant 288 : index
        %parallel_loop3A_275 = tpu.vector_load %arg5[%parallel_loop3A_273, %parallel_loop3A_274] {strides = array<i32>} : memref<32x1024xf32, #tpu.memory_space<vmem>>, vector<1x16xf32>,
        %parallel_loop3A_276 = vector.shape_cast %parallel_loop3A_275 : vector<1x16xf32> to vector<16xf32>
        %parallel_loop3A_277 = arith.constant 0.000000e+00 : f32
        %parallel_loop3A_278 = vector.broadcast %parallel_loop3A_277 : f32 to vector<16xf32>
        %parallel_loop3A_279 = arith.cmpf ogt, %parallel_loop3A_276, %parallel_loop3A_278 : vector<16xf32>
        %parallel_loop3A_280 = arith.select %parallel_loop3A_279, %broadcast_in_dim3A_3, %broadcast_in_dim3A_5 : vector<16xi1>, vector<16xi32>
        %parallel_loop3A_281 = arith.addi %parallel_loop3A_209, %parallel_loop3A_280 : vector<16xi32>
        %parallel_loop3A_282 = arith.index_cast %parallel_loop3A_102 : i32 to index
        %parallel_loop3A_283 = arith.constant 304 : index
        %parallel_loop3A_284 = tpu.vector_load %arg5[%parallel_loop3A_282, %parallel_loop3A_283] {strides = array<i32>} : memref<32x1024xf32, #tpu.memory_space<vmem>>, vector<1x16xf32>,
        %parallel_loop3A_285 = vector.shape_cast %parallel_loop3A_284 : vector<1x16xf32> to vector<16xf32>
        %parallel_loop3A_286 = arith.constant 0.000000e+00 : f32
        %parallel_loop3A_287 = vector.broadcast %parallel_loop3A_286 : f32 to vector<16xf32>
        %parallel_loop3A_288 = arith.cmpf ogt, %parallel_loop3A_285, %parallel_loop3A_287 : vector<16xf32>
        %parallel_loop3A_289 = arith.select %parallel_loop3A_288, %broadcast_in_dim3A_3, %broadcast_in_dim3A_5 : vector<16xi1>, vector<16xi32>
        %parallel_loop3A_290 = arith.addi %parallel_loop3A_218, %parallel_loop3A_289 : vector<16xi32>
        %parallel_loop3A_291 = arith.index_cast %parallel_loop3A_102 : i32 to index
        %parallel_loop3A_292 = arith.constant 320 : index
        %parallel_loop3A_293 = tpu.vector_load %arg5[%parallel_loop3A_291, %parallel_loop3A_292] {strides = array<i32>} : memref<32x1024xf32, #tpu.memory_space<vmem>>, vector<1x16xf32>,
        %parallel_loop3A_294 = vector.shape_cast %parallel_loop3A_293 : vector<1x16xf32> to vector<16xf32>
        %parallel_loop3A_295 = arith.constant 0.000000e+00 : f32
        %parallel_loop3A_296 = vector.broadcast %parallel_loop3A_295 : f32 to vector<16xf32>
        %parallel_loop3A_297 = arith.cmpf ogt, %parallel_loop3A_294, %parallel_loop3A_296 : vector<16xf32>
        %parallel_loop3A_298 = arith.select %parallel_loop3A_297, %broadcast_in_dim3A_3, %broadcast_in_dim3A_5 : vector<16xi1>, vector<16xi32>
        %parallel_loop3A_299 = arith.addi %parallel_loop3A_227, %parallel_loop3A_298 : vector<16xi32>
        %parallel_loop3A_300 = arith.index_cast %parallel_loop3A_102 : i32 to index
        %parallel_loop3A_301 = arith.constant 336 : index
        %parallel_loop3A_302 = tpu.vector_load %arg5[%parallel_loop3A_300, %parallel_loop3A_301] {strides = array<i32>} : memref<32x1024xf32, #tpu.memory_space<vmem>>, vector<1x16xf32>,
        %parallel_loop3A_303 = vector.shape_cast %parallel_loop3A_302 : vector<1x16xf32> to vector<16xf32>
        %parallel_loop3A_304 = arith.constant 0.000000e+00 : f32
        %parallel_loop3A_305 = vector.broadcast %parallel_loop3A_304 : f32 to vector<16xf32>
        %parallel_loop3A_306 = arith.cmpf ogt, %parallel_loop3A_303, %parallel_loop3A_305 : vector<16xf32>
        %parallel_loop3A_307 = arith.select %parallel_loop3A_306, %broadcast_in_dim3A_3, %broadcast_in_dim3A_5 : vector<16xi1>, vector<16xi32>
        %parallel_loop3A_308 = arith.addi %parallel_loop3A_236, %parallel_loop3A_307 : vector<16xi32>
        %parallel_loop3A_309 = arith.index_cast %parallel_loop3A_102 : i32 to index
        %parallel_loop3A_310 = arith.constant 352 : index
        %parallel_loop3A_311 = tpu.vector_load %arg5[%parallel_loop3A_309, %parallel_loop3A_310] {strides = array<i32>} : memref<32x1024xf32, #tpu.memory_space<vmem>>, vector<1x16xf32>,
        %parallel_loop3A_312 = vector.shape_cast %parallel_loop3A_311 : vector<1x16xf32> to vector<16xf32>
        %parallel_loop3A_313 = arith.constant 0.000000e+00 : f32
        %parallel_loop3A_314 = vector.broadcast %parallel_loop3A_313 : f32 to vector<16xf32>
        %parallel_loop3A_315 = arith.cmpf ogt, %parallel_loop3A_312, %parallel_loop3A_314 : vector<16xf32>
        %parallel_loop3A_316 = arith.select %parallel_loop3A_315, %broadcast_in_dim3A_3, %broadcast_in_dim3A_5 : vector<16xi1>, vector<16xi32>
        %parallel_loop3A_317 = arith.addi %parallel_loop3A_245, %parallel_loop3A_316 : vector<16xi32>
        %parallel_loop3A_318 = arith.index_cast %parallel_loop3A_102 : i32 to index
        %parallel_loop3A_319 = arith.constant 368 : index
        %parallel_loop3A_320 = tpu.vector_load %arg5[%parallel_loop3A_318, %parallel_loop3A_319] {strides = array<i32>} : memref<32x1024xf32, #tpu.memory_space<vmem>>, vector<1x16xf32>,
        %parallel_loop3A_321 = vector.shape_cast %parallel_loop3A_320 : vector<1x16xf32> to vector<16xf32>
        %parallel_loop3A_322 = arith.constant 0.000000e+00 : f32
        %parallel_loop3A_323 = vector.broadcast %parallel_loop3A_322 : f32 to vector<16xf32>
        %parallel_loop3A_324 = arith.cmpf ogt, %parallel_loop3A_321, %parallel_loop3A_323 : vector<16xf32>
        %parallel_loop3A_325 = arith.select %parallel_loop3A_324, %broadcast_in_dim3A_3, %broadcast_in_dim3A_5 : vector<16xi1>, vector<16xi32>
        %parallel_loop3A_326 = arith.addi %parallel_loop3A_254, %parallel_loop3A_325 : vector<16xi32>
        %parallel_loop3A_327 = arith.index_cast %parallel_loop3A_102 : i32 to index
        %parallel_loop3A_328 = arith.constant 384 : index
        %parallel_loop3A_329 = tpu.vector_load %arg5[%parallel_loop3A_327, %parallel_loop3A_328] {strides = array<i32>} : memref<32x1024xf32, #tpu.memory_space<vmem>>, vector<1x16xf32>,
        %parallel_loop3A_330 = vector.shape_cast %parallel_loop3A_329 : vector<1x16xf32> to vector<16xf32>
        %parallel_loop3A_331 = arith.constant 0.000000e+00 : f32
        %parallel_loop3A_332 = vector.broadcast %parallel_loop3A_331 : f32 to vector<16xf32>
        %parallel_loop3A_333 = arith.cmpf ogt, %parallel_loop3A_330, %parallel_loop3A_332 : vector<16xf32>
        %parallel_loop3A_334 = arith.select %parallel_loop3A_333, %broadcast_in_dim3A_3, %broadcast_in_dim3A_5 : vector<16xi1>, vector<16xi32>
        %parallel_loop3A_335 = arith.addi %parallel_loop3A_263, %parallel_loop3A_334 : vector<16xi32>
        %parallel_loop3A_336 = arith.index_cast %parallel_loop3A_102 : i32 to index
        %parallel_loop3A_337 = arith.constant 400 : index
        %parallel_loop3A_338 = tpu.vector_load %arg5[%parallel_loop3A_336, %parallel_loop3A_337] {strides = array<i32>} : memref<32x1024xf32, #tpu.memory_space<vmem>>, vector<1x16xf32>,
        %parallel_loop3A_339 = vector.shape_cast %parallel_loop3A_338 : vector<1x16xf32> to vector<16xf32>
        %parallel_loop3A_340 = arith.constant 0.000000e+00 : f32
        %parallel_loop3A_341 = vector.broadcast %parallel_loop3A_340 : f32 to vector<16xf32>
        %parallel_loop3A_342 = arith.cmpf ogt, %parallel_loop3A_339, %parallel_loop3A_341 : vector<16xf32>
        %parallel_loop3A_343 = arith.select %parallel_loop3A_342, %broadcast_in_dim3A_3, %broadcast_in_dim3A_5 : vector<16xi1>, vector<16xi32>
        %parallel_loop3A_344 = arith.addi %parallel_loop3A_272, %parallel_loop3A_343 : vector<16xi32>
        %parallel_loop3A_345 = arith.index_cast %parallel_loop3A_102 : i32 to index
        %parallel_loop3A_346 = arith.constant 416 : index
        %parallel_loop3A_347 = tpu.vector_load %arg5[%parallel_loop3A_345, %parallel_loop3A_346] {strides = array<i32>} : memref<32x1024xf32, #tpu.memory_space<vmem>>, vector<1x16xf32>,
        %parallel_loop3A_348 = vector.shape_cast %parallel_loop3A_347 : vector<1x16xf32> to vector<16xf32>
        %parallel_loop3A_349 = arith.constant 0.000000e+00 : f32
        %parallel_loop3A_350 = vector.broadcast %parallel_loop3A_349 : f32 to vector<16xf32>
        %parallel_loop3A_351 = arith.cmpf ogt, %parallel_loop3A_348, %parallel_loop3A_350 : vector<16xf32>
        %parallel_loop3A_352 = arith.select %parallel_loop3A_351, %broadcast_in_dim3A_3, %broadcast_in_dim3A_5 : vector<16xi1>, vector<16xi32>
        %parallel_loop3A_353 = arith.addi %parallel_loop3A_281, %parallel_loop3A_352 : vector<16xi32>
        %parallel_loop3A_354 = arith.index_cast %parallel_loop3A_102 : i32 to index
        %parallel_loop3A_355 = arith.constant 432 : index
        %parallel_loop3A_356 = tpu.vector_load %arg5[%parallel_loop3A_354, %parallel_loop3A_355] {strides = array<i32>} : memref<32x1024xf32, #tpu.memory_space<vmem>>, vector<1x16xf32>,
        %parallel_loop3A_357 = vector.shape_cast %parallel_loop3A_356 : vector<1x16xf32> to vector<16xf32>
        %parallel_loop3A_358 = arith.constant 0.000000e+00 : f32
        %parallel_loop3A_359 = vector.broadcast %parallel_loop3A_358 : f32 to vector<16xf32>
        %parallel_loop3A_360 = arith.cmpf ogt, %parallel_loop3A_357, %parallel_loop3A_359 : vector<16xf32>
        %parallel_loop3A_361 = arith.select %parallel_loop3A_360, %broadcast_in_dim3A_3, %broadcast_in_dim3A_5 : vector<16xi1>, vector<16xi32>
        %parallel_loop3A_362 = arith.addi %parallel_loop3A_290, %parallel_loop3A_361 : vector<16xi32>
        %parallel_loop3A_363 = arith.index_cast %parallel_loop3A_102 : i32 to index
        %parallel_loop3A_364 = arith.constant 448 : index
        %parallel_loop3A_365 = tpu.vector_load %arg5[%parallel_loop3A_363, %parallel_loop3A_364] {strides = array<i32>} : memref<32x1024xf32, #tpu.memory_space<vmem>>, vector<1x16xf32>,
        %parallel_loop3A_366 = vector.shape_cast %parallel_loop3A_365 : vector<1x16xf32> to vector<16xf32>
        %parallel_loop3A_367 = arith.constant 0.000000e+00 : f32
        %parallel_loop3A_368 = vector.broadcast %parallel_loop3A_367 : f32 to vector<16xf32>
        %parallel_loop3A_369 = arith.cmpf ogt, %parallel_loop3A_366, %parallel_loop3A_368 : vector<16xf32>
        %parallel_loop3A_370 = arith.select %parallel_loop3A_369, %broadcast_in_dim3A_3, %broadcast_in_dim3A_5 : vector<16xi1>, vector<16xi32>
        %parallel_loop3A_371 = arith.addi %parallel_loop3A_299, %parallel_loop3A_370 : vector<16xi32>
        %parallel_loop3A_372 = arith.index_cast %parallel_loop3A_102 : i32 to index
        %parallel_loop3A_373 = arith.constant 464 : index
        %parallel_loop3A_374 = tpu.vector_load %arg5[%parallel_loop3A_372, %parallel_loop3A_373] {strides = array<i32>} : memref<32x1024xf32, #tpu.memory_space<vmem>>, vector<1x16xf32>,
        %parallel_loop3A_375 = vector.shape_cast %parallel_loop3A_374 : vector<1x16xf32> to vector<16xf32>
        %parallel_loop3A_376 = arith.constant 0.000000e+00 : f32
        %parallel_loop3A_377 = vector.broadcast %parallel_loop3A_376 : f32 to vector<16xf32>
        %parallel_loop3A_378 = arith.cmpf ogt, %parallel_loop3A_375, %parallel_loop3A_377 : vector<16xf32>
        %parallel_loop3A_379 = arith.select %parallel_loop3A_378, %broadcast_in_dim3A_3, %broadcast_in_dim3A_5 : vector<16xi1>, vector<16xi32>
        %parallel_loop3A_380 = arith.addi %parallel_loop3A_308, %parallel_loop3A_379 : vector<16xi32>
        %parallel_loop3A_381 = arith.index_cast %parallel_loop3A_102 : i32 to index
        %parallel_loop3A_382 = arith.constant 480 : index
        %parallel_loop3A_383 = tpu.vector_load %arg5[%parallel_loop3A_381, %parallel_loop3A_382] {strides = array<i32>} : memref<32x1024xf32, #tpu.memory_space<vmem>>, vector<1x16xf32>,
        %parallel_loop3A_384 = vector.shape_cast %parallel_loop3A_383 : vector<1x16xf32> to vector<16xf32>
        %parallel_loop3A_385 = arith.constant 0.000000e+00 : f32
        %parallel_loop3A_386 = vector.broadcast %parallel_loop3A_385 : f32 to vector<16xf32>
        %parallel_loop3A_387 = arith.cmpf ogt, %parallel_loop3A_384, %parallel_loop3A_386 : vector<16xf32>
        %parallel_loop3A_388 = arith.select %parallel_loop3A_387, %broadcast_in_dim3A_3, %broadcast_in_dim3A_5 : vector<16xi1>, vector<16xi32>
        %parallel_loop3A_389 = arith.addi %parallel_loop3A_317, %parallel_loop3A_388 : vector<16xi32>
        %parallel_loop3A_390 = arith.index_cast %parallel_loop3A_102 : i32 to index
        %parallel_loop3A_391 = arith.constant 496 : index
        %parallel_loop3A_392 = tpu.vector_load %arg5[%parallel_loop3A_390, %parallel_loop3A_391] {strides = array<i32>} : memref<32x1024xf32, #tpu.memory_space<vmem>>, vector<1x16xf32>,
        %parallel_loop3A_393 = vector.shape_cast %parallel_loop3A_392 : vector<1x16xf32> to vector<16xf32>
        %parallel_loop3A_394 = arith.constant 0.000000e+00 : f32
        %parallel_loop3A_395 = vector.broadcast %parallel_loop3A_394 : f32 to vector<16xf32>
        %parallel_loop3A_396 = arith.cmpf ogt, %parallel_loop3A_393, %parallel_loop3A_395 : vector<16xf32>
        %parallel_loop3A_397 = arith.select %parallel_loop3A_396, %broadcast_in_dim3A_3, %broadcast_in_dim3A_5 : vector<16xi1>, vector<16xi32>
        %parallel_loop3A_398 = arith.addi %parallel_loop3A_326, %parallel_loop3A_397 : vector<16xi32>
        %parallel_loop3A_399 = arith.index_cast %parallel_loop3A_102 : i32 to index
        %parallel_loop3A_400 = arith.constant 512 : index
        %parallel_loop3A_401 = tpu.vector_load %arg5[%parallel_loop3A_399, %parallel_loop3A_400] {strides = array<i32>} : memref<32x1024xf32, #tpu.memory_space<vmem>>, vector<1x16xf32>,
        %parallel_loop3A_402 = vector.shape_cast %parallel_loop3A_401 : vector<1x16xf32> to vector<16xf32>
        %parallel_loop3A_403 = arith.constant 0.000000e+00 : f32
        %parallel_loop3A_404 = vector.broadcast %parallel_loop3A_403 : f32 to vector<16xf32>
        %parallel_loop3A_405 = arith.cmpf ogt, %parallel_loop3A_402, %parallel_loop3A_404 : vector<16xf32>
        %parallel_loop3A_406 = arith.select %parallel_loop3A_405, %broadcast_in_dim3A_3, %broadcast_in_dim3A_5 : vector<16xi1>, vector<16xi32>
        %parallel_loop3A_407 = arith.addi %parallel_loop3A_335, %parallel_loop3A_406 : vector<16xi32>
        %parallel_loop3A_408 = arith.index_cast %parallel_loop3A_102 : i32 to index
        %parallel_loop3A_409 = arith.constant 528 : index
        %parallel_loop3A_410 = tpu.vector_load %arg5[%parallel_loop3A_408, %parallel_loop3A_409] {strides = array<i32>} : memref<32x1024xf32, #tpu.memory_space<vmem>>, vector<1x16xf32>,
        %parallel_loop3A_411 = vector.shape_cast %parallel_loop3A_410 : vector<1x16xf32> to vector<16xf32>
        %parallel_loop3A_412 = arith.constant 0.000000e+00 : f32
        %parallel_loop3A_413 = vector.broadcast %parallel_loop3A_412 : f32 to vector<16xf32>
        %parallel_loop3A_414 = arith.cmpf ogt, %parallel_loop3A_411, %parallel_loop3A_413 : vector<16xf32>
        %parallel_loop3A_415 = arith.select %parallel_loop3A_414, %broadcast_in_dim3A_3, %broadcast_in_dim3A_5 : vector<16xi1>, vector<16xi32>
        %parallel_loop3A_416 = arith.addi %parallel_loop3A_344, %parallel_loop3A_415 : vector<16xi32>
        %parallel_loop3A_417 = arith.index_cast %parallel_loop3A_102 : i32 to index
        %parallel_loop3A_418 = arith.constant 544 : index
        %parallel_loop3A_419 = tpu.vector_load %arg5[%parallel_loop3A_417, %parallel_loop3A_418] {strides = array<i32>} : memref<32x1024xf32, #tpu.memory_space<vmem>>, vector<1x16xf32>,
        %parallel_loop3A_420 = vector.shape_cast %parallel_loop3A_419 : vector<1x16xf32> to vector<16xf32>
        %parallel_loop3A_421 = arith.constant 0.000000e+00 : f32
        %parallel_loop3A_422 = vector.broadcast %parallel_loop3A_421 : f32 to vector<16xf32>
        %parallel_loop3A_423 = arith.cmpf ogt, %parallel_loop3A_420, %parallel_loop3A_422 : vector<16xf32>
        %parallel_loop3A_424 = arith.select %parallel_loop3A_423, %broadcast_in_dim3A_3, %broadcast_in_dim3A_5 : vector<16xi1>, vector<16xi32>
        %parallel_loop3A_425 = arith.addi %parallel_loop3A_353, %parallel_loop3A_424 : vector<16xi32>
        %parallel_loop3A_426 = arith.index_cast %parallel_loop3A_102 : i32 to index
        %parallel_loop3A_427 = arith.constant 560 : index
        %parallel_loop3A_428 = tpu.vector_load %arg5[%parallel_loop3A_426, %parallel_loop3A_427] {strides = array<i32>} : memref<32x1024xf32, #tpu.memory_space<vmem>>, vector<1x16xf32>,
        %parallel_loop3A_429 = vector.shape_cast %parallel_loop3A_428 : vector<1x16xf32> to vector<16xf32>
        %parallel_loop3A_430 = arith.constant 0.000000e+00 : f32
        %parallel_loop3A_431 = vector.broadcast %parallel_loop3A_430 : f32 to vector<16xf32>
        %parallel_loop3A_432 = arith.cmpf ogt, %parallel_loop3A_429, %parallel_loop3A_431 : vector<16xf32>
        %parallel_loop3A_433 = arith.select %parallel_loop3A_432, %broadcast_in_dim3A_3, %broadcast_in_dim3A_5 : vector<16xi1>, vector<16xi32>
        %parallel_loop3A_434 = arith.addi %parallel_loop3A_362, %parallel_loop3A_433 : vector<16xi32>
        %parallel_loop3A_435 = arith.index_cast %parallel_loop3A_102 : i32 to index
        %parallel_loop3A_436 = arith.constant 576 : index
        %parallel_loop3A_437 = tpu.vector_load %arg5[%parallel_loop3A_435, %parallel_loop3A_436] {strides = array<i32>} : memref<32x1024xf32, #tpu.memory_space<vmem>>, vector<1x16xf32>,
        %parallel_loop3A_438 = vector.shape_cast %parallel_loop3A_437 : vector<1x16xf32> to vector<16xf32>
        %parallel_loop3A_439 = arith.constant 0.000000e+00 : f32
        %parallel_loop3A_440 = vector.broadcast %parallel_loop3A_439 : f32 to vector<16xf32>
        %parallel_loop3A_441 = arith.cmpf ogt, %parallel_loop3A_438, %parallel_loop3A_440 : vector<16xf32>
        %parallel_loop3A_442 = arith.select %parallel_loop3A_441, %broadcast_in_dim3A_3, %broadcast_in_dim3A_5 : vector<16xi1>, vector<16xi32>
        %parallel_loop3A_443 = arith.addi %parallel_loop3A_371, %parallel_loop3A_442 : vector<16xi32>
        %parallel_loop3A_444 = arith.index_cast %parallel_loop3A_102 : i32 to index
        %parallel_loop3A_445 = arith.constant 592 : index
        %parallel_loop3A_446 = tpu.vector_load %arg5[%parallel_loop3A_444, %parallel_loop3A_445] {strides = array<i32>} : memref<32x1024xf32, #tpu.memory_space<vmem>>, vector<1x16xf32>,
        %parallel_loop3A_447 = vector.shape_cast %parallel_loop3A_446 : vector<1x16xf32> to vector<16xf32>
        %parallel_loop3A_448 = arith.constant 0.000000e+00 : f32
        %parallel_loop3A_449 = vector.broadcast %parallel_loop3A_448 : f32 to vector<16xf32>
        %parallel_loop3A_450 = arith.cmpf ogt, %parallel_loop3A_447, %parallel_loop3A_449 : vector<16xf32>
        %parallel_loop3A_451 = arith.select %parallel_loop3A_450, %broadcast_in_dim3A_3, %broadcast_in_dim3A_5 : vector<16xi1>, vector<16xi32>
        %parallel_loop3A_452 = arith.addi %parallel_loop3A_380, %parallel_loop3A_451 : vector<16xi32>
        %parallel_loop3A_453 = arith.index_cast %parallel_loop3A_102 : i32 to index
        %parallel_loop3A_454 = arith.constant 608 : index
        %parallel_loop3A_455 = tpu.vector_load %arg5[%parallel_loop3A_453, %parallel_loop3A_454] {strides = array<i32>} : memref<32x1024xf32, #tpu.memory_space<vmem>>, vector<1x16xf32>,
        %parallel_loop3A_456 = vector.shape_cast %parallel_loop3A_455 : vector<1x16xf32> to vector<16xf32>
        %parallel_loop3A_457 = arith.constant 0.000000e+00 : f32
        %parallel_loop3A_458 = vector.broadcast %parallel_loop3A_457 : f32 to vector<16xf32>
        %parallel_loop3A_459 = arith.cmpf ogt, %parallel_loop3A_456, %parallel_loop3A_458 : vector<16xf32>
        %parallel_loop3A_460 = arith.select %parallel_loop3A_459, %broadcast_in_dim3A_3, %broadcast_in_dim3A_5 : vector<16xi1>, vector<16xi32>
        %parallel_loop3A_461 = arith.addi %parallel_loop3A_389, %parallel_loop3A_460 : vector<16xi32>
        %parallel_loop3A_462 = arith.index_cast %parallel_loop3A_102 : i32 to index
        %parallel_loop3A_463 = arith.constant 624 : index
        %parallel_loop3A_464 = tpu.vector_load %arg5[%parallel_loop3A_462, %parallel_loop3A_463] {strides = array<i32>} : memref<32x1024xf32, #tpu.memory_space<vmem>>, vector<1x16xf32>,
        %parallel_loop3A_465 = vector.shape_cast %parallel_loop3A_464 : vector<1x16xf32> to vector<16xf32>
        %parallel_loop3A_466 = arith.constant 0.000000e+00 : f32
        %parallel_loop3A_467 = vector.broadcast %parallel_loop3A_466 : f32 to vector<16xf32>
        %parallel_loop3A_468 = arith.cmpf ogt, %parallel_loop3A_465, %parallel_loop3A_467 : vector<16xf32>
        %parallel_loop3A_469 = arith.select %parallel_loop3A_468, %broadcast_in_dim3A_3, %broadcast_in_dim3A_5 : vector<16xi1>, vector<16xi32>
        %parallel_loop3A_470 = arith.addi %parallel_loop3A_398, %parallel_loop3A_469 : vector<16xi32>
        %parallel_loop3A_471 = arith.index_cast %parallel_loop3A_102 : i32 to index
        %parallel_loop3A_472 = arith.constant 640 : index
        %parallel_loop3A_473 = tpu.vector_load %arg5[%parallel_loop3A_471, %parallel_loop3A_472] {strides = array<i32>} : memref<32x1024xf32, #tpu.memory_space<vmem>>, vector<1x16xf32>,
        %parallel_loop3A_474 = vector.shape_cast %parallel_loop3A_473 : vector<1x16xf32> to vector<16xf32>
        %parallel_loop3A_475 = arith.constant 0.000000e+00 : f32
        %parallel_loop3A_476 = vector.broadcast %parallel_loop3A_475 : f32 to vector<16xf32>
        %parallel_loop3A_477 = arith.cmpf ogt, %parallel_loop3A_474, %parallel_loop3A_476 : vector<16xf32>
        %parallel_loop3A_478 = arith.select %parallel_loop3A_477, %broadcast_in_dim3A_3, %broadcast_in_dim3A_5 : vector<16xi1>, vector<16xi32>
        %parallel_loop3A_479 = arith.addi %parallel_loop3A_407, %parallel_loop3A_478 : vector<16xi32>
        %parallel_loop3A_480 = arith.index_cast %parallel_loop3A_102 : i32 to index
        %parallel_loop3A_481 = arith.constant 656 : index
        %parallel_loop3A_482 = tpu.vector_load %arg5[%parallel_loop3A_480, %parallel_loop3A_481] {strides = array<i32>} : memref<32x1024xf32, #tpu.memory_space<vmem>>, vector<1x16xf32>,
        %parallel_loop3A_483 = vector.shape_cast %parallel_loop3A_482 : vector<1x16xf32> to vector<16xf32>
        %parallel_loop3A_484 = arith.constant 0.000000e+00 : f32
        %parallel_loop3A_485 = vector.broadcast %parallel_loop3A_484 : f32 to vector<16xf32>
        %parallel_loop3A_486 = arith.cmpf ogt, %parallel_loop3A_483, %parallel_loop3A_485 : vector<16xf32>
        %parallel_loop3A_487 = arith.select %parallel_loop3A_486, %broadcast_in_dim3A_3, %broadcast_in_dim3A_5 : vector<16xi1>, vector<16xi32>
        %parallel_loop3A_488 = arith.addi %parallel_loop3A_416, %parallel_loop3A_487 : vector<16xi32>
        %parallel_loop3A_489 = arith.index_cast %parallel_loop3A_102 : i32 to index
        %parallel_loop3A_490 = arith.constant 672 : index
        %parallel_loop3A_491 = tpu.vector_load %arg5[%parallel_loop3A_489, %parallel_loop3A_490] {strides = array<i32>} : memref<32x1024xf32, #tpu.memory_space<vmem>>, vector<1x16xf32>,
        %parallel_loop3A_492 = vector.shape_cast %parallel_loop3A_491 : vector<1x16xf32> to vector<16xf32>
        %parallel_loop3A_493 = arith.constant 0.000000e+00 : f32
        %parallel_loop3A_494 = vector.broadcast %parallel_loop3A_493 : f32 to vector<16xf32>
        %parallel_loop3A_495 = arith.cmpf ogt, %parallel_loop3A_492, %parallel_loop3A_494 : vector<16xf32>
        %parallel_loop3A_496 = arith.select %parallel_loop3A_495, %broadcast_in_dim3A_3, %broadcast_in_dim3A_5 : vector<16xi1>, vector<16xi32>
        %parallel_loop3A_497 = arith.addi %parallel_loop3A_425, %parallel_loop3A_496 : vector<16xi32>
        %parallel_loop3A_498 = arith.index_cast %parallel_loop3A_102 : i32 to index
        %parallel_loop3A_499 = arith.constant 688 : index
        %parallel_loop3A_500 = tpu.vector_load %arg5[%parallel_loop3A_498, %parallel_loop3A_499] {strides = array<i32>} : memref<32x1024xf32, #tpu.memory_space<vmem>>, vector<1x16xf32>,
        %parallel_loop3A_501 = vector.shape_cast %parallel_loop3A_500 : vector<1x16xf32> to vector<16xf32>
        %parallel_loop3A_502 = arith.constant 0.000000e+00 : f32
        %parallel_loop3A_503 = vector.broadcast %parallel_loop3A_502 : f32 to vector<16xf32>
        %parallel_loop3A_504 = arith.cmpf ogt, %parallel_loop3A_501, %parallel_loop3A_503 : vector<16xf32>
        %parallel_loop3A_505 = arith.select %parallel_loop3A_504, %broadcast_in_dim3A_3, %broadcast_in_dim3A_5 : vector<16xi1>, vector<16xi32>
        %parallel_loop3A_506 = arith.addi %parallel_loop3A_434, %parallel_loop3A_505 : vector<16xi32>
        %parallel_loop3A_507 = arith.index_cast %parallel_loop3A_102 : i32 to index
        %parallel_loop3A_508 = arith.constant 704 : index
        %parallel_loop3A_509 = tpu.vector_load %arg5[%parallel_loop3A_507, %parallel_loop3A_508] {strides = array<i32>} : memref<32x1024xf32, #tpu.memory_space<vmem>>, vector<1x16xf32>,
        %parallel_loop3A_510 = vector.shape_cast %parallel_loop3A_509 : vector<1x16xf32> to vector<16xf32>
        %parallel_loop3A_511 = arith.constant 0.000000e+00 : f32
        %parallel_loop3A_512 = vector.broadcast %parallel_loop3A_511 : f32 to vector<16xf32>
        %parallel_loop3A_513 = arith.cmpf ogt, %parallel_loop3A_510, %parallel_loop3A_512 : vector<16xf32>
        %parallel_loop3A_514 = arith.select %parallel_loop3A_513, %broadcast_in_dim3A_3, %broadcast_in_dim3A_5 : vector<16xi1>, vector<16xi32>
        %parallel_loop3A_515 = arith.addi %parallel_loop3A_443, %parallel_loop3A_514 : vector<16xi32>
        %parallel_loop3A_516 = arith.index_cast %parallel_loop3A_102 : i32 to index
        %parallel_loop3A_517 = arith.constant 720 : index
        %parallel_loop3A_518 = tpu.vector_load %arg5[%parallel_loop3A_516, %parallel_loop3A_517] {strides = array<i32>} : memref<32x1024xf32, #tpu.memory_space<vmem>>, vector<1x16xf32>,
        %parallel_loop3A_519 = vector.shape_cast %parallel_loop3A_518 : vector<1x16xf32> to vector<16xf32>
        %parallel_loop3A_520 = arith.constant 0.000000e+00 : f32
        %parallel_loop3A_521 = vector.broadcast %parallel_loop3A_520 : f32 to vector<16xf32>
        %parallel_loop3A_522 = arith.cmpf ogt, %parallel_loop3A_519, %parallel_loop3A_521 : vector<16xf32>
        %parallel_loop3A_523 = arith.select %parallel_loop3A_522, %broadcast_in_dim3A_3, %broadcast_in_dim3A_5 : vector<16xi1>, vector<16xi32>
        %parallel_loop3A_524 = arith.addi %parallel_loop3A_452, %parallel_loop3A_523 : vector<16xi32>
        %parallel_loop3A_525 = arith.index_cast %parallel_loop3A_102 : i32 to index
        %parallel_loop3A_526 = arith.constant 736 : index
        %parallel_loop3A_527 = tpu.vector_load %arg5[%parallel_loop3A_525, %parallel_loop3A_526] {strides = array<i32>} : memref<32x1024xf32, #tpu.memory_space<vmem>>, vector<1x16xf32>,
        %parallel_loop3A_528 = vector.shape_cast %parallel_loop3A_527 : vector<1x16xf32> to vector<16xf32>
        %parallel_loop3A_529 = arith.constant 0.000000e+00 : f32
        %parallel_loop3A_530 = vector.broadcast %parallel_loop3A_529 : f32 to vector<16xf32>
        %parallel_loop3A_531 = arith.cmpf ogt, %parallel_loop3A_528, %parallel_loop3A_530 : vector<16xf32>
        %parallel_loop3A_532 = arith.select %parallel_loop3A_531, %broadcast_in_dim3A_3, %broadcast_in_dim3A_5 : vector<16xi1>, vector<16xi32>
        %parallel_loop3A_533 = arith.addi %parallel_loop3A_461, %parallel_loop3A_532 : vector<16xi32>
        %parallel_loop3A_534 = arith.index_cast %parallel_loop3A_102 : i32 to index
        %parallel_loop3A_535 = arith.constant 752 : index
        %parallel_loop3A_536 = tpu.vector_load %arg5[%parallel_loop3A_534, %parallel_loop3A_535] {strides = array<i32>} : memref<32x1024xf32, #tpu.memory_space<vmem>>, vector<1x16xf32>,
        %parallel_loop3A_537 = vector.shape_cast %parallel_loop3A_536 : vector<1x16xf32> to vector<16xf32>
        %parallel_loop3A_538 = arith.constant 0.000000e+00 : f32
        %parallel_loop3A_539 = vector.broadcast %parallel_loop3A_538 : f32 to vector<16xf32>
        %parallel_loop3A_540 = arith.cmpf ogt, %parallel_loop3A_537, %parallel_loop3A_539 : vector<16xf32>
        %parallel_loop3A_541 = arith.select %parallel_loop3A_540, %broadcast_in_dim3A_3, %broadcast_in_dim3A_5 : vector<16xi1>, vector<16xi32>
        %parallel_loop3A_542 = arith.addi %parallel_loop3A_470, %parallel_loop3A_541 : vector<16xi32>
        %parallel_loop3A_543 = arith.index_cast %parallel_loop3A_102 : i32 to index
        %parallel_loop3A_544 = arith.constant 768 : index
        %parallel_loop3A_545 = tpu.vector_load %arg5[%parallel_loop3A_543, %parallel_loop3A_544] {strides = array<i32>} : memref<32x1024xf32, #tpu.memory_space<vmem>>, vector<1x16xf32>,
        %parallel_loop3A_546 = vector.shape_cast %parallel_loop3A_545 : vector<1x16xf32> to vector<16xf32>
        %parallel_loop3A_547 = arith.constant 0.000000e+00 : f32
        %parallel_loop3A_548 = vector.broadcast %parallel_loop3A_547 : f32 to vector<16xf32>
        %parallel_loop3A_549 = arith.cmpf ogt, %parallel_loop3A_546, %parallel_loop3A_548 : vector<16xf32>
        %parallel_loop3A_550 = arith.select %parallel_loop3A_549, %broadcast_in_dim3A_3, %broadcast_in_dim3A_5 : vector<16xi1>, vector<16xi32>
        %parallel_loop3A_551 = arith.addi %parallel_loop3A_479, %parallel_loop3A_550 : vector<16xi32>
        %parallel_loop3A_552 = arith.index_cast %parallel_loop3A_102 : i32 to index
        %parallel_loop3A_553 = arith.constant 784 : index
        %parallel_loop3A_554 = tpu.vector_load %arg5[%parallel_loop3A_552, %parallel_loop3A_553] {strides = array<i32>} : memref<32x1024xf32, #tpu.memory_space<vmem>>, vector<1x16xf32>,
        %parallel_loop3A_555 = vector.shape_cast %parallel_loop3A_554 : vector<1x16xf32> to vector<16xf32>
        %parallel_loop3A_556 = arith.constant 0.000000e+00 : f32
        %parallel_loop3A_557 = vector.broadcast %parallel_loop3A_556 : f32 to vector<16xf32>
        %parallel_loop3A_558 = arith.cmpf ogt, %parallel_loop3A_555, %parallel_loop3A_557 : vector<16xf32>
        %parallel_loop3A_559 = arith.select %parallel_loop3A_558, %broadcast_in_dim3A_3, %broadcast_in_dim3A_5 : vector<16xi1>, vector<16xi32>
        %parallel_loop3A_560 = arith.addi %parallel_loop3A_488, %parallel_loop3A_559 : vector<16xi32>
        %parallel_loop3A_561 = arith.index_cast %parallel_loop3A_102 : i32 to index
        %parallel_loop3A_562 = arith.constant 800 : index
        %parallel_loop3A_563 = tpu.vector_load %arg5[%parallel_loop3A_561, %parallel_loop3A_562] {strides = array<i32>} : memref<32x1024xf32, #tpu.memory_space<vmem>>, vector<1x16xf32>,
        %parallel_loop3A_564 = vector.shape_cast %parallel_loop3A_563 : vector<1x16xf32> to vector<16xf32>
        %parallel_loop3A_565 = arith.constant 0.000000e+00 : f32
        %parallel_loop3A_566 = vector.broadcast %parallel_loop3A_565 : f32 to vector<16xf32>
        %parallel_loop3A_567 = arith.cmpf ogt, %parallel_loop3A_564, %parallel_loop3A_566 : vector<16xf32>
        %parallel_loop3A_568 = arith.select %parallel_loop3A_567, %broadcast_in_dim3A_3, %broadcast_in_dim3A_5 : vector<16xi1>, vector<16xi32>
        %parallel_loop3A_569 = arith.addi %parallel_loop3A_497, %parallel_loop3A_568 : vector<16xi32>
        %parallel_loop3A_570 = arith.index_cast %parallel_loop3A_102 : i32 to index
        %parallel_loop3A_571 = arith.constant 816 : index
        %parallel_loop3A_572 = tpu.vector_load %arg5[%parallel_loop3A_570, %parallel_loop3A_571] {strides = array<i32>} : memref<32x1024xf32, #tpu.memory_space<vmem>>, vector<1x16xf32>,
        %parallel_loop3A_573 = vector.shape_cast %parallel_loop3A_572 : vector<1x16xf32> to vector<16xf32>
        %parallel_loop3A_574 = arith.constant 0.000000e+00 : f32
        %parallel_loop3A_575 = vector.broadcast %parallel_loop3A_574 : f32 to vector<16xf32>
        %parallel_loop3A_576 = arith.cmpf ogt, %parallel_loop3A_573, %parallel_loop3A_575 : vector<16xf32>
        %parallel_loop3A_577 = arith.select %parallel_loop3A_576, %broadcast_in_dim3A_3, %broadcast_in_dim3A_5 : vector<16xi1>, vector<16xi32>
        %parallel_loop3A_578 = arith.addi %parallel_loop3A_506, %parallel_loop3A_577 : vector<16xi32>
        %parallel_loop3A_579 = arith.index_cast %parallel_loop3A_102 : i32 to index
        %parallel_loop3A_580 = arith.constant 832 : index
        %parallel_loop3A_581 = tpu.vector_load %arg5[%parallel_loop3A_579, %parallel_loop3A_580] {strides = array<i32>} : memref<32x1024xf32, #tpu.memory_space<vmem>>, vector<1x16xf32>,
        %parallel_loop3A_582 = vector.shape_cast %parallel_loop3A_581 : vector<1x16xf32> to vector<16xf32>
        %parallel_loop3A_583 = arith.constant 0.000000e+00 : f32
        %parallel_loop3A_584 = vector.broadcast %parallel_loop3A_583 : f32 to vector<16xf32>
        %parallel_loop3A_585 = arith.cmpf ogt, %parallel_loop3A_582, %parallel_loop3A_584 : vector<16xf32>
        %parallel_loop3A_586 = arith.select %parallel_loop3A_585, %broadcast_in_dim3A_3, %broadcast_in_dim3A_5 : vector<16xi1>, vector<16xi32>
        %parallel_loop3A_587 = arith.addi %parallel_loop3A_515, %parallel_loop3A_586 : vector<16xi32>
        %parallel_loop3A_588 = arith.index_cast %parallel_loop3A_102 : i32 to index
        %parallel_loop3A_589 = arith.constant 848 : index
        %parallel_loop3A_590 = tpu.vector_load %arg5[%parallel_loop3A_588, %parallel_loop3A_589] {strides = array<i32>} : memref<32x1024xf32, #tpu.memory_space<vmem>>, vector<1x16xf32>,
        %parallel_loop3A_591 = vector.shape_cast %parallel_loop3A_590 : vector<1x16xf32> to vector<16xf32>
        %parallel_loop3A_592 = arith.constant 0.000000e+00 : f32
        %parallel_loop3A_593 = vector.broadcast %parallel_loop3A_592 : f32 to vector<16xf32>
        %parallel_loop3A_594 = arith.cmpf ogt, %parallel_loop3A_591, %parallel_loop3A_593 : vector<16xf32>
        %parallel_loop3A_595 = arith.select %parallel_loop3A_594, %broadcast_in_dim3A_3, %broadcast_in_dim3A_5 : vector<16xi1>, vector<16xi32>
        %parallel_loop3A_596 = arith.addi %parallel_loop3A_524, %parallel_loop3A_595 : vector<16xi32>
        %parallel_loop3A_597 = arith.index_cast %parallel_loop3A_102 : i32 to index
        %parallel_loop3A_598 = arith.constant 864 : index
        %parallel_loop3A_599 = tpu.vector_load %arg5[%parallel_loop3A_597, %parallel_loop3A_598] {strides = array<i32>} : memref<32x1024xf32, #tpu.memory_space<vmem>>, vector<1x16xf32>,
        %parallel_loop3A_600 = vector.shape_cast %parallel_loop3A_599 : vector<1x16xf32> to vector<16xf32>
        %parallel_loop3A_601 = arith.constant 0.000000e+00 : f32
        %parallel_loop3A_602 = vector.broadcast %parallel_loop3A_601 : f32 to vector<16xf32>
        %parallel_loop3A_603 = arith.cmpf ogt, %parallel_loop3A_600, %parallel_loop3A_602 : vector<16xf32>
        %parallel_loop3A_604 = arith.select %parallel_loop3A_603, %broadcast_in_dim3A_3, %broadcast_in_dim3A_5 : vector<16xi1>, vector<16xi32>
        %parallel_loop3A_605 = arith.addi %parallel_loop3A_533, %parallel_loop3A_604 : vector<16xi32>
        %parallel_loop3A_606 = arith.index_cast %parallel_loop3A_102 : i32 to index
        %parallel_loop3A_607 = arith.constant 880 : index
        %parallel_loop3A_608 = tpu.vector_load %arg5[%parallel_loop3A_606, %parallel_loop3A_607] {strides = array<i32>} : memref<32x1024xf32, #tpu.memory_space<vmem>>, vector<1x16xf32>,
        %parallel_loop3A_609 = vector.shape_cast %parallel_loop3A_608 : vector<1x16xf32> to vector<16xf32>
        %parallel_loop3A_610 = arith.constant 0.000000e+00 : f32
        %parallel_loop3A_611 = vector.broadcast %parallel_loop3A_610 : f32 to vector<16xf32>
        %parallel_loop3A_612 = arith.cmpf ogt, %parallel_loop3A_609, %parallel_loop3A_611 : vector<16xf32>
        %parallel_loop3A_613 = arith.select %parallel_loop3A_612, %broadcast_in_dim3A_3, %broadcast_in_dim3A_5 : vector<16xi1>, vector<16xi32>
        %parallel_loop3A_614 = arith.addi %parallel_loop3A_542, %parallel_loop3A_613 : vector<16xi32>
        %parallel_loop3A_615 = arith.index_cast %parallel_loop3A_102 : i32 to index
        %parallel_loop3A_616 = arith.constant 896 : index
        %parallel_loop3A_617 = tpu.vector_load %arg5[%parallel_loop3A_615, %parallel_loop3A_616] {strides = array<i32>} : memref<32x1024xf32, #tpu.memory_space<vmem>>, vector<1x16xf32>,
        %parallel_loop3A_618 = vector.shape_cast %parallel_loop3A_617 : vector<1x16xf32> to vector<16xf32>
        %parallel_loop3A_619 = arith.constant 0.000000e+00 : f32
        %parallel_loop3A_620 = vector.broadcast %parallel_loop3A_619 : f32 to vector<16xf32>
        %parallel_loop3A_621 = arith.cmpf ogt, %parallel_loop3A_618, %parallel_loop3A_620 : vector<16xf32>
        %parallel_loop3A_622 = arith.select %parallel_loop3A_621, %broadcast_in_dim3A_3, %broadcast_in_dim3A_5 : vector<16xi1>, vector<16xi32>
        %parallel_loop3A_623 = arith.addi %parallel_loop3A_551, %parallel_loop3A_622 : vector<16xi32>
        %parallel_loop3A_624 = arith.index_cast %parallel_loop3A_102 : i32 to index
        %parallel_loop3A_625 = arith.constant 912 : index
        %parallel_loop3A_626 = tpu.vector_load %arg5[%parallel_loop3A_624, %parallel_loop3A_625] {strides = array<i32>} : memref<32x1024xf32, #tpu.memory_space<vmem>>, vector<1x16xf32>,
        %parallel_loop3A_627 = vector.shape_cast %parallel_loop3A_626 : vector<1x16xf32> to vector<16xf32>
        %parallel_loop3A_628 = arith.constant 0.000000e+00 : f32
        %parallel_loop3A_629 = vector.broadcast %parallel_loop3A_628 : f32 to vector<16xf32>
        %parallel_loop3A_630 = arith.cmpf ogt, %parallel_loop3A_627, %parallel_loop3A_629 : vector<16xf32>
        %parallel_loop3A_631 = arith.select %parallel_loop3A_630, %broadcast_in_dim3A_3, %broadcast_in_dim3A_5 : vector<16xi1>, vector<16xi32>
        %parallel_loop3A_632 = arith.addi %parallel_loop3A_560, %parallel_loop3A_631 : vector<16xi32>
        %parallel_loop3A_633 = arith.index_cast %parallel_loop3A_102 : i32 to index
        %parallel_loop3A_634 = arith.constant 928 : index
        %parallel_loop3A_635 = tpu.vector_load %arg5[%parallel_loop3A_633, %parallel_loop3A_634] {strides = array<i32>} : memref<32x1024xf32, #tpu.memory_space<vmem>>, vector<1x16xf32>,
        %parallel_loop3A_636 = vector.shape_cast %parallel_loop3A_635 : vector<1x16xf32> to vector<16xf32>
        %parallel_loop3A_637 = arith.constant 0.000000e+00 : f32
        %parallel_loop3A_638 = vector.broadcast %parallel_loop3A_637 : f32 to vector<16xf32>
        %parallel_loop3A_639 = arith.cmpf ogt, %parallel_loop3A_636, %parallel_loop3A_638 : vector<16xf32>
        %parallel_loop3A_640 = arith.select %parallel_loop3A_639, %broadcast_in_dim3A_3, %broadcast_in_dim3A_5 : vector<16xi1>, vector<16xi32>
        %parallel_loop3A_641 = arith.addi %parallel_loop3A_569, %parallel_loop3A_640 : vector<16xi32>
        %parallel_loop3A_642 = arith.index_cast %parallel_loop3A_102 : i32 to index
        %parallel_loop3A_643 = arith.constant 944 : index
        %parallel_loop3A_644 = tpu.vector_load %arg5[%parallel_loop3A_642, %parallel_loop3A_643] {strides = array<i32>} : memref<32x1024xf32, #tpu.memory_space<vmem>>, vector<1x16xf32>,
        %parallel_loop3A_645 = vector.shape_cast %parallel_loop3A_644 : vector<1x16xf32> to vector<16xf32>
        %parallel_loop3A_646 = arith.constant 0.000000e+00 : f32
        %parallel_loop3A_647 = vector.broadcast %parallel_loop3A_646 : f32 to vector<16xf32>
        %parallel_loop3A_648 = arith.cmpf ogt, %parallel_loop3A_645, %parallel_loop3A_647 : vector<16xf32>
        %parallel_loop3A_649 = arith.select %parallel_loop3A_648, %broadcast_in_dim3A_3, %broadcast_in_dim3A_5 : vector<16xi1>, vector<16xi32>
        %parallel_loop3A_650 = arith.addi %parallel_loop3A_578, %parallel_loop3A_649 : vector<16xi32>
        %parallel_loop3A_651 = arith.index_cast %parallel_loop3A_102 : i32 to index
        %parallel_loop3A_652 = arith.constant 960 : index
        %parallel_loop3A_653 = tpu.vector_load %arg5[%parallel_loop3A_651, %parallel_loop3A_652] {strides = array<i32>} : memref<32x1024xf32, #tpu.memory_space<vmem>>, vector<1x16xf32>,
        %parallel_loop3A_654 = vector.shape_cast %parallel_loop3A_653 : vector<1x16xf32> to vector<16xf32>
        %parallel_loop3A_655 = arith.constant 0.000000e+00 : f32
        %parallel_loop3A_656 = vector.broadcast %parallel_loop3A_655 : f32 to vector<16xf32>
        %parallel_loop3A_657 = arith.cmpf ogt, %parallel_loop3A_654, %parallel_loop3A_656 : vector<16xf32>
        %parallel_loop3A_658 = arith.select %parallel_loop3A_657, %broadcast_in_dim3A_3, %broadcast_in_dim3A_5 : vector<16xi1>, vector<16xi32>
        %parallel_loop3A_659 = arith.addi %parallel_loop3A_587, %parallel_loop3A_658 : vector<16xi32>
        %parallel_loop3A_660 = arith.index_cast %parallel_loop3A_102 : i32 to index
        %parallel_loop3A_661 = arith.constant 976 : index
        %parallel_loop3A_662 = tpu.vector_load %arg5[%parallel_loop3A_660, %parallel_loop3A_661] {strides = array<i32>} : memref<32x1024xf32, #tpu.memory_space<vmem>>, vector<1x16xf32>,
        %parallel_loop3A_663 = vector.shape_cast %parallel_loop3A_662 : vector<1x16xf32> to vector<16xf32>
        %parallel_loop3A_664 = arith.constant 0.000000e+00 : f32
        %parallel_loop3A_665 = vector.broadcast %parallel_loop3A_664 : f32 to vector<16xf32>
        %parallel_loop3A_666 = arith.cmpf ogt, %parallel_loop3A_663, %parallel_loop3A_665 : vector<16xf32>
        %parallel_loop3A_667 = arith.select %parallel_loop3A_666, %broadcast_in_dim3A_3, %broadcast_in_dim3A_5 : vector<16xi1>, vector<16xi32>
        %parallel_loop3A_668 = arith.addi %parallel_loop3A_596, %parallel_loop3A_667 : vector<16xi32>
        %parallel_loop3A_669 = arith.index_cast %parallel_loop3A_102 : i32 to index
        %parallel_loop3A_670 = arith.constant 992 : index
        %parallel_loop3A_671 = tpu.vector_load %arg5[%parallel_loop3A_669, %parallel_loop3A_670] {strides = array<i32>} : memref<32x1024xf32, #tpu.memory_space<vmem>>, vector<1x16xf32>,
        %parallel_loop3A_672 = vector.shape_cast %parallel_loop3A_671 : vector<1x16xf32> to vector<16xf32>
        %parallel_loop3A_673 = arith.constant 0.000000e+00 : f32
        %parallel_loop3A_674 = vector.broadcast %parallel_loop3A_673 : f32 to vector<16xf32>
        %parallel_loop3A_675 = arith.cmpf ogt, %parallel_loop3A_672, %parallel_loop3A_674 : vector<16xf32>
        %parallel_loop3A_676 = arith.select %parallel_loop3A_675, %broadcast_in_dim3A_3, %broadcast_in_dim3A_5 : vector<16xi1>, vector<16xi32>
        %parallel_loop3A_677 = arith.addi %parallel_loop3A_605, %parallel_loop3A_676 : vector<16xi32>
        %parallel_loop3A_678 = arith.index_cast %parallel_loop3A_102 : i32 to index
        %parallel_loop3A_679 = arith.constant 1008 : index
        %parallel_loop3A_680 = tpu.vector_load %arg5[%parallel_loop3A_678, %parallel_loop3A_679] {strides = array<i32>} : memref<32x1024xf32, #tpu.memory_space<vmem>>, vector<1x16xf32>,
        %parallel_loop3A_681 = vector.shape_cast %parallel_loop3A_680 : vector<1x16xf32> to vector<16xf32>
        %parallel_loop3A_682 = arith.constant 0.000000e+00 : f32
        %parallel_loop3A_683 = vector.broadcast %parallel_loop3A_682 : f32 to vector<16xf32>
        %parallel_loop3A_684 = arith.cmpf ogt, %parallel_loop3A_681, %parallel_loop3A_683 : vector<16xf32>
        %parallel_loop3A_685 = arith.select %parallel_loop3A_684, %broadcast_in_dim3A_3, %broadcast_in_dim3A_5 : vector<16xi1>, vector<16xi32>
        %parallel_loop3A_686 = arith.addi %parallel_loop3A_614, %parallel_loop3A_685 : vector<16xi32>
        scf.yield %parallel_loop3A_623, %parallel_loop3A_632, %parallel_loop3A_641, %parallel_loop3A_650, %parallel_loop3A_659, %parallel_loop3A_668, %parallel_loop3A_677, %parallel_loop3A_686 : vector<16xi32>, vector<16xi32>, vector<16xi32>, vector<16xi32>, vector<16xi32>, vector<16xi32>, vector<16xi32>, vector<16xi32>
      } {sc.loop_unroll_factor = 2 : i64, sc.parallel_access}
      %mul3A_75 = arith.constant 2 : i32
      %mul3A_76 = arith.muli %scan3A_60, %mul3A_75 : i32
      %add3A_77 = arith.constant 0 : i32
      %add3A_78 = arith.addi %mul3A_76, %add3A_77 : i32
      %add3A_79 = arith.constant 2 : i32
      %add3A_80 = arith.addi %add3A_78, %add3A_79 : i32
      %lt3A = arith.constant 8 : i32
      %lt3A_81 = arith.cmpi slt, %add3A_80, %lt3A : i32
      %convert_element_type3A = arith.extui %lt3A_81 : i1 to i32
      %cond3A = arith.constant 0 : i32
      %cond3A_82 = arith.cmpi ne, %convert_element_type3A, %cond3A : i32
      scf.if %cond3A_82 {
        %mul3A_102 = arith.constant 32 : i32
        %mul3A_103 = arith.muli %add3A_80, %mul3A_102 : i32
        %add3A_104 = arith.addi %mul3A_2, %mul3A_103 : i32
        %dma_start3A_105 = arith.constant 0 : i32
        %dma_start3A_106 = tpu.memref_slice %arg3[%add3A_104, %dma_start3A_105] : memref<32768x1024xf32, #tpu.memory_space<hbm>> -> memref<32x1024xf32, #tpu.memory_space<hbm>>
        %dma_start3A_107 = arith.constant 0 : i32
        %dma_start3A_108 = tpu.memref_slice %arg3[%add3A_104, %dma_start3A_107] : memref<32768x1024xf32, #tpu.memory_space<hbm>> -> memref<32x1024xf32, #tpu.memory_space<hbm>>
        tpu.enqueue_dma source(%dma_start3A_108 : memref<32x1024xf32, #tpu.memory_space<hbm>>) target(%arg5 : memref<32x1024xf32, #tpu.memory_space<vmem>>) target_semaphore(%arg8 : memref<!tpu.dma_semaphore, #tpu.memory_space<semaphore_mem>>)
      } else {
      }
      %dma_wait3A_83 = arith.constant 0 : i32
      %dma_wait3A_84 = tpu.memref_slice %arg3[%mul3A_2, %dma_wait3A_83] : memref<32768x1024xf32, #tpu.memory_space<hbm>> -> memref<32x1024xf32, #tpu.memory_space<hbm>>
      %dma_wait3A_85 = arith.constant 0 : i32
      %dma_wait3A_86 = tpu.memref_slice %arg3[%mul3A_2, %dma_wait3A_85] : memref<32768x1024xf32, #tpu.memory_space<hbm>> -> memref<32x1024xf32, #tpu.memory_space<hbm>>
      tpu.wait_dma2 semaphore(%arg9 : memref<!tpu.dma_semaphore, #tpu.memory_space<semaphore_mem>>) src(%dma_wait3A_86 : memref<32x1024xf32, #tpu.memory_space<hbm>>) dst(%arg6 : memref<32x1024xf32, #tpu.memory_space<vmem>>)
      %parallel_loop3A_87 = arith.constant 0 : i32
      %parallel_loop3A_88 = arith.constant 32 : i32
      %parallel_loop3A_89 = arith.constant 1 : i32
      %parallel_loop3A_90:8 = scf.for %parallel_loop3A_102 = %parallel_loop3A_87 to %parallel_loop3A_88 step %parallel_loop3A_89 iter_args(%parallel_loop3A_103 = %parallel_loop3A_74#0, %parallel_loop3A_104 = %parallel_loop3A_74#1, %parallel_loop3A_105 = %parallel_loop3A_74#2, %parallel_loop3A_106 = %parallel_loop3A_74#3, %parallel_loop3A_107 = %parallel_loop3A_74#4, %parallel_loop3A_108 = %parallel_loop3A_74#5, %parallel_loop3A_109 = %parallel_loop3A_74#6, %parallel_loop3A_110 = %parallel_loop3A_74#7) -> (vector<16xi32>, vector<16xi32>, vector<16xi32>, vector<16xi32>, vector<16xi32>, vector<16xi32>, vector<16xi32>, vector<16xi32>)  : i32 {
        %parallel_loop3A_111 = arith.index_cast %parallel_loop3A_102 : i32 to index
        %parallel_loop3A_112 = arith.constant 0 : index
        %parallel_loop3A_113 = tpu.vector_load %arg6[%parallel_loop3A_111, %parallel_loop3A_112] {strides = array<i32>} : memref<32x1024xf32, #tpu.memory_space<vmem>>, vector<1x16xf32>,
        %parallel_loop3A_114 = vector.shape_cast %parallel_loop3A_113 : vector<1x16xf32> to vector<16xf32>
        %parallel_loop3A_115 = arith.constant 0.000000e+00 : f32
        %parallel_loop3A_116 = vector.broadcast %parallel_loop3A_115 : f32 to vector<16xf32>
        %parallel_loop3A_117 = arith.cmpf ogt, %parallel_loop3A_114, %parallel_loop3A_116 : vector<16xf32>
        %parallel_loop3A_118 = arith.select %parallel_loop3A_117, %broadcast_in_dim3A_3, %broadcast_in_dim3A_5 : vector<16xi1>, vector<16xi32>
        %parallel_loop3A_119 = arith.addi %parallel_loop3A_103, %parallel_loop3A_118 : vector<16xi32>
        %parallel_loop3A_120 = arith.index_cast %parallel_loop3A_102 : i32 to index
        %parallel_loop3A_121 = arith.constant 16 : index
        %parallel_loop3A_122 = tpu.vector_load %arg6[%parallel_loop3A_120, %parallel_loop3A_121] {strides = array<i32>} : memref<32x1024xf32, #tpu.memory_space<vmem>>, vector<1x16xf32>,
        %parallel_loop3A_123 = vector.shape_cast %parallel_loop3A_122 : vector<1x16xf32> to vector<16xf32>
        %parallel_loop3A_124 = arith.constant 0.000000e+00 : f32
        %parallel_loop3A_125 = vector.broadcast %parallel_loop3A_124 : f32 to vector<16xf32>
        %parallel_loop3A_126 = arith.cmpf ogt, %parallel_loop3A_123, %parallel_loop3A_125 : vector<16xf32>
        %parallel_loop3A_127 = arith.select %parallel_loop3A_126, %broadcast_in_dim3A_3, %broadcast_in_dim3A_5 : vector<16xi1>, vector<16xi32>
        %parallel_loop3A_128 = arith.addi %parallel_loop3A_104, %parallel_loop3A_127 : vector<16xi32>
        %parallel_loop3A_129 = arith.index_cast %parallel_loop3A_102 : i32 to index
        %parallel_loop3A_130 = arith.constant 32 : index
        %parallel_loop3A_131 = tpu.vector_load %arg6[%parallel_loop3A_129, %parallel_loop3A_130] {strides = array<i32>} : memref<32x1024xf32, #tpu.memory_space<vmem>>, vector<1x16xf32>,
        %parallel_loop3A_132 = vector.shape_cast %parallel_loop3A_131 : vector<1x16xf32> to vector<16xf32>
        %parallel_loop3A_133 = arith.constant 0.000000e+00 : f32
        %parallel_loop3A_134 = vector.broadcast %parallel_loop3A_133 : f32 to vector<16xf32>
        %parallel_loop3A_135 = arith.cmpf ogt, %parallel_loop3A_132, %parallel_loop3A_134 : vector<16xf32>
        %parallel_loop3A_136 = arith.select %parallel_loop3A_135, %broadcast_in_dim3A_3, %broadcast_in_dim3A_5 : vector<16xi1>, vector<16xi32>
        %parallel_loop3A_137 = arith.addi %parallel_loop3A_105, %parallel_loop3A_136 : vector<16xi32>
        %parallel_loop3A_138 = arith.index_cast %parallel_loop3A_102 : i32 to index
        %parallel_loop3A_139 = arith.constant 48 : index
        %parallel_loop3A_140 = tpu.vector_load %arg6[%parallel_loop3A_138, %parallel_loop3A_139] {strides = array<i32>} : memref<32x1024xf32, #tpu.memory_space<vmem>>, vector<1x16xf32>,
        %parallel_loop3A_141 = vector.shape_cast %parallel_loop3A_140 : vector<1x16xf32> to vector<16xf32>
        %parallel_loop3A_142 = arith.constant 0.000000e+00 : f32
        %parallel_loop3A_143 = vector.broadcast %parallel_loop3A_142 : f32 to vector<16xf32>
        %parallel_loop3A_144 = arith.cmpf ogt, %parallel_loop3A_141, %parallel_loop3A_143 : vector<16xf32>
        %parallel_loop3A_145 = arith.select %parallel_loop3A_144, %broadcast_in_dim3A_3, %broadcast_in_dim3A_5 : vector<16xi1>, vector<16xi32>
        %parallel_loop3A_146 = arith.addi %parallel_loop3A_106, %parallel_loop3A_145 : vector<16xi32>
        %parallel_loop3A_147 = arith.index_cast %parallel_loop3A_102 : i32 to index
        %parallel_loop3A_148 = arith.constant 64 : index
        %parallel_loop3A_149 = tpu.vector_load %arg6[%parallel_loop3A_147, %parallel_loop3A_148] {strides = array<i32>} : memref<32x1024xf32, #tpu.memory_space<vmem>>, vector<1x16xf32>,
        %parallel_loop3A_150 = vector.shape_cast %parallel_loop3A_149 : vector<1x16xf32> to vector<16xf32>
        %parallel_loop3A_151 = arith.constant 0.000000e+00 : f32
        %parallel_loop3A_152 = vector.broadcast %parallel_loop3A_151 : f32 to vector<16xf32>
        %parallel_loop3A_153 = arith.cmpf ogt, %parallel_loop3A_150, %parallel_loop3A_152 : vector<16xf32>
        %parallel_loop3A_154 = arith.select %parallel_loop3A_153, %broadcast_in_dim3A_3, %broadcast_in_dim3A_5 : vector<16xi1>, vector<16xi32>
        %parallel_loop3A_155 = arith.addi %parallel_loop3A_107, %parallel_loop3A_154 : vector<16xi32>
        %parallel_loop3A_156 = arith.index_cast %parallel_loop3A_102 : i32 to index
        %parallel_loop3A_157 = arith.constant 80 : index
        %parallel_loop3A_158 = tpu.vector_load %arg6[%parallel_loop3A_156, %parallel_loop3A_157] {strides = array<i32>} : memref<32x1024xf32, #tpu.memory_space<vmem>>, vector<1x16xf32>,
        %parallel_loop3A_159 = vector.shape_cast %parallel_loop3A_158 : vector<1x16xf32> to vector<16xf32>
        %parallel_loop3A_160 = arith.constant 0.000000e+00 : f32
        %parallel_loop3A_161 = vector.broadcast %parallel_loop3A_160 : f32 to vector<16xf32>
        %parallel_loop3A_162 = arith.cmpf ogt, %parallel_loop3A_159, %parallel_loop3A_161 : vector<16xf32>
        %parallel_loop3A_163 = arith.select %parallel_loop3A_162, %broadcast_in_dim3A_3, %broadcast_in_dim3A_5 : vector<16xi1>, vector<16xi32>
        %parallel_loop3A_164 = arith.addi %parallel_loop3A_108, %parallel_loop3A_163 : vector<16xi32>
        %parallel_loop3A_165 = arith.index_cast %parallel_loop3A_102 : i32 to index
        %parallel_loop3A_166 = arith.constant 96 : index
        %parallel_loop3A_167 = tpu.vector_load %arg6[%parallel_loop3A_165, %parallel_loop3A_166] {strides = array<i32>} : memref<32x1024xf32, #tpu.memory_space<vmem>>, vector<1x16xf32>,
        %parallel_loop3A_168 = vector.shape_cast %parallel_loop3A_167 : vector<1x16xf32> to vector<16xf32>
        %parallel_loop3A_169 = arith.constant 0.000000e+00 : f32
        %parallel_loop3A_170 = vector.broadcast %parallel_loop3A_169 : f32 to vector<16xf32>
        %parallel_loop3A_171 = arith.cmpf ogt, %parallel_loop3A_168, %parallel_loop3A_170 : vector<16xf32>
        %parallel_loop3A_172 = arith.select %parallel_loop3A_171, %broadcast_in_dim3A_3, %broadcast_in_dim3A_5 : vector<16xi1>, vector<16xi32>
        %parallel_loop3A_173 = arith.addi %parallel_loop3A_109, %parallel_loop3A_172 : vector<16xi32>
        %parallel_loop3A_174 = arith.index_cast %parallel_loop3A_102 : i32 to index
        %parallel_loop3A_175 = arith.constant 112 : index
        %parallel_loop3A_176 = tpu.vector_load %arg6[%parallel_loop3A_174, %parallel_loop3A_175] {strides = array<i32>} : memref<32x1024xf32, #tpu.memory_space<vmem>>, vector<1x16xf32>,
        %parallel_loop3A_177 = vector.shape_cast %parallel_loop3A_176 : vector<1x16xf32> to vector<16xf32>
        %parallel_loop3A_178 = arith.constant 0.000000e+00 : f32
        %parallel_loop3A_179 = vector.broadcast %parallel_loop3A_178 : f32 to vector<16xf32>
        %parallel_loop3A_180 = arith.cmpf ogt, %parallel_loop3A_177, %parallel_loop3A_179 : vector<16xf32>
        %parallel_loop3A_181 = arith.select %parallel_loop3A_180, %broadcast_in_dim3A_3, %broadcast_in_dim3A_5 : vector<16xi1>, vector<16xi32>
        %parallel_loop3A_182 = arith.addi %parallel_loop3A_110, %parallel_loop3A_181 : vector<16xi32>
        %parallel_loop3A_183 = arith.index_cast %parallel_loop3A_102 : i32 to index
        %parallel_loop3A_184 = arith.constant 128 : index
        %parallel_loop3A_185 = tpu.vector_load %arg6[%parallel_loop3A_183, %parallel_loop3A_184] {strides = array<i32>} : memref<32x1024xf32, #tpu.memory_space<vmem>>, vector<1x16xf32>,
        %parallel_loop3A_186 = vector.shape_cast %parallel_loop3A_185 : vector<1x16xf32> to vector<16xf32>
        %parallel_loop3A_187 = arith.constant 0.000000e+00 : f32
        %parallel_loop3A_188 = vector.broadcast %parallel_loop3A_187 : f32 to vector<16xf32>
        %parallel_loop3A_189 = arith.cmpf ogt, %parallel_loop3A_186, %parallel_loop3A_188 : vector<16xf32>
        %parallel_loop3A_190 = arith.select %parallel_loop3A_189, %broadcast_in_dim3A_3, %broadcast_in_dim3A_5 : vector<16xi1>, vector<16xi32>
        %parallel_loop3A_191 = arith.addi %parallel_loop3A_119, %parallel_loop3A_190 : vector<16xi32>
        %parallel_loop3A_192 = arith.index_cast %parallel_loop3A_102 : i32 to index
        %parallel_loop3A_193 = arith.constant 144 : index
        %parallel_loop3A_194 = tpu.vector_load %arg6[%parallel_loop3A_192, %parallel_loop3A_193] {strides = array<i32>} : memref<32x1024xf32, #tpu.memory_space<vmem>>, vector<1x16xf32>,
        %parallel_loop3A_195 = vector.shape_cast %parallel_loop3A_194 : vector<1x16xf32> to vector<16xf32>
        %parallel_loop3A_196 = arith.constant 0.000000e+00 : f32
        %parallel_loop3A_197 = vector.broadcast %parallel_loop3A_196 : f32 to vector<16xf32>
        %parallel_loop3A_198 = arith.cmpf ogt, %parallel_loop3A_195, %parallel_loop3A_197 : vector<16xf32>
        %parallel_loop3A_199 = arith.select %parallel_loop3A_198, %broadcast_in_dim3A_3, %broadcast_in_dim3A_5 : vector<16xi1>, vector<16xi32>
        %parallel_loop3A_200 = arith.addi %parallel_loop3A_128, %parallel_loop3A_199 : vector<16xi32>
        %parallel_loop3A_201 = arith.index_cast %parallel_loop3A_102 : i32 to index
        %parallel_loop3A_202 = arith.constant 160 : index
        %parallel_loop3A_203 = tpu.vector_load %arg6[%parallel_loop3A_201, %parallel_loop3A_202] {strides = array<i32>} : memref<32x1024xf32, #tpu.memory_space<vmem>>, vector<1x16xf32>,
        %parallel_loop3A_204 = vector.shape_cast %parallel_loop3A_203 : vector<1x16xf32> to vector<16xf32>
        %parallel_loop3A_205 = arith.constant 0.000000e+00 : f32
        %parallel_loop3A_206 = vector.broadcast %parallel_loop3A_205 : f32 to vector<16xf32>
        %parallel_loop3A_207 = arith.cmpf ogt, %parallel_loop3A_204, %parallel_loop3A_206 : vector<16xf32>
        %parallel_loop3A_208 = arith.select %parallel_loop3A_207, %broadcast_in_dim3A_3, %broadcast_in_dim3A_5 : vector<16xi1>, vector<16xi32>
        %parallel_loop3A_209 = arith.addi %parallel_loop3A_137, %parallel_loop3A_208 : vector<16xi32>
        %parallel_loop3A_210 = arith.index_cast %parallel_loop3A_102 : i32 to index
        %parallel_loop3A_211 = arith.constant 176 : index
        %parallel_loop3A_212 = tpu.vector_load %arg6[%parallel_loop3A_210, %parallel_loop3A_211] {strides = array<i32>} : memref<32x1024xf32, #tpu.memory_space<vmem>>, vector<1x16xf32>,
        %parallel_loop3A_213 = vector.shape_cast %parallel_loop3A_212 : vector<1x16xf32> to vector<16xf32>
        %parallel_loop3A_214 = arith.constant 0.000000e+00 : f32
        %parallel_loop3A_215 = vector.broadcast %parallel_loop3A_214 : f32 to vector<16xf32>
        %parallel_loop3A_216 = arith.cmpf ogt, %parallel_loop3A_213, %parallel_loop3A_215 : vector<16xf32>
        %parallel_loop3A_217 = arith.select %parallel_loop3A_216, %broadcast_in_dim3A_3, %broadcast_in_dim3A_5 : vector<16xi1>, vector<16xi32>
        %parallel_loop3A_218 = arith.addi %parallel_loop3A_146, %parallel_loop3A_217 : vector<16xi32>
        %parallel_loop3A_219 = arith.index_cast %parallel_loop3A_102 : i32 to index
        %parallel_loop3A_220 = arith.constant 192 : index
        %parallel_loop3A_221 = tpu.vector_load %arg6[%parallel_loop3A_219, %parallel_loop3A_220] {strides = array<i32>} : memref<32x1024xf32, #tpu.memory_space<vmem>>, vector<1x16xf32>,
        %parallel_loop3A_222 = vector.shape_cast %parallel_loop3A_221 : vector<1x16xf32> to vector<16xf32>
        %parallel_loop3A_223 = arith.constant 0.000000e+00 : f32
        %parallel_loop3A_224 = vector.broadcast %parallel_loop3A_223 : f32 to vector<16xf32>
        %parallel_loop3A_225 = arith.cmpf ogt, %parallel_loop3A_222, %parallel_loop3A_224 : vector<16xf32>
        %parallel_loop3A_226 = arith.select %parallel_loop3A_225, %broadcast_in_dim3A_3, %broadcast_in_dim3A_5 : vector<16xi1>, vector<16xi32>
        %parallel_loop3A_227 = arith.addi %parallel_loop3A_155, %parallel_loop3A_226 : vector<16xi32>
        %parallel_loop3A_228 = arith.index_cast %parallel_loop3A_102 : i32 to index
        %parallel_loop3A_229 = arith.constant 208 : index
        %parallel_loop3A_230 = tpu.vector_load %arg6[%parallel_loop3A_228, %parallel_loop3A_229] {strides = array<i32>} : memref<32x1024xf32, #tpu.memory_space<vmem>>, vector<1x16xf32>,
        %parallel_loop3A_231 = vector.shape_cast %parallel_loop3A_230 : vector<1x16xf32> to vector<16xf32>
        %parallel_loop3A_232 = arith.constant 0.000000e+00 : f32
        %parallel_loop3A_233 = vector.broadcast %parallel_loop3A_232 : f32 to vector<16xf32>
        %parallel_loop3A_234 = arith.cmpf ogt, %parallel_loop3A_231, %parallel_loop3A_233 : vector<16xf32>
        %parallel_loop3A_235 = arith.select %parallel_loop3A_234, %broadcast_in_dim3A_3, %broadcast_in_dim3A_5 : vector<16xi1>, vector<16xi32>
        %parallel_loop3A_236 = arith.addi %parallel_loop3A_164, %parallel_loop3A_235 : vector<16xi32>
        %parallel_loop3A_237 = arith.index_cast %parallel_loop3A_102 : i32 to index
        %parallel_loop3A_238 = arith.constant 224 : index
        %parallel_loop3A_239 = tpu.vector_load %arg6[%parallel_loop3A_237, %parallel_loop3A_238] {strides = array<i32>} : memref<32x1024xf32, #tpu.memory_space<vmem>>, vector<1x16xf32>,
        %parallel_loop3A_240 = vector.shape_cast %parallel_loop3A_239 : vector<1x16xf32> to vector<16xf32>
        %parallel_loop3A_241 = arith.constant 0.000000e+00 : f32
        %parallel_loop3A_242 = vector.broadcast %parallel_loop3A_241 : f32 to vector<16xf32>
        %parallel_loop3A_243 = arith.cmpf ogt, %parallel_loop3A_240, %parallel_loop3A_242 : vector<16xf32>
        %parallel_loop3A_244 = arith.select %parallel_loop3A_243, %broadcast_in_dim3A_3, %broadcast_in_dim3A_5 : vector<16xi1>, vector<16xi32>
        %parallel_loop3A_245 = arith.addi %parallel_loop3A_173, %parallel_loop3A_244 : vector<16xi32>
        %parallel_loop3A_246 = arith.index_cast %parallel_loop3A_102 : i32 to index
        %parallel_loop3A_247 = arith.constant 240 : index
        %parallel_loop3A_248 = tpu.vector_load %arg6[%parallel_loop3A_246, %parallel_loop3A_247] {strides = array<i32>} : memref<32x1024xf32, #tpu.memory_space<vmem>>, vector<1x16xf32>,
        %parallel_loop3A_249 = vector.shape_cast %parallel_loop3A_248 : vector<1x16xf32> to vector<16xf32>
        %parallel_loop3A_250 = arith.constant 0.000000e+00 : f32
        %parallel_loop3A_251 = vector.broadcast %parallel_loop3A_250 : f32 to vector<16xf32>
        %parallel_loop3A_252 = arith.cmpf ogt, %parallel_loop3A_249, %parallel_loop3A_251 : vector<16xf32>
        %parallel_loop3A_253 = arith.select %parallel_loop3A_252, %broadcast_in_dim3A_3, %broadcast_in_dim3A_5 : vector<16xi1>, vector<16xi32>
        %parallel_loop3A_254 = arith.addi %parallel_loop3A_182, %parallel_loop3A_253 : vector<16xi32>
        %parallel_loop3A_255 = arith.index_cast %parallel_loop3A_102 : i32 to index
        %parallel_loop3A_256 = arith.constant 256 : index
        %parallel_loop3A_257 = tpu.vector_load %arg6[%parallel_loop3A_255, %parallel_loop3A_256] {strides = array<i32>} : memref<32x1024xf32, #tpu.memory_space<vmem>>, vector<1x16xf32>,
        %parallel_loop3A_258 = vector.shape_cast %parallel_loop3A_257 : vector<1x16xf32> to vector<16xf32>
        %parallel_loop3A_259 = arith.constant 0.000000e+00 : f32
        %parallel_loop3A_260 = vector.broadcast %parallel_loop3A_259 : f32 to vector<16xf32>
        %parallel_loop3A_261 = arith.cmpf ogt, %parallel_loop3A_258, %parallel_loop3A_260 : vector<16xf32>
        %parallel_loop3A_262 = arith.select %parallel_loop3A_261, %broadcast_in_dim3A_3, %broadcast_in_dim3A_5 : vector<16xi1>, vector<16xi32>
        %parallel_loop3A_263 = arith.addi %parallel_loop3A_191, %parallel_loop3A_262 : vector<16xi32>
        %parallel_loop3A_264 = arith.index_cast %parallel_loop3A_102 : i32 to index
        %parallel_loop3A_265 = arith.constant 272 : index
        %parallel_loop3A_266 = tpu.vector_load %arg6[%parallel_loop3A_264, %parallel_loop3A_265] {strides = array<i32>} : memref<32x1024xf32, #tpu.memory_space<vmem>>, vector<1x16xf32>,
        %parallel_loop3A_267 = vector.shape_cast %parallel_loop3A_266 : vector<1x16xf32> to vector<16xf32>
        %parallel_loop3A_268 = arith.constant 0.000000e+00 : f32
        %parallel_loop3A_269 = vector.broadcast %parallel_loop3A_268 : f32 to vector<16xf32>
        %parallel_loop3A_270 = arith.cmpf ogt, %parallel_loop3A_267, %parallel_loop3A_269 : vector<16xf32>
        %parallel_loop3A_271 = arith.select %parallel_loop3A_270, %broadcast_in_dim3A_3, %broadcast_in_dim3A_5 : vector<16xi1>, vector<16xi32>
        %parallel_loop3A_272 = arith.addi %parallel_loop3A_200, %parallel_loop3A_271 : vector<16xi32>
        %parallel_loop3A_273 = arith.index_cast %parallel_loop3A_102 : i32 to index
        %parallel_loop3A_274 = arith.constant 288 : index
        %parallel_loop3A_275 = tpu.vector_load %arg6[%parallel_loop3A_273, %parallel_loop3A_274] {strides = array<i32>} : memref<32x1024xf32, #tpu.memory_space<vmem>>, vector<1x16xf32>,
        %parallel_loop3A_276 = vector.shape_cast %parallel_loop3A_275 : vector<1x16xf32> to vector<16xf32>
        %parallel_loop3A_277 = arith.constant 0.000000e+00 : f32
        %parallel_loop3A_278 = vector.broadcast %parallel_loop3A_277 : f32 to vector<16xf32>
        %parallel_loop3A_279 = arith.cmpf ogt, %parallel_loop3A_276, %parallel_loop3A_278 : vector<16xf32>
        %parallel_loop3A_280 = arith.select %parallel_loop3A_279, %broadcast_in_dim3A_3, %broadcast_in_dim3A_5 : vector<16xi1>, vector<16xi32>
        %parallel_loop3A_281 = arith.addi %parallel_loop3A_209, %parallel_loop3A_280 : vector<16xi32>
        %parallel_loop3A_282 = arith.index_cast %parallel_loop3A_102 : i32 to index
        %parallel_loop3A_283 = arith.constant 304 : index
        %parallel_loop3A_284 = tpu.vector_load %arg6[%parallel_loop3A_282, %parallel_loop3A_283] {strides = array<i32>} : memref<32x1024xf32, #tpu.memory_space<vmem>>, vector<1x16xf32>,
        %parallel_loop3A_285 = vector.shape_cast %parallel_loop3A_284 : vector<1x16xf32> to vector<16xf32>
        %parallel_loop3A_286 = arith.constant 0.000000e+00 : f32
        %parallel_loop3A_287 = vector.broadcast %parallel_loop3A_286 : f32 to vector<16xf32>
        %parallel_loop3A_288 = arith.cmpf ogt, %parallel_loop3A_285, %parallel_loop3A_287 : vector<16xf32>
        %parallel_loop3A_289 = arith.select %parallel_loop3A_288, %broadcast_in_dim3A_3, %broadcast_in_dim3A_5 : vector<16xi1>, vector<16xi32>
        %parallel_loop3A_290 = arith.addi %parallel_loop3A_218, %parallel_loop3A_289 : vector<16xi32>
        %parallel_loop3A_291 = arith.index_cast %parallel_loop3A_102 : i32 to index
        %parallel_loop3A_292 = arith.constant 320 : index
        %parallel_loop3A_293 = tpu.vector_load %arg6[%parallel_loop3A_291, %parallel_loop3A_292] {strides = array<i32>} : memref<32x1024xf32, #tpu.memory_space<vmem>>, vector<1x16xf32>,
        %parallel_loop3A_294 = vector.shape_cast %parallel_loop3A_293 : vector<1x16xf32> to vector<16xf32>
        %parallel_loop3A_295 = arith.constant 0.000000e+00 : f32
        %parallel_loop3A_296 = vector.broadcast %parallel_loop3A_295 : f32 to vector<16xf32>
        %parallel_loop3A_297 = arith.cmpf ogt, %parallel_loop3A_294, %parallel_loop3A_296 : vector<16xf32>
        %parallel_loop3A_298 = arith.select %parallel_loop3A_297, %broadcast_in_dim3A_3, %broadcast_in_dim3A_5 : vector<16xi1>, vector<16xi32>
        %parallel_loop3A_299 = arith.addi %parallel_loop3A_227, %parallel_loop3A_298 : vector<16xi32>
        %parallel_loop3A_300 = arith.index_cast %parallel_loop3A_102 : i32 to index
        %parallel_loop3A_301 = arith.constant 336 : index
        %parallel_loop3A_302 = tpu.vector_load %arg6[%parallel_loop3A_300, %parallel_loop3A_301] {strides = array<i32>} : memref<32x1024xf32, #tpu.memory_space<vmem>>, vector<1x16xf32>,
        %parallel_loop3A_303 = vector.shape_cast %parallel_loop3A_302 : vector<1x16xf32> to vector<16xf32>
        %parallel_loop3A_304 = arith.constant 0.000000e+00 : f32
        %parallel_loop3A_305 = vector.broadcast %parallel_loop3A_304 : f32 to vector<16xf32>
        %parallel_loop3A_306 = arith.cmpf ogt, %parallel_loop3A_303, %parallel_loop3A_305 : vector<16xf32>
        %parallel_loop3A_307 = arith.select %parallel_loop3A_306, %broadcast_in_dim3A_3, %broadcast_in_dim3A_5 : vector<16xi1>, vector<16xi32>
        %parallel_loop3A_308 = arith.addi %parallel_loop3A_236, %parallel_loop3A_307 : vector<16xi32>
        %parallel_loop3A_309 = arith.index_cast %parallel_loop3A_102 : i32 to index
        %parallel_loop3A_310 = arith.constant 352 : index
        %parallel_loop3A_311 = tpu.vector_load %arg6[%parallel_loop3A_309, %parallel_loop3A_310] {strides = array<i32>} : memref<32x1024xf32, #tpu.memory_space<vmem>>, vector<1x16xf32>,
        %parallel_loop3A_312 = vector.shape_cast %parallel_loop3A_311 : vector<1x16xf32> to vector<16xf32>
        %parallel_loop3A_313 = arith.constant 0.000000e+00 : f32
        %parallel_loop3A_314 = vector.broadcast %parallel_loop3A_313 : f32 to vector<16xf32>
        %parallel_loop3A_315 = arith.cmpf ogt, %parallel_loop3A_312, %parallel_loop3A_314 : vector<16xf32>
        %parallel_loop3A_316 = arith.select %parallel_loop3A_315, %broadcast_in_dim3A_3, %broadcast_in_dim3A_5 : vector<16xi1>, vector<16xi32>
        %parallel_loop3A_317 = arith.addi %parallel_loop3A_245, %parallel_loop3A_316 : vector<16xi32>
        %parallel_loop3A_318 = arith.index_cast %parallel_loop3A_102 : i32 to index
        %parallel_loop3A_319 = arith.constant 368 : index
        %parallel_loop3A_320 = tpu.vector_load %arg6[%parallel_loop3A_318, %parallel_loop3A_319] {strides = array<i32>} : memref<32x1024xf32, #tpu.memory_space<vmem>>, vector<1x16xf32>,
        %parallel_loop3A_321 = vector.shape_cast %parallel_loop3A_320 : vector<1x16xf32> to vector<16xf32>
        %parallel_loop3A_322 = arith.constant 0.000000e+00 : f32
        %parallel_loop3A_323 = vector.broadcast %parallel_loop3A_322 : f32 to vector<16xf32>
        %parallel_loop3A_324 = arith.cmpf ogt, %parallel_loop3A_321, %parallel_loop3A_323 : vector<16xf32>
        %parallel_loop3A_325 = arith.select %parallel_loop3A_324, %broadcast_in_dim3A_3, %broadcast_in_dim3A_5 : vector<16xi1>, vector<16xi32>
        %parallel_loop3A_326 = arith.addi %parallel_loop3A_254, %parallel_loop3A_325 : vector<16xi32>
        %parallel_loop3A_327 = arith.index_cast %parallel_loop3A_102 : i32 to index
        %parallel_loop3A_328 = arith.constant 384 : index
        %parallel_loop3A_329 = tpu.vector_load %arg6[%parallel_loop3A_327, %parallel_loop3A_328] {strides = array<i32>} : memref<32x1024xf32, #tpu.memory_space<vmem>>, vector<1x16xf32>,
        %parallel_loop3A_330 = vector.shape_cast %parallel_loop3A_329 : vector<1x16xf32> to vector<16xf32>
        %parallel_loop3A_331 = arith.constant 0.000000e+00 : f32
        %parallel_loop3A_332 = vector.broadcast %parallel_loop3A_331 : f32 to vector<16xf32>
        %parallel_loop3A_333 = arith.cmpf ogt, %parallel_loop3A_330, %parallel_loop3A_332 : vector<16xf32>
        %parallel_loop3A_334 = arith.select %parallel_loop3A_333, %broadcast_in_dim3A_3, %broadcast_in_dim3A_5 : vector<16xi1>, vector<16xi32>
        %parallel_loop3A_335 = arith.addi %parallel_loop3A_263, %parallel_loop3A_334 : vector<16xi32>
        %parallel_loop3A_336 = arith.index_cast %parallel_loop3A_102 : i32 to index
        %parallel_loop3A_337 = arith.constant 400 : index
        %parallel_loop3A_338 = tpu.vector_load %arg6[%parallel_loop3A_336, %parallel_loop3A_337] {strides = array<i32>} : memref<32x1024xf32, #tpu.memory_space<vmem>>, vector<1x16xf32>,
        %parallel_loop3A_339 = vector.shape_cast %parallel_loop3A_338 : vector<1x16xf32> to vector<16xf32>
        %parallel_loop3A_340 = arith.constant 0.000000e+00 : f32
        %parallel_loop3A_341 = vector.broadcast %parallel_loop3A_340 : f32 to vector<16xf32>
        %parallel_loop3A_342 = arith.cmpf ogt, %parallel_loop3A_339, %parallel_loop3A_341 : vector<16xf32>
        %parallel_loop3A_343 = arith.select %parallel_loop3A_342, %broadcast_in_dim3A_3, %broadcast_in_dim3A_5 : vector<16xi1>, vector<16xi32>
        %parallel_loop3A_344 = arith.addi %parallel_loop3A_272, %parallel_loop3A_343 : vector<16xi32>
        %parallel_loop3A_345 = arith.index_cast %parallel_loop3A_102 : i32 to index
        %parallel_loop3A_346 = arith.constant 416 : index
        %parallel_loop3A_347 = tpu.vector_load %arg6[%parallel_loop3A_345, %parallel_loop3A_346] {strides = array<i32>} : memref<32x1024xf32, #tpu.memory_space<vmem>>, vector<1x16xf32>,
        %parallel_loop3A_348 = vector.shape_cast %parallel_loop3A_347 : vector<1x16xf32> to vector<16xf32>
        %parallel_loop3A_349 = arith.constant 0.000000e+00 : f32
        %parallel_loop3A_350 = vector.broadcast %parallel_loop3A_349 : f32 to vector<16xf32>
        %parallel_loop3A_351 = arith.cmpf ogt, %parallel_loop3A_348, %parallel_loop3A_350 : vector<16xf32>
        %parallel_loop3A_352 = arith.select %parallel_loop3A_351, %broadcast_in_dim3A_3, %broadcast_in_dim3A_5 : vector<16xi1>, vector<16xi32>
        %parallel_loop3A_353 = arith.addi %parallel_loop3A_281, %parallel_loop3A_352 : vector<16xi32>
        %parallel_loop3A_354 = arith.index_cast %parallel_loop3A_102 : i32 to index
        %parallel_loop3A_355 = arith.constant 432 : index
        %parallel_loop3A_356 = tpu.vector_load %arg6[%parallel_loop3A_354, %parallel_loop3A_355] {strides = array<i32>} : memref<32x1024xf32, #tpu.memory_space<vmem>>, vector<1x16xf32>,
        %parallel_loop3A_357 = vector.shape_cast %parallel_loop3A_356 : vector<1x16xf32> to vector<16xf32>
        %parallel_loop3A_358 = arith.constant 0.000000e+00 : f32
        %parallel_loop3A_359 = vector.broadcast %parallel_loop3A_358 : f32 to vector<16xf32>
        %parallel_loop3A_360 = arith.cmpf ogt, %parallel_loop3A_357, %parallel_loop3A_359 : vector<16xf32>
        %parallel_loop3A_361 = arith.select %parallel_loop3A_360, %broadcast_in_dim3A_3, %broadcast_in_dim3A_5 : vector<16xi1>, vector<16xi32>
        %parallel_loop3A_362 = arith.addi %parallel_loop3A_290, %parallel_loop3A_361 : vector<16xi32>
        %parallel_loop3A_363 = arith.index_cast %parallel_loop3A_102 : i32 to index
        %parallel_loop3A_364 = arith.constant 448 : index
        %parallel_loop3A_365 = tpu.vector_load %arg6[%parallel_loop3A_363, %parallel_loop3A_364] {strides = array<i32>} : memref<32x1024xf32, #tpu.memory_space<vmem>>, vector<1x16xf32>,
        %parallel_loop3A_366 = vector.shape_cast %parallel_loop3A_365 : vector<1x16xf32> to vector<16xf32>
        %parallel_loop3A_367 = arith.constant 0.000000e+00 : f32
        %parallel_loop3A_368 = vector.broadcast %parallel_loop3A_367 : f32 to vector<16xf32>
        %parallel_loop3A_369 = arith.cmpf ogt, %parallel_loop3A_366, %parallel_loop3A_368 : vector<16xf32>
        %parallel_loop3A_370 = arith.select %parallel_loop3A_369, %broadcast_in_dim3A_3, %broadcast_in_dim3A_5 : vector<16xi1>, vector<16xi32>
        %parallel_loop3A_371 = arith.addi %parallel_loop3A_299, %parallel_loop3A_370 : vector<16xi32>
        %parallel_loop3A_372 = arith.index_cast %parallel_loop3A_102 : i32 to index
        %parallel_loop3A_373 = arith.constant 464 : index
        %parallel_loop3A_374 = tpu.vector_load %arg6[%parallel_loop3A_372, %parallel_loop3A_373] {strides = array<i32>} : memref<32x1024xf32, #tpu.memory_space<vmem>>, vector<1x16xf32>,
        %parallel_loop3A_375 = vector.shape_cast %parallel_loop3A_374 : vector<1x16xf32> to vector<16xf32>
        %parallel_loop3A_376 = arith.constant 0.000000e+00 : f32
        %parallel_loop3A_377 = vector.broadcast %parallel_loop3A_376 : f32 to vector<16xf32>
        %parallel_loop3A_378 = arith.cmpf ogt, %parallel_loop3A_375, %parallel_loop3A_377 : vector<16xf32>
        %parallel_loop3A_379 = arith.select %parallel_loop3A_378, %broadcast_in_dim3A_3, %broadcast_in_dim3A_5 : vector<16xi1>, vector<16xi32>
        %parallel_loop3A_380 = arith.addi %parallel_loop3A_308, %parallel_loop3A_379 : vector<16xi32>
        %parallel_loop3A_381 = arith.index_cast %parallel_loop3A_102 : i32 to index
        %parallel_loop3A_382 = arith.constant 480 : index
        %parallel_loop3A_383 = tpu.vector_load %arg6[%parallel_loop3A_381, %parallel_loop3A_382] {strides = array<i32>} : memref<32x1024xf32, #tpu.memory_space<vmem>>, vector<1x16xf32>,
        %parallel_loop3A_384 = vector.shape_cast %parallel_loop3A_383 : vector<1x16xf32> to vector<16xf32>
        %parallel_loop3A_385 = arith.constant 0.000000e+00 : f32
        %parallel_loop3A_386 = vector.broadcast %parallel_loop3A_385 : f32 to vector<16xf32>
        %parallel_loop3A_387 = arith.cmpf ogt, %parallel_loop3A_384, %parallel_loop3A_386 : vector<16xf32>
        %parallel_loop3A_388 = arith.select %parallel_loop3A_387, %broadcast_in_dim3A_3, %broadcast_in_dim3A_5 : vector<16xi1>, vector<16xi32>
        %parallel_loop3A_389 = arith.addi %parallel_loop3A_317, %parallel_loop3A_388 : vector<16xi32>
        %parallel_loop3A_390 = arith.index_cast %parallel_loop3A_102 : i32 to index
        %parallel_loop3A_391 = arith.constant 496 : index
        %parallel_loop3A_392 = tpu.vector_load %arg6[%parallel_loop3A_390, %parallel_loop3A_391] {strides = array<i32>} : memref<32x1024xf32, #tpu.memory_space<vmem>>, vector<1x16xf32>,
        %parallel_loop3A_393 = vector.shape_cast %parallel_loop3A_392 : vector<1x16xf32> to vector<16xf32>
        %parallel_loop3A_394 = arith.constant 0.000000e+00 : f32
        %parallel_loop3A_395 = vector.broadcast %parallel_loop3A_394 : f32 to vector<16xf32>
        %parallel_loop3A_396 = arith.cmpf ogt, %parallel_loop3A_393, %parallel_loop3A_395 : vector<16xf32>
        %parallel_loop3A_397 = arith.select %parallel_loop3A_396, %broadcast_in_dim3A_3, %broadcast_in_dim3A_5 : vector<16xi1>, vector<16xi32>
        %parallel_loop3A_398 = arith.addi %parallel_loop3A_326, %parallel_loop3A_397 : vector<16xi32>
        %parallel_loop3A_399 = arith.index_cast %parallel_loop3A_102 : i32 to index
        %parallel_loop3A_400 = arith.constant 512 : index
        %parallel_loop3A_401 = tpu.vector_load %arg6[%parallel_loop3A_399, %parallel_loop3A_400] {strides = array<i32>} : memref<32x1024xf32, #tpu.memory_space<vmem>>, vector<1x16xf32>,
        %parallel_loop3A_402 = vector.shape_cast %parallel_loop3A_401 : vector<1x16xf32> to vector<16xf32>
        %parallel_loop3A_403 = arith.constant 0.000000e+00 : f32
        %parallel_loop3A_404 = vector.broadcast %parallel_loop3A_403 : f32 to vector<16xf32>
        %parallel_loop3A_405 = arith.cmpf ogt, %parallel_loop3A_402, %parallel_loop3A_404 : vector<16xf32>
        %parallel_loop3A_406 = arith.select %parallel_loop3A_405, %broadcast_in_dim3A_3, %broadcast_in_dim3A_5 : vector<16xi1>, vector<16xi32>
        %parallel_loop3A_407 = arith.addi %parallel_loop3A_335, %parallel_loop3A_406 : vector<16xi32>
        %parallel_loop3A_408 = arith.index_cast %parallel_loop3A_102 : i32 to index
        %parallel_loop3A_409 = arith.constant 528 : index
        %parallel_loop3A_410 = tpu.vector_load %arg6[%parallel_loop3A_408, %parallel_loop3A_409] {strides = array<i32>} : memref<32x1024xf32, #tpu.memory_space<vmem>>, vector<1x16xf32>,
        %parallel_loop3A_411 = vector.shape_cast %parallel_loop3A_410 : vector<1x16xf32> to vector<16xf32>
        %parallel_loop3A_412 = arith.constant 0.000000e+00 : f32
        %parallel_loop3A_413 = vector.broadcast %parallel_loop3A_412 : f32 to vector<16xf32>
        %parallel_loop3A_414 = arith.cmpf ogt, %parallel_loop3A_411, %parallel_loop3A_413 : vector<16xf32>
        %parallel_loop3A_415 = arith.select %parallel_loop3A_414, %broadcast_in_dim3A_3, %broadcast_in_dim3A_5 : vector<16xi1>, vector<16xi32>
        %parallel_loop3A_416 = arith.addi %parallel_loop3A_344, %parallel_loop3A_415 : vector<16xi32>
        %parallel_loop3A_417 = arith.index_cast %parallel_loop3A_102 : i32 to index
        %parallel_loop3A_418 = arith.constant 544 : index
        %parallel_loop3A_419 = tpu.vector_load %arg6[%parallel_loop3A_417, %parallel_loop3A_418] {strides = array<i32>} : memref<32x1024xf32, #tpu.memory_space<vmem>>, vector<1x16xf32>,
        %parallel_loop3A_420 = vector.shape_cast %parallel_loop3A_419 : vector<1x16xf32> to vector<16xf32>
        %parallel_loop3A_421 = arith.constant 0.000000e+00 : f32
        %parallel_loop3A_422 = vector.broadcast %parallel_loop3A_421 : f32 to vector<16xf32>
        %parallel_loop3A_423 = arith.cmpf ogt, %parallel_loop3A_420, %parallel_loop3A_422 : vector<16xf32>
        %parallel_loop3A_424 = arith.select %parallel_loop3A_423, %broadcast_in_dim3A_3, %broadcast_in_dim3A_5 : vector<16xi1>, vector<16xi32>
        %parallel_loop3A_425 = arith.addi %parallel_loop3A_353, %parallel_loop3A_424 : vector<16xi32>
        %parallel_loop3A_426 = arith.index_cast %parallel_loop3A_102 : i32 to index
        %parallel_loop3A_427 = arith.constant 560 : index
        %parallel_loop3A_428 = tpu.vector_load %arg6[%parallel_loop3A_426, %parallel_loop3A_427] {strides = array<i32>} : memref<32x1024xf32, #tpu.memory_space<vmem>>, vector<1x16xf32>,
        %parallel_loop3A_429 = vector.shape_cast %parallel_loop3A_428 : vector<1x16xf32> to vector<16xf32>
        %parallel_loop3A_430 = arith.constant 0.000000e+00 : f32
        %parallel_loop3A_431 = vector.broadcast %parallel_loop3A_430 : f32 to vector<16xf32>
        %parallel_loop3A_432 = arith.cmpf ogt, %parallel_loop3A_429, %parallel_loop3A_431 : vector<16xf32>
        %parallel_loop3A_433 = arith.select %parallel_loop3A_432, %broadcast_in_dim3A_3, %broadcast_in_dim3A_5 : vector<16xi1>, vector<16xi32>
        %parallel_loop3A_434 = arith.addi %parallel_loop3A_362, %parallel_loop3A_433 : vector<16xi32>
        %parallel_loop3A_435 = arith.index_cast %parallel_loop3A_102 : i32 to index
        %parallel_loop3A_436 = arith.constant 576 : index
        %parallel_loop3A_437 = tpu.vector_load %arg6[%parallel_loop3A_435, %parallel_loop3A_436] {strides = array<i32>} : memref<32x1024xf32, #tpu.memory_space<vmem>>, vector<1x16xf32>,
        %parallel_loop3A_438 = vector.shape_cast %parallel_loop3A_437 : vector<1x16xf32> to vector<16xf32>
        %parallel_loop3A_439 = arith.constant 0.000000e+00 : f32
        %parallel_loop3A_440 = vector.broadcast %parallel_loop3A_439 : f32 to vector<16xf32>
        %parallel_loop3A_441 = arith.cmpf ogt, %parallel_loop3A_438, %parallel_loop3A_440 : vector<16xf32>
        %parallel_loop3A_442 = arith.select %parallel_loop3A_441, %broadcast_in_dim3A_3, %broadcast_in_dim3A_5 : vector<16xi1>, vector<16xi32>
        %parallel_loop3A_443 = arith.addi %parallel_loop3A_371, %parallel_loop3A_442 : vector<16xi32>
        %parallel_loop3A_444 = arith.index_cast %parallel_loop3A_102 : i32 to index
        %parallel_loop3A_445 = arith.constant 592 : index
        %parallel_loop3A_446 = tpu.vector_load %arg6[%parallel_loop3A_444, %parallel_loop3A_445] {strides = array<i32>} : memref<32x1024xf32, #tpu.memory_space<vmem>>, vector<1x16xf32>,
        %parallel_loop3A_447 = vector.shape_cast %parallel_loop3A_446 : vector<1x16xf32> to vector<16xf32>
        %parallel_loop3A_448 = arith.constant 0.000000e+00 : f32
        %parallel_loop3A_449 = vector.broadcast %parallel_loop3A_448 : f32 to vector<16xf32>
        %parallel_loop3A_450 = arith.cmpf ogt, %parallel_loop3A_447, %parallel_loop3A_449 : vector<16xf32>
        %parallel_loop3A_451 = arith.select %parallel_loop3A_450, %broadcast_in_dim3A_3, %broadcast_in_dim3A_5 : vector<16xi1>, vector<16xi32>
        %parallel_loop3A_452 = arith.addi %parallel_loop3A_380, %parallel_loop3A_451 : vector<16xi32>
        %parallel_loop3A_453 = arith.index_cast %parallel_loop3A_102 : i32 to index
        %parallel_loop3A_454 = arith.constant 608 : index
        %parallel_loop3A_455 = tpu.vector_load %arg6[%parallel_loop3A_453, %parallel_loop3A_454] {strides = array<i32>} : memref<32x1024xf32, #tpu.memory_space<vmem>>, vector<1x16xf32>,
        %parallel_loop3A_456 = vector.shape_cast %parallel_loop3A_455 : vector<1x16xf32> to vector<16xf32>
        %parallel_loop3A_457 = arith.constant 0.000000e+00 : f32
        %parallel_loop3A_458 = vector.broadcast %parallel_loop3A_457 : f32 to vector<16xf32>
        %parallel_loop3A_459 = arith.cmpf ogt, %parallel_loop3A_456, %parallel_loop3A_458 : vector<16xf32>
        %parallel_loop3A_460 = arith.select %parallel_loop3A_459, %broadcast_in_dim3A_3, %broadcast_in_dim3A_5 : vector<16xi1>, vector<16xi32>
        %parallel_loop3A_461 = arith.addi %parallel_loop3A_389, %parallel_loop3A_460 : vector<16xi32>
        %parallel_loop3A_462 = arith.index_cast %parallel_loop3A_102 : i32 to index
        %parallel_loop3A_463 = arith.constant 624 : index
        %parallel_loop3A_464 = tpu.vector_load %arg6[%parallel_loop3A_462, %parallel_loop3A_463] {strides = array<i32>} : memref<32x1024xf32, #tpu.memory_space<vmem>>, vector<1x16xf32>,
        %parallel_loop3A_465 = vector.shape_cast %parallel_loop3A_464 : vector<1x16xf32> to vector<16xf32>
        %parallel_loop3A_466 = arith.constant 0.000000e+00 : f32
        %parallel_loop3A_467 = vector.broadcast %parallel_loop3A_466 : f32 to vector<16xf32>
        %parallel_loop3A_468 = arith.cmpf ogt, %parallel_loop3A_465, %parallel_loop3A_467 : vector<16xf32>
        %parallel_loop3A_469 = arith.select %parallel_loop3A_468, %broadcast_in_dim3A_3, %broadcast_in_dim3A_5 : vector<16xi1>, vector<16xi32>
        %parallel_loop3A_470 = arith.addi %parallel_loop3A_398, %parallel_loop3A_469 : vector<16xi32>
        %parallel_loop3A_471 = arith.index_cast %parallel_loop3A_102 : i32 to index
        %parallel_loop3A_472 = arith.constant 640 : index
        %parallel_loop3A_473 = tpu.vector_load %arg6[%parallel_loop3A_471, %parallel_loop3A_472] {strides = array<i32>} : memref<32x1024xf32, #tpu.memory_space<vmem>>, vector<1x16xf32>,
        %parallel_loop3A_474 = vector.shape_cast %parallel_loop3A_473 : vector<1x16xf32> to vector<16xf32>
        %parallel_loop3A_475 = arith.constant 0.000000e+00 : f32
        %parallel_loop3A_476 = vector.broadcast %parallel_loop3A_475 : f32 to vector<16xf32>
        %parallel_loop3A_477 = arith.cmpf ogt, %parallel_loop3A_474, %parallel_loop3A_476 : vector<16xf32>
        %parallel_loop3A_478 = arith.select %parallel_loop3A_477, %broadcast_in_dim3A_3, %broadcast_in_dim3A_5 : vector<16xi1>, vector<16xi32>
        %parallel_loop3A_479 = arith.addi %parallel_loop3A_407, %parallel_loop3A_478 : vector<16xi32>
        %parallel_loop3A_480 = arith.index_cast %parallel_loop3A_102 : i32 to index
        %parallel_loop3A_481 = arith.constant 656 : index
        %parallel_loop3A_482 = tpu.vector_load %arg6[%parallel_loop3A_480, %parallel_loop3A_481] {strides = array<i32>} : memref<32x1024xf32, #tpu.memory_space<vmem>>, vector<1x16xf32>,
        %parallel_loop3A_483 = vector.shape_cast %parallel_loop3A_482 : vector<1x16xf32> to vector<16xf32>
        %parallel_loop3A_484 = arith.constant 0.000000e+00 : f32
        %parallel_loop3A_485 = vector.broadcast %parallel_loop3A_484 : f32 to vector<16xf32>
        %parallel_loop3A_486 = arith.cmpf ogt, %parallel_loop3A_483, %parallel_loop3A_485 : vector<16xf32>
        %parallel_loop3A_487 = arith.select %parallel_loop3A_486, %broadcast_in_dim3A_3, %broadcast_in_dim3A_5 : vector<16xi1>, vector<16xi32>
        %parallel_loop3A_488 = arith.addi %parallel_loop3A_416, %parallel_loop3A_487 : vector<16xi32>
        %parallel_loop3A_489 = arith.index_cast %parallel_loop3A_102 : i32 to index
        %parallel_loop3A_490 = arith.constant 672 : index
        %parallel_loop3A_491 = tpu.vector_load %arg6[%parallel_loop3A_489, %parallel_loop3A_490] {strides = array<i32>} : memref<32x1024xf32, #tpu.memory_space<vmem>>, vector<1x16xf32>,
        %parallel_loop3A_492 = vector.shape_cast %parallel_loop3A_491 : vector<1x16xf32> to vector<16xf32>
        %parallel_loop3A_493 = arith.constant 0.000000e+00 : f32
        %parallel_loop3A_494 = vector.broadcast %parallel_loop3A_493 : f32 to vector<16xf32>
        %parallel_loop3A_495 = arith.cmpf ogt, %parallel_loop3A_492, %parallel_loop3A_494 : vector<16xf32>
        %parallel_loop3A_496 = arith.select %parallel_loop3A_495, %broadcast_in_dim3A_3, %broadcast_in_dim3A_5 : vector<16xi1>, vector<16xi32>
        %parallel_loop3A_497 = arith.addi %parallel_loop3A_425, %parallel_loop3A_496 : vector<16xi32>
        %parallel_loop3A_498 = arith.index_cast %parallel_loop3A_102 : i32 to index
        %parallel_loop3A_499 = arith.constant 688 : index
        %parallel_loop3A_500 = tpu.vector_load %arg6[%parallel_loop3A_498, %parallel_loop3A_499] {strides = array<i32>} : memref<32x1024xf32, #tpu.memory_space<vmem>>, vector<1x16xf32>,
        %parallel_loop3A_501 = vector.shape_cast %parallel_loop3A_500 : vector<1x16xf32> to vector<16xf32>
        %parallel_loop3A_502 = arith.constant 0.000000e+00 : f32
        %parallel_loop3A_503 = vector.broadcast %parallel_loop3A_502 : f32 to vector<16xf32>
        %parallel_loop3A_504 = arith.cmpf ogt, %parallel_loop3A_501, %parallel_loop3A_503 : vector<16xf32>
        %parallel_loop3A_505 = arith.select %parallel_loop3A_504, %broadcast_in_dim3A_3, %broadcast_in_dim3A_5 : vector<16xi1>, vector<16xi32>
        %parallel_loop3A_506 = arith.addi %parallel_loop3A_434, %parallel_loop3A_505 : vector<16xi32>
        %parallel_loop3A_507 = arith.index_cast %parallel_loop3A_102 : i32 to index
        %parallel_loop3A_508 = arith.constant 704 : index
        %parallel_loop3A_509 = tpu.vector_load %arg6[%parallel_loop3A_507, %parallel_loop3A_508] {strides = array<i32>} : memref<32x1024xf32, #tpu.memory_space<vmem>>, vector<1x16xf32>,
        %parallel_loop3A_510 = vector.shape_cast %parallel_loop3A_509 : vector<1x16xf32> to vector<16xf32>
        %parallel_loop3A_511 = arith.constant 0.000000e+00 : f32
        %parallel_loop3A_512 = vector.broadcast %parallel_loop3A_511 : f32 to vector<16xf32>
        %parallel_loop3A_513 = arith.cmpf ogt, %parallel_loop3A_510, %parallel_loop3A_512 : vector<16xf32>
        %parallel_loop3A_514 = arith.select %parallel_loop3A_513, %broadcast_in_dim3A_3, %broadcast_in_dim3A_5 : vector<16xi1>, vector<16xi32>
        %parallel_loop3A_515 = arith.addi %parallel_loop3A_443, %parallel_loop3A_514 : vector<16xi32>
        %parallel_loop3A_516 = arith.index_cast %parallel_loop3A_102 : i32 to index
        %parallel_loop3A_517 = arith.constant 720 : index
        %parallel_loop3A_518 = tpu.vector_load %arg6[%parallel_loop3A_516, %parallel_loop3A_517] {strides = array<i32>} : memref<32x1024xf32, #tpu.memory_space<vmem>>, vector<1x16xf32>,
        %parallel_loop3A_519 = vector.shape_cast %parallel_loop3A_518 : vector<1x16xf32> to vector<16xf32>
        %parallel_loop3A_520 = arith.constant 0.000000e+00 : f32
        %parallel_loop3A_521 = vector.broadcast %parallel_loop3A_520 : f32 to vector<16xf32>
        %parallel_loop3A_522 = arith.cmpf ogt, %parallel_loop3A_519, %parallel_loop3A_521 : vector<16xf32>
        %parallel_loop3A_523 = arith.select %parallel_loop3A_522, %broadcast_in_dim3A_3, %broadcast_in_dim3A_5 : vector<16xi1>, vector<16xi32>
        %parallel_loop3A_524 = arith.addi %parallel_loop3A_452, %parallel_loop3A_523 : vector<16xi32>
        %parallel_loop3A_525 = arith.index_cast %parallel_loop3A_102 : i32 to index
        %parallel_loop3A_526 = arith.constant 736 : index
        %parallel_loop3A_527 = tpu.vector_load %arg6[%parallel_loop3A_525, %parallel_loop3A_526] {strides = array<i32>} : memref<32x1024xf32, #tpu.memory_space<vmem>>, vector<1x16xf32>,
        %parallel_loop3A_528 = vector.shape_cast %parallel_loop3A_527 : vector<1x16xf32> to vector<16xf32>
        %parallel_loop3A_529 = arith.constant 0.000000e+00 : f32
        %parallel_loop3A_530 = vector.broadcast %parallel_loop3A_529 : f32 to vector<16xf32>
        %parallel_loop3A_531 = arith.cmpf ogt, %parallel_loop3A_528, %parallel_loop3A_530 : vector<16xf32>
        %parallel_loop3A_532 = arith.select %parallel_loop3A_531, %broadcast_in_dim3A_3, %broadcast_in_dim3A_5 : vector<16xi1>, vector<16xi32>
        %parallel_loop3A_533 = arith.addi %parallel_loop3A_461, %parallel_loop3A_532 : vector<16xi32>
        %parallel_loop3A_534 = arith.index_cast %parallel_loop3A_102 : i32 to index
        %parallel_loop3A_535 = arith.constant 752 : index
        %parallel_loop3A_536 = tpu.vector_load %arg6[%parallel_loop3A_534, %parallel_loop3A_535] {strides = array<i32>} : memref<32x1024xf32, #tpu.memory_space<vmem>>, vector<1x16xf32>,
        %parallel_loop3A_537 = vector.shape_cast %parallel_loop3A_536 : vector<1x16xf32> to vector<16xf32>
        %parallel_loop3A_538 = arith.constant 0.000000e+00 : f32
        %parallel_loop3A_539 = vector.broadcast %parallel_loop3A_538 : f32 to vector<16xf32>
        %parallel_loop3A_540 = arith.cmpf ogt, %parallel_loop3A_537, %parallel_loop3A_539 : vector<16xf32>
        %parallel_loop3A_541 = arith.select %parallel_loop3A_540, %broadcast_in_dim3A_3, %broadcast_in_dim3A_5 : vector<16xi1>, vector<16xi32>
        %parallel_loop3A_542 = arith.addi %parallel_loop3A_470, %parallel_loop3A_541 : vector<16xi32>
        %parallel_loop3A_543 = arith.index_cast %parallel_loop3A_102 : i32 to index
        %parallel_loop3A_544 = arith.constant 768 : index
        %parallel_loop3A_545 = tpu.vector_load %arg6[%parallel_loop3A_543, %parallel_loop3A_544] {strides = array<i32>} : memref<32x1024xf32, #tpu.memory_space<vmem>>, vector<1x16xf32>,
        %parallel_loop3A_546 = vector.shape_cast %parallel_loop3A_545 : vector<1x16xf32> to vector<16xf32>
        %parallel_loop3A_547 = arith.constant 0.000000e+00 : f32
        %parallel_loop3A_548 = vector.broadcast %parallel_loop3A_547 : f32 to vector<16xf32>
        %parallel_loop3A_549 = arith.cmpf ogt, %parallel_loop3A_546, %parallel_loop3A_548 : vector<16xf32>
        %parallel_loop3A_550 = arith.select %parallel_loop3A_549, %broadcast_in_dim3A_3, %broadcast_in_dim3A_5 : vector<16xi1>, vector<16xi32>
        %parallel_loop3A_551 = arith.addi %parallel_loop3A_479, %parallel_loop3A_550 : vector<16xi32>
        %parallel_loop3A_552 = arith.index_cast %parallel_loop3A_102 : i32 to index
        %parallel_loop3A_553 = arith.constant 784 : index
        %parallel_loop3A_554 = tpu.vector_load %arg6[%parallel_loop3A_552, %parallel_loop3A_553] {strides = array<i32>} : memref<32x1024xf32, #tpu.memory_space<vmem>>, vector<1x16xf32>,
        %parallel_loop3A_555 = vector.shape_cast %parallel_loop3A_554 : vector<1x16xf32> to vector<16xf32>
        %parallel_loop3A_556 = arith.constant 0.000000e+00 : f32
        %parallel_loop3A_557 = vector.broadcast %parallel_loop3A_556 : f32 to vector<16xf32>
        %parallel_loop3A_558 = arith.cmpf ogt, %parallel_loop3A_555, %parallel_loop3A_557 : vector<16xf32>
        %parallel_loop3A_559 = arith.select %parallel_loop3A_558, %broadcast_in_dim3A_3, %broadcast_in_dim3A_5 : vector<16xi1>, vector<16xi32>
        %parallel_loop3A_560 = arith.addi %parallel_loop3A_488, %parallel_loop3A_559 : vector<16xi32>
        %parallel_loop3A_561 = arith.index_cast %parallel_loop3A_102 : i32 to index
        %parallel_loop3A_562 = arith.constant 800 : index
        %parallel_loop3A_563 = tpu.vector_load %arg6[%parallel_loop3A_561, %parallel_loop3A_562] {strides = array<i32>} : memref<32x1024xf32, #tpu.memory_space<vmem>>, vector<1x16xf32>,
        %parallel_loop3A_564 = vector.shape_cast %parallel_loop3A_563 : vector<1x16xf32> to vector<16xf32>
        %parallel_loop3A_565 = arith.constant 0.000000e+00 : f32
        %parallel_loop3A_566 = vector.broadcast %parallel_loop3A_565 : f32 to vector<16xf32>
        %parallel_loop3A_567 = arith.cmpf ogt, %parallel_loop3A_564, %parallel_loop3A_566 : vector<16xf32>
        %parallel_loop3A_568 = arith.select %parallel_loop3A_567, %broadcast_in_dim3A_3, %broadcast_in_dim3A_5 : vector<16xi1>, vector<16xi32>
        %parallel_loop3A_569 = arith.addi %parallel_loop3A_497, %parallel_loop3A_568 : vector<16xi32>
        %parallel_loop3A_570 = arith.index_cast %parallel_loop3A_102 : i32 to index
        %parallel_loop3A_571 = arith.constant 816 : index
        %parallel_loop3A_572 = tpu.vector_load %arg6[%parallel_loop3A_570, %parallel_loop3A_571] {strides = array<i32>} : memref<32x1024xf32, #tpu.memory_space<vmem>>, vector<1x16xf32>,
        %parallel_loop3A_573 = vector.shape_cast %parallel_loop3A_572 : vector<1x16xf32> to vector<16xf32>
        %parallel_loop3A_574 = arith.constant 0.000000e+00 : f32
        %parallel_loop3A_575 = vector.broadcast %parallel_loop3A_574 : f32 to vector<16xf32>
        %parallel_loop3A_576 = arith.cmpf ogt, %parallel_loop3A_573, %parallel_loop3A_575 : vector<16xf32>
        %parallel_loop3A_577 = arith.select %parallel_loop3A_576, %broadcast_in_dim3A_3, %broadcast_in_dim3A_5 : vector<16xi1>, vector<16xi32>
        %parallel_loop3A_578 = arith.addi %parallel_loop3A_506, %parallel_loop3A_577 : vector<16xi32>
        %parallel_loop3A_579 = arith.index_cast %parallel_loop3A_102 : i32 to index
        %parallel_loop3A_580 = arith.constant 832 : index
        %parallel_loop3A_581 = tpu.vector_load %arg6[%parallel_loop3A_579, %parallel_loop3A_580] {strides = array<i32>} : memref<32x1024xf32, #tpu.memory_space<vmem>>, vector<1x16xf32>,
        %parallel_loop3A_582 = vector.shape_cast %parallel_loop3A_581 : vector<1x16xf32> to vector<16xf32>
        %parallel_loop3A_583 = arith.constant 0.000000e+00 : f32
        %parallel_loop3A_584 = vector.broadcast %parallel_loop3A_583 : f32 to vector<16xf32>
        %parallel_loop3A_585 = arith.cmpf ogt, %parallel_loop3A_582, %parallel_loop3A_584 : vector<16xf32>
        %parallel_loop3A_586 = arith.select %parallel_loop3A_585, %broadcast_in_dim3A_3, %broadcast_in_dim3A_5 : vector<16xi1>, vector<16xi32>
        %parallel_loop3A_587 = arith.addi %parallel_loop3A_515, %parallel_loop3A_586 : vector<16xi32>
        %parallel_loop3A_588 = arith.index_cast %parallel_loop3A_102 : i32 to index
        %parallel_loop3A_589 = arith.constant 848 : index
        %parallel_loop3A_590 = tpu.vector_load %arg6[%parallel_loop3A_588, %parallel_loop3A_589] {strides = array<i32>} : memref<32x1024xf32, #tpu.memory_space<vmem>>, vector<1x16xf32>,
        %parallel_loop3A_591 = vector.shape_cast %parallel_loop3A_590 : vector<1x16xf32> to vector<16xf32>
        %parallel_loop3A_592 = arith.constant 0.000000e+00 : f32
        %parallel_loop3A_593 = vector.broadcast %parallel_loop3A_592 : f32 to vector<16xf32>
        %parallel_loop3A_594 = arith.cmpf ogt, %parallel_loop3A_591, %parallel_loop3A_593 : vector<16xf32>
        %parallel_loop3A_595 = arith.select %parallel_loop3A_594, %broadcast_in_dim3A_3, %broadcast_in_dim3A_5 : vector<16xi1>, vector<16xi32>
        %parallel_loop3A_596 = arith.addi %parallel_loop3A_524, %parallel_loop3A_595 : vector<16xi32>
        %parallel_loop3A_597 = arith.index_cast %parallel_loop3A_102 : i32 to index
        %parallel_loop3A_598 = arith.constant 864 : index
        %parallel_loop3A_599 = tpu.vector_load %arg6[%parallel_loop3A_597, %parallel_loop3A_598] {strides = array<i32>} : memref<32x1024xf32, #tpu.memory_space<vmem>>, vector<1x16xf32>,
        %parallel_loop3A_600 = vector.shape_cast %parallel_loop3A_599 : vector<1x16xf32> to vector<16xf32>
        %parallel_loop3A_601 = arith.constant 0.000000e+00 : f32
        %parallel_loop3A_602 = vector.broadcast %parallel_loop3A_601 : f32 to vector<16xf32>
        %parallel_loop3A_603 = arith.cmpf ogt, %parallel_loop3A_600, %parallel_loop3A_602 : vector<16xf32>
        %parallel_loop3A_604 = arith.select %parallel_loop3A_603, %broadcast_in_dim3A_3, %broadcast_in_dim3A_5 : vector<16xi1>, vector<16xi32>
        %parallel_loop3A_605 = arith.addi %parallel_loop3A_533, %parallel_loop3A_604 : vector<16xi32>
        %parallel_loop3A_606 = arith.index_cast %parallel_loop3A_102 : i32 to index
        %parallel_loop3A_607 = arith.constant 880 : index
        %parallel_loop3A_608 = tpu.vector_load %arg6[%parallel_loop3A_606, %parallel_loop3A_607] {strides = array<i32>} : memref<32x1024xf32, #tpu.memory_space<vmem>>, vector<1x16xf32>,
        %parallel_loop3A_609 = vector.shape_cast %parallel_loop3A_608 : vector<1x16xf32> to vector<16xf32>
        %parallel_loop3A_610 = arith.constant 0.000000e+00 : f32
        %parallel_loop3A_611 = vector.broadcast %parallel_loop3A_610 : f32 to vector<16xf32>
        %parallel_loop3A_612 = arith.cmpf ogt, %parallel_loop3A_609, %parallel_loop3A_611 : vector<16xf32>
        %parallel_loop3A_613 = arith.select %parallel_loop3A_612, %broadcast_in_dim3A_3, %broadcast_in_dim3A_5 : vector<16xi1>, vector<16xi32>
        %parallel_loop3A_614 = arith.addi %parallel_loop3A_542, %parallel_loop3A_613 : vector<16xi32>
        %parallel_loop3A_615 = arith.index_cast %parallel_loop3A_102 : i32 to index
        %parallel_loop3A_616 = arith.constant 896 : index
        %parallel_loop3A_617 = tpu.vector_load %arg6[%parallel_loop3A_615, %parallel_loop3A_616] {strides = array<i32>} : memref<32x1024xf32, #tpu.memory_space<vmem>>, vector<1x16xf32>,
        %parallel_loop3A_618 = vector.shape_cast %parallel_loop3A_617 : vector<1x16xf32> to vector<16xf32>
        %parallel_loop3A_619 = arith.constant 0.000000e+00 : f32
        %parallel_loop3A_620 = vector.broadcast %parallel_loop3A_619 : f32 to vector<16xf32>
        %parallel_loop3A_621 = arith.cmpf ogt, %parallel_loop3A_618, %parallel_loop3A_620 : vector<16xf32>
        %parallel_loop3A_622 = arith.select %parallel_loop3A_621, %broadcast_in_dim3A_3, %broadcast_in_dim3A_5 : vector<16xi1>, vector<16xi32>
        %parallel_loop3A_623 = arith.addi %parallel_loop3A_551, %parallel_loop3A_622 : vector<16xi32>
        %parallel_loop3A_624 = arith.index_cast %parallel_loop3A_102 : i32 to index
        %parallel_loop3A_625 = arith.constant 912 : index
        %parallel_loop3A_626 = tpu.vector_load %arg6[%parallel_loop3A_624, %parallel_loop3A_625] {strides = array<i32>} : memref<32x1024xf32, #tpu.memory_space<vmem>>, vector<1x16xf32>,
        %parallel_loop3A_627 = vector.shape_cast %parallel_loop3A_626 : vector<1x16xf32> to vector<16xf32>
        %parallel_loop3A_628 = arith.constant 0.000000e+00 : f32
        %parallel_loop3A_629 = vector.broadcast %parallel_loop3A_628 : f32 to vector<16xf32>
        %parallel_loop3A_630 = arith.cmpf ogt, %parallel_loop3A_627, %parallel_loop3A_629 : vector<16xf32>
        %parallel_loop3A_631 = arith.select %parallel_loop3A_630, %broadcast_in_dim3A_3, %broadcast_in_dim3A_5 : vector<16xi1>, vector<16xi32>
        %parallel_loop3A_632 = arith.addi %parallel_loop3A_560, %parallel_loop3A_631 : vector<16xi32>
        %parallel_loop3A_633 = arith.index_cast %parallel_loop3A_102 : i32 to index
        %parallel_loop3A_634 = arith.constant 928 : index
        %parallel_loop3A_635 = tpu.vector_load %arg6[%parallel_loop3A_633, %parallel_loop3A_634] {strides = array<i32>} : memref<32x1024xf32, #tpu.memory_space<vmem>>, vector<1x16xf32>,
        %parallel_loop3A_636 = vector.shape_cast %parallel_loop3A_635 : vector<1x16xf32> to vector<16xf32>
        %parallel_loop3A_637 = arith.constant 0.000000e+00 : f32
        %parallel_loop3A_638 = vector.broadcast %parallel_loop3A_637 : f32 to vector<16xf32>
        %parallel_loop3A_639 = arith.cmpf ogt, %parallel_loop3A_636, %parallel_loop3A_638 : vector<16xf32>
        %parallel_loop3A_640 = arith.select %parallel_loop3A_639, %broadcast_in_dim3A_3, %broadcast_in_dim3A_5 : vector<16xi1>, vector<16xi32>
        %parallel_loop3A_641 = arith.addi %parallel_loop3A_569, %parallel_loop3A_640 : vector<16xi32>
        %parallel_loop3A_642 = arith.index_cast %parallel_loop3A_102 : i32 to index
        %parallel_loop3A_643 = arith.constant 944 : index
        %parallel_loop3A_644 = tpu.vector_load %arg6[%parallel_loop3A_642, %parallel_loop3A_643] {strides = array<i32>} : memref<32x1024xf32, #tpu.memory_space<vmem>>, vector<1x16xf32>,
        %parallel_loop3A_645 = vector.shape_cast %parallel_loop3A_644 : vector<1x16xf32> to vector<16xf32>
        %parallel_loop3A_646 = arith.constant 0.000000e+00 : f32
        %parallel_loop3A_647 = vector.broadcast %parallel_loop3A_646 : f32 to vector<16xf32>
        %parallel_loop3A_648 = arith.cmpf ogt, %parallel_loop3A_645, %parallel_loop3A_647 : vector<16xf32>
        %parallel_loop3A_649 = arith.select %parallel_loop3A_648, %broadcast_in_dim3A_3, %broadcast_in_dim3A_5 : vector<16xi1>, vector<16xi32>
        %parallel_loop3A_650 = arith.addi %parallel_loop3A_578, %parallel_loop3A_649 : vector<16xi32>
        %parallel_loop3A_651 = arith.index_cast %parallel_loop3A_102 : i32 to index
        %parallel_loop3A_652 = arith.constant 960 : index
        %parallel_loop3A_653 = tpu.vector_load %arg6[%parallel_loop3A_651, %parallel_loop3A_652] {strides = array<i32>} : memref<32x1024xf32, #tpu.memory_space<vmem>>, vector<1x16xf32>,
        %parallel_loop3A_654 = vector.shape_cast %parallel_loop3A_653 : vector<1x16xf32> to vector<16xf32>
        %parallel_loop3A_655 = arith.constant 0.000000e+00 : f32
        %parallel_loop3A_656 = vector.broadcast %parallel_loop3A_655 : f32 to vector<16xf32>
        %parallel_loop3A_657 = arith.cmpf ogt, %parallel_loop3A_654, %parallel_loop3A_656 : vector<16xf32>
        %parallel_loop3A_658 = arith.select %parallel_loop3A_657, %broadcast_in_dim3A_3, %broadcast_in_dim3A_5 : vector<16xi1>, vector<16xi32>
        %parallel_loop3A_659 = arith.addi %parallel_loop3A_587, %parallel_loop3A_658 : vector<16xi32>
        %parallel_loop3A_660 = arith.index_cast %parallel_loop3A_102 : i32 to index
        %parallel_loop3A_661 = arith.constant 976 : index
        %parallel_loop3A_662 = tpu.vector_load %arg6[%parallel_loop3A_660, %parallel_loop3A_661] {strides = array<i32>} : memref<32x1024xf32, #tpu.memory_space<vmem>>, vector<1x16xf32>,
        %parallel_loop3A_663 = vector.shape_cast %parallel_loop3A_662 : vector<1x16xf32> to vector<16xf32>
        %parallel_loop3A_664 = arith.constant 0.000000e+00 : f32
        %parallel_loop3A_665 = vector.broadcast %parallel_loop3A_664 : f32 to vector<16xf32>
        %parallel_loop3A_666 = arith.cmpf ogt, %parallel_loop3A_663, %parallel_loop3A_665 : vector<16xf32>
        %parallel_loop3A_667 = arith.select %parallel_loop3A_666, %broadcast_in_dim3A_3, %broadcast_in_dim3A_5 : vector<16xi1>, vector<16xi32>
        %parallel_loop3A_668 = arith.addi %parallel_loop3A_596, %parallel_loop3A_667 : vector<16xi32>
        %parallel_loop3A_669 = arith.index_cast %parallel_loop3A_102 : i32 to index
        %parallel_loop3A_670 = arith.constant 992 : index
        %parallel_loop3A_671 = tpu.vector_load %arg6[%parallel_loop3A_669, %parallel_loop3A_670] {strides = array<i32>} : memref<32x1024xf32, #tpu.memory_space<vmem>>, vector<1x16xf32>,
        %parallel_loop3A_672 = vector.shape_cast %parallel_loop3A_671 : vector<1x16xf32> to vector<16xf32>
        %parallel_loop3A_673 = arith.constant 0.000000e+00 : f32
        %parallel_loop3A_674 = vector.broadcast %parallel_loop3A_673 : f32 to vector<16xf32>
        %parallel_loop3A_675 = arith.cmpf ogt, %parallel_loop3A_672, %parallel_loop3A_674 : vector<16xf32>
        %parallel_loop3A_676 = arith.select %parallel_loop3A_675, %broadcast_in_dim3A_3, %broadcast_in_dim3A_5 : vector<16xi1>, vector<16xi32>
        %parallel_loop3A_677 = arith.addi %parallel_loop3A_605, %parallel_loop3A_676 : vector<16xi32>
        %parallel_loop3A_678 = arith.index_cast %parallel_loop3A_102 : i32 to index
        %parallel_loop3A_679 = arith.constant 1008 : index
        %parallel_loop3A_680 = tpu.vector_load %arg6[%parallel_loop3A_678, %parallel_loop3A_679] {strides = array<i32>} : memref<32x1024xf32, #tpu.memory_space<vmem>>, vector<1x16xf32>,
        %parallel_loop3A_681 = vector.shape_cast %parallel_loop3A_680 : vector<1x16xf32> to vector<16xf32>
        %parallel_loop3A_682 = arith.constant 0.000000e+00 : f32
        %parallel_loop3A_683 = vector.broadcast %parallel_loop3A_682 : f32 to vector<16xf32>
        %parallel_loop3A_684 = arith.cmpf ogt, %parallel_loop3A_681, %parallel_loop3A_683 : vector<16xf32>
        %parallel_loop3A_685 = arith.select %parallel_loop3A_684, %broadcast_in_dim3A_3, %broadcast_in_dim3A_5 : vector<16xi1>, vector<16xi32>
        %parallel_loop3A_686 = arith.addi %parallel_loop3A_614, %parallel_loop3A_685 : vector<16xi32>
        scf.yield %parallel_loop3A_623, %parallel_loop3A_632, %parallel_loop3A_641, %parallel_loop3A_650, %parallel_loop3A_659, %parallel_loop3A_668, %parallel_loop3A_677, %parallel_loop3A_686 : vector<16xi32>, vector<16xi32>, vector<16xi32>, vector<16xi32>, vector<16xi32>, vector<16xi32>, vector<16xi32>, vector<16xi32>
      } {sc.loop_unroll_factor = 2 : i64, sc.parallel_access}
      %mul3A_91 = arith.constant 2 : i32
      %mul3A_92 = arith.muli %scan3A_60, %mul3A_91 : i32
      %add3A_93 = arith.constant 1 : i32
      %add3A_94 = arith.addi %mul3A_92, %add3A_93 : i32
      %add3A_95 = arith.constant 2 : i32
      %add3A_96 = arith.addi %add3A_94, %add3A_95 : i32
      %lt3A_97 = arith.constant 8 : i32
      %lt3A_98 = arith.cmpi slt, %add3A_96, %lt3A_97 : i32
      %convert_element_type3A_99 = arith.extui %lt3A_98 : i1 to i32
      %cond3A_100 = arith.constant 0 : i32
      %cond3A_101 = arith.cmpi ne, %convert_element_type3A_99, %cond3A_100 : i32
      scf.if %cond3A_101 {
        %mul3A_102 = arith.constant 32 : i32
        %mul3A_103 = arith.muli %add3A_96, %mul3A_102 : i32
        %add3A_104 = arith.addi %mul3A_2, %mul3A_103 : i32
        %dma_start3A_105 = arith.constant 0 : i32
        %dma_start3A_106 = tpu.memref_slice %arg3[%add3A_104, %dma_start3A_105] : memref<32768x1024xf32, #tpu.memory_space<hbm>> -> memref<32x1024xf32, #tpu.memory_space<hbm>>
        %dma_start3A_107 = arith.constant 0 : i32
        %dma_start3A_108 = tpu.memref_slice %arg3[%add3A_104, %dma_start3A_107] : memref<32768x1024xf32, #tpu.memory_space<hbm>> -> memref<32x1024xf32, #tpu.memory_space<hbm>>
        tpu.enqueue_dma source(%dma_start3A_108 : memref<32x1024xf32, #tpu.memory_space<hbm>>) target(%arg6 : memref<32x1024xf32, #tpu.memory_space<vmem>>) target_semaphore(%arg9 : memref<!tpu.dma_semaphore, #tpu.memory_space<semaphore_mem>>)
      } else {
      }
      scf.yield %parallel_loop3A_90#0, %parallel_loop3A_90#1, %parallel_loop3A_90#2, %parallel_loop3A_90#3, %parallel_loop3A_90#4, %parallel_loop3A_90#5, %parallel_loop3A_90#6, %parallel_loop3A_90#7 : vector<16xi32>, vector<16xi32>, vector<16xi32>, vector<16xi32>, vector<16xi32>, vector<16xi32>, vector<16xi32>, vector<16xi32>
    }
    %scan3A_47 = arith.constant 4 : i32
    %add3A_48 = arith.addi %scan3A_46#0, %scan3A_46#1 : vector<16xi32>
    %add3A_49 = arith.addi %add3A_48, %scan3A_46#2 : vector<16xi32>
    %add3A_50 = arith.addi %add3A_49, %scan3A_46#3 : vector<16xi32>
    %add3A_51 = arith.addi %add3A_50, %scan3A_46#4 : vector<16xi32>
    %add3A_52 = arith.addi %add3A_51, %scan3A_46#5 : vector<16xi32>
    %add3A_53 = arith.addi %add3A_52, %scan3A_46#6 : vector<16xi32>
    %add3A_54 = arith.addi %add3A_53, %scan3A_46#7 : vector<16xi32>
    %swap3A_55 = arith.constant 0 : index
    %swap3A_56 = tpu.vector_load %arg7[%swap3A_55] {strides = array<i32>} : memref<16xi32, #tpu.memory_space<vmem>>, vector<16xi32>,
    %swap3A_57 = vector.shape_cast %swap3A_56 : vector<16xi32> to vector<16xi32>
    %swap3A_58 = vector.shape_cast %add3A_54 : vector<16xi32> to vector<16xi32>
    tpu.vector_store %arg7[%swap3A_55], %swap3A_58 {strides = array<i32>} : memref<16xi32, #tpu.memory_space<vmem>>, vector<16xi32>,
    %run_scoped3A_59 = arith.constant 1 : i32
    "tpu.region"() ({
      %run_scoped3A_60 = tpu.sem_alloc : memref<!tpu.dma_semaphore, #tpu.memory_space<semaphore_mem>>
      %dma_start3A_61 = arith.constant 0 : i32
      %dma_start3A_62 = tpu.memref_slice %arg4[%add3A, %run_scoped3A_59, %dma_start3A_61] : memref<32x2x16xi32, #tpu.memory_space<hbm>> -> memref<1x1x16xi32, #tpu.memory_space<hbm>>
      %dma_start3A_63 = tpu.memref_squeeze %dma_start3A_62 : memref<1x1x16xi32, #tpu.memory_space<hbm>> -> memref<16xi32, #tpu.memory_space<hbm>>
      %dma_start3A_64 = arith.constant 0 : i32
      %dma_start3A_65 = tpu.memref_slice %arg4[%add3A, %run_scoped3A_59, %dma_start3A_64] : memref<32x2x16xi32, #tpu.memory_space<hbm>> -> memref<1x1x16xi32, #tpu.memory_space<hbm>>
      %dma_start3A_66 = tpu.memref_squeeze %dma_start3A_65 : memref<1x1x16xi32, #tpu.memory_space<hbm>> -> memref<16xi32, #tpu.memory_space<hbm>>
      tpu.enqueue_dma source(%arg7 : memref<16xi32, #tpu.memory_space<vmem>>) target(%dma_start3A_66 : memref<16xi32, #tpu.memory_space<hbm>>) target_semaphore(%run_scoped3A_60 : memref<!tpu.dma_semaphore, #tpu.memory_space<semaphore_mem>>)
      %dma_wait3A = arith.constant 0 : i32
      %dma_wait3A_67 = tpu.memref_slice %arg4[%add3A, %run_scoped3A_59, %dma_wait3A] : memref<32x2x16xi32, #tpu.memory_space<hbm>> -> memref<1x1x16xi32, #tpu.memory_space<hbm>>
      %dma_wait3A_68 = tpu.memref_squeeze %dma_wait3A_67 : memref<1x1x16xi32, #tpu.memory_space<hbm>> -> memref<16xi32, #tpu.memory_space<hbm>>
      %dma_wait3A_69 = arith.constant 0 : i32
      %dma_wait3A_70 = tpu.memref_slice %arg4[%add3A, %run_scoped3A_59, %dma_wait3A_69] : memref<32x2x16xi32, #tpu.memory_space<hbm>> -> memref<1x1x16xi32, #tpu.memory_space<hbm>>
      %dma_wait3A_71 = tpu.memref_squeeze %dma_wait3A_70 : memref<1x1x16xi32, #tpu.memory_space<hbm>> -> memref<16xi32, #tpu.memory_space<hbm>>
      tpu.wait_dma2 semaphore(%run_scoped3A_60 : memref<!tpu.dma_semaphore, #tpu.memory_space<semaphore_mem>>) src(%arg7 : memref<16xi32, #tpu.memory_space<vmem>>) dst(%dma_wait3A_71 : memref<16xi32, #tpu.memory_space<hbm>>)
      tpu.yield
    }) : () -> ()
    return
  }
}

module attributes {stable_mosaic.version = 14 : i64} {
  func.func @_tc_body(%arg0: i32, %arg1: memref<2048x1024xf32, #tpu.memory_space<vmem>>, %arg2: memref<2048x1024xf32, #tpu.memory_space<vmem>>, %arg3: memref<2xi32, #tpu.memory_space<smem>>, %arg4: memref<2xi32, #tpu.memory_space<smem>>) attributes {dimension_semantics = [#tpu.dimension_semantics<arbitrary>], iteration_bounds = array<i64: 12>, scalar_prefetch = 0 : i64, scratch_operands = 1 : i64, tpu.core_type = #tpu.core_type<tc>, window_params = [{transform_indices = @transform_0, window_bounds = array<i64: 2048, 1024>}, {transform_indices = @transform_1, window_bounds = array<i64: 2048, 1024>}, {transform_indices = @transform_2, window_bounds = array<i64: 2>}]} {
    %eq3A = arith.constant 0 : i32
    %eq3A_0 = arith.cmpi eq, %arg0, %eq3A : i32
    %convert_element_type3A = arith.extui %eq3A_0 : i1 to i32
    %cond3A = arith.constant 0 : i32
    %cond3A_1 = arith.cmpi ne, %convert_element_type3A, %cond3A : i32
    scf.if %cond3A_1 {
      %swap3A_36 = arith.constant 0 : i32
      %swap3A_37 = arith.constant 0 : index
      %swap3A_38 = memref.load %arg4[%swap3A_37] : memref<2xi32, #tpu.memory_space<smem>>
      memref.store %swap3A_36, %arg4[%swap3A_37] : memref<2xi32, #tpu.memory_space<smem>>
      %swap3A_39 = arith.constant 0 : i32
      %swap3A_40 = arith.constant 1 : index
      %swap3A_41 = memref.load %arg4[%swap3A_40] : memref<2xi32, #tpu.memory_space<smem>>
      memref.store %swap3A_39, %arg4[%swap3A_40] : memref<2xi32, #tpu.memory_space<smem>>
    } else {
    }
    %get3A = arith.constant 0 : index
    %get3A_2 = memref.load %arg4[%get3A] : memref<2xi32, #tpu.memory_space<smem>>
    %get3A_3 = arith.constant 0 : index
    %get3A_4 = arith.constant 0 : index
    %get3A_5 = vector.load %arg1[%get3A_3, %get3A_4] : memref<2048x1024xf32, #tpu.memory_space<vmem>>, vector<2048x1024xf32>
    %gt3A = arith.constant 0.000000e+00 : f32
    %gt3A_6 = vector.broadcast %gt3A : f32 to vector<2048x1024xf32>
    %gt3A_7 = arith.cmpf ogt, %get3A_5, %gt3A_6 : vector<2048x1024xf32>
    %convert_element_type3A_8 = arith.extui %gt3A_7 : vector<2048x1024xi1> to vector<2048x1024xi32>
    %reduce_sum3A = vector.shape_cast %convert_element_type3A_8 : vector<2048x1024xi32> to vector<1x2048x1024xi32>
    %reduce_sum3A_9 = arith.constant dense<0> : vector<1xi32>
    %reduce_sum3A_10 = vector.multi_reduction <add>, %reduce_sum3A, %reduce_sum3A_9 [1, 2] : vector<1x2048x1024xi32> to vector<1xi32>
    %reduce_sum3A_11 = vector.shape_cast %reduce_sum3A_10 : vector<1xi32> to vector<1x1x1xi32>
    %reduce_sum3A_12 = vector.extract %reduce_sum3A_11[0, 0, 0] : i32 from vector<1x1x1xi32>
    %add3A = arith.addi %get3A_2, %reduce_sum3A_12 : i32
    %swap3A = arith.constant 0 : index
    %swap3A_13 = memref.load %arg4[%swap3A] : memref<2xi32, #tpu.memory_space<smem>>
    memref.store %add3A, %arg4[%swap3A] : memref<2xi32, #tpu.memory_space<smem>>
    %get3A_14 = arith.constant 1 : index
    %get3A_15 = memref.load %arg4[%get3A_14] : memref<2xi32, #tpu.memory_space<smem>>
    %get3A_16 = arith.constant 0 : index
    %get3A_17 = arith.constant 0 : index
    %get3A_18 = vector.load %arg2[%get3A_16, %get3A_17] : memref<2048x1024xf32, #tpu.memory_space<vmem>>, vector<2048x1024xf32>
    %gt3A_19 = arith.constant 0.000000e+00 : f32
    %gt3A_20 = vector.broadcast %gt3A_19 : f32 to vector<2048x1024xf32>
    %gt3A_21 = arith.cmpf ogt, %get3A_18, %gt3A_20 : vector<2048x1024xf32>
    %convert_element_type3A_22 = arith.extui %gt3A_21 : vector<2048x1024xi1> to vector<2048x1024xi32>
    %reduce_sum3A_23 = vector.shape_cast %convert_element_type3A_22 : vector<2048x1024xi32> to vector<1x2048x1024xi32>
    %reduce_sum3A_24 = arith.constant dense<0> : vector<1xi32>
    %reduce_sum3A_25 = vector.multi_reduction <add>, %reduce_sum3A_23, %reduce_sum3A_24 [1, 2] : vector<1x2048x1024xi32> to vector<1xi32>
    %reduce_sum3A_26 = vector.shape_cast %reduce_sum3A_25 : vector<1xi32> to vector<1x1x1xi32>
    %reduce_sum3A_27 = vector.extract %reduce_sum3A_26[0, 0, 0] : i32 from vector<1x1x1xi32>
    %add3A_28 = arith.addi %get3A_15, %reduce_sum3A_27 : i32
    %swap3A_29 = arith.constant 1 : index
    %swap3A_30 = memref.load %arg4[%swap3A_29] : memref<2xi32, #tpu.memory_space<smem>>
    memref.store %add3A_28, %arg4[%swap3A_29] : memref<2xi32, #tpu.memory_space<smem>>
    %eq3A_31 = arith.constant 11 : i32
    %eq3A_32 = arith.cmpi eq, %arg0, %eq3A_31 : i32
    %convert_element_type3A_33 = arith.extui %eq3A_32 : i1 to i32
    %cond3A_34 = arith.constant 0 : i32
    %cond3A_35 = arith.cmpi ne, %convert_element_type3A_33, %cond3A_34 : i32
    scf.if %cond3A_35 {
      %get3A_36 = arith.constant 0 : index
      %get3A_37 = memref.load %arg4[%get3A_36] : memref<2xi32, #tpu.memory_space<smem>>
      %swap3A_38 = arith.constant 0 : index
      %swap3A_39 = memref.load %arg3[%swap3A_38] : memref<2xi32, #tpu.memory_space<smem>>
      memref.store %get3A_37, %arg3[%swap3A_38] : memref<2xi32, #tpu.memory_space<smem>>
      %get3A_40 = arith.constant 1 : index
      %get3A_41 = memref.load %arg4[%get3A_40] : memref<2xi32, #tpu.memory_space<smem>>
      %swap3A_42 = arith.constant 1 : index
      %swap3A_43 = memref.load %arg3[%swap3A_42] : memref<2xi32, #tpu.memory_space<smem>>
      memref.store %get3A_41, %arg3[%swap3A_42] : memref<2xi32, #tpu.memory_space<smem>>
    } else {
    }
    return
  }
  func.func @transform_0(%arg0: i32) -> (i32, i32) {
    %add3A = arith.constant 4 : i32
    %add3A_0 = arith.addi %arg0, %add3A : i32
    %c0_i32 = arith.constant 0 : i32
    %c0_i32_1 = arith.constant 0 : i32
    return %add3A_0, %c0_i32 : i32, i32
  }
  func.func @transform_1(%arg0: i32) -> (i32, i32) {
    %add3A = arith.constant 4 : i32
    %add3A_0 = arith.addi %arg0, %add3A : i32
    %c0_i32 = arith.constant 0 : i32
    %c0_i32_1 = arith.constant 0 : i32
    return %add3A_0, %c0_i32 : i32, i32
  }
  func.func @transform_2(%arg0: i32) -> i32 {
    %c0_i32 = arith.constant 0 : i32
    %c0_i32_0 = arith.constant 0 : i32
    return %c0_i32 : i32
  }
}

</mosaic_0001>

<sc_bundles>
// kernel: kernel.4.cloned.1.call-start
scs
__scs_entry_jumppad:
0x0: {  	(pc) =	sbr.rel $0x88, $3  }
0x1: {  	(tag) =	ssettag $0x0;
	lr =	simm.s32 $0x1  }
0x2: {  	[smem:$0x3F9F] =	sst lr;
	_ =	strace $0xD0000000  }
0x3: {  	_ = 	snop  }
0x4: {  	_ = 	snop  }
0x5: {  	_ = 	snop  }
0x6: {  	_ = 	snop  }
0x7: {  	_ = 	snop  }
__scs_overlays_trampoline_lowered:
0x8: {  	[smem:$0x3FAE] =	sst s0  }
0x9: {  	[smem:$0x3FAF] =	sst s1  }
0xa: {  	[smem:$0x3FB0] =	sst s2  }
0xb: {  	[smem:$0x3FB1] =	sst s3  }
0xc: {  	[smem:$0x3FB2] =	sst s4  }
0xd: {  	[smem:$0x3FB3] =	sst s5  }
0xe: {  	[smem:$0x3FB4] =	sst s6  }
0xf: {  	[smem:$0x3FB5] =	sst s7  }
0x10: {  	[smem:$0x3FB6] =	sst s8  }
0x11: {  	[smem:$0x3FB7] =	sst s9;
	s0 =	simm.s32 @!p0 $0x0  }
0x12: {  	s1 =	sld [smem:$0x3F9D];
	s0 =	simm.s32 @p0 $0x1  }
0x13: {  	[smem:$0x3FB8] =	sst s0;
	s0 =	simm.s32 @!p1 $0x0  }
0x14: {  	s2 =	sld [smem:$0x3F9C];
	s0 =	simm.s32 @p1 $0x1  }
0x15: {  	[smem:$0x3FB9] =	sst s0;
	s0 =	simm.s32 @!p2 $0x0  }
0x16: {  	s3 =	sld [smem:$0x3FDB];
	s0 =	simm.s32 @p2 $0x1  }
0x17: {  	s4 =	simm.s32 $0x1BF5;
	[smem:$0x3FBB] =	sst s0  }
0x18: {  	s0 =	sld [smem:$0x3F9E];
	_ =	swait.ge [sflag:s4], $0x0  }
0x19: {  	s7 =	sld [smem:$0x3F9F]  }
0x1a: {  	s8 =	sadd.s32 $0xFFFFE003, lr  }
0x1b: {  	s9 =	sadd.s32 $0xFFFFFEF7, lr;
	s5 =	simm.s32 $0xFFFFFFFF;
	p2 =	slt.u32 s8, $0xFFFFF086  }
0x1c: {  	p1 =	slt.u32 s9, $0xF7A;
	s5 =	simm.s32 @!p2 $0x0  }
0x1d: {  	s5 =	simm.s32 @p1 $0x1;
	p0 =	seq.s32 s7, s2  }
0x1e: {  	s7 =	smul.u32 @!p0 $0xF7A, s2;
	p2 =	seq.s32 @!p0 s5, $0x0  }
0x1f: {  	s9 =	smul.u32 $0xF7A, s1;
	s8 =	simm.s32 @!p0 $0x1BF5;
	p2 =	por !p2, p0  }
0x20: {  	[sflag:s8] =	ssyncset.s32 @!p0 $0xFFFFF086;
	s6 =	sadd.s32 @!p0 s3, s7;
	s7 =	simm.s32 @!p0 $0x108  }
0x21: {  	s3 =	sadd.s32 s3, s9;
	s6 =	sadd.s32 @!p0 $0x88, s6;
	s7 =	simm.s32 @p2 $0x1082  }
0x22: {  	[simem:s7], [sflag:s8] =	dma.local @!p0 [hbm:s6], $0xF7A  }
0x23: {  	s9 =	sor.u32 $0xD0000000, s2;
	s6 =	simm.s32 $0x108;
	_ =	swait.ge @!p0 [sflag:s8], $0x0  }
0x24: {  	s3 =	sadd.s32 $0x88, s3;
	s6 =	simm.s32 @!p1 $0x1082;
	[sflag:s4] =	ssyncset.s32 $0xFFFFF086  }
0x25: {  	[simem:s6], [sflag:s4] =	dma.local [hbm:s3], $0xF7A  }
0x26: {  	[smem:$0x3F9F] =	sst s1;
	(tag) =	ssettag s2;
	_ =	strace s9  }
0x27: {  	s1 =	sld [smem:$0x3FAF]  }
0x28: {  	s2 =	sld [smem:$0x3FB0]  }
0x29: {  	s4 =	sld [smem:$0x3FB2]  }
0x2a: {  	p0 =	seq.s32 s5, $0x0;
	s5 =	sld [smem:$0x3FB3]  }
0x2b: {  	s6 =	sld [smem:$0x3FB4]  }
0x2c: {  	s7 =	sld [smem:$0x3FB5]  }
0x2d: {  	s3 =	simm.s32 $0x108;
	s8 =	sld [smem:$0x3FB6]  }
0x2e: {  	s3 =	simm.s32 @!p0 $0x1082;
	s9 =	sld [smem:$0x3FB7]  }
0x2f: {  	lr =	sadd.s32 s0, s3;
	s0 =	sld [smem:$0x3FAE]  }
0x30: {  	s3 =	sld [smem:$0x3FB1]  }
0x31: {  	[smem:$0x3FBA] =	sst s10  }
0x32: {  	s10 =	sld [smem:$0x3FB8];
	_ =	sdelay $0x3  }
0x33: {  	p0 =	seq.s32 s10, $0x1;
	s10 =	sld [smem:$0x3FBA];
	_ =	sdelay $0x3  }
0x34: {  	[smem:$0x3FBA] =	sst s10  }
0x35: {  	s10 =	sld [smem:$0x3FB9];
	_ =	sdelay $0x3  }
0x36: {  	p1 =	seq.s32 s10, $0x1;
	s10 =	sld [smem:$0x3FBA];
	_ =	sdelay $0x3  }
0x37: {  	[smem:$0x3FBA] =	sst s10  }
0x38: {  	s10 =	sld [smem:$0x3FBB]  }
0x39: {  	_ = 	snop;
	(pc) =	sbr.ind lr, $3  }
0x3a: {  	_ = 	snop  }
0x3b: {  	_ = 	snop  }
0x3c: {  	p2 =	seq.s32 s10, $0x1;
	s10 =	sld [smem:$0x3FBA]  }
0x3d: {  	_ =	shalt  }
0x3e: {  	_ =	shalt  }
0x3f: {  	_ =	shalt  }
0x40: {  	_ =	shalt  }
0x41: {  	_ =	shalt  }
0x42: {  	_ =	shalt  }
0x43: {  	_ =	shalt  }
0x44: {  	_ =	shalt  }
0x45: {  	_ =	shalt  }
0x46: {  	_ =	shalt  }
0x47: {  	_ =	shalt  }
0x48: {  	_ =	shalt  }
0x49: {  	_ =	shalt  }
0x4a: {  	_ =	shalt  }
0x4b: {  	_ =	shalt  }
0x4c: {  	_ =	shalt  }
0x4d: {  	_ =	shalt  }
0x4e: {  	_ =	shalt  }
0x4f: {  	_ =	shalt  }
0x50: {  	_ =	shalt  }
0x51: {  	_ =	shalt  }
0x52: {  	_ =	shalt  }
0x53: {  	_ =	shalt  }
0x54: {  	_ =	shalt  }
0x55: {  	_ =	shalt  }
0x56: {  	_ =	shalt  }
0x57: {  	_ =	shalt  }
0x58: {  	_ =	shalt  }
0x59: {  	_ =	shalt  }
0x5a: {  	_ =	shalt  }
0x5b: {  	_ =	shalt  }
0x5c: {  	_ =	shalt  }
0x5d: {  	_ =	shalt  }
0x5e: {  	_ =	shalt  }
0x5f: {  	_ =	shalt  }
0x60: {  	_ =	shalt  }
0x61: {  	_ =	shalt  }
0x62: {  	_ =	shalt  }
0x63: {  	_ =	shalt  }
0x64: {  	_ =	shalt  }
0x65: {  	_ =	shalt  }
0x66: {  	_ =	shalt  }
0x67: {  	_ =	shalt  }
0x68: {  	_ =	shalt  }
0x69: {  	_ =	shalt  }
0x6a: {  	_ =	shalt  }
0x6b: {  	_ =	shalt  }
0x6c: {  	_ =	shalt  }
0x6d: {  	_ =	shalt  }
0x6e: {  	_ =	shalt  }
0x6f: {  	_ =	shalt  }
0x70: {  	_ =	shalt  }
0x71: {  	_ =	shalt  }
0x72: {  	_ =	shalt  }
0x73: {  	_ =	shalt  }
0x74: {  	_ =	shalt  }
0x75: {  	_ =	shalt  }
0x76: {  	_ =	shalt  }
0x77: {  	_ =	shalt  }
0x78: {  	_ =	shalt  }
0x79: {  	_ =	shalt  }
0x7a: {  	_ =	shalt  }
0x7b: {  	_ =	shalt  }
0x7c: {  	_ =	shalt  }
0x7d: {  	_ =	shalt  }
0x7e: {  	_ =	shalt  }
0x7f: {  	_ =	shalt  }
0x80: {  	_ =	shalt  }
0x81: {  	_ =	shalt  }
0x82: {  	_ =	shalt  }
0x83: {  	_ =	shalt  }
0x84: {  	_ =	shalt  }
0x85: {  	_ =	shalt  }
0x86: {  	_ =	shalt  }
0x87: {  	_ =	shalt  }
.Lfunc_end0:
.L_simem_size_0:
called_computation_lowered:
.L_overlay_start_0:
0x88: {  	s2 =	sld [smem:$0x3FD9]  }
0x89: {  	s3 =	sld [smem:$0x3FFE];
	_ =	sdelay $0x1  }
0x8a: {  	s1 =	srdreg.scid  }
0x8b: {  	s0 =	sand.u32 $0x1, s1  }
0x8c: {  	s17 =	sshll.u32 s0, $0xA;
	s2 =	sadd.s32 s3, s2  }
0x8d: {  	s2 =	sadd.s32 s2, s17  }
0x8e: {  	[smem:$0x3FC6] =	sst s2  }
0x8f: {  	_ = 	snop  }
0x90: {  	s2 =	sld [smem:$0x3FC9]  }
0x91: {  	s18 =	sld [smem:$0x3FC8];
	(tm) =	ssettm $0x1  }
0x92: {  	s4 =	sld [smem:$0x3FFB];
	_ =	sdelay $0x3  }
0x93: {  	_ =	strace s4  }
0x94: {  	s4 =	sld [smem:$0x3FFC];
	_ =	sdelay $0x3  }
0x95: {  	_ =	strace s4  }
0x96: {  	s4 =	sld [smem:$0x3FFD];
	_ =	sdelay $0x3  }
0x97: {  	_ =	strace s4  }
0x98: {  	_ =	strace $0x8FFFFFFF  }
0x99: {  	s19 =	sld [smem:$0x3FDB];
	_ =	sdelay $0x1  }
0x9a: {  	s5 =	simm.s32 $_scs_section_size  }
0x9b: {  	s6 =	simm.s32 $_size__tile_overlayer_lowered;
	s7 =	simm.s32 $_tile_overlayer_lowered  }
0x9c: {  	s22 =	simm.s32 $0x1BFF;
	s21 =	sshll.u32 s7, $0x1;
	s4 =	sadd.s32 s5, s19  }
0x9d: {  	s8 =	simm.s32 $0x0;
	s20 =	sshll.u32 s6, $0x1;
	s6 =	sadd.s32 s21, s4  }
0x9e: {  	[timem:s8], [sflag:s22] =	dma.local [hbm:s6], s20  }
0x9f: {  	_ =	swait.ge [sflag:s22], s20  }
0xa0: {  	s5 =	ssub.s32 $0x0, s20;
	[sflag:s22] =	ssyncset.done $0x0  }
0xa1: {  	[sflag:s22] =	ssyncadd.s32 s5;
	_ =	sdelay $0x1  }
0xa2: {  	s23 =	simm.s32 $0x1B8B  }
0xa3: {  	_ =	swait.ge [sflag:s23], $0x1  }
0xa4: {  	[sflag:s23] =	ssyncset.done $0x0  }
0xa5: {  	s25 =	simm.s32 $0x1B8E;
	s24 =	sld [smem:$0x3FFE];
	[sflag:s23] =	ssyncadd.s32 $0xFFFFFFFF  }
0xa6: {  	s26 =	simm.s32 $execute0_lowered;
	[smem:$0x3FD2] =	sst s25  }
0xa7: {  	s6 =	sshll.u32 s26, $0x1;
	_ =	strace $0x80000046;
	[dreg:$0x1] =	wrdreg $0xFFFFFFFF  }
0xa8: {  	s28 =	simm.s32 $_size_execute0_lowered;
	s4 =	sadd.s32 s4, s6;
	[dreg:$0x0] =	wrdreg $0x0  }
0xa9: {  	s6 =	sshll.u32 s28, $0x1;
	[dreg:$0x2] =	wrdreg s4  }
0xaa: {  	[dreg:$0x3] =	wrdreg s6  }
0xab: {  	[dreg:$0x4] =	wrdreg $0xC0  }
0xac: {  	_ =	task [dreg:s8], $0x5FFFF  }
0xad: {  	[dreg:$0x1] =	wrdreg $0xFFFFFFFF  }
0xae: {  	[dreg:$0x0] =	wrdreg $0x60  }
0xaf: {  	[dreg:$0x2] =	wrdreg s2  }
0xb0: {  	[dreg:$0x3] =	wrdreg s18  }
0xb1: {  	[dreg:$0x4] =	wrdreg s24  }
0xb2: {  	[dreg:$0x5] =	wrdreg $0x9  }
0xb3: {  	_ =	task.clear_ibuf [dreg:s8], $0x6FFFF;
	_ =	strace $0x90000046  }
0xb4: {  	s29 =	simm.s32 $0x9;
	_ =	strace $0x80000048  }
0xb5: {  	_ =	swait.ge [sflag:s29], $0x1  }
0xb6: {  	[sflag:s29] =	ssyncadd.s32 $0xFFFFFFFF  }
0xb7: {  	_ =	strace $0x90000048  }
0xb8: {  	_ =	sfence  }
0xb9: {  	s30 =	sld [smem:$0x0];
	_ =	sdelay $0x2  }
0xba: {  	s31 =	sshll.u32 s1, $0xD;
	s1 =	sshrl.u32 s1, $0x2  }
0xbb: {  	s3 =	sand.u32 $0x4000, s31;
	s1 =	sadd.s32 s1, s30  }
0xbc: {  	s0 =	sor.u32 s3, s0;
	s1 =	sshll.u32 s1, $0x11  }
0xbd: {  	s0 =	sor.u32 s1, s0  }
0xbe: {  	s0 =	sadd.s32 $0x8F2B, s0  }
0xbf: {  	[sflag:s0] =	ssyncadd.remote.s32 $0x1  }
0xc0: {  	_ =	sfence.sel $0xFFFF  }
0xc1: {  	[dreg:$0x0] =	wrdreg $0xFFFFFFFF;
	(pc) =	sbr.abs _section_cstart, $3  }
0xc2: {  	[dreg:$0x1] =	wrdreg $0xFFFFFFFF  }
0xc3: {  	_ =	task.clear_ibuf [dreg:s8], $0x2FFFF;
	_ =	strace $0x9FFFFFFF  }
0xc4: {  	(tm) =	ssettm $0x7FFFFFFF  }
0xc5: {  	_ =	shalt  }
tec
execute0_lowered:
.L_overlay_start_1:
0x0: {  	(tag) =	ssettag $0x1  }
0x1: {  	s0 =	rddreg [dreg:$0x0]  }
0x2: {  	s9 =	rddreg [dreg:$0x1]  }
0x3: {  	s3 =	rddreg [dreg:$0x2];
	s4 =	srdreg.scid  }
0x4: {  	s2 =	simm.s32 $0x0;
	s1 =	stileid.u32;
	s14 =	simm.s32 $0x8000  }
0x5: {  	s15 =	simm.s32 $0x1;
	s16 =	simm.s32 $0x2;
	s17 =	simm.s32 $0x10000  }
0x6: {  	s18 =	simm.s32 $0x3;
	s19 =	simm.s32 $0x0;
	s4 =	sand.u32 $0x1, s4  }
0x7: {  	[smem:$0x7FF] =	sst s2;
	s5 =	sshll.u32 s1, $0x9;
	s6 =	sshll.u32 s4, $0x8  }
0x8: {  	_ =	strace $0x80000047;
	s4 =	ssub.s32 $0x2, s4;
	s5 =	sor.u32 s6, s5  }
0x9: {  	s31 =	sshrl.u32 s4, $0x1;
	s6 =	sshrl.u32 s5, $0x3;
	s7 =	sshll.u32 s5, $0x7  }
.Ltmp0:
0xa: {  	s13 =	ssub.s32 s4, s31;
	s12 =	sadd.s32 s6, s3;
	(pc) =	sbr.rel .LBB2_1-.Ltmp0, $4  }
0xb: {  	s10 =	sor.u32 $0x1000, s7;
	s3 =	sadd.s32 s0, s7;
	s7 =	sadd.s32 s9, s7  }
0xc: {  	s13 =	smax.u32 s13, $0x1;
	s4 =	sadd.s32 s0, s10;
	s5 =	sadd.s32 $0x2000, s3  }
0xd: {  	s6 =	sadd.s32 $0x3000, s3;
	s8 =	sadd.s32 $0x200, s12;
	s9 =	sadd.s32 s9, s10  }
0xe: {  	v0 =	vimm.s32 $0x0;
	s10 =	sadd.s32 $0x2000, s7;
	s11 =	sadd.s32 $0x3000, s7;
	s12 =	sadd.s32 $0x210, s12  }
.LBB2_15:
0xf: {  	v4 =	vadd.s32 v9, v4  }
0x10: {  	v4 =	vadd.s32 v7, v4  }
0x11: {  	v4 =	vadd.s32 v6, v4  }
0x12: {  	v4 =	vadd.s32 v5, v4  }
0x13: {  	v1 =	vadd.s32 v1, v4  }
0x14: {  	s19 =	sadd.s32 $0x1, s19;
	v1 =	vadd.s32 v2, v1  }
0x15: {  	p0 =	sne.s32 s19, s13;
	v1 =	vadd.s32 v3, v1  }
.Ltmp1:
0x16: {  	[tilespmem:$0x10000] =	vst v1;
	(pc) =	sbr.rel @!p0 .LBB2_16-.Ltmp1, $4  }
0x17: {  	[hbm4b:s12+s2] =	stream.linear.scatter [tilespmem:s17], [sflag:$0x3], $0x80, $0x38;
	[tilespmem:$0x10080] =	vst v63  }
0x18: {  	_ =	swait.ge [sflag:s18], $0x80  }
0x19: {  	[sflag:s18] =	ssyncset.done $0x0  }
0x1a: {  	[sflag:s18] =	ssyncadd.s32 $0xFFFFFF80  }
.LBB2_1:
0x1b: {  	[tilespmem:s2], [sflag:$0x1] =	stream.linear.gather [hbm4b:s3+s2], $0x8000, $0x38;
	v3 =	vimm.s32 $0x0;
	v2 =	vimm.s32 $0x0;
	[tilespmem:$0x10080] =	vst v63  }
0x1c: {  	v1 =	vimm.s32 $0x0;
	v5 =	vimm.s32 $0x0;
	v6 =	vimm.s32 $0x0;
	s20 =	simm.s32 $0x0  }
0x1d: {  	v7 =	vimm.s32 $0x0;
	v4 =	vimm.s32 $0x0;
	v9 =	vimm.s32 $0x0;
	[tilespmem:s14], [sflag:$0x2] =	stream.linear.gather [hbm4b:s4+s2], $0x8000, $0x38;
	[tilespmem:$0x10080] =	vst v63  }
.LBB2_2:
0x1e: {  	_ =	swait.ge [sflag:s15], $0x8000;
	s21 =	simm.s32 $0x0;
	s0 =	simm.s32 $0x0  }
0x1f: {  	[sflag:s15] =	ssyncset.done $0x0;
	s0 =	sand.u32 $0x6000, s0;
	s22 =	sand.u32 $0x380, s21  }
0x20: {  	[sflag:s15] =	ssyncadd.s32 $0xFFFF8000;
	s22 =	sor.u32 s22, s0  }
0x21: {  	v8 =	vld [tilespmem:s22+$0x870]  }
0x22: {  	v11 =	vld [tilespmem:s22+$0x400]  }
0x23: {  	v12 =	vld [tilespmem:s22+$0x70]  }
0x24: {  	v13 =	vld [tilespmem:s22+$0x1860]  }
0x25: {  	v14 =	vld [tilespmem:s22+$0x60]  }
0x26: {  	v15 =	vld [tilespmem:s22+$0x50]  }
0x27: {  	v16 =	vld [tilespmem:s22+$0xC60]  }
0x28: {  	v17 =	vld [tilespmem:s22+$0x10]  }
0x29: {  	v10 =	vld [tilespmem:s22+$0x410]  }
0x2a: {  	v23 =	vld [tilespmem:s22+$0x850];
	vm0 =	vgt.f32 v13, $0.0e+00;
	vm1 =	vgt.f32 v14, $0.0e+00  }
0x2b: {  	v18 =	vld [tilespmem:s22+$0x800];
	vm2 =	vgt.f32 v15, $0.0e+00;
	v14 =	vsel vm1, $0x1, v0;
	v19 =	vsel vm0, $0x1, v0  }
0x2c: {  	v13 =	vld [tilespmem:s22+$0x0];
	v20 =	vsel vm2, $0x1, v0;
	vm1 =	vgt.f32 v12, $0.0e+00;
	vm0 =	vgt.f32 v16, $0.0e+00  }
0x2d: {  	v15 =	vld [tilespmem:s22+$0xC70];
	vm2 =	vgt.f32 v17, $0.0e+00;
	v16 =	vsel vm1, $0x1, v0;
	vm1 =	vgt.f32 v11, $0.0e+00  }
0x2e: {  	v12 =	vld [tilespmem:s22+$0x1070];
	v17 =	vsel vm2, $0x1, v0;
	vm2 =	vgt.f32 v10, $0.0e+00;
	v2 =	vadd.s32 v14, v2  }
0x2f: {  	v10 =	vld [tilespmem:s22+$0x1000];
	v14 =	vsel vm0, $0x1, v0;
	v1 =	vadd.s32 v20, v1;
	vm0 =	vgt.f32 v23, $0.0e+00  }
0x30: {  	v3 =	vadd.s32 v16, v3;
	v16 =	vld [tilespmem:s22+$0x450];
	v17 =	vadd.s32 v17, v4;
	v25 =	vsel vm1, $0x1, v0  }
0x31: {  	v11 =	vld [tilespmem:s22+$0x1470];
	vm3 =	vgt.f32 v13, $0.0e+00;
	v13 =	vsel vm2, $0x1, v0;
	vm2 =	vgt.f32 v8, $0.0e+00  }
0x32: {  	v21 =	vld [tilespmem:s22+$0x460];
	v38 =	vsel vm0, $0x1, v0;
	v22 =	vsel vm2, $0x1, v0;
	vm2 =	vgt.f32 v15, $0.0e+00  }
0x33: {  	v34 =	vld [tilespmem:s22+$0x1050];
	v15 =	vsel vm3, $0x1, v0;
	vm3 =	vgt.f32 v18, $0.0e+00;
	v13 =	vadd.s32 v13, v17  }
0x34: {  	v24 =	vsel vm2, $0x1, v0;
	vm2 =	vgt.f32 v12, $0.0e+00;
	v12 =	vld [tilespmem:s22+$0x860];
	v8 =	vsel vm3, $0x1, v0  }
0x35: {  	vm3 =	vgt.f32 v10, $0.0e+00;
	v9 =	vadd.s32 v15, v9;
	vm1 =	vgt.f32 v16, $0.0e+00;
	v16 =	vld [tilespmem:s22+$0x1060]  }
0x36: {  	v33 =	vsel vm2, $0x1, v0;
	vm2 =	vgt.f32 v11, $0.0e+00;
	v11 =	vld [tilespmem:s22+$0xC50];
	v4 =	vsel vm3, $0x1, v0  }
0x37: {  	v36 =	vld [tilespmem:s22+$0x1460];
	v10 =	vsel vm2, $0x1, v0;
	vm2 =	vgt.f32 v21, $0.0e+00;
	v35 =	vsel vm1, $0x1, v0  }
0x38: {  	s24 =	sand.u32 $0x7, s21;
	v40 =	vld [tilespmem:s22+$0x470];
	v9 =	vadd.s32 v25, v9;
	v1 =	vadd.s32 v35, v1;
	v37 =	vsel vm2, $0x1, v0  }
0x39: {  	s0 =	sshll.u32 s24, $0x7;
	v42 =	vld [tilespmem:s22+$0x810];
	vm2 =	vgt.f32 v34, $0.0e+00;
	v2 =	vadd.s32 v37, v2;
	vm1 =	vgt.f32 v12, $0.0e+00  }
0x3a: {  	s23 =	sadd.s32 $0x0, s0;
	v1 =	vadd.s32 v38, v1;
	v12 =	vld [tilespmem:s22+$0x1450];
	v26 =	vsel vm1, $0x1, v0;
	vm0 =	vgt.f32 v16, $0.0e+00  }
0x3b: {  	v27 =	vld [tilespmem:s22+$0x1850];
	s0 =	sor.u32 $0x1C50, s23;
	vm1 =	vgt.f32 v11, $0.0e+00;
	v2 =	vadd.s32 v26, v2;
	v11 =	vsel vm0, $0x1, v0  }
0x3c: {  	v16 =	vld [tilespmem:s0+$0x0];
	v41 =	vsel vm1, $0x1, v0;
	vm1 =	vgt.f32 v36, $0.0e+00;
	v2 =	vadd.s32 v14, v2  }
0x3d: {  	v43 =	vld [tilespmem:s22+$0xC10];
	s24 =	sor.u32 $0x1C60, s23;
	v14 =	vsel vm2, $0x1, v0;
	v1 =	vadd.s32 v41, v1;
	v44 =	vsel vm1, $0x1, v0  }
0x3e: {  	s25 =	sor.u32 $0x1C70, s23;
	v39 =	vld [tilespmem:s24+$0x0];
	vm1 =	vgt.f32 v40, $0.0e+00;
	v2 =	vadd.s32 v11, v2;
	v1 =	vadd.s32 v14, v1  }
0x3f: {  	v14 =	vld [tilespmem:s25+$0x0];
	v21 =	vsel vm1, $0x1, v0;
	vm1 =	vgt.f32 v42, $0.0e+00;
	vm0 =	vgt.f32 v12, $0.0e+00  }
0x40: {  	v11 =	vld [tilespmem:s22+$0x1870];
	v2 =	vadd.s32 v44, v2;
	v3 =	vadd.s32 v21, v3;
	v46 =	vsel vm1, $0x1, v0  }
0x41: {  	v45 =	vld [tilespmem:s22+$0x1010];
	v12 =	vsel vm0, $0x1, v0;
	vm0 =	vgt.f32 v27, $0.0e+00;
	vm2 =	vgt.f32 v16, $0.0e+00  }
0x42: {  	v48 =	vld [tilespmem:s22+$0x420];
	v2 =	vadd.s32 v19, v2;
	v1 =	vadd.s32 v12, v1;
	v12 =	vsel vm0, $0x1, v0  }
0x43: {  	v3 =	vadd.s32 v22, v3;
	vm0 =	vgt.f32 v39, $0.0e+00;
	v1 =	vadd.s32 v12, v1;
	v12 =	vld [tilespmem:s22+$0x1410]  }
0x44: {  	v3 =	vadd.s32 v24, v3;
	v16 =	vsel vm0, $0x1, v0;
	vm0 =	vgt.f32 v14, $0.0e+00;
	v14 =	vld [tilespmem:s22+$0x30]  }
0x45: {  	vm3 =	vgt.f32 v11, $0.0e+00;
	v11 =	vsel vm2, $0x1, v0;
	v2 =	vadd.s32 v16, v2;
	v16 =	vld [tilespmem:s22+$0x40]  }
0x46: {  	s26 =	sor.u32 $0x1C10, s23;
	v13 =	vadd.s32 v46, v13;
	v3 =	vadd.s32 v33, v3;
	v1 =	vadd.s32 v11, v1;
	v11 =	vld [tilespmem:s22+$0x20]  }
0x47: {  	v47 =	vld [tilespmem:s26+$0x0];
	vm2 =	vgt.f32 v43, $0.0e+00;
	v3 =	vadd.s32 v10, v3;
	v10 =	vsel vm3, $0x1, v0  }
0x48: {  	v52 =	vld [tilespmem:s22+$0x840];
	v15 =	vsel vm2, $0x1, v0;
	vm2 =	vgt.f32 v45, $0.0e+00;
	v3 =	vadd.s32 v10, v3  }
0x49: {  	v10 =	vsel vm0, $0x1, v0;
	v49 =	vsel vm2, $0x1, v0;
	vm1 =	vgt.f32 v12, $0.0e+00;
	v12 =	vld [tilespmem:s22+$0x1810]  }
0x4a: {  	v3 =	vadd.s32 v10, v3;
	v10 =	vld [tilespmem:s22+$0x820];
	vm3 =	vgt.f32 v14, $0.0e+00;
	vm0 =	vgt.f32 v16, $0.0e+00  }
0x4b: {  	v14 =	vld [tilespmem:s22+$0x430];
	v17 =	vsel vm1, $0x1, v0;
	v50 =	vsel vm3, $0x1, v0;
	vm2 =	vgt.f32 v11, $0.0e+00  }
0x4c: {  	v16 =	vld [tilespmem:s22+$0x830];
	v11 =	vadd.s32 v15, v13;
	vm3 =	vgt.f32 v47, $0.0e+00;
	v54 =	vsel vm0, $0x1, v0  }
0x4d: {  	v58 =	vld [tilespmem:s22+$0x1020];
	v13 =	vsel vm2, $0x1, v0;
	v11 =	vadd.s32 v49, v11;
	v18 =	vsel vm3, $0x1, v0  }
0x4e: {  	vm2 =	vgt.f32 v48, $0.0e+00;
	v6 =	vadd.s32 v50, v6;
	vm1 =	vgt.f32 v12, $0.0e+00;
	v12 =	vld [tilespmem:s22+$0x440]  }
0x4f: {  	v15 =	vld [tilespmem:s22+$0xC20];
	v5 =	vadd.s32 v54, v5;
	v7 =	vadd.s32 v13, v7;
	v13 =	vsel vm2, $0x1, v0  }
0x50: {  	vm2 =	vgt.f32 v10, $0.0e+00;
	v7 =	vadd.s32 v13, v7;
	vm3 =	vgt.f32 v14, $0.0e+00;
	v14 =	vld [tilespmem:s22+$0xC30]  }
0x51: {  	v13 =	vld [tilespmem:s22+$0xC40];
	v59 =	vsel vm2, $0x1, v0;
	v51 =	vsel vm1, $0x1, v0;
	vm0 =	vgt.f32 v16, $0.0e+00  }
0x52: {  	v16 =	vld [tilespmem:s22+$0x1030];
	v7 =	vadd.s32 v59, v7;
	v53 =	vsel vm3, $0x1, v0;
	v56 =	vsel vm0, $0x1, v0  }
0x53: {  	v10 =	vld [tilespmem:s22+$0x1800];
	vm3 =	vgt.f32 v52, $0.0e+00;
	v6 =	vadd.s32 v53, v6;
	vm1 =	vgt.f32 v12, $0.0e+00  }
0x54: {  	v20 =	vsel vm3, $0x1, v0;
	v6 =	vadd.s32 v56, v6;
	v12 =	vld [tilespmem:s22+$0xC00];
	v55 =	vsel vm1, $0x1, v0  }
0x55: {  	vm1 =	vgt.f32 v15, $0.0e+00;
	v15 =	vld [tilespmem:s22+$0x1040];
	vm0 =	vgt.f32 v14, $0.0e+00;
	v5 =	vadd.s32 v55, v5  }
0x56: {  	v14 =	vld [tilespmem:s22+$0x1400];
	v57 =	vsel vm0, $0x1, v0;
	vm0 =	vgt.f32 v13, $0.0e+00;
	v5 =	vadd.s32 v20, v5  }
0x57: {  	v13 =	vld [tilespmem:s22+$0x1430];
	v61 =	vsel vm0, $0x1, v0;
	v21 =	vadd.s32 v57, v6;
	vm0 =	vgt.f32 v16, $0.0e+00  }
0x58: {  	v6 =	vld [tilespmem:s22+$0x1840];
	v24 =	vadd.s32 v61, v5;
	v5 =	vadd.s32 v8, v9;
	v8 =	vadd.s32 v17, v11  }
0x59: {  	v16 =	vld [tilespmem:s22+$0x1440];
	v63 =	vsel vm0, $0x1, v0;
	vm3 =	vgt.f32 v12, $0.0e+00;
	v12 =	vsel vm1, $0x1, v0  }
0x5a: {  	v11 =	vld [tilespmem:s22+$0x1420];
	vm1 =	vgt.f32 v10, $0.0e+00;
	v10 =	vadd.s32 v51, v8;
	v60 =	vsel vm3, $0x1, v0  }
0x5b: {  	s28 =	sor.u32 $0x1C20, s23;
	v17 =	vld [tilespmem:s22+$0x1820];
	vm2 =	vgt.f32 v15, $0.0e+00;
	v15 =	vadd.s32 v12, v7;
	v9 =	vadd.s32 v60, v5  }
0x5c: {  	s29 =	sor.u32 $0x1C00, s23;
	v62 =	vld [tilespmem:s28+$0x0];
	v5 =	vsel vm1, $0x1, v0;
	vm1 =	vgt.f32 v13, $0.0e+00;
	v7 =	vsel vm2, $0x1, v0  }
0x5d: {  	vm2 =	vgt.f32 v14, $0.0e+00;
	v13 =	vld [tilespmem:s29+$0x0];
	v8 =	vadd.s32 v4, v9;
	v4 =	vadd.s32 v18, v10  }
0x5e: {  	s31 =	sor.u32 $0x1C40, s23;
	v9 =	vsel vm1, $0x1, v0;
	vm0 =	vgt.f32 v6, $0.0e+00;
	v10 =	vld [tilespmem:s22+$0x1830];
	v12 =	vadd.s32 v7, v24  }
0x5f: {  	v14 =	vld [tilespmem:s31+$0x0];
	vm4 =	vgt.f32 v16, $0.0e+00;
	v6 =	vsel vm0, $0x1, v0;
	vm0 =	vgt.f32 v58, $0.0e+00  }
0x60: {  	s30 =	sor.u32 $0x1C30, s23;
	vm3 =	vgt.f32 v11, $0.0e+00;
	vm1 =	vgt.f32 v17, $0.0e+00;
	v16 =	vsel vm0, $0x1, v0  }
0x61: {  	s23 =	simm.s32 $0x1;
	s24 =	simm.s32 $0xFFFF8400;
	v7 =	vld [tilespmem:s30+$0x0];
	s22 =	simm.s32 $0x80;
	vm0 =	vgt.f32 v62, $0.0e+00;
	v11 =	vadd.s32 v16, v15;
	v15 =	vadd.s32 v63, v21  }
.LBB2_3:
0x62: {  	s0 =	sand.u32 $0x7, s23;
	s25 =	sadd.s32 $0x8000, s24;
	v16 =	vsel vm2, $0x1, v0;
	v17 =	vsel vm4, $0x1, v0;
	vm2 =	vgt.f32 v13, $0.0e+00;
	s21 =	sadd.s32 $0x400, s21  }
0x63: {  	s28 =	sand.u32 $0x380, s22;
	v13 =	vsel vm3, $0x1, v0;
	vm3 =	vgt.f32 v10, $0.0e+00;
	s0 =	sshll.u32 s0, $0x7;
	s26 =	sand.u32 $0x6000, s25;
	v8 =	vadd.s32 v16, v8  }
0x64: {  	p0 =	sne.s32 s22, $0xF80;
	v9 =	vadd.s32 v9, v15;
	s25 =	sadd.s32 s0, s21;
	s26 =	sor.u32 s28, s26;
	v8 =	vadd.s32 v5, v8;
	vm4 =	vgt.f32 v14, $0.0e+00  }
0x65: {  	v10 =	vsel vm1, $0x1, v0;
	v5 =	vadd.s32 v17, v12;
	v12 =	vsel vm3, $0x1, v0;
	v14 =	vld [tilespmem:s26+$0x870];
	s28 =	sor.u32 $0x1C10, s25;
	s30 =	sor.u32 $0x1C50, s25;
	s29 =	sor.u32 $0x1C60, s25  }
0x66: {  	s22 =	sadd.s32 $0x80, s22;
	v12 =	vadd.s32 v12, v9;
	v9 =	vsel vm2, $0x1, v0;
	v16 =	vsel vm4, $0x1, v0;
	v15 =	vld [tilespmem:s26+$0x410]  }
0x67: {  	v11 =	vadd.s32 v13, v11;
	vm1 =	vgt.f32 v7, $0.0e+00;
	v5 =	vadd.s32 v6, v5;
	v17 =	vld [tilespmem:s26+$0x400]  }
0x68: {  	v7 =	vadd.s32 v10, v11;
	v6 =	vsel vm1, $0x1, v0;
	v5 =	vadd.s32 v16, v5;
	v13 =	vld [tilespmem:s26+$0x70]  }
0x69: {  	v9 =	vadd.s32 v9, v8;
	v8 =	vsel vm0, $0x1, v0;
	v6 =	vadd.s32 v6, v12;
	v10 =	vld [tilespmem:s26+$0x1860]  }
0x6a: {  	v7 =	vadd.s32 v8, v7;
	v11 =	vld [tilespmem:s26+$0x60]  }
0x6b: {  	v8 =	vld [tilespmem:s26+$0x50]  }
0x6c: {  	v12 =	vld [tilespmem:s26+$0xC60]  }
0x6d: {  	v16 =	vld [tilespmem:s26+$0x10]  }
0x6e: {  	v18 =	vld [tilespmem:s26+$0x800];
	vm0 =	vgt.f32 v10, $0.0e+00  }
0x6f: {  	v10 =	vld [tilespmem:s26+$0x0];
	vm1 =	vgt.f32 v11, $0.0e+00  }
0x70: {  	v20 =	vsel vm0, $0x1, v0;
	vm2 =	vgt.f32 v8, $0.0e+00;
	v19 =	vsel vm1, $0x1, v0;
	v8 =	vld [tilespmem:s26+$0xC70]  }
0x71: {  	vm1 =	vgt.f32 v13, $0.0e+00;
	v21 =	vsel vm2, $0x1, v0;
	vm0 =	vgt.f32 v12, $0.0e+00;
	v12 =	vld [tilespmem:s26+$0x1070]  }
0x72: {  	v11 =	vsel vm1, $0x1, v0;
	vm1 =	vgt.f32 v17, $0.0e+00;
	vm2 =	vgt.f32 v16, $0.0e+00;
	v13 =	vld [tilespmem:s26+$0x1470]  }
0x73: {  	v3 =	vadd.s32 v11, v3;
	v16 =	vsel vm2, $0x1, v0;
	vm2 =	vgt.f32 v15, $0.0e+00;
	v15 =	vld [tilespmem:s26+$0x1000]  }
0x74: {  	vm3 =	vgt.f32 v10, $0.0e+00;
	v10 =	vsel vm2, $0x1, v0;
	v17 =	vld [tilespmem:s26+$0x450];
	vm2 =	vgt.f32 v14, $0.0e+00  }
0x75: {  	v11 =	vadd.s32 v16, v4;
	v14 =	vld [tilespmem:s26+$0x460];
	v16 =	vsel vm2, $0x1, v0;
	vm2 =	vgt.f32 v8, $0.0e+00  }
0x76: {  	v22 =	vsel vm3, $0x1, v0;
	v23 =	vld [tilespmem:s26+$0x850];
	v24 =	vsel vm2, $0x1, v0;
	vm2 =	vgt.f32 v12, $0.0e+00  }
0x77: {  	vm3 =	vgt.f32 v18, $0.0e+00;
	v12 =	vld [tilespmem:s26+$0x860];
	v18 =	vsel vm2, $0x1, v0;
	vm2 =	vgt.f32 v13, $0.0e+00  }
0x78: {  	v8 =	vsel vm3, $0x1, v0;
	v13 =	vld [tilespmem:s26+$0xC50];
	vm3 =	vgt.f32 v15, $0.0e+00;
	v15 =	vsel vm2, $0x1, v0  }
0x79: {  	v25 =	vsel vm1, $0x1, v0;
	vm1 =	vgt.f32 v17, $0.0e+00;
	v4 =	vsel vm3, $0x1, v0;
	v17 =	vld [tilespmem:s26+$0x1060]  }
0x7a: {  	v2 =	vadd.s32 v19, v2;
	vm2 =	vgt.f32 v14, $0.0e+00;
	v14 =	vsel vm0, $0x1, v0;
	v19 =	vld [tilespmem:s26+$0x1050]  }
0x7b: {  	v1 =	vadd.s32 v21, v1;
	v21 =	vsel vm1, $0x1, v0;
	vm0 =	vgt.f32 v23, $0.0e+00;
	v23 =	vld [tilespmem:s26+$0x1460]  }
0x7c: {  	v1 =	vadd.s32 v21, v1;
	v21 =	vsel vm2, $0x1, v0;
	vm1 =	vgt.f32 v12, $0.0e+00;
	v12 =	vld [tilespmem:s26+$0x1450]  }
0x7d: {  	v2 =	vadd.s32 v21, v2;
	v21 =	vsel vm0, $0x1, v0;
	v26 =	vsel vm1, $0x1, v0;
	v27 =	vld [tilespmem:s26+$0x1850]  }
0x7e: {  	v1 =	vadd.s32 v21, v1;
	v2 =	vadd.s32 v26, v2;
	vm0 =	vgt.f32 v17, $0.0e+00;
	v17 =	vld [tilespmem:s30+$0x0]  }
0x7f: {  	vm1 =	vgt.f32 v13, $0.0e+00;
	vm2 =	vgt.f32 v19, $0.0e+00;
	v13 =	vsel vm0, $0x1, v0;
	v19 =	vld [tilespmem:s29+$0x0]  }
0x80: {  	v26 =	vsel vm1, $0x1, v0;
	v2 =	vadd.s32 v14, v2;
	v21 =	vld [tilespmem:s26+$0x470];
	v14 =	vsel vm2, $0x1, v0  }
0x81: {  	s0 =	sor.u32 $0x1C70, s25;
	v1 =	vadd.s32 v26, v1;
	v2 =	vadd.s32 v13, v2;
	vm0 =	vgt.f32 v12, $0.0e+00;
	v12 =	vld [tilespmem:s26+$0x1870]  }
0x82: {  	v1 =	vadd.s32 v14, v1;
	v13 =	vsel vm0, $0x1, v0;
	vm0 =	vgt.f32 v27, $0.0e+00;
	v14 =	vld [tilespmem:s0+$0x0]  }
0x83: {  	vm1 =	vgt.f32 v23, $0.0e+00;
	v26 =	vld [tilespmem:s26+$0x810];
	v1 =	vadd.s32 v13, v1;
	v13 =	vsel vm0, $0x1, v0  }
0x84: {  	v27 =	vsel vm1, $0x1, v0;
	v23 =	vld [tilespmem:s26+$0xC10];
	v1 =	vadd.s32 v13, v1;
	vm0 =	vgt.f32 v19, $0.0e+00  }
0x85: {  	v2 =	vadd.s32 v27, v2;
	vm2 =	vgt.f32 v17, $0.0e+00;
	vm1 =	vgt.f32 v21, $0.0e+00;
	v13 =	vld [tilespmem:s26+$0x1010]  }
0x86: {  	v19 =	vsel vm0, $0x1, v0;
	v17 =	vld [tilespmem:s26+$0x1410];
	vm3 =	vgt.f32 v12, $0.0e+00;
	v12 =	vsel vm2, $0x1, v0  }
0x87: {  	v2 =	vadd.s32 v20, v2;
	v27 =	vsel vm1, $0x1, v0;
	v21 =	vld [tilespmem:s26+$0x20];
	vm0 =	vgt.f32 v14, $0.0e+00  }
0x88: {  	v3 =	vadd.s32 v27, v3;
	v1 =	vadd.s32 v12, v1;
	v14 =	vld [tilespmem:s26+$0x30];
	vm1 =	vgt.f32 v26, $0.0e+00  }
0x89: {  	v2 =	vadd.s32 v19, v2;
	v3 =	vadd.s32 v16, v3;
	v12 =	vld [tilespmem:s26+$0x40];
	vm2 =	vgt.f32 v23, $0.0e+00  }
0x8a: {  	v9 =	vadd.s32 v22, v9;
	v3 =	vadd.s32 v24, v3;
	v16 =	vld [tilespmem:s26+$0x420];
	v19 =	vsel vm2, $0x1, v0  }
0x8b: {  	v20 =	vsel vm1, $0x1, v0;
	v3 =	vadd.s32 v18, v3;
	vm1 =	vgt.f32 v17, $0.0e+00;
	v17 =	vld [tilespmem:s26+$0x1810]  }
0x8c: {  	vm2 =	vgt.f32 v13, $0.0e+00;
	v13 =	vsel vm3, $0x1, v0;
	v3 =	vadd.s32 v15, v3;
	v15 =	vld [tilespmem:s28+$0x0]  }
0x8d: {  	v3 =	vadd.s32 v13, v3;
	v13 =	vsel vm0, $0x1, v0;
	vm3 =	vgt.f32 v14, $0.0e+00;
	v14 =	vld [tilespmem:s26+$0x820]  }
0x8e: {  	v9 =	vadd.s32 v25, v9;
	v22 =	vsel vm2, $0x1, v0;
	v3 =	vadd.s32 v13, v3;
	v18 =	vld [tilespmem:s26+$0x430]  }
0x8f: {  	v10 =	vadd.s32 v10, v11;
	v13 =	vsel vm3, $0x1, v0;
	vm0 =	vgt.f32 v12, $0.0e+00;
	v11 =	vld [tilespmem:s26+$0x440]  }
0x90: {  	v10 =	vadd.s32 v20, v10;
	v20 =	vsel vm1, $0x1, v0;
	v12 =	vld [tilespmem:s26+$0x830];
	vm1 =	vgt.f32 v17, $0.0e+00  }
0x91: {  	v10 =	vadd.s32 v19, v10;
	vm2 =	vgt.f32 v21, $0.0e+00;
	v17 =	vld [tilespmem:s26+$0x840];
	vm3 =	vgt.f32 v15, $0.0e+00  }
0x92: {  	v10 =	vadd.s32 v22, v10;
	v15 =	vsel vm2, $0x1, v0;
	v19 =	vld [tilespmem:s26+$0xC20];
	v21 =	vsel vm3, $0x1, v0  }
0x93: {  	vm2 =	vgt.f32 v16, $0.0e+00;
	vm3 =	vgt.f32 v18, $0.0e+00;
	v16 =	vld [tilespmem:s26+$0xC30];
	v18 =	vsel vm1, $0x1, v0  }
0x94: {  	v7 =	vadd.s32 v15, v7;
	v15 =	vsel vm2, $0x1, v0;
	v22 =	vsel vm3, $0x1, v0;
	v23 =	vld [tilespmem:s26+$0x1030]  }
0x95: {  	v24 =	vsel vm0, $0x1, v0;
	v7 =	vadd.s32 v15, v7;
	vm0 =	vgt.f32 v12, $0.0e+00;
	v12 =	vld [tilespmem:s26+$0xC40]  }
0x96: {  	v6 =	vadd.s32 v13, v6;
	v5 =	vadd.s32 v24, v5;
	vm1 =	vgt.f32 v11, $0.0e+00;
	v11 =	vld [tilespmem:s26+$0xC00]  }
0x97: {  	v6 =	vadd.s32 v22, v6;
	v13 =	vsel vm1, $0x1, v0;
	vm1 =	vgt.f32 v19, $0.0e+00;
	v15 =	vld [tilespmem:s26+$0x1040]  }
0x98: {  	v5 =	vadd.s32 v13, v5;
	v13 =	vsel vm0, $0x1, v0;
	vm0 =	vgt.f32 v16, $0.0e+00;
	v16 =	vld [tilespmem:s26+$0x1400]  }
0x99: {  	vm2 =	vgt.f32 v14, $0.0e+00;
	vm3 =	vgt.f32 v17, $0.0e+00;
	v6 =	vadd.s32 v13, v6;
	v13 =	vld [tilespmem:s26+$0x1800]  }
0x9a: {  	v14 =	vsel vm3, $0x1, v0;
	v17 =	vsel vm0, $0x1, v0;
	vm0 =	vgt.f32 v12, $0.0e+00;
	v12 =	vld [tilespmem:s26+$0x1020]  }
0x9b: {  	v5 =	vadd.s32 v14, v5;
	vm3 =	vgt.f32 v11, $0.0e+00;
	v11 =	vsel vm1, $0x1, v0;
	v14 =	vld [tilespmem:s26+$0x1430]  }
0x9c: {  	v19 =	vsel vm2, $0x1, v0;
	v24 =	vsel vm0, $0x1, v0;
	v22 =	vsel vm3, $0x1, v0;
	v25 =	vld [tilespmem:s26+$0x1440]  }
0x9d: {  	v17 =	vadd.s32 v17, v6;
	vm0 =	vgt.f32 v23, $0.0e+00;
	v24 =	vadd.s32 v24, v5;
	v6 =	vld [tilespmem:s26+$0x1840]  }
0x9e: {  	v5 =	vadd.s32 v8, v9;
	v8 =	vadd.s32 v20, v10;
	v20 =	vld [tilespmem:s26+$0x1420];
	vm1 =	vgt.f32 v13, $0.0e+00  }
0x9f: {  	v9 =	vadd.s32 v22, v5;
	v13 =	vadd.s32 v18, v8;
	v5 =	vsel vm1, $0x1, v0;
	v10 =	vld [tilespmem:s26+$0x1830]  }
0xa0: {  	s0 =	sor.u32 $0x1C20, s25;
	v8 =	vadd.s32 v4, v9;
	v4 =	vadd.s32 v21, v13;
	vm1 =	vgt.f32 v14, $0.0e+00;
	v18 =	vld [tilespmem:s26+$0x1820]  }
0xa1: {  	v7 =	vadd.s32 v19, v7;
	vm2 =	vgt.f32 v15, $0.0e+00;
	s26 =	sor.u32 $0x1C00, s25;
	v9 =	vsel vm1, $0x1, v0;
	v19 =	vld [tilespmem:s0+$0x0]  }
.Ltmp2:
0xa2: {  	v11 =	vadd.s32 v11, v7;
	v15 =	vsel vm0, $0x1, v0;
	s0 =	sor.u32 $0x1C30, s25;
	vm0 =	vgt.f32 v6, $0.0e+00;
	v13 =	vld [tilespmem:s26+$0x0];
	(pc) =	sbr.rel @p0 .LBB2_3-.Ltmp2, $4  }
0xa3: {  	v14 =	vsel vm2, $0x1, v0;
	vm2 =	vgt.f32 v16, $0.0e+00;
	v6 =	vsel vm0, $0x1, v0;
	v7 =	vld [tilespmem:s0+$0x0];
	s0 =	sor.u32 $0x1C40, s25  }
0xa4: {  	vm4 =	vgt.f32 v25, $0.0e+00;
	vm0 =	vgt.f32 v12, $0.0e+00;
	v12 =	vadd.s32 v14, v24;
	v14 =	vld [tilespmem:s0+$0x0]  }
0xa5: {  	vm3 =	vgt.f32 v20, $0.0e+00;
	v16 =	vsel vm0, $0x1, v0;
	vm1 =	vgt.f32 v18, $0.0e+00  }
0xa6: {  	s23 =	sadd.s32 $0x1, s23;
	s24 =	sadd.s32 $0x400, s24;
	v15 =	vadd.s32 v15, v17;
	v11 =	vadd.s32 v16, v11;
	vm0 =	vgt.f32 v19, $0.0e+00  }
0xa7: {  	s21 =	sshll.u32 s20, $0xD;
	p0 =	seq.s32 s20, $0x3  }
0xa8: {  	s0 =	sadd.s32 @!p0 s21, s5;
	s22 =	simm.s32 @!p0 $0x0  }
0xa9: {  	[tilespmem:s22], [sflag:$0x1] =	stream.linear.gather @!p0 [hbm4b:s0+s22], $0x8000, $0x38;
	[tilespmem:$0x10080] =	vst v63  }
0xaa: {  	s23 =	simm.s32 $0x0;
	s22 =	simm.s32 $0x0;
	_ =	swait.ge [sflag:s16], $0x8000  }
0xab: {  	s0 =	sand.u32 $0x6000, s23;
	s23 =	sand.u32 $0x380, s22;
	[sflag:s16] =	ssyncset.done $0x0  }
0xac: {  	s23 =	sor.u32 s23, s0;
	[sflag:s16] =	ssyncadd.s32 $0xFFFF8000  }
0xad: {  	v18 =	vsel vm2, $0x1, v0;
	v19 =	vsel vm4, $0x1, v0;
	vm2 =	vgt.f32 v13, $0.0e+00;
	v16 =	vld [tilespmem:s23+$0x8870]  }
0xae: {  	v29 =	vsel vm3, $0x1, v0;
	vm3 =	vgt.f32 v10, $0.0e+00;
	v9 =	vadd.s32 v9, v15;
	v17 =	vld [tilespmem:s23+$0x8410]  }
0xaf: {  	v8 =	vadd.s32 v18, v8;
	v15 =	vsel vm3, $0x1, v0;
	v11 =	vadd.s32 v29, v11;
	v10 =	vld [tilespmem:s23+$0x8070]  }
0xb0: {  	v8 =	vadd.s32 v5, v8;
	vm4 =	vgt.f32 v14, $0.0e+00;
	v5 =	vadd.s32 v19, v12;
	v14 =	vld [tilespmem:s23+$0x9860]  }
0xb1: {  	v12 =	vsel vm1, $0x1, v0;
	v9 =	vadd.s32 v15, v9;
	v15 =	vsel vm2, $0x1, v0;
	v30 =	vld [tilespmem:s23+$0x8060]  }
0xb2: {  	v11 =	vadd.s32 v12, v11;
	v15 =	vadd.s32 v15, v8;
	v8 =	vsel vm0, $0x1, v0;
	v21 =	vld [tilespmem:s23+$0x8050]  }
0xb3: {  	v8 =	vadd.s32 v8, v11;
	v11 =	vld [tilespmem:s23+$0x8000]  }
0xb4: {  	v62 =	vld [tilespmem:s23+$0x9440]  }
0xb5: {  	vm1 =	vgt.f32 v7, $0.0e+00;
	v7 =	vld [tilespmem:s23+$0x8C60]  }
0xb6: {  	v5 =	vadd.s32 v6, v5;
	v6 =	vsel vm1, $0x1, v0;
	v12 =	vld [tilespmem:s23+$0x8010]  }
0xb7: {  	v20 =	vsel vm4, $0x1, v0;
	v6 =	vadd.s32 v6, v9;
	v9 =	vld [tilespmem:s23+$0x8800]  }
0xb8: {  	v5 =	vadd.s32 v20, v5;
	v13 =	vld [tilespmem:s23+$0x8400];
	vm0 =	vgt.f32 v14, $0.0e+00;
	vm1 =	vgt.f32 v30, $0.0e+00  }
0xb9: {  	v31 =	vld [tilespmem:s23+$0x8C70];
	vm2 =	vgt.f32 v21, $0.0e+00;
	vm3 =	vgt.f32 v11, $0.0e+00;
	vm4 =	vgt.f32 v62, $0.0e+00  }
0xba: {  	v22 =	vld [tilespmem:s23+$0x8850];
	v14 =	vsel vm1, $0x1, v0;
	v32 =	vsel vm0, $0x1, v0;
	v33 =	vsel vm2, $0x1, v0  }
0xbb: {  	vm1 =	vgt.f32 v10, $0.0e+00;
	vm0 =	vgt.f32 v7, $0.0e+00;
	v7 =	vld [tilespmem:s23+$0x9070];
	vm2 =	vgt.f32 v12, $0.0e+00  }
0xbc: {  	v12 =	vld [tilespmem:s23+$0x9470];
	v35 =	vsel vm3, $0x1, v0;
	vm3 =	vgt.f32 v9, $0.0e+00;
	v10 =	vsel vm1, $0x1, v0  }
0xbd: {  	vm1 =	vgt.f32 v13, $0.0e+00;
	v13 =	vsel vm2, $0x1, v0;
	vm2 =	vgt.f32 v17, $0.0e+00;
	v17 =	vld [tilespmem:s23+$0x8450]  }
0xbe: {  	v2 =	vadd.s32 v14, v2;
	v14 =	vsel vm0, $0x1, v0;
	v3 =	vadd.s32 v10, v3;
	v10 =	vld [tilespmem:s23+$0x9000]  }
0xbf: {  	v1 =	vadd.s32 v33, v1;
	v11 =	vsel vm2, $0x1, v0;
	vm2 =	vgt.f32 v16, $0.0e+00;
	v16 =	vld [tilespmem:s23+$0x8460]  }
0xc0: {  	v9 =	vld [tilespmem:s23+$0x8860];
	vm0 =	vgt.f32 v22, $0.0e+00;
	v34 =	vsel vm2, $0x1, v0;
	vm2 =	vgt.f32 v31, $0.0e+00  }
0xc1: {  	v15 =	vadd.s32 v35, v15;
	v23 =	vsel vm2, $0x1, v0;
	vm2 =	vgt.f32 v7, $0.0e+00  }
0xc2: {  	v13 =	vadd.s32 v13, v4;
	v24 =	vsel vm2, $0x1, v0;
	vm2 =	vgt.f32 v12, $0.0e+00;
	v12 =	vld [tilespmem:s23+$0x8C50]  }
0xc3: {  	v25 =	vsel vm1, $0x1, v0;
	v7 =	vsel vm3, $0x1, v0;
	vm1 =	vgt.f32 v17, $0.0e+00;
	v17 =	vld [tilespmem:s23+$0x9060]  }
0xc4: {  	vm3 =	vgt.f32 v10, $0.0e+00;
	v10 =	vsel vm2, $0x1, v0;
	vm2 =	vgt.f32 v16, $0.0e+00;
	v16 =	vld [tilespmem:s23+$0x9050]  }
0xc5: {  	v39 =	vsel vm0, $0x1, v0;
	v36 =	vsel vm1, $0x1, v0;
	vm1 =	vgt.f32 v9, $0.0e+00;
	v9 =	vld [tilespmem:s23+$0x9450]  }
0xc6: {  	v37 =	vld [tilespmem:s23+$0x9460];
	v11 =	vadd.s32 v11, v13;
	v4 =	vsel vm3, $0x1, v0;
	v38 =	vsel vm2, $0x1, v0  }
0xc7: {  	s24 =	sand.u32 $0x7, s22;
	v27 =	vld [tilespmem:s23+$0x9850];
	v1 =	vadd.s32 v36, v1;
	v26 =	vsel vm1, $0x1, v0;
	v2 =	vadd.s32 v38, v2  }
0xc8: {  	s0 =	sshll.u32 s24, $0x7;
	v40 =	vld [tilespmem:s23+$0x8470];
	v1 =	vadd.s32 v39, v1;
	v2 =	vadd.s32 v26, v2;
	vm0 =	vgt.f32 v17, $0.0e+00  }
0xc9: {  	s24 =	sadd.s32 $0x0, s0;
	v42 =	vld [tilespmem:s23+$0x8810];
	vm1 =	vgt.f32 v12, $0.0e+00;
	v2 =	vadd.s32 v14, v2;
	vm2 =	vgt.f32 v16, $0.0e+00  }
0xca: {  	s0 =	sor.u32 $0x1C50, s24;
	v12 =	vsel vm0, $0x1, v0;
	v41 =	vsel vm1, $0x1, v0;
	vm0 =	vgt.f32 v9, $0.0e+00  }
0xcb: {  	v17 =	vld [tilespmem:s0+$0x8000];
	vm1 =	vgt.f32 v37, $0.0e+00;
	v14 =	vsel vm2, $0x1, v0;
	v1 =	vadd.s32 v41, v1  }
0xcc: {  	s25 =	sor.u32 $0x1C60, s24;
	v9 =	vld [tilespmem:s23+$0x9870];
	v2 =	vadd.s32 v12, v2;
	v12 =	vsel vm0, $0x1, v0;
	vm0 =	vgt.f32 v27, $0.0e+00  }
0xcd: {  	v16 =	vld [tilespmem:s25+$0x8000];
	s25 =	sor.u32 $0x1C70, s24;
	v44 =	vsel vm1, $0x1, v0;
	vm1 =	vgt.f32 v40, $0.0e+00;
	v1 =	vadd.s32 v14, v1  }
0xce: {  	v14 =	vld [tilespmem:s25+$0x8000];
	v2 =	vadd.s32 v44, v2;
	v20 =	vsel vm1, $0x1, v0;
	vm1 =	vgt.f32 v42, $0.0e+00  }
0xcf: {  	v43 =	vld [tilespmem:s23+$0x8C10];
	v1 =	vadd.s32 v12, v1;
	v12 =	vsel vm0, $0x1, v0;
	v2 =	vadd.s32 v32, v2  }
0xd0: {  	v3 =	vadd.s32 v20, v3;
	v1 =	vadd.s32 v12, v1;
	vm2 =	vgt.f32 v17, $0.0e+00;
	v12 =	vld [tilespmem:s23+$0x9410]  }
0xd1: {  	v46 =	vsel vm1, $0x1, v0;
	v17 =	vld [tilespmem:s23+$0x9010];
	vm3 =	vgt.f32 v9, $0.0e+00;
	v9 =	vsel vm2, $0x1, v0  }
0xd2: {  	v3 =	vadd.s32 v34, v3;
	vm0 =	vgt.f32 v16, $0.0e+00;
	v1 =	vadd.s32 v9, v1;
	v9 =	vld [tilespmem:s23+$0x8020]  }
0xd3: {  	v3 =	vadd.s32 v23, v3;
	v16 =	vsel vm0, $0x1, v0;
	vm0 =	vgt.f32 v14, $0.0e+00;
	v14 =	vld [tilespmem:s23+$0x8030]  }
0xd4: {  	v11 =	vadd.s32 v46, v11;
	v3 =	vadd.s32 v24, v3;
	v2 =	vadd.s32 v16, v2;
	v16 =	vld [tilespmem:s23+$0x8040]  }
0xd5: {  	v47 =	vld [tilespmem:s23+$0x8420];
	vm2 =	vgt.f32 v43, $0.0e+00;
	v3 =	vadd.s32 v10, v3;
	v10 =	vsel vm3, $0x1, v0  }
0xd6: {  	v3 =	vadd.s32 v10, v3;
	v10 =	vsel vm0, $0x1, v0;
	vm1 =	vgt.f32 v12, $0.0e+00;
	v12 =	vld [tilespmem:s23+$0x9810]  }
0xd7: {  	s26 =	sor.u32 $0x1C10, s24;
	v13 =	vld [tilespmem:s23+$0x8830];
	v45 =	vsel vm2, $0x1, v0;
	vm2 =	vgt.f32 v17, $0.0e+00;
	v3 =	vadd.s32 v10, v3  }
0xd8: {  	v17 =	vld [tilespmem:s26+$0x8000];
	v48 =	vsel vm2, $0x1, v0;
	vm2 =	vgt.f32 v9, $0.0e+00;
	v9 =	vadd.s32 v45, v11  }
0xd9: {  	vm3 =	vgt.f32 v14, $0.0e+00;
	v14 =	vadd.s32 v25, v15;
	v15 =	vld [tilespmem:s23+$0x8430];
	vm0 =	vgt.f32 v16, $0.0e+00  }
0xda: {  	v10 =	vld [tilespmem:s23+$0x8820];
	v16 =	vsel vm1, $0x1, v0;
	v11 =	vsel vm2, $0x1, v0;
	v9 =	vadd.s32 v48, v9  }
0xdb: {  	vm2 =	vgt.f32 v47, $0.0e+00;
	v49 =	vsel vm3, $0x1, v0;
	vm1 =	vgt.f32 v12, $0.0e+00;
	v12 =	vld [tilespmem:s23+$0x8440]  }
0xdc: {  	v52 =	vld [tilespmem:s23+$0x8840];
	v8 =	vadd.s32 v11, v8;
	v11 =	vsel vm2, $0x1, v0;
	v54 =	vsel vm0, $0x1, v0  }
0xdd: {  	vm0 =	vgt.f32 v13, $0.0e+00;
	vm3 =	vgt.f32 v17, $0.0e+00;
	v17 =	vld [tilespmem:s23+$0x8C20];
	v8 =	vadd.s32 v11, v8  }
0xde: {  	v6 =	vadd.s32 v49, v6;
	v50 =	vsel vm3, $0x1, v0;
	vm3 =	vgt.f32 v15, $0.0e+00;
	v15 =	vld [tilespmem:s23+$0x8C30]  }
0xdf: {  	v11 =	vld [tilespmem:s23+$0x8C40];
	v5 =	vadd.s32 v54, v5;
	v56 =	vsel vm0, $0x1, v0;
	vm2 =	vgt.f32 v10, $0.0e+00  }
0xe0: {  	v51 =	vsel vm1, $0x1, v0;
	v59 =	vsel vm2, $0x1, v0;
	vm1 =	vgt.f32 v12, $0.0e+00;
	v12 =	vld [tilespmem:s23+$0x8C00]  }
0xe1: {  	v10 =	vld [tilespmem:s23+$0x9800];
	v8 =	vadd.s32 v59, v8;
	v53 =	vsel vm3, $0x1, v0;
	vm3 =	vgt.f32 v52, $0.0e+00  }
0xe2: {  	v13 =	vld [tilespmem:s23+$0x9030];
	v6 =	vadd.s32 v53, v6;
	v20 =	vsel vm3, $0x1, v0;
	v55 =	vsel vm1, $0x1, v0  }
0xe3: {  	vm1 =	vgt.f32 v17, $0.0e+00;
	v17 =	vld [tilespmem:s23+$0x9040];
	v5 =	vadd.s32 v55, v5;
	vm0 =	vgt.f32 v15, $0.0e+00  }
0xe4: {  	v58 =	vld [tilespmem:s23+$0x9020];
	v6 =	vadd.s32 v56, v6;
	v5 =	vadd.s32 v20, v5;
	v57 =	vsel vm0, $0x1, v0  }
0xe5: {  	vm0 =	vgt.f32 v11, $0.0e+00;
	v11 =	vsel vm1, $0x1, v0;
	vm3 =	vgt.f32 v12, $0.0e+00;
	v12 =	vld [tilespmem:s23+$0x9430]  }
0xe6: {  	v15 =	vld [tilespmem:s23+$0x9400];
	vm1 =	vgt.f32 v10, $0.0e+00;
	v61 =	vsel vm0, $0x1, v0;
	v21 =	vadd.s32 v57, v6  }
0xe7: {  	vm0 =	vgt.f32 v13, $0.0e+00;
	v6 =	vld [tilespmem:s23+$0x9840];
	v60 =	vsel vm3, $0x1, v0;
	v24 =	vadd.s32 v61, v5  }
0xe8: {  	s28 =	sor.u32 $0x1C20, s24;
	v5 =	vadd.s32 v7, v14;
	v7 =	vadd.s32 v16, v9;
	v14 =	vld [tilespmem:s23+$0x9420];
	vm2 =	vgt.f32 v17, $0.0e+00  }
0xe9: {  	v16 =	vld [tilespmem:s28+$0x8000];
	v17 =	vadd.s32 v11, v8;
	v63 =	vsel vm0, $0x1, v0;
	v9 =	vadd.s32 v60, v5  }
0xea: {  	s29 =	sor.u32 $0x1C00, s24;
	v5 =	vsel vm1, $0x1, v0;
	v10 =	vadd.s32 v51, v7;
	vm1 =	vgt.f32 v12, $0.0e+00;
	v12 =	vld [tilespmem:s23+$0x9820]  }
0xeb: {  	v13 =	vld [tilespmem:s29+$0x8000];
	v8 =	vsel vm2, $0x1, v0;
	v7 =	vadd.s32 v4, v9;
	v4 =	vadd.s32 v50, v10  }
0xec: {  	s31 =	sor.u32 $0x1C40, s24;
	v10 =	vld [tilespmem:s23+$0x9830];
	vm2 =	vgt.f32 v15, $0.0e+00;
	v11 =	vadd.s32 v8, v24;
	vm0 =	vgt.f32 v6, $0.0e+00  }
0xed: {  	v6 =	vsel vm0, $0x1, v0;
	vm0 =	vgt.f32 v58, $0.0e+00;
	vm3 =	vgt.f32 v14, $0.0e+00;
	v14 =	vld [tilespmem:s31+$0x8000]  }
0xee: {  	s30 =	sor.u32 $0x1C30, s24;
	v9 =	vsel vm1, $0x1, v0;
	v15 =	vsel vm0, $0x1, v0;
	vm0 =	vgt.f32 v16, $0.0e+00  }
0xef: {  	s24 =	simm.s32 $0x1;
	s25 =	simm.s32 $0xFFFF8400;
	v8 =	vld [tilespmem:s30+$0x8000];
	s23 =	simm.s32 $0x80;
	vm1 =	vgt.f32 v12, $0.0e+00;
	v12 =	vadd.s32 v15, v17;
	v15 =	vadd.s32 v63, v21  }
.LBB2_5:
0xf0: {  	s0 =	sand.u32 $0x7, s24;
	s26 =	sadd.s32 $0x8000, s25;
	v16 =	vsel vm2, $0x1, v0;
	v17 =	vsel vm4, $0x1, v0;
	vm2 =	vgt.f32 v13, $0.0e+00;
	s22 =	sadd.s32 $0x400, s22  }
0xf1: {  	s29 =	sand.u32 $0x380, s23;
	v13 =	vsel vm3, $0x1, v0;
	vm3 =	vgt.f32 v10, $0.0e+00;
	s0 =	sshll.u32 s0, $0x7;
	s28 =	sand.u32 $0x6000, s26;
	v7 =	vadd.s32 v16, v7  }
0xf2: {  	p1 =	sne.s32 s23, $0xF80;
	v9 =	vadd.s32 v9, v15;
	s26 =	sadd.s32 s0, s22;
	s28 =	sor.u32 s29, s28;
	v7 =	vadd.s32 v5, v7;
	vm4 =	vgt.f32 v14, $0.0e+00  }
0xf3: {  	v10 =	vsel vm1, $0x1, v0;
	v5 =	vadd.s32 v17, v11;
	v11 =	vsel vm3, $0x1, v0;
	v14 =	vld [tilespmem:s28+$0x8870];
	s29 =	sor.u32 $0x1C10, s26;
	s31 =	sor.u32 $0x1C50, s26;
	s30 =	sor.u32 $0x1C60, s26  }
0xf4: {  	s23 =	sadd.s32 $0x80, s23;
	v11 =	vadd.s32 v11, v9;
	v9 =	vsel vm2, $0x1, v0;
	v16 =	vsel vm4, $0x1, v0;
	v15 =	vld [tilespmem:s28+$0x8410]  }
0xf5: {  	v12 =	vadd.s32 v13, v12;
	vm1 =	vgt.f32 v8, $0.0e+00;
	v5 =	vadd.s32 v6, v5;
	v17 =	vld [tilespmem:s28+$0x8400]  }
0xf6: {  	v10 =	vadd.s32 v10, v12;
	v6 =	vsel vm1, $0x1, v0;
	v5 =	vadd.s32 v16, v5;
	v8 =	vld [tilespmem:s28+$0x8070]  }
0xf7: {  	v9 =	vadd.s32 v9, v7;
	v7 =	vsel vm0, $0x1, v0;
	v6 =	vadd.s32 v6, v11;
	v12 =	vld [tilespmem:s28+$0x9860]  }
0xf8: {  	v7 =	vadd.s32 v7, v10;
	v11 =	vld [tilespmem:s28+$0x8060]  }
0xf9: {  	v10 =	vld [tilespmem:s28+$0x8050]  }
0xfa: {  	v13 =	vld [tilespmem:s28+$0x8C60]  }
0xfb: {  	v16 =	vld [tilespmem:s28+$0x8010]  }
0xfc: {  	v18 =	vld [tilespmem:s28+$0x8800];
	vm0 =	vgt.f32 v12, $0.0e+00  }
0xfd: {  	v12 =	vld [tilespmem:s28+$0x8000];
	vm1 =	vgt.f32 v11, $0.0e+00  }
0xfe: {  	v21 =	vsel vm0, $0x1, v0;
	vm2 =	vgt.f32 v10, $0.0e+00;
	v19 =	vsel vm1, $0x1, v0;
	v20 =	vld [tilespmem:s28+$0x8C70]  }
0xff: {  	vm1 =	vgt.f32 v8, $0.0e+00;
	v22 =	vsel vm2, $0x1, v0;
	vm0 =	vgt.f32 v13, $0.0e+00;
	v8 =	vld [tilespmem:s28+$0x9070]  }
0x100: {  	v10 =	vsel vm1, $0x1, v0;
	vm1 =	vgt.f32 v17, $0.0e+00;
	vm2 =	vgt.f32 v16, $0.0e+00;
	v13 =	vld [tilespmem:s28+$0x9470]  }
0x101: {  	v3 =	vadd.s32 v10, v3;
	v11 =	vsel vm2, $0x1, v0;
	vm2 =	vgt.f32 v15, $0.0e+00;
	v15 =	vld [tilespmem:s28+$0x9000]  }
0x102: {  	vm3 =	vgt.f32 v12, $0.0e+00;
	v10 =	vsel vm2, $0x1, v0;
	v12 =	vld [tilespmem:s28+$0x8450];
	vm2 =	vgt.f32 v14, $0.0e+00  }
0x103: {  	v11 =	vadd.s32 v11, v4;
	v14 =	vld [tilespmem:s28+$0x8460];
	v16 =	vsel vm2, $0x1, v0;
	vm2 =	vgt.f32 v20, $0.0e+00  }
0x104: {  	v17 =	vsel vm3, $0x1, v0;
	v20 =	vld [tilespmem:s28+$0x8850];
	v23 =	vsel vm2, $0x1, v0;
	vm2 =	vgt.f32 v8, $0.0e+00  }
0x105: {  	vm3 =	vgt.f32 v18, $0.0e+00;
	v18 =	vld [tilespmem:s28+$0x8860];
	v24 =	vsel vm2, $0x1, v0;
	vm2 =	vgt.f32 v13, $0.0e+00  }
0x106: {  	v8 =	vsel vm3, $0x1, v0;
	v13 =	vld [tilespmem:s28+$0x8C50];
	vm3 =	vgt.f32 v15, $0.0e+00;
	v15 =	vsel vm2, $0x1, v0  }
0x107: {  	v25 =	vsel vm1, $0x1, v0;
	vm1 =	vgt.f32 v12, $0.0e+00;
	v4 =	vsel vm3, $0x1, v0;
	v12 =	vld [tilespmem:s28+$0x9060]  }
0x108: {  	v2 =	vadd.s32 v19, v2;
	vm2 =	vgt.f32 v14, $0.0e+00;
	v14 =	vsel vm0, $0x1, v0;
	v19 =	vld [tilespmem:s28+$0x9050]  }
0x109: {  	v1 =	vadd.s32 v22, v1;
	v22 =	vsel vm1, $0x1, v0;
	vm0 =	vgt.f32 v20, $0.0e+00;
	v20 =	vld [tilespmem:s28+$0x9460]  }
0x10a: {  	v1 =	vadd.s32 v22, v1;
	v22 =	vsel vm2, $0x1, v0;
	vm1 =	vgt.f32 v18, $0.0e+00;
	v18 =	vld [tilespmem:s28+$0x9450]  }
0x10b: {  	v2 =	vadd.s32 v22, v2;
	v22 =	vsel vm0, $0x1, v0;
	v26 =	vsel vm1, $0x1, v0;
	v27 =	vld [tilespmem:s28+$0x9850]  }
0x10c: {  	v1 =	vadd.s32 v22, v1;
	v2 =	vadd.s32 v26, v2;
	vm0 =	vgt.f32 v12, $0.0e+00;
	v12 =	vld [tilespmem:s31+$0x8000]  }
0x10d: {  	vm1 =	vgt.f32 v13, $0.0e+00;
	vm2 =	vgt.f32 v19, $0.0e+00;
	v13 =	vsel vm0, $0x1, v0;
	v19 =	vld [tilespmem:s30+$0x8000]  }
0x10e: {  	v26 =	vsel vm1, $0x1, v0;
	v2 =	vadd.s32 v14, v2;
	v22 =	vld [tilespmem:s28+$0x8470];
	v14 =	vsel vm2, $0x1, v0  }
0x10f: {  	s0 =	sor.u32 $0x1C70, s26;
	v1 =	vadd.s32 v26, v1;
	v2 =	vadd.s32 v13, v2;
	vm0 =	vgt.f32 v18, $0.0e+00;
	v13 =	vld [tilespmem:s28+$0x9870]  }
0x110: {  	v1 =	vadd.s32 v14, v1;
	v14 =	vsel vm0, $0x1, v0;
	vm0 =	vgt.f32 v27, $0.0e+00;
	v18 =	vld [tilespmem:s0+$0x8000]  }
0x111: {  	vm1 =	vgt.f32 v20, $0.0e+00;
	v26 =	vld [tilespmem:s28+$0x8810];
	v1 =	vadd.s32 v14, v1;
	v14 =	vsel vm0, $0x1, v0  }
0x112: {  	v27 =	vsel vm1, $0x1, v0;
	v20 =	vld [tilespmem:s28+$0x8C10];
	v1 =	vadd.s32 v14, v1;
	vm0 =	vgt.f32 v19, $0.0e+00  }
0x113: {  	v2 =	vadd.s32 v27, v2;
	vm2 =	vgt.f32 v12, $0.0e+00;
	vm1 =	vgt.f32 v22, $0.0e+00;
	v14 =	vld [tilespmem:s28+$0x9010]  }
0x114: {  	v19 =	vsel vm0, $0x1, v0;
	v12 =	vld [tilespmem:s28+$0x9410];
	vm3 =	vgt.f32 v13, $0.0e+00;
	v13 =	vsel vm2, $0x1, v0  }
0x115: {  	v2 =	vadd.s32 v21, v2;
	v27 =	vsel vm1, $0x1, v0;
	v22 =	vld [tilespmem:s28+$0x8020];
	vm0 =	vgt.f32 v18, $0.0e+00  }
0x116: {  	v3 =	vadd.s32 v27, v3;
	v1 =	vadd.s32 v13, v1;
	v18 =	vld [tilespmem:s28+$0x8030];
	vm1 =	vgt.f32 v26, $0.0e+00  }
0x117: {  	v2 =	vadd.s32 v19, v2;
	v3 =	vadd.s32 v16, v3;
	v13 =	vld [tilespmem:s28+$0x8040];
	vm2 =	vgt.f32 v20, $0.0e+00  }
0x118: {  	v9 =	vadd.s32 v17, v9;
	v3 =	vadd.s32 v23, v3;
	v16 =	vld [tilespmem:s28+$0x8420];
	v17 =	vsel vm2, $0x1, v0  }
0x119: {  	v19 =	vsel vm1, $0x1, v0;
	v3 =	vadd.s32 v24, v3;
	vm1 =	vgt.f32 v12, $0.0e+00;
	v12 =	vld [tilespmem:s28+$0x9810]  }
0x11a: {  	vm2 =	vgt.f32 v14, $0.0e+00;
	v14 =	vsel vm3, $0x1, v0;
	v3 =	vadd.s32 v15, v3;
	v15 =	vld [tilespmem:s29+$0x8000]  }
0x11b: {  	v3 =	vadd.s32 v14, v3;
	v14 =	vsel vm0, $0x1, v0;
	vm3 =	vgt.f32 v18, $0.0e+00;
	v18 =	vld [tilespmem:s28+$0x8820]  }
0x11c: {  	v9 =	vadd.s32 v25, v9;
	v21 =	vsel vm2, $0x1, v0;
	v3 =	vadd.s32 v14, v3;
	v20 =	vld [tilespmem:s28+$0x8430]  }
0x11d: {  	v10 =	vadd.s32 v10, v11;
	v14 =	vsel vm3, $0x1, v0;
	vm0 =	vgt.f32 v13, $0.0e+00;
	v11 =	vld [tilespmem:s28+$0x8440]  }
0x11e: {  	v10 =	vadd.s32 v19, v10;
	v19 =	vsel vm1, $0x1, v0;
	v13 =	vld [tilespmem:s28+$0x8830];
	vm1 =	vgt.f32 v12, $0.0e+00  }
0x11f: {  	v10 =	vadd.s32 v17, v10;
	vm2 =	vgt.f32 v22, $0.0e+00;
	v12 =	vld [tilespmem:s28+$0x8840];
	vm3 =	vgt.f32 v15, $0.0e+00  }
0x120: {  	v10 =	vadd.s32 v21, v10;
	v15 =	vsel vm2, $0x1, v0;
	v17 =	vld [tilespmem:s28+$0x8C20];
	v21 =	vsel vm3, $0x1, v0  }
0x121: {  	vm2 =	vgt.f32 v16, $0.0e+00;
	vm3 =	vgt.f32 v20, $0.0e+00;
	v16 =	vld [tilespmem:s28+$0x8C30];
	v20 =	vsel vm1, $0x1, v0  }
0x122: {  	v7 =	vadd.s32 v15, v7;
	v15 =	vsel vm2, $0x1, v0;
	v22 =	vsel vm3, $0x1, v0;
	v23 =	vld [tilespmem:s28+$0x9030]  }
0x123: {  	v24 =	vsel vm0, $0x1, v0;
	v15 =	vadd.s32 v15, v7;
	vm0 =	vgt.f32 v13, $0.0e+00;
	v7 =	vld [tilespmem:s28+$0x8C40]  }
0x124: {  	v6 =	vadd.s32 v14, v6;
	v5 =	vadd.s32 v24, v5;
	vm1 =	vgt.f32 v11, $0.0e+00;
	v11 =	vld [tilespmem:s28+$0x8C00]  }
0x125: {  	v6 =	vadd.s32 v22, v6;
	v13 =	vsel vm1, $0x1, v0;
	vm1 =	vgt.f32 v17, $0.0e+00;
	v14 =	vld [tilespmem:s28+$0x9040]  }
0x126: {  	v5 =	vadd.s32 v13, v5;
	v13 =	vsel vm0, $0x1, v0;
	vm0 =	vgt.f32 v16, $0.0e+00;
	v16 =	vld [tilespmem:s28+$0x9400]  }
0x127: {  	vm2 =	vgt.f32 v18, $0.0e+00;
	vm3 =	vgt.f32 v12, $0.0e+00;
	v6 =	vadd.s32 v13, v6;
	v12 =	vld [tilespmem:s28+$0x9800]  }
0x128: {  	v13 =	vsel vm3, $0x1, v0;
	v17 =	vsel vm0, $0x1, v0;
	vm0 =	vgt.f32 v7, $0.0e+00;
	v18 =	vld [tilespmem:s28+$0x9020]  }
0x129: {  	v5 =	vadd.s32 v13, v5;
	vm3 =	vgt.f32 v11, $0.0e+00;
	v11 =	vsel vm1, $0x1, v0;
	v13 =	vld [tilespmem:s28+$0x9430]  }
0x12a: {  	v22 =	vsel vm2, $0x1, v0;
	v24 =	vsel vm0, $0x1, v0;
	v7 =	vsel vm3, $0x1, v0;
	v25 =	vld [tilespmem:s28+$0x9440]  }
0x12b: {  	v17 =	vadd.s32 v17, v6;
	vm0 =	vgt.f32 v23, $0.0e+00;
	v24 =	vadd.s32 v24, v5;
	v6 =	vld [tilespmem:s28+$0x9840]  }
0x12c: {  	v5 =	vadd.s32 v8, v9;
	v8 =	vadd.s32 v19, v10;
	v19 =	vld [tilespmem:s28+$0x9420];
	vm1 =	vgt.f32 v12, $0.0e+00  }
0x12d: {  	v7 =	vadd.s32 v7, v5;
	v8 =	vadd.s32 v20, v8;
	v5 =	vsel vm1, $0x1, v0;
	v10 =	vld [tilespmem:s28+$0x9830]  }
0x12e: {  	s0 =	sor.u32 $0x1C20, s26;
	v7 =	vadd.s32 v4, v7;
	v4 =	vadd.s32 v21, v8;
	vm1 =	vgt.f32 v13, $0.0e+00;
	v12 =	vld [tilespmem:s28+$0x9820]  }
0x12f: {  	vm2 =	vgt.f32 v14, $0.0e+00;
	v8 =	vadd.s32 v22, v15;
	s28 =	sor.u32 $0x1C00, s26;
	v9 =	vsel vm1, $0x1, v0;
	v20 =	vld [tilespmem:s0+$0x8000]  }
.Ltmp3:
0x130: {  	v21 =	vsel vm0, $0x1, v0;
	v15 =	vadd.s32 v11, v8;
	s0 =	sor.u32 $0x1C30, s26;
	vm0 =	vgt.f32 v6, $0.0e+00;
	v13 =	vld [tilespmem:s28+$0x8000];
	(pc) =	sbr.rel @p1 .LBB2_5-.Ltmp3, $4  }
0x131: {  	v11 =	vsel vm2, $0x1, v0;
	vm2 =	vgt.f32 v16, $0.0e+00;
	v6 =	vsel vm0, $0x1, v0;
	v8 =	vld [tilespmem:s0+$0x8000];
	s0 =	sor.u32 $0x1C40, s26  }
0x132: {  	v11 =	vadd.s32 v11, v24;
	vm4 =	vgt.f32 v25, $0.0e+00;
	vm0 =	vgt.f32 v18, $0.0e+00;
	v14 =	vld [tilespmem:s0+$0x8000]  }
0x133: {  	vm3 =	vgt.f32 v19, $0.0e+00;
	v16 =	vsel vm0, $0x1, v0;
	vm1 =	vgt.f32 v12, $0.0e+00  }
0x134: {  	s24 =	sadd.s32 $0x1, s24;
	s25 =	sadd.s32 $0x400, s25;
	v12 =	vadd.s32 v16, v15;
	v15 =	vadd.s32 v21, v17;
	vm0 =	vgt.f32 v20, $0.0e+00  }
0x135: {  	v16 =	vsel vm2, $0x1, v0  }
0x136: {  	v17 =	vsel vm4, $0x1, v0;
	vm12 =	vgt.f32 v13, $0.0e+00;
	v62 =	vsel vm3, $0x1, v0  }
0x137: {  	vm13 =	vgt.f32 v10, $0.0e+00;
	v9 =	vadd.s32 v9, v15;
	v7 =	vadd.s32 v16, v7  }
0x138: {  	v10 =	vadd.s32 v17, v11;
	v11 =	vsel vm1, $0x1, v0;
	v12 =	vadd.s32 v62, v12  }
.Ltmp4:
0x139: {  	vm15 =	vgt.f32 v8, $0.0e+00;
	v7 =	vadd.s32 v5, v7;
	vm14 =	vgt.f32 v14, $0.0e+00;
	(pc) =	sbr.rel @p0 .LBB2_8-.Ltmp4, $4  }
0x13a: {  	v5 =	vsel vm13, $0x1, v0;
	v6 =	vadd.s32 v6, v10;
	v8 =	vadd.s32 v11, v12  }
0x13b: {  	v10 =	vsel vm15, $0x1, v0;
	v63 =	vadd.s32 v5, v9;
	v5 =	vsel vm14, $0x1, v0  }
0x13c: {  	v11 =	vsel vm0, $0x1, v0;
	v9 =	vsel vm12, $0x1, v0;
	v5 =	vadd.s32 v5, v6  }
0x13d: {  	v9 =	vadd.s32 v9, v7;
	v6 =	vadd.s32 v10, v63;
	v7 =	vadd.s32 v11, v8  }
.Ltmp5:
0x13e: {  	(pc) =	sbr.rel .LBB2_2-.Ltmp5, $3  }
0x13f: {  	_ =	sdelay $0x1  }
0x140: {  	s0 =	sadd.s32 s21, s6;
	s20 =	sadd.s32 $0x1, s20  }
0x141: {  	[tilespmem:s14], [sflag:$0x2] =	stream.linear.gather [hbm4b:s0+s2], $0x8000, $0x38;
	[tilespmem:$0x10080] =	vst v63  }
.LBB2_8:
0x142: {  	v4 =	vadd.s32 v9, v4  }
0x143: {  	v4 =	vadd.s32 v7, v4  }
0x144: {  	v4 =	vadd.s32 v6, v4  }
0x145: {  	v4 =	vadd.s32 v5, v4  }
0x146: {  	v1 =	vadd.s32 v1, v4  }
0x147: {  	v1 =	vadd.s32 v2, v1  }
0x148: {  	v1 =	vadd.s32 v3, v1  }
0x149: {  	s20 =	simm.s32 $0x0;
	[tilespmem:$0x10000] =	vst v1  }
0x14a: {  	[hbm4b:s8+s20] =	stream.linear.scatter [tilespmem:s17], [sflag:$0x3], $0x80, $0x38;
	[tilespmem:$0x10080] =	vst v63  }
0x14b: {  	_ =	swait.ge [sflag:s18], $0x80  }
0x14c: {  	[sflag:s18] =	ssyncset.done $0x0  }
0x14d: {  	[sflag:s18] =	ssyncadd.s32 $0xFFFFFF80  }
0x14e: {  	v9 =	vimm.s32 $0x0;
	v7 =	vimm.s32 $0x0;
	[tilespmem:s20], [sflag:$0x1] =	stream.linear.gather [hbm4b:s7+s20], $0x8000, $0x38;
	[tilespmem:$0x10080] =	vst v63  }
0x14f: {  	s21 =	simm.s32 $0x0;
	v6 =	vimm.s32 $0x0;
	v5 =	vimm.s32 $0x0;
	v4 =	vimm.s32 $0x0  }
0x150: {  	v2 =	vimm.s32 $0x0;
	v3 =	vimm.s32 $0x0;
	v1 =	vimm.s32 $0x0;
	[tilespmem:s14], [sflag:$0x2] =	stream.linear.gather [hbm4b:s9+s20], $0x8000, $0x38;
	[tilespmem:$0x10080] =	vst v63  }
.LBB2_9:
0x151: {  	_ =	swait.ge [sflag:s15], $0x8000;
	s0 =	simm.s32 $0x0  }
0x152: {  	s22 =	sand.u32 $0x380, s20;
	[sflag:s15] =	ssyncset.done $0x0;
	s0 =	sand.u32 $0x6000, s0  }
0x153: {  	[sflag:s15] =	ssyncadd.s32 $0xFFFF8000;
	s22 =	sor.u32 s22, s0  }
0x154: {  	v8 =	vld [tilespmem:s22+$0x870]  }
0x155: {  	v11 =	vld [tilespmem:s22+$0x400]  }
0x156: {  	v12 =	vld [tilespmem:s22+$0x70]  }
0x157: {  	v13 =	vld [tilespmem:s22+$0x1860]  }
0x158: {  	v14 =	vld [tilespmem:s22+$0x60]  }
0x159: {  	v15 =	vld [tilespmem:s22+$0x50]  }
0x15a: {  	v16 =	vld [tilespmem:s22+$0xC60]  }
0x15b: {  	v17 =	vld [tilespmem:s22+$0x10]  }
0x15c: {  	v10 =	vld [tilespmem:s22+$0x410]  }
0x15d: {  	v23 =	vld [tilespmem:s22+$0x850];
	vm0 =	vgt.f32 v13, $0.0e+00;
	vm1 =	vgt.f32 v14, $0.0e+00  }
0x15e: {  	v18 =	vld [tilespmem:s22+$0x800];
	vm2 =	vgt.f32 v15, $0.0e+00;
	v14 =	vsel vm1, $0x1, v0;
	v19 =	vsel vm0, $0x1, v0  }
0x15f: {  	v13 =	vld [tilespmem:s22+$0x0];
	v20 =	vsel vm2, $0x1, v0;
	vm1 =	vgt.f32 v12, $0.0e+00;
	vm0 =	vgt.f32 v16, $0.0e+00  }
0x160: {  	v15 =	vld [tilespmem:s22+$0xC70];
	vm2 =	vgt.f32 v17, $0.0e+00;
	v16 =	vsel vm1, $0x1, v0;
	vm1 =	vgt.f32 v11, $0.0e+00  }
0x161: {  	v12 =	vld [tilespmem:s22+$0x1070];
	v17 =	vsel vm2, $0x1, v0;
	vm2 =	vgt.f32 v10, $0.0e+00;
	v2 =	vadd.s32 v14, v2  }
0x162: {  	v10 =	vld [tilespmem:s22+$0x1000];
	v14 =	vsel vm0, $0x1, v0;
	v1 =	vadd.s32 v20, v1;
	vm0 =	vgt.f32 v23, $0.0e+00  }
0x163: {  	v3 =	vadd.s32 v16, v3;
	v16 =	vld [tilespmem:s22+$0x450];
	v17 =	vadd.s32 v17, v4;
	v25 =	vsel vm1, $0x1, v0  }
0x164: {  	v11 =	vld [tilespmem:s22+$0x1470];
	vm3 =	vgt.f32 v13, $0.0e+00;
	v13 =	vsel vm2, $0x1, v0;
	vm2 =	vgt.f32 v8, $0.0e+00  }
0x165: {  	v21 =	vld [tilespmem:s22+$0x460];
	v38 =	vsel vm0, $0x1, v0;
	v22 =	vsel vm2, $0x1, v0;
	vm2 =	vgt.f32 v15, $0.0e+00  }
0x166: {  	v34 =	vld [tilespmem:s22+$0x1050];
	v15 =	vsel vm3, $0x1, v0;
	vm3 =	vgt.f32 v18, $0.0e+00;
	v13 =	vadd.s32 v13, v17  }
0x167: {  	v24 =	vsel vm2, $0x1, v0;
	vm2 =	vgt.f32 v12, $0.0e+00;
	v12 =	vld [tilespmem:s22+$0x860];
	v8 =	vsel vm3, $0x1, v0  }
0x168: {  	vm3 =	vgt.f32 v10, $0.0e+00;
	v9 =	vadd.s32 v15, v9;
	vm1 =	vgt.f32 v16, $0.0e+00;
	v16 =	vld [tilespmem:s22+$0x1060]  }
0x169: {  	v33 =	vsel vm2, $0x1, v0;
	vm2 =	vgt.f32 v11, $0.0e+00;
	v11 =	vld [tilespmem:s22+$0xC50];
	v4 =	vsel vm3, $0x1, v0  }
0x16a: {  	v36 =	vld [tilespmem:s22+$0x1460];
	v10 =	vsel vm2, $0x1, v0;
	vm2 =	vgt.f32 v21, $0.0e+00;
	v35 =	vsel vm1, $0x1, v0  }
0x16b: {  	s24 =	sand.u32 $0x7, s20;
	v40 =	vld [tilespmem:s22+$0x470];
	v9 =	vadd.s32 v25, v9;
	v1 =	vadd.s32 v35, v1;
	v37 =	vsel vm2, $0x1, v0  }
0x16c: {  	s0 =	sshll.u32 s24, $0x7;
	v42 =	vld [tilespmem:s22+$0x810];
	vm2 =	vgt.f32 v34, $0.0e+00;
	v2 =	vadd.s32 v37, v2;
	vm1 =	vgt.f32 v12, $0.0e+00  }
0x16d: {  	s23 =	sadd.s32 $0x0, s0;
	v1 =	vadd.s32 v38, v1;
	v12 =	vld [tilespmem:s22+$0x1450];
	v26 =	vsel vm1, $0x1, v0;
	vm0 =	vgt.f32 v16, $0.0e+00  }
0x16e: {  	v27 =	vld [tilespmem:s22+$0x1850];
	s0 =	sor.u32 $0x1C50, s23;
	vm1 =	vgt.f32 v11, $0.0e+00;
	v2 =	vadd.s32 v26, v2;
	v11 =	vsel vm0, $0x1, v0  }
0x16f: {  	v16 =	vld [tilespmem:s0+$0x0];
	v41 =	vsel vm1, $0x1, v0;
	vm1 =	vgt.f32 v36, $0.0e+00;
	v2 =	vadd.s32 v14, v2  }
0x170: {  	v43 =	vld [tilespmem:s22+$0xC10];
	s24 =	sor.u32 $0x1C60, s23;
	v14 =	vsel vm2, $0x1, v0;
	v1 =	vadd.s32 v41, v1;
	v44 =	vsel vm1, $0x1, v0  }
0x171: {  	s25 =	sor.u32 $0x1C70, s23;
	v39 =	vld [tilespmem:s24+$0x0];
	vm1 =	vgt.f32 v40, $0.0e+00;
	v2 =	vadd.s32 v11, v2;
	v1 =	vadd.s32 v14, v1  }
0x172: {  	v14 =	vld [tilespmem:s25+$0x0];
	v21 =	vsel vm1, $0x1, v0;
	vm1 =	vgt.f32 v42, $0.0e+00;
	vm0 =	vgt.f32 v12, $0.0e+00  }
0x173: {  	v11 =	vld [tilespmem:s22+$0x1870];
	v2 =	vadd.s32 v44, v2;
	v3 =	vadd.s32 v21, v3;
	v46 =	vsel vm1, $0x1, v0  }
0x174: {  	v45 =	vld [tilespmem:s22+$0x1010];
	v12 =	vsel vm0, $0x1, v0;
	vm0 =	vgt.f32 v27, $0.0e+00;
	vm2 =	vgt.f32 v16, $0.0e+00  }
0x175: {  	v48 =	vld [tilespmem:s22+$0x420];
	v2 =	vadd.s32 v19, v2;
	v1 =	vadd.s32 v12, v1;
	v12 =	vsel vm0, $0x1, v0  }
0x176: {  	v3 =	vadd.s32 v22, v3;
	vm0 =	vgt.f32 v39, $0.0e+00;
	v1 =	vadd.s32 v12, v1;
	v12 =	vld [tilespmem:s22+$0x1410]  }
0x177: {  	v3 =	vadd.s32 v24, v3;
	v16 =	vsel vm0, $0x1, v0;
	vm0 =	vgt.f32 v14, $0.0e+00;
	v14 =	vld [tilespmem:s22+$0x30]  }
0x178: {  	vm3 =	vgt.f32 v11, $0.0e+00;
	v11 =	vsel vm2, $0x1, v0;
	v2 =	vadd.s32 v16, v2;
	v16 =	vld [tilespmem:s22+$0x40]  }
0x179: {  	s26 =	sor.u32 $0x1C10, s23;
	v13 =	vadd.s32 v46, v13;
	v3 =	vadd.s32 v33, v3;
	v1 =	vadd.s32 v11, v1;
	v11 =	vld [tilespmem:s22+$0x20]  }
0x17a: {  	v47 =	vld [tilespmem:s26+$0x0];
	vm2 =	vgt.f32 v43, $0.0e+00;
	v3 =	vadd.s32 v10, v3;
	v10 =	vsel vm3, $0x1, v0  }
0x17b: {  	v52 =	vld [tilespmem:s22+$0x840];
	v15 =	vsel vm2, $0x1, v0;
	vm2 =	vgt.f32 v45, $0.0e+00;
	v3 =	vadd.s32 v10, v3  }
0x17c: {  	v10 =	vsel vm0, $0x1, v0;
	v49 =	vsel vm2, $0x1, v0;
	vm1 =	vgt.f32 v12, $0.0e+00;
	v12 =	vld [tilespmem:s22+$0x1810]  }
0x17d: {  	v3 =	vadd.s32 v10, v3;
	v10 =	vld [tilespmem:s22+$0x820];
	vm3 =	vgt.f32 v14, $0.0e+00;
	vm0 =	vgt.f32 v16, $0.0e+00  }
0x17e: {  	v14 =	vld [tilespmem:s22+$0x430];
	v17 =	vsel vm1, $0x1, v0;
	v50 =	vsel vm3, $0x1, v0;
	vm2 =	vgt.f32 v11, $0.0e+00  }
0x17f: {  	v16 =	vld [tilespmem:s22+$0x830];
	v11 =	vadd.s32 v15, v13;
	vm3 =	vgt.f32 v47, $0.0e+00;
	v54 =	vsel vm0, $0x1, v0  }
0x180: {  	v58 =	vld [tilespmem:s22+$0x1020];
	v13 =	vsel vm2, $0x1, v0;
	v11 =	vadd.s32 v49, v11;
	v18 =	vsel vm3, $0x1, v0  }
0x181: {  	vm2 =	vgt.f32 v48, $0.0e+00;
	v6 =	vadd.s32 v50, v6;
	vm1 =	vgt.f32 v12, $0.0e+00;
	v12 =	vld [tilespmem:s22+$0x440]  }
0x182: {  	v15 =	vld [tilespmem:s22+$0xC20];
	v5 =	vadd.s32 v54, v5;
	v7 =	vadd.s32 v13, v7;
	v13 =	vsel vm2, $0x1, v0  }
0x183: {  	vm2 =	vgt.f32 v10, $0.0e+00;
	v7 =	vadd.s32 v13, v7;
	vm3 =	vgt.f32 v14, $0.0e+00;
	v14 =	vld [tilespmem:s22+$0xC30]  }
0x184: {  	v13 =	vld [tilespmem:s22+$0xC40];
	v59 =	vsel vm2, $0x1, v0;
	v51 =	vsel vm1, $0x1, v0;
	vm0 =	vgt.f32 v16, $0.0e+00  }
0x185: {  	v16 =	vld [tilespmem:s22+$0x1030];
	v7 =	vadd.s32 v59, v7;
	v53 =	vsel vm3, $0x1, v0;
	v56 =	vsel vm0, $0x1, v0  }
0x186: {  	v10 =	vld [tilespmem:s22+$0x1800];
	vm3 =	vgt.f32 v52, $0.0e+00;
	v6 =	vadd.s32 v53, v6;
	vm1 =	vgt.f32 v12, $0.0e+00  }
0x187: {  	v20 =	vsel vm3, $0x1, v0;
	v6 =	vadd.s32 v56, v6;
	v12 =	vld [tilespmem:s22+$0xC00];
	v55 =	vsel vm1, $0x1, v0  }
0x188: {  	vm1 =	vgt.f32 v15, $0.0e+00;
	v15 =	vld [tilespmem:s22+$0x1040];
	vm0 =	vgt.f32 v14, $0.0e+00;
	v5 =	vadd.s32 v55, v5  }
0x189: {  	v14 =	vld [tilespmem:s22+$0x1400];
	v57 =	vsel vm0, $0x1, v0;
	vm0 =	vgt.f32 v13, $0.0e+00;
	v5 =	vadd.s32 v20, v5  }
0x18a: {  	v13 =	vld [tilespmem:s22+$0x1430];
	v61 =	vsel vm0, $0x1, v0;
	v21 =	vadd.s32 v57, v6;
	vm0 =	vgt.f32 v16, $0.0e+00  }
0x18b: {  	v6 =	vld [tilespmem:s22+$0x1840];
	v24 =	vadd.s32 v61, v5;
	v5 =	vadd.s32 v8, v9;
	v8 =	vadd.s32 v17, v11  }
0x18c: {  	v16 =	vld [tilespmem:s22+$0x1440];
	v63 =	vsel vm0, $0x1, v0;
	vm3 =	vgt.f32 v12, $0.0e+00;
	v12 =	vsel vm1, $0x1, v0  }
0x18d: {  	v11 =	vld [tilespmem:s22+$0x1420];
	vm1 =	vgt.f32 v10, $0.0e+00;
	v10 =	vadd.s32 v51, v8;
	v60 =	vsel vm3, $0x1, v0  }
0x18e: {  	s28 =	sor.u32 $0x1C20, s23;
	v17 =	vld [tilespmem:s22+$0x1820];
	vm2 =	vgt.f32 v15, $0.0e+00;
	v15 =	vadd.s32 v12, v7;
	v9 =	vadd.s32 v60, v5  }
0x18f: {  	s29 =	sor.u32 $0x1C00, s23;
	v62 =	vld [tilespmem:s28+$0x0];
	v5 =	vsel vm1, $0x1, v0;
	vm1 =	vgt.f32 v13, $0.0e+00;
	v7 =	vsel vm2, $0x1, v0  }
0x190: {  	vm2 =	vgt.f32 v14, $0.0e+00;
	v13 =	vld [tilespmem:s29+$0x0];
	v8 =	vadd.s32 v4, v9;
	v4 =	vadd.s32 v18, v10  }
0x191: {  	s31 =	sor.u32 $0x1C40, s23;
	v9 =	vsel vm1, $0x1, v0;
	vm0 =	vgt.f32 v6, $0.0e+00;
	v10 =	vld [tilespmem:s22+$0x1830];
	v12 =	vadd.s32 v7, v24  }
0x192: {  	v14 =	vld [tilespmem:s31+$0x0];
	vm4 =	vgt.f32 v16, $0.0e+00;
	v6 =	vsel vm0, $0x1, v0;
	vm0 =	vgt.f32 v58, $0.0e+00  }
0x193: {  	s30 =	sor.u32 $0x1C30, s23;
	s23 =	simm.s32 $0x1;
	vm3 =	vgt.f32 v11, $0.0e+00;
	vm1 =	vgt.f32 v17, $0.0e+00;
	v16 =	vsel vm0, $0x1, v0  }
0x194: {  	s24 =	simm.s32 $0xFFFF8400;
	s25 =	simm.s32 $0x0;
	s22 =	simm.s32 $0x80;
	v7 =	vld [tilespmem:s30+$0x0];
	vm0 =	vgt.f32 v62, $0.0e+00;
	v11 =	vadd.s32 v16, v15;
	v15 =	vadd.s32 v63, v21  }
.LBB2_10:
0x195: {  	s0 =	sand.u32 $0x7, s23;
	s26 =	sadd.s32 $0x8000, s24;
	v16 =	vsel vm2, $0x1, v0;
	v17 =	vsel vm4, $0x1, v0;
	vm2 =	vgt.f32 v13, $0.0e+00;
	s25 =	sadd.s32 $0x400, s25  }
0x196: {  	s29 =	sand.u32 $0x380, s22;
	v13 =	vsel vm3, $0x1, v0;
	vm3 =	vgt.f32 v10, $0.0e+00;
	s0 =	sshll.u32 s0, $0x7;
	s28 =	sand.u32 $0x6000, s26;
	v8 =	vadd.s32 v16, v8  }
0x197: {  	p0 =	sne.s32 s22, $0xF80;
	v9 =	vadd.s32 v9, v15;
	s26 =	sadd.s32 s0, s25;
	s28 =	sor.u32 s29, s28;
	v8 =	vadd.s32 v5, v8;
	vm4 =	vgt.f32 v14, $0.0e+00  }
0x198: {  	v10 =	vsel vm1, $0x1, v0;
	v5 =	vadd.s32 v17, v12;
	v12 =	vsel vm3, $0x1, v0;
	v14 =	vld [tilespmem:s28+$0x870];
	s29 =	sor.u32 $0x1C10, s26;
	s31 =	sor.u32 $0x1C50, s26;
	s30 =	sor.u32 $0x1C60, s26  }
0x199: {  	s22 =	sadd.s32 $0x80, s22;
	v12 =	vadd.s32 v12, v9;
	v9 =	vsel vm2, $0x1, v0;
	v16 =	vsel vm4, $0x1, v0;
	v15 =	vld [tilespmem:s28+$0x410]  }
0x19a: {  	v11 =	vadd.s32 v13, v11;
	vm1 =	vgt.f32 v7, $0.0e+00;
	v5 =	vadd.s32 v6, v5;
	v17 =	vld [tilespmem:s28+$0x400]  }
0x19b: {  	v7 =	vadd.s32 v10, v11;
	v6 =	vsel vm1, $0x1, v0;
	v5 =	vadd.s32 v16, v5;
	v13 =	vld [tilespmem:s28+$0x70]  }
0x19c: {  	v9 =	vadd.s32 v9, v8;
	v8 =	vsel vm0, $0x1, v0;
	v6 =	vadd.s32 v6, v12;
	v10 =	vld [tilespmem:s28+$0x1860]  }
0x19d: {  	v7 =	vadd.s32 v8, v7;
	v11 =	vld [tilespmem:s28+$0x60]  }
0x19e: {  	v8 =	vld [tilespmem:s28+$0x50]  }
0x19f: {  	v12 =	vld [tilespmem:s28+$0xC60]  }
0x1a0: {  	v16 =	vld [tilespmem:s28+$0x10]  }
0x1a1: {  	v18 =	vld [tilespmem:s28+$0x800];
	vm0 =	vgt.f32 v10, $0.0e+00  }
0x1a2: {  	v10 =	vld [tilespmem:s28+$0x0];
	vm1 =	vgt.f32 v11, $0.0e+00  }
0x1a3: {  	v20 =	vsel vm0, $0x1, v0;
	vm2 =	vgt.f32 v8, $0.0e+00;
	v19 =	vsel vm1, $0x1, v0;
	v8 =	vld [tilespmem:s28+$0xC70]  }
0x1a4: {  	vm1 =	vgt.f32 v13, $0.0e+00;
	v21 =	vsel vm2, $0x1, v0;
	vm0 =	vgt.f32 v12, $0.0e+00;
	v12 =	vld [tilespmem:s28+$0x1070]  }
0x1a5: {  	v11 =	vsel vm1, $0x1, v0;
	vm1 =	vgt.f32 v17, $0.0e+00;
	vm2 =	vgt.f32 v16, $0.0e+00;
	v13 =	vld [tilespmem:s28+$0x1470]  }
0x1a6: {  	v3 =	vadd.s32 v11, v3;
	v16 =	vsel vm2, $0x1, v0;
	vm2 =	vgt.f32 v15, $0.0e+00;
	v15 =	vld [tilespmem:s28+$0x1000]  }
0x1a7: {  	vm3 =	vgt.f32 v10, $0.0e+00;
	v10 =	vsel vm2, $0x1, v0;
	v17 =	vld [tilespmem:s28+$0x450];
	vm2 =	vgt.f32 v14, $0.0e+00  }
0x1a8: {  	v11 =	vadd.s32 v16, v4;
	v14 =	vld [tilespmem:s28+$0x460];
	v16 =	vsel vm2, $0x1, v0;
	vm2 =	vgt.f32 v8, $0.0e+00  }
0x1a9: {  	v22 =	vsel vm3, $0x1, v0;
	v23 =	vld [tilespmem:s28+$0x850];
	v24 =	vsel vm2, $0x1, v0;
	vm2 =	vgt.f32 v12, $0.0e+00  }
0x1aa: {  	vm3 =	vgt.f32 v18, $0.0e+00;
	v12 =	vld [tilespmem:s28+$0x860];
	v18 =	vsel vm2, $0x1, v0;
	vm2 =	vgt.f32 v13, $0.0e+00  }
0x1ab: {  	v8 =	vsel vm3, $0x1, v0;
	v13 =	vld [tilespmem:s28+$0xC50];
	vm3 =	vgt.f32 v15, $0.0e+00;
	v15 =	vsel vm2, $0x1, v0  }
0x1ac: {  	v25 =	vsel vm1, $0x1, v0;
	vm1 =	vgt.f32 v17, $0.0e+00;
	v4 =	vsel vm3, $0x1, v0;
	v17 =	vld [tilespmem:s28+$0x1060]  }
0x1ad: {  	v2 =	vadd.s32 v19, v2;
	vm2 =	vgt.f32 v14, $0.0e+00;
	v14 =	vsel vm0, $0x1, v0;
	v19 =	vld [tilespmem:s28+$0x1050]  }
0x1ae: {  	v1 =	vadd.s32 v21, v1;
	v21 =	vsel vm1, $0x1, v0;
	vm0 =	vgt.f32 v23, $0.0e+00;
	v23 =	vld [tilespmem:s28+$0x1460]  }
0x1af: {  	v1 =	vadd.s32 v21, v1;
	v21 =	vsel vm2, $0x1, v0;
	vm1 =	vgt.f32 v12, $0.0e+00;
	v12 =	vld [tilespmem:s28+$0x1450]  }
0x1b0: {  	v2 =	vadd.s32 v21, v2;
	v21 =	vsel vm0, $0x1, v0;
	v26 =	vsel vm1, $0x1, v0;
	v27 =	vld [tilespmem:s28+$0x1850]  }
0x1b1: {  	v1 =	vadd.s32 v21, v1;
	v2 =	vadd.s32 v26, v2;
	vm0 =	vgt.f32 v17, $0.0e+00;
	v17 =	vld [tilespmem:s31+$0x0]  }
0x1b2: {  	vm1 =	vgt.f32 v13, $0.0e+00;
	vm2 =	vgt.f32 v19, $0.0e+00;
	v13 =	vsel vm0, $0x1, v0;
	v19 =	vld [tilespmem:s30+$0x0]  }
0x1b3: {  	v26 =	vsel vm1, $0x1, v0;
	v2 =	vadd.s32 v14, v2;
	v21 =	vld [tilespmem:s28+$0x470];
	v14 =	vsel vm2, $0x1, v0  }
0x1b4: {  	s0 =	sor.u32 $0x1C70, s26;
	v1 =	vadd.s32 v26, v1;
	v2 =	vadd.s32 v13, v2;
	vm0 =	vgt.f32 v12, $0.0e+00;
	v12 =	vld [tilespmem:s28+$0x1870]  }
0x1b5: {  	v1 =	vadd.s32 v14, v1;
	v13 =	vsel vm0, $0x1, v0;
	vm0 =	vgt.f32 v27, $0.0e+00;
	v14 =	vld [tilespmem:s0+$0x0]  }
0x1b6: {  	vm1 =	vgt.f32 v23, $0.0e+00;
	v26 =	vld [tilespmem:s28+$0x810];
	v1 =	vadd.s32 v13, v1;
	v13 =	vsel vm0, $0x1, v0  }
0x1b7: {  	v27 =	vsel vm1, $0x1, v0;
	v23 =	vld [tilespmem:s28+$0xC10];
	v1 =	vadd.s32 v13, v1;
	vm0 =	vgt.f32 v19, $0.0e+00  }
0x1b8: {  	v2 =	vadd.s32 v27, v2;
	vm2 =	vgt.f32 v17, $0.0e+00;
	vm1 =	vgt.f32 v21, $0.0e+00;
	v13 =	vld [tilespmem:s28+$0x1010]  }
0x1b9: {  	v19 =	vsel vm0, $0x1, v0;
	v17 =	vld [tilespmem:s28+$0x1410];
	vm3 =	vgt.f32 v12, $0.0e+00;
	v12 =	vsel vm2, $0x1, v0  }
0x1ba: {  	v2 =	vadd.s32 v20, v2;
	v27 =	vsel vm1, $0x1, v0;
	v21 =	vld [tilespmem:s28+$0x20];
	vm0 =	vgt.f32 v14, $0.0e+00  }
0x1bb: {  	v3 =	vadd.s32 v27, v3;
	v1 =	vadd.s32 v12, v1;
	v14 =	vld [tilespmem:s28+$0x30];
	vm1 =	vgt.f32 v26, $0.0e+00  }
0x1bc: {  	v2 =	vadd.s32 v19, v2;
	v3 =	vadd.s32 v16, v3;
	v12 =	vld [tilespmem:s28+$0x40];
	vm2 =	vgt.f32 v23, $0.0e+00  }
0x1bd: {  	v9 =	vadd.s32 v22, v9;
	v3 =	vadd.s32 v24, v3;
	v16 =	vld [tilespmem:s28+$0x420];
	v19 =	vsel vm2, $0x1, v0  }
0x1be: {  	v20 =	vsel vm1, $0x1, v0;
	v3 =	vadd.s32 v18, v3;
	vm1 =	vgt.f32 v17, $0.0e+00;
	v17 =	vld [tilespmem:s28+$0x1810]  }
0x1bf: {  	vm2 =	vgt.f32 v13, $0.0e+00;
	v13 =	vsel vm3, $0x1, v0;
	v3 =	vadd.s32 v15, v3;
	v15 =	vld [tilespmem:s29+$0x0]  }
0x1c0: {  	v3 =	vadd.s32 v13, v3;
	v13 =	vsel vm0, $0x1, v0;
	vm3 =	vgt.f32 v14, $0.0e+00;
	v14 =	vld [tilespmem:s28+$0x820]  }
0x1c1: {  	v9 =	vadd.s32 v25, v9;
	v22 =	vsel vm2, $0x1, v0;
	v3 =	vadd.s32 v13, v3;
	v18 =	vld [tilespmem:s28+$0x430]  }
0x1c2: {  	v10 =	vadd.s32 v10, v11;
	v13 =	vsel vm3, $0x1, v0;
	vm0 =	vgt.f32 v12, $0.0e+00;
	v11 =	vld [tilespmem:s28+$0x440]  }
0x1c3: {  	v10 =	vadd.s32 v20, v10;
	v20 =	vsel vm1, $0x1, v0;
	v12 =	vld [tilespmem:s28+$0x830];
	vm1 =	vgt.f32 v17, $0.0e+00  }
0x1c4: {  	v10 =	vadd.s32 v19, v10;
	vm2 =	vgt.f32 v21, $0.0e+00;
	v17 =	vld [tilespmem:s28+$0x840];
	vm3 =	vgt.f32 v15, $0.0e+00  }
0x1c5: {  	v10 =	vadd.s32 v22, v10;
	v15 =	vsel vm2, $0x1, v0;
	v19 =	vld [tilespmem:s28+$0xC20];
	v21 =	vsel vm3, $0x1, v0  }
0x1c6: {  	vm2 =	vgt.f32 v16, $0.0e+00;
	vm3 =	vgt.f32 v18, $0.0e+00;
	v16 =	vld [tilespmem:s28+$0xC30];
	v18 =	vsel vm1, $0x1, v0  }
0x1c7: {  	v7 =	vadd.s32 v15, v7;
	v15 =	vsel vm2, $0x1, v0;
	v22 =	vsel vm3, $0x1, v0;
	v23 =	vld [tilespmem:s28+$0x1030]  }
0x1c8: {  	v24 =	vsel vm0, $0x1, v0;
	v7 =	vadd.s32 v15, v7;
	vm0 =	vgt.f32 v12, $0.0e+00;
	v12 =	vld [tilespmem:s28+$0xC40]  }
0x1c9: {  	v6 =	vadd.s32 v13, v6;
	v5 =	vadd.s32 v24, v5;
	vm1 =	vgt.f32 v11, $0.0e+00;
	v11 =	vld [tilespmem:s28+$0xC00]  }
0x1ca: {  	v6 =	vadd.s32 v22, v6;
	v13 =	vsel vm1, $0x1, v0;
	vm1 =	vgt.f32 v19, $0.0e+00;
	v15 =	vld [tilespmem:s28+$0x1040]  }
0x1cb: {  	v5 =	vadd.s32 v13, v5;
	v13 =	vsel vm0, $0x1, v0;
	vm0 =	vgt.f32 v16, $0.0e+00;
	v16 =	vld [tilespmem:s28+$0x1400]  }
0x1cc: {  	vm2 =	vgt.f32 v14, $0.0e+00;
	vm3 =	vgt.f32 v17, $0.0e+00;
	v6 =	vadd.s32 v13, v6;
	v13 =	vld [tilespmem:s28+$0x1800]  }
0x1cd: {  	v14 =	vsel vm3, $0x1, v0;
	v17 =	vsel vm0, $0x1, v0;
	vm0 =	vgt.f32 v12, $0.0e+00;
	v12 =	vld [tilespmem:s28+$0x1020]  }
0x1ce: {  	v5 =	vadd.s32 v14, v5;
	vm3 =	vgt.f32 v11, $0.0e+00;
	v11 =	vsel vm1, $0x1, v0;
	v14 =	vld [tilespmem:s28+$0x1430]  }
0x1cf: {  	v19 =	vsel vm2, $0x1, v0;
	v24 =	vsel vm0, $0x1, v0;
	v22 =	vsel vm3, $0x1, v0;
	v25 =	vld [tilespmem:s28+$0x1440]  }
0x1d0: {  	v17 =	vadd.s32 v17, v6;
	vm0 =	vgt.f32 v23, $0.0e+00;
	v24 =	vadd.s32 v24, v5;
	v6 =	vld [tilespmem:s28+$0x1840]  }
0x1d1: {  	v5 =	vadd.s32 v8, v9;
	v8 =	vadd.s32 v20, v10;
	v20 =	vld [tilespmem:s28+$0x1420];
	vm1 =	vgt.f32 v13, $0.0e+00  }
0x1d2: {  	v9 =	vadd.s32 v22, v5;
	v13 =	vadd.s32 v18, v8;
	v5 =	vsel vm1, $0x1, v0;
	v10 =	vld [tilespmem:s28+$0x1830]  }
0x1d3: {  	s0 =	sor.u32 $0x1C20, s26;
	v8 =	vadd.s32 v4, v9;
	v4 =	vadd.s32 v21, v13;
	vm1 =	vgt.f32 v14, $0.0e+00;
	v18 =	vld [tilespmem:s28+$0x1820]  }
0x1d4: {  	v7 =	vadd.s32 v19, v7;
	vm2 =	vgt.f32 v15, $0.0e+00;
	s28 =	sor.u32 $0x1C00, s26;
	v9 =	vsel vm1, $0x1, v0;
	v19 =	vld [tilespmem:s0+$0x0]  }
.Ltmp6:
0x1d5: {  	v11 =	vadd.s32 v11, v7;
	v15 =	vsel vm0, $0x1, v0;
	s0 =	sor.u32 $0x1C30, s26;
	vm0 =	vgt.f32 v6, $0.0e+00;
	v13 =	vld [tilespmem:s28+$0x0];
	(pc) =	sbr.rel @p0 .LBB2_10-.Ltmp6, $4  }
0x1d6: {  	v14 =	vsel vm2, $0x1, v0;
	vm2 =	vgt.f32 v16, $0.0e+00;
	v6 =	vsel vm0, $0x1, v0;
	v7 =	vld [tilespmem:s0+$0x0];
	s0 =	sor.u32 $0x1C40, s26  }
0x1d7: {  	vm4 =	vgt.f32 v25, $0.0e+00;
	vm0 =	vgt.f32 v12, $0.0e+00;
	v12 =	vadd.s32 v14, v24;
	v14 =	vld [tilespmem:s0+$0x0]  }
0x1d8: {  	vm3 =	vgt.f32 v20, $0.0e+00;
	v16 =	vsel vm0, $0x1, v0;
	vm1 =	vgt.f32 v18, $0.0e+00  }
0x1d9: {  	s23 =	sadd.s32 $0x1, s23;
	s24 =	sadd.s32 $0x400, s24;
	v15 =	vadd.s32 v15, v17;
	v11 =	vadd.s32 v16, v11;
	vm0 =	vgt.f32 v19, $0.0e+00  }
0x1da: {  	s22 =	sshll.u32 s21, $0xD;
	p0 =	seq.s32 s21, $0x3  }
0x1db: {  	s0 =	sadd.s32 @!p0 s22, s10;
	s23 =	simm.s32 @!p0 $0x0  }
0x1dc: {  	[tilespmem:s23], [sflag:$0x1] =	stream.linear.gather @!p0 [hbm4b:s0+s23], $0x8000, $0x38;
	[tilespmem:$0x10080] =	vst v63  }
0x1dd: {  	s29 =	simm.s32 $0x0;
	s23 =	simm.s32 $0x0;
	_ =	swait.ge [sflag:s16], $0x8000  }
0x1de: {  	s0 =	sand.u32 $0x6000, s29;
	s24 =	sand.u32 $0x380, s23;
	[sflag:s16] =	ssyncset.done $0x0  }
0x1df: {  	s24 =	sor.u32 s24, s0;
	[sflag:s16] =	ssyncadd.s32 $0xFFFF8000  }
0x1e0: {  	v18 =	vsel vm2, $0x1, v0;
	v19 =	vsel vm4, $0x1, v0;
	vm2 =	vgt.f32 v13, $0.0e+00;
	v16 =	vld [tilespmem:s24+$0x8870]  }
0x1e1: {  	v29 =	vsel vm3, $0x1, v0;
	vm3 =	vgt.f32 v10, $0.0e+00;
	v9 =	vadd.s32 v9, v15;
	v17 =	vld [tilespmem:s24+$0x8410]  }
0x1e2: {  	v8 =	vadd.s32 v18, v8;
	v15 =	vsel vm3, $0x1, v0;
	v11 =	vadd.s32 v29, v11;
	v10 =	vld [tilespmem:s24+$0x8070]  }
0x1e3: {  	v8 =	vadd.s32 v5, v8;
	vm4 =	vgt.f32 v14, $0.0e+00;
	v5 =	vadd.s32 v19, v12;
	v14 =	vld [tilespmem:s24+$0x9860]  }
0x1e4: {  	v12 =	vsel vm1, $0x1, v0;
	v9 =	vadd.s32 v15, v9;
	v15 =	vsel vm2, $0x1, v0;
	v30 =	vld [tilespmem:s24+$0x8060]  }
0x1e5: {  	v11 =	vadd.s32 v12, v11;
	v15 =	vadd.s32 v15, v8;
	v8 =	vsel vm0, $0x1, v0;
	v21 =	vld [tilespmem:s24+$0x8050]  }
0x1e6: {  	v8 =	vadd.s32 v8, v11;
	v11 =	vld [tilespmem:s24+$0x8000]  }
0x1e7: {  	v62 =	vld [tilespmem:s24+$0x9440]  }
0x1e8: {  	vm1 =	vgt.f32 v7, $0.0e+00;
	v7 =	vld [tilespmem:s24+$0x8C60]  }
0x1e9: {  	v5 =	vadd.s32 v6, v5;
	v6 =	vsel vm1, $0x1, v0;
	v12 =	vld [tilespmem:s24+$0x8010]  }
0x1ea: {  	v20 =	vsel vm4, $0x1, v0;
	v6 =	vadd.s32 v6, v9;
	v9 =	vld [tilespmem:s24+$0x8800]  }
0x1eb: {  	v5 =	vadd.s32 v20, v5;
	v13 =	vld [tilespmem:s24+$0x8400];
	vm0 =	vgt.f32 v14, $0.0e+00;
	vm1 =	vgt.f32 v30, $0.0e+00  }
0x1ec: {  	v31 =	vld [tilespmem:s24+$0x8C70];
	vm2 =	vgt.f32 v21, $0.0e+00;
	vm3 =	vgt.f32 v11, $0.0e+00;
	vm4 =	vgt.f32 v62, $0.0e+00  }
0x1ed: {  	v22 =	vld [tilespmem:s24+$0x8850];
	v14 =	vsel vm1, $0x1, v0;
	v32 =	vsel vm0, $0x1, v0;
	v33 =	vsel vm2, $0x1, v0  }
0x1ee: {  	vm1 =	vgt.f32 v10, $0.0e+00;
	vm0 =	vgt.f32 v7, $0.0e+00;
	v7 =	vld [tilespmem:s24+$0x9070];
	vm2 =	vgt.f32 v12, $0.0e+00  }
0x1ef: {  	v12 =	vld [tilespmem:s24+$0x9470];
	v35 =	vsel vm3, $0x1, v0;
	vm3 =	vgt.f32 v9, $0.0e+00;
	v10 =	vsel vm1, $0x1, v0  }
0x1f0: {  	vm1 =	vgt.f32 v13, $0.0e+00;
	v13 =	vsel vm2, $0x1, v0;
	vm2 =	vgt.f32 v17, $0.0e+00;
	v17 =	vld [tilespmem:s24+$0x8450]  }
0x1f1: {  	v2 =	vadd.s32 v14, v2;
	v14 =	vsel vm0, $0x1, v0;
	v3 =	vadd.s32 v10, v3;
	v10 =	vld [tilespmem:s24+$0x9000]  }
0x1f2: {  	v1 =	vadd.s32 v33, v1;
	v11 =	vsel vm2, $0x1, v0;
	vm2 =	vgt.f32 v16, $0.0e+00;
	v16 =	vld [tilespmem:s24+$0x8460]  }
0x1f3: {  	v9 =	vld [tilespmem:s24+$0x8860];
	vm0 =	vgt.f32 v22, $0.0e+00;
	v34 =	vsel vm2, $0x1, v0;
	vm2 =	vgt.f32 v31, $0.0e+00  }
0x1f4: {  	v15 =	vadd.s32 v35, v15;
	v23 =	vsel vm2, $0x1, v0;
	vm2 =	vgt.f32 v7, $0.0e+00  }
0x1f5: {  	v13 =	vadd.s32 v13, v4;
	v24 =	vsel vm2, $0x1, v0;
	vm2 =	vgt.f32 v12, $0.0e+00;
	v12 =	vld [tilespmem:s24+$0x8C50]  }
0x1f6: {  	v25 =	vsel vm1, $0x1, v0;
	v7 =	vsel vm3, $0x1, v0;
	vm1 =	vgt.f32 v17, $0.0e+00;
	v17 =	vld [tilespmem:s24+$0x9060]  }
0x1f7: {  	vm3 =	vgt.f32 v10, $0.0e+00;
	v10 =	vsel vm2, $0x1, v0;
	vm2 =	vgt.f32 v16, $0.0e+00;
	v16 =	vld [tilespmem:s24+$0x9050]  }
0x1f8: {  	v39 =	vsel vm0, $0x1, v0;
	v36 =	vsel vm1, $0x1, v0;
	vm1 =	vgt.f32 v9, $0.0e+00;
	v9 =	vld [tilespmem:s24+$0x9450]  }
0x1f9: {  	v37 =	vld [tilespmem:s24+$0x9460];
	v11 =	vadd.s32 v11, v13;
	v4 =	vsel vm3, $0x1, v0;
	v38 =	vsel vm2, $0x1, v0  }
0x1fa: {  	s30 =	sand.u32 $0x7, s23;
	v27 =	vld [tilespmem:s24+$0x9850];
	v1 =	vadd.s32 v36, v1;
	v26 =	vsel vm1, $0x1, v0;
	v2 =	vadd.s32 v38, v2  }
0x1fb: {  	s0 =	sshll.u32 s30, $0x7;
	v40 =	vld [tilespmem:s24+$0x8470];
	v1 =	vadd.s32 v39, v1;
	v2 =	vadd.s32 v26, v2;
	vm0 =	vgt.f32 v17, $0.0e+00  }
0x1fc: {  	s25 =	sadd.s32 $0x0, s0;
	v42 =	vld [tilespmem:s24+$0x8810];
	vm1 =	vgt.f32 v12, $0.0e+00;
	v2 =	vadd.s32 v14, v2;
	vm2 =	vgt.f32 v16, $0.0e+00  }
0x1fd: {  	s0 =	sor.u32 $0x1C50, s25;
	v12 =	vsel vm0, $0x1, v0;
	v41 =	vsel vm1, $0x1, v0;
	vm0 =	vgt.f32 v9, $0.0e+00  }
0x1fe: {  	v17 =	vld [tilespmem:s0+$0x8000];
	vm1 =	vgt.f32 v37, $0.0e+00;
	v14 =	vsel vm2, $0x1, v0;
	v1 =	vadd.s32 v41, v1  }
0x1ff: {  	s26 =	sor.u32 $0x1C60, s25;
	v9 =	vld [tilespmem:s24+$0x9870];
	v2 =	vadd.s32 v12, v2;
	v12 =	vsel vm0, $0x1, v0;
	vm0 =	vgt.f32 v27, $0.0e+00  }
0x200: {  	s31 =	sor.u32 $0x1C70, s25;
	v16 =	vld [tilespmem:s26+$0x8000];
	v44 =	vsel vm1, $0x1, v0;
	vm1 =	vgt.f32 v40, $0.0e+00;
	v1 =	vadd.s32 v14, v1  }
0x201: {  	v14 =	vld [tilespmem:s31+$0x8000];
	v2 =	vadd.s32 v44, v2;
	v20 =	vsel vm1, $0x1, v0;
	vm1 =	vgt.f32 v42, $0.0e+00  }
0x202: {  	v43 =	vld [tilespmem:s24+$0x8C10];
	v1 =	vadd.s32 v12, v1;
	v12 =	vsel vm0, $0x1, v0;
	v2 =	vadd.s32 v32, v2  }
0x203: {  	v3 =	vadd.s32 v20, v3;
	v1 =	vadd.s32 v12, v1;
	vm2 =	vgt.f32 v17, $0.0e+00;
	v12 =	vld [tilespmem:s24+$0x9410]  }
0x204: {  	v46 =	vsel vm1, $0x1, v0;
	v17 =	vld [tilespmem:s24+$0x9010];
	vm3 =	vgt.f32 v9, $0.0e+00;
	v9 =	vsel vm2, $0x1, v0  }
0x205: {  	v3 =	vadd.s32 v34, v3;
	vm0 =	vgt.f32 v16, $0.0e+00;
	v1 =	vadd.s32 v9, v1;
	v9 =	vld [tilespmem:s24+$0x8020]  }
0x206: {  	v3 =	vadd.s32 v23, v3;
	v16 =	vsel vm0, $0x1, v0;
	vm0 =	vgt.f32 v14, $0.0e+00;
	v14 =	vld [tilespmem:s24+$0x8030]  }
0x207: {  	v11 =	vadd.s32 v46, v11;
	v3 =	vadd.s32 v24, v3;
	v2 =	vadd.s32 v16, v2;
	v16 =	vld [tilespmem:s24+$0x8040]  }
0x208: {  	v47 =	vld [tilespmem:s24+$0x8420];
	vm2 =	vgt.f32 v43, $0.0e+00;
	v3 =	vadd.s32 v10, v3;
	v10 =	vsel vm3, $0x1, v0  }
0x209: {  	v3 =	vadd.s32 v10, v3;
	v10 =	vsel vm0, $0x1, v0;
	vm1 =	vgt.f32 v12, $0.0e+00;
	v12 =	vld [tilespmem:s24+$0x9810]  }
0x20a: {  	v13 =	vld [tilespmem:s24+$0x8830];
	s26 =	sor.u32 $0x1C10, s25;
	v45 =	vsel vm2, $0x1, v0;
	vm2 =	vgt.f32 v17, $0.0e+00;
	v3 =	vadd.s32 v10, v3  }
0x20b: {  	v17 =	vld [tilespmem:s26+$0x8000];
	v48 =	vsel vm2, $0x1, v0;
	vm2 =	vgt.f32 v9, $0.0e+00;
	v9 =	vadd.s32 v45, v11  }
0x20c: {  	vm3 =	vgt.f32 v14, $0.0e+00;
	v14 =	vadd.s32 v25, v15;
	v15 =	vld [tilespmem:s24+$0x8430];
	vm0 =	vgt.f32 v16, $0.0e+00  }
0x20d: {  	v10 =	vld [tilespmem:s24+$0x8820];
	v16 =	vsel vm1, $0x1, v0;
	v11 =	vsel vm2, $0x1, v0;
	v9 =	vadd.s32 v48, v9  }
0x20e: {  	vm2 =	vgt.f32 v47, $0.0e+00;
	v49 =	vsel vm3, $0x1, v0;
	vm1 =	vgt.f32 v12, $0.0e+00;
	v12 =	vld [tilespmem:s24+$0x8440]  }
0x20f: {  	v52 =	vld [tilespmem:s24+$0x8840];
	v8 =	vadd.s32 v11, v8;
	v11 =	vsel vm2, $0x1, v0;
	v54 =	vsel vm0, $0x1, v0  }
0x210: {  	vm0 =	vgt.f32 v13, $0.0e+00;
	vm3 =	vgt.f32 v17, $0.0e+00;
	v17 =	vld [tilespmem:s24+$0x8C20];
	v8 =	vadd.s32 v11, v8  }
0x211: {  	v6 =	vadd.s32 v49, v6;
	v50 =	vsel vm3, $0x1, v0;
	vm3 =	vgt.f32 v15, $0.0e+00;
	v15 =	vld [tilespmem:s24+$0x8C30]  }
0x212: {  	v11 =	vld [tilespmem:s24+$0x8C40];
	v5 =	vadd.s32 v54, v5;
	v56 =	vsel vm0, $0x1, v0;
	vm2 =	vgt.f32 v10, $0.0e+00  }
0x213: {  	v51 =	vsel vm1, $0x1, v0;
	v59 =	vsel vm2, $0x1, v0;
	vm1 =	vgt.f32 v12, $0.0e+00;
	v12 =	vld [tilespmem:s24+$0x8C00]  }
0x214: {  	v10 =	vld [tilespmem:s24+$0x9800];
	v8 =	vadd.s32 v59, v8;
	v53 =	vsel vm3, $0x1, v0;
	vm3 =	vgt.f32 v52, $0.0e+00  }
0x215: {  	v13 =	vld [tilespmem:s24+$0x9030];
	v6 =	vadd.s32 v53, v6;
	v20 =	vsel vm3, $0x1, v0;
	v55 =	vsel vm1, $0x1, v0  }
0x216: {  	vm1 =	vgt.f32 v17, $0.0e+00;
	v17 =	vld [tilespmem:s24+$0x9040];
	v5 =	vadd.s32 v55, v5;
	vm0 =	vgt.f32 v15, $0.0e+00  }
0x217: {  	v58 =	vld [tilespmem:s24+$0x9020];
	v6 =	vadd.s32 v56, v6;
	v5 =	vadd.s32 v20, v5;
	v57 =	vsel vm0, $0x1, v0  }
0x218: {  	vm0 =	vgt.f32 v11, $0.0e+00;
	v11 =	vsel vm1, $0x1, v0;
	vm3 =	vgt.f32 v12, $0.0e+00;
	v12 =	vld [tilespmem:s24+$0x9430]  }
0x219: {  	v15 =	vld [tilespmem:s24+$0x9400];
	vm1 =	vgt.f32 v10, $0.0e+00;
	v61 =	vsel vm0, $0x1, v0;
	v21 =	vadd.s32 v57, v6  }
0x21a: {  	vm0 =	vgt.f32 v13, $0.0e+00;
	v6 =	vld [tilespmem:s24+$0x9840];
	v60 =	vsel vm3, $0x1, v0;
	v24 =	vadd.s32 v61, v5  }
0x21b: {  	s28 =	sor.u32 $0x1C20, s25;
	v5 =	vadd.s32 v7, v14;
	v7 =	vadd.s32 v16, v9;
	v14 =	vld [tilespmem:s24+$0x9420];
	vm2 =	vgt.f32 v17, $0.0e+00  }
0x21c: {  	v16 =	vld [tilespmem:s28+$0x8000];
	v17 =	vadd.s32 v11, v8;
	v63 =	vsel vm0, $0x1, v0;
	v9 =	vadd.s32 v60, v5  }
0x21d: {  	s29 =	sor.u32 $0x1C00, s25;
	v5 =	vsel vm1, $0x1, v0;
	v10 =	vadd.s32 v51, v7;
	vm1 =	vgt.f32 v12, $0.0e+00;
	v12 =	vld [tilespmem:s24+$0x9820]  }
0x21e: {  	v13 =	vld [tilespmem:s29+$0x8000];
	v8 =	vsel vm2, $0x1, v0;
	v7 =	vadd.s32 v4, v9;
	v4 =	vadd.s32 v50, v10  }
0x21f: {  	s31 =	sor.u32 $0x1C40, s25;
	v10 =	vld [tilespmem:s24+$0x9830];
	vm2 =	vgt.f32 v15, $0.0e+00;
	v11 =	vadd.s32 v8, v24;
	vm0 =	vgt.f32 v6, $0.0e+00  }
0x220: {  	v6 =	vsel vm0, $0x1, v0;
	vm0 =	vgt.f32 v58, $0.0e+00;
	vm3 =	vgt.f32 v14, $0.0e+00;
	v14 =	vld [tilespmem:s31+$0x8000]  }
0x221: {  	s30 =	sor.u32 $0x1C30, s25;
	v9 =	vsel vm1, $0x1, v0;
	v15 =	vsel vm0, $0x1, v0;
	vm0 =	vgt.f32 v16, $0.0e+00  }
0x222: {  	s25 =	simm.s32 $0x1;
	s26 =	simm.s32 $0xFFFF8400;
	v8 =	vld [tilespmem:s30+$0x8000];
	s24 =	simm.s32 $0x80;
	vm1 =	vgt.f32 v12, $0.0e+00;
	v12 =	vadd.s32 v15, v17;
	v15 =	vadd.s32 v63, v21  }
.LBB2_12:
0x223: {  	s0 =	sand.u32 $0x7, s25;
	s28 =	sadd.s32 $0x8000, s26;
	v16 =	vsel vm2, $0x1, v0;
	v17 =	vsel vm4, $0x1, v0;
	vm2 =	vgt.f32 v13, $0.0e+00;
	s23 =	sadd.s32 $0x400, s23  }
0x224: {  	s30 =	sand.u32 $0x380, s24;
	v13 =	vsel vm3, $0x1, v0;
	vm3 =	vgt.f32 v10, $0.0e+00;
	s0 =	sshll.u32 s0, $0x7;
	s29 =	sand.u32 $0x6000, s28;
	v7 =	vadd.s32 v16, v7  }
0x225: {  	p1 =	sne.s32 s24, $0xF80;
	v9 =	vadd.s32 v9, v15;
	s28 =	sadd.s32 s0, s23;
	s29 =	sor.u32 s30, s29;
	v7 =	vadd.s32 v5, v7;
	vm4 =	vgt.f32 v14, $0.0e+00  }
0x226: {  	v10 =	vsel vm1, $0x1, v0;
	v5 =	vadd.s32 v17, v11;
	v11 =	vsel vm3, $0x1, v0;
	v14 =	vld [tilespmem:s29+$0x8870];
	s30 =	sor.u32 $0x1C10, s28;
	s0 =	sor.u32 $0x1C50, s28;
	s31 =	sor.u32 $0x1C60, s28  }
0x227: {  	s24 =	sadd.s32 $0x80, s24;
	v11 =	vadd.s32 v11, v9;
	v9 =	vsel vm2, $0x1, v0;
	v16 =	vsel vm4, $0x1, v0;
	v15 =	vld [tilespmem:s29+$0x8410]  }
0x228: {  	v12 =	vadd.s32 v13, v12;
	vm1 =	vgt.f32 v8, $0.0e+00;
	v5 =	vadd.s32 v6, v5;
	v17 =	vld [tilespmem:s29+$0x8400]  }
0x229: {  	v10 =	vadd.s32 v10, v12;
	v6 =	vsel vm1, $0x1, v0;
	v5 =	vadd.s32 v16, v5;
	v8 =	vld [tilespmem:s29+$0x8070]  }
0x22a: {  	v9 =	vadd.s32 v9, v7;
	v7 =	vsel vm0, $0x1, v0;
	v6 =	vadd.s32 v6, v11;
	v12 =	vld [tilespmem:s29+$0x9860]  }
0x22b: {  	v7 =	vadd.s32 v7, v10;
	v11 =	vld [tilespmem:s29+$0x8060]  }
0x22c: {  	v10 =	vld [tilespmem:s29+$0x8050]  }
0x22d: {  	v13 =	vld [tilespmem:s29+$0x8C60]  }
0x22e: {  	v16 =	vld [tilespmem:s29+$0x8010]  }
0x22f: {  	v18 =	vld [tilespmem:s29+$0x8800];
	vm0 =	vgt.f32 v12, $0.0e+00  }
0x230: {  	v12 =	vld [tilespmem:s29+$0x8000];
	vm1 =	vgt.f32 v11, $0.0e+00  }
0x231: {  	v21 =	vsel vm0, $0x1, v0;
	vm2 =	vgt.f32 v10, $0.0e+00;
	v19 =	vsel vm1, $0x1, v0;
	v20 =	vld [tilespmem:s29+$0x8C70]  }
0x232: {  	vm1 =	vgt.f32 v8, $0.0e+00;
	v22 =	vsel vm2, $0x1, v0;
	vm0 =	vgt.f32 v13, $0.0e+00;
	v8 =	vld [tilespmem:s29+$0x9070]  }
0x233: {  	v10 =	vsel vm1, $0x1, v0;
	vm1 =	vgt.f32 v17, $0.0e+00;
	vm2 =	vgt.f32 v16, $0.0e+00;
	v13 =	vld [tilespmem:s29+$0x9470]  }
0x234: {  	v3 =	vadd.s32 v10, v3;
	v11 =	vsel vm2, $0x1, v0;
	vm2 =	vgt.f32 v15, $0.0e+00;
	v15 =	vld [tilespmem:s29+$0x9000]  }
0x235: {  	vm3 =	vgt.f32 v12, $0.0e+00;
	v10 =	vsel vm2, $0x1, v0;
	v12 =	vld [tilespmem:s29+$0x8450];
	vm2 =	vgt.f32 v14, $0.0e+00  }
0x236: {  	v11 =	vadd.s32 v11, v4;
	v14 =	vld [tilespmem:s29+$0x8460];
	v16 =	vsel vm2, $0x1, v0;
	vm2 =	vgt.f32 v20, $0.0e+00  }
0x237: {  	v17 =	vsel vm3, $0x1, v0;
	v20 =	vld [tilespmem:s29+$0x8850];
	v23 =	vsel vm2, $0x1, v0;
	vm2 =	vgt.f32 v8, $0.0e+00  }
0x238: {  	vm3 =	vgt.f32 v18, $0.0e+00;
	v18 =	vld [tilespmem:s29+$0x8860];
	v24 =	vsel vm2, $0x1, v0;
	vm2 =	vgt.f32 v13, $0.0e+00  }
0x239: {  	v8 =	vsel vm3, $0x1, v0;
	v13 =	vld [tilespmem:s29+$0x8C50];
	vm3 =	vgt.f32 v15, $0.0e+00;
	v15 =	vsel vm2, $0x1, v0  }
0x23a: {  	v25 =	vsel vm1, $0x1, v0;
	vm1 =	vgt.f32 v12, $0.0e+00;
	v4 =	vsel vm3, $0x1, v0;
	v12 =	vld [tilespmem:s29+$0x9060]  }
0x23b: {  	v2 =	vadd.s32 v19, v2;
	vm2 =	vgt.f32 v14, $0.0e+00;
	v14 =	vsel vm0, $0x1, v0;
	v19 =	vld [tilespmem:s29+$0x9050]  }
0x23c: {  	v1 =	vadd.s32 v22, v1;
	v22 =	vsel vm1, $0x1, v0;
	vm0 =	vgt.f32 v20, $0.0e+00;
	v20 =	vld [tilespmem:s29+$0x9460]  }
0x23d: {  	v1 =	vadd.s32 v22, v1;
	v22 =	vsel vm2, $0x1, v0;
	vm1 =	vgt.f32 v18, $0.0e+00;
	v18 =	vld [tilespmem:s29+$0x9450]  }
0x23e: {  	v2 =	vadd.s32 v22, v2;
	v22 =	vsel vm0, $0x1, v0;
	v26 =	vsel vm1, $0x1, v0;
	v27 =	vld [tilespmem:s29+$0x9850]  }
0x23f: {  	v1 =	vadd.s32 v22, v1;
	v2 =	vadd.s32 v26, v2;
	vm0 =	vgt.f32 v12, $0.0e+00;
	v12 =	vld [tilespmem:s0+$0x8000]  }
0x240: {  	vm1 =	vgt.f32 v13, $0.0e+00;
	vm2 =	vgt.f32 v19, $0.0e+00;
	v13 =	vsel vm0, $0x1, v0;
	v19 =	vld [tilespmem:s31+$0x8000]  }
0x241: {  	v26 =	vsel vm1, $0x1, v0;
	v2 =	vadd.s32 v14, v2;
	v22 =	vld [tilespmem:s29+$0x8470];
	v14 =	vsel vm2, $0x1, v0  }
0x242: {  	s0 =	sor.u32 $0x1C70, s28;
	v1 =	vadd.s32 v26, v1;
	v2 =	vadd.s32 v13, v2;
	vm0 =	vgt.f32 v18, $0.0e+00;
	v13 =	vld [tilespmem:s29+$0x9870]  }
0x243: {  	v1 =	vadd.s32 v14, v1;
	v14 =	vsel vm0, $0x1, v0;
	vm0 =	vgt.f32 v27, $0.0e+00;
	v18 =	vld [tilespmem:s0+$0x8000]  }
0x244: {  	vm1 =	vgt.f32 v20, $0.0e+00;
	v26 =	vld [tilespmem:s29+$0x8810];
	v1 =	vadd.s32 v14, v1;
	v14 =	vsel vm0, $0x1, v0  }
0x245: {  	v27 =	vsel vm1, $0x1, v0;
	v20 =	vld [tilespmem:s29+$0x8C10];
	v1 =	vadd.s32 v14, v1;
	vm0 =	vgt.f32 v19, $0.0e+00  }
0x246: {  	v2 =	vadd.s32 v27, v2;
	vm2 =	vgt.f32 v12, $0.0e+00;
	vm1 =	vgt.f32 v22, $0.0e+00;
	v14 =	vld [tilespmem:s29+$0x9010]  }
0x247: {  	v19 =	vsel vm0, $0x1, v0;
	v12 =	vld [tilespmem:s29+$0x9410];
	vm3 =	vgt.f32 v13, $0.0e+00;
	v13 =	vsel vm2, $0x1, v0  }
0x248: {  	v2 =	vadd.s32 v21, v2;
	v27 =	vsel vm1, $0x1, v0;
	v22 =	vld [tilespmem:s29+$0x8020];
	vm0 =	vgt.f32 v18, $0.0e+00  }
0x249: {  	v3 =	vadd.s32 v27, v3;
	v1 =	vadd.s32 v13, v1;
	v18 =	vld [tilespmem:s29+$0x8030];
	vm1 =	vgt.f32 v26, $0.0e+00  }
0x24a: {  	v2 =	vadd.s32 v19, v2;
	v3 =	vadd.s32 v16, v3;
	v13 =	vld [tilespmem:s29+$0x8040];
	vm2 =	vgt.f32 v20, $0.0e+00  }
0x24b: {  	v9 =	vadd.s32 v17, v9;
	v3 =	vadd.s32 v23, v3;
	v16 =	vld [tilespmem:s29+$0x8420];
	v17 =	vsel vm2, $0x1, v0  }
0x24c: {  	v19 =	vsel vm1, $0x1, v0;
	v3 =	vadd.s32 v24, v3;
	vm1 =	vgt.f32 v12, $0.0e+00;
	v12 =	vld [tilespmem:s29+$0x9810]  }
0x24d: {  	vm2 =	vgt.f32 v14, $0.0e+00;
	v14 =	vsel vm3, $0x1, v0;
	v3 =	vadd.s32 v15, v3;
	v15 =	vld [tilespmem:s30+$0x8000]  }
0x24e: {  	v3 =	vadd.s32 v14, v3;
	v14 =	vsel vm0, $0x1, v0;
	vm3 =	vgt.f32 v18, $0.0e+00;
	v18 =	vld [tilespmem:s29+$0x8820]  }
0x24f: {  	v9 =	vadd.s32 v25, v9;
	v21 =	vsel vm2, $0x1, v0;
	v3 =	vadd.s32 v14, v3;
	v20 =	vld [tilespmem:s29+$0x8430]  }
0x250: {  	v10 =	vadd.s32 v10, v11;
	v14 =	vsel vm3, $0x1, v0;
	vm0 =	vgt.f32 v13, $0.0e+00;
	v11 =	vld [tilespmem:s29+$0x8440]  }
0x251: {  	v10 =	vadd.s32 v19, v10;
	v19 =	vsel vm1, $0x1, v0;
	v13 =	vld [tilespmem:s29+$0x8830];
	vm1 =	vgt.f32 v12, $0.0e+00  }
0x252: {  	v10 =	vadd.s32 v17, v10;
	vm2 =	vgt.f32 v22, $0.0e+00;
	v12 =	vld [tilespmem:s29+$0x8840];
	vm3 =	vgt.f32 v15, $0.0e+00  }
0x253: {  	v10 =	vadd.s32 v21, v10;
	v15 =	vsel vm2, $0x1, v0;
	v17 =	vld [tilespmem:s29+$0x8C20];
	v21 =	vsel vm3, $0x1, v0  }
0x254: {  	vm2 =	vgt.f32 v16, $0.0e+00;
	vm3 =	vgt.f32 v20, $0.0e+00;
	v16 =	vld [tilespmem:s29+$0x8C30];
	v20 =	vsel vm1, $0x1, v0  }
0x255: {  	v7 =	vadd.s32 v15, v7;
	v15 =	vsel vm2, $0x1, v0;
	v22 =	vsel vm3, $0x1, v0;
	v23 =	vld [tilespmem:s29+$0x9030]  }
0x256: {  	v24 =	vsel vm0, $0x1, v0;
	v15 =	vadd.s32 v15, v7;
	vm0 =	vgt.f32 v13, $0.0e+00;
	v7 =	vld [tilespmem:s29+$0x8C40]  }
0x257: {  	v6 =	vadd.s32 v14, v6;
	v5 =	vadd.s32 v24, v5;
	vm1 =	vgt.f32 v11, $0.0e+00;
	v11 =	vld [tilespmem:s29+$0x8C00]  }
0x258: {  	v6 =	vadd.s32 v22, v6;
	v13 =	vsel vm1, $0x1, v0;
	vm1 =	vgt.f32 v17, $0.0e+00;
	v14 =	vld [tilespmem:s29+$0x9040]  }
0x259: {  	v5 =	vadd.s32 v13, v5;
	v13 =	vsel vm0, $0x1, v0;
	vm0 =	vgt.f32 v16, $0.0e+00;
	v16 =	vld [tilespmem:s29+$0x9400]  }
0x25a: {  	vm2 =	vgt.f32 v18, $0.0e+00;
	vm3 =	vgt.f32 v12, $0.0e+00;
	v6 =	vadd.s32 v13, v6;
	v12 =	vld [tilespmem:s29+$0x9800]  }
0x25b: {  	v13 =	vsel vm3, $0x1, v0;
	v17 =	vsel vm0, $0x1, v0;
	vm0 =	vgt.f32 v7, $0.0e+00;
	v18 =	vld [tilespmem:s29+$0x9020]  }
0x25c: {  	v5 =	vadd.s32 v13, v5;
	vm3 =	vgt.f32 v11, $0.0e+00;
	v11 =	vsel vm1, $0x1, v0;
	v13 =	vld [tilespmem:s29+$0x9430]  }
0x25d: {  	v22 =	vsel vm2, $0x1, v0;
	v24 =	vsel vm0, $0x1, v0;
	v7 =	vsel vm3, $0x1, v0;
	v25 =	vld [tilespmem:s29+$0x9440]  }
0x25e: {  	v17 =	vadd.s32 v17, v6;
	vm0 =	vgt.f32 v23, $0.0e+00;
	v24 =	vadd.s32 v24, v5;
	v6 =	vld [tilespmem:s29+$0x9840]  }
0x25f: {  	v5 =	vadd.s32 v8, v9;
	v8 =	vadd.s32 v19, v10;
	v19 =	vld [tilespmem:s29+$0x9420];
	vm1 =	vgt.f32 v12, $0.0e+00  }
0x260: {  	v7 =	vadd.s32 v7, v5;
	v8 =	vadd.s32 v20, v8;
	v5 =	vsel vm1, $0x1, v0;
	v10 =	vld [tilespmem:s29+$0x9830]  }
0x261: {  	s0 =	sor.u32 $0x1C20, s28;
	v7 =	vadd.s32 v4, v7;
	v4 =	vadd.s32 v21, v8;
	vm1 =	vgt.f32 v13, $0.0e+00;
	v12 =	vld [tilespmem:s29+$0x9820]  }
0x262: {  	vm2 =	vgt.f32 v14, $0.0e+00;
	v8 =	vadd.s32 v22, v15;
	s29 =	sor.u32 $0x1C00, s28;
	v9 =	vsel vm1, $0x1, v0;
	v20 =	vld [tilespmem:s0+$0x8000]  }
.Ltmp7:
0x263: {  	v21 =	vsel vm0, $0x1, v0;
	v15 =	vadd.s32 v11, v8;
	s0 =	sor.u32 $0x1C30, s28;
	vm0 =	vgt.f32 v6, $0.0e+00;
	v13 =	vld [tilespmem:s29+$0x8000];
	(pc) =	sbr.rel @p1 .LBB2_12-.Ltmp7, $4  }
0x264: {  	v11 =	vsel vm2, $0x1, v0;
	vm2 =	vgt.f32 v16, $0.0e+00;
	v6 =	vsel vm0, $0x1, v0;
	v8 =	vld [tilespmem:s0+$0x8000];
	s0 =	sor.u32 $0x1C40, s28  }
0x265: {  	v11 =	vadd.s32 v11, v24;
	vm4 =	vgt.f32 v25, $0.0e+00;
	vm0 =	vgt.f32 v18, $0.0e+00;
	v14 =	vld [tilespmem:s0+$0x8000]  }
0x266: {  	vm3 =	vgt.f32 v19, $0.0e+00;
	v16 =	vsel vm0, $0x1, v0;
	vm1 =	vgt.f32 v12, $0.0e+00  }
0x267: {  	s25 =	sadd.s32 $0x1, s25;
	s26 =	sadd.s32 $0x400, s26;
	v12 =	vadd.s32 v16, v15;
	v15 =	vadd.s32 v21, v17;
	vm0 =	vgt.f32 v20, $0.0e+00  }
0x268: {  	v16 =	vsel vm2, $0x1, v0  }
0x269: {  	v17 =	vsel vm4, $0x1, v0;
	vm12 =	vgt.f32 v13, $0.0e+00;
	v62 =	vsel vm3, $0x1, v0  }
0x26a: {  	vm13 =	vgt.f32 v10, $0.0e+00;
	v9 =	vadd.s32 v9, v15;
	v7 =	vadd.s32 v16, v7  }
0x26b: {  	v10 =	vadd.s32 v17, v11;
	v11 =	vsel vm1, $0x1, v0;
	v12 =	vadd.s32 v62, v12  }
.Ltmp8:
0x26c: {  	vm15 =	vgt.f32 v8, $0.0e+00;
	v7 =	vadd.s32 v5, v7;
	vm14 =	vgt.f32 v14, $0.0e+00;
	(pc) =	sbr.rel @p0 .LBB2_15-.Ltmp8, $4  }
0x26d: {  	v5 =	vsel vm13, $0x1, v0;
	v6 =	vadd.s32 v6, v10;
	v8 =	vadd.s32 v11, v12  }
0x26e: {  	v10 =	vsel vm15, $0x1, v0;
	v63 =	vadd.s32 v5, v9;
	v5 =	vsel vm14, $0x1, v0  }
0x26f: {  	v11 =	vsel vm0, $0x1, v0;
	v9 =	vsel vm12, $0x1, v0;
	v5 =	vadd.s32 v5, v6  }
0x270: {  	v9 =	vadd.s32 v9, v7;
	v6 =	vadd.s32 v10, v63;
	v7 =	vadd.s32 v11, v8  }
.Ltmp9:
0x271: {  	(pc) =	sbr.rel .LBB2_9-.Ltmp9, $3  }
0x272: {  	_ =	sdelay $0x1  }
0x273: {  	s0 =	sadd.s32 s22, s11;
	s21 =	sadd.s32 $0x1, s21  }
0x274: {  	[tilespmem:s14], [sflag:$0x2] =	stream.linear.gather [hbm4b:s0+s2], $0x8000, $0x38;
	[tilespmem:$0x10080] =	vst v63  }
.LBB2_16:
0x275: {  	_ =	sfence.sel $0x180000  }
0x276: {  	[bflag:$0x0] =	sbarrier.arrive $0xFFFF  }
0x277: {  	_ =	strace $0x90000047  }
0x278: {  	[bflag:$0x2] =	sbarrier.arrive $0xFFFF  }
0x279: {  	p0 =	sne.s32 s1, $0x0;
	s0 =	rddreg [dreg:$0x3]  }
0x27a: {  	s0 =	sadd.s32 @!p0 $0x100000, s0  }
0x27b: {  	[sflag:s0] =	ssyncadd.tile.s32 @!p0 $0x1;
	_ =	shalt  }
.Lfunc_end2:
_tile_overlayer_lowered:
.L_overlay_start_2:
0x27c: {  	(tag) =	ssettag $0x2  }
0x27d: {  	s0 =	rddreg [dreg:$0x0];
	s2 =	stileid.u32  }
0x27e: {  	s1 =	rddreg [dreg:$0x1];
	p0 =	sne.s32 s2, $0x0  }
0x27f: {  	s3 =	rddreg [dreg:$0x2];
	[bflag:$0x3] =	sbarrier.arrive $0xFFFF;
	s2 =	simm.s32 @!p0 $0x1C03  }
0x280: {  	[timem:s3], [sflag:s2] =	dma.local @!p0 [hbm:s0], s1  }
0x281: {  	s0 =	simm.s32 @!p0 $0x3  }
0x282: {  	_ =	swait.ge @!p0 [sflag:s0], s1  }
0x283: {  	s1 =	ssub.s32 @!p0 $0x0, s1;
	[sflag:s0] =	ssyncset.done @!p0 $0x0  }
0x284: {  	[sflag:s0] =	ssyncadd.s32 @!p0 s1  }
0x285: {  	[bflag:$0x3] =	sbarrier.arrive $0xFFFF  }
0x286: {  	_ =	shalt  }

</sc_bundles>
